<compile_context>
chip_gen: v7x
topology: tpu7x:2x2x1
jax: 0.10.2.dev20260603
libtpu: 0.0.44.dev20260713+nightly
codegen_flags: <defaults>
</compile_context>

<pallas_src>
import functools

import jax
import jax.numpy as jnp
from jax import lax
from jax.experimental import pallas as pl
from jax.experimental.pallas import tpu as pltpu
from jax.experimental.pallas import tpu_sc as plsc

NC = 2
NS = 16
K = 128

NUM_STEPS = 3
NUM_INTER_STEPS = 2



def _transform_body(h_ref, w_ref, b_ref, out_ref):
    out_ref[0] = (
        jnp.dot(h_ref[...], w_ref[0], preferred_element_type=jnp.float32)
        + b_ref[0, 0]
    )


def _make_transform(n, d, nt, bn):
    nb = n // bn
    return pl.pallas_call(
        _transform_body,
        grid=(nb, nt),
        in_specs=[
            pl.BlockSpec((bn, d), lambda j, t: (j, 0)),
            pl.BlockSpec((1, d, d), lambda j, t: (t, 0, 0)),
            pl.BlockSpec((1, 1, d), lambda j, t: (t, 0, 0)),
        ],
        out_specs=pl.BlockSpec((1, bn, d), lambda j, t: (t, j, 0)),
        out_shape=jax.ShapeDtypeStruct((nt, n, d), jnp.float32),
    )


def _gru_body(a2_ref, h_ref, wg_ref, ug_ref, bg_ref, out_ref):
    d = h_ref.shape[1]
    a_in = a2_ref[0]
    a_out = a2_ref[1]
    h = h_ref[...]
    ga = (
        jnp.dot(a_in, wg_ref[:d], preferred_element_type=jnp.float32)
        + jnp.dot(a_out, wg_ref[d:], preferred_element_type=jnp.float32)
        + bg_ref[0]
    )
    gh = jnp.dot(h, ug_ref[...], preferred_element_type=jnp.float32)
    z = jax.nn.sigmoid(ga[:, :d] + gh[:, :d])
    r = jax.nn.sigmoid(ga[:, d:2 * d] + gh[:, d:2 * d])
    ht = jnp.tanh(ga[:, 2 * d:] + r * gh[:, 2 * d:])
    out_ref[...] = (1.0 - z) * h + z * ht


def _make_gru(n, d, bn):
    nb = n // bn
    return pl.pallas_call(
        _gru_body,
        grid=(nb,),
        in_specs=[
            pl.BlockSpec((2, bn, d), lambda j: (0, j, 0)),
            pl.BlockSpec((bn, d), lambda j: (j, 0)),
            pl.BlockSpec((2 * d, 3 * d), lambda j: (0, 0)),
            pl.BlockSpec((d, 3 * d), lambda j: (0, 0)),
            pl.BlockSpec((1, 3 * d), lambda j: (0, 0)),
        ],
        out_specs=pl.BlockSpec((bn, d), lambda j: (j, 0)),
        out_shape=jax.ShapeDtypeStruct((n, d), jnp.float32),
    )


def _imp_body(h_ref, x_ref, w1_ref, b1_ref, w2_ref, b2_ref, out_ref):
    d = h_ref.shape[1]
    t1 = jnp.tanh(
        jnp.dot(h_ref[...], w1_ref[:d], preferred_element_type=jnp.float32)
        + jnp.dot(x_ref[...], w1_ref[d:], preferred_element_type=jnp.float32)
        + b1_ref[0]
    )
    out_ref[...] = jax.nn.sigmoid(
        jnp.dot(t1, w2_ref[...], preferred_element_type=jnp.float32) + b2_ref[0]
    )


def _make_imp(n, d, ann, hid, bn):
    nb = n // bn
    return pl.pallas_call(
        _imp_body,
        grid=(nb,),
        in_specs=[
            pl.BlockSpec((bn, d), lambda j: (j, 0)),
            pl.BlockSpec((bn, ann), lambda j: (j, 0)),
            pl.BlockSpec((d + ann, hid), lambda j: (0, 0)),
            pl.BlockSpec((1, hid), lambda j: (0, 0)),
            pl.BlockSpec((hid, 1), lambda j: (0, 0)),
            pl.BlockSpec((1, 1), lambda j: (0, 0)),
        ],
        out_specs=pl.BlockSpec((bn, 1), lambda j: (j, 0)),
        out_shape=jax.ShapeDtypeStruct((n, 1), jnp.float32),
    )


def _ctx_body(h_ref, x_ref, wc_ref, bc_ref, out_ref):
    d = h_ref.shape[1]
    out_ref[...] = jnp.tanh(
        jnp.dot(h_ref[...], wc_ref[:d], preferred_element_type=jnp.float32)
        + jnp.dot(x_ref[...], wc_ref[d:], preferred_element_type=jnp.float32)
        + bc_ref[0]
    )


def _make_ctx(n, d, ann, cdim, bn):
    nb = n // bn
    return pl.pallas_call(
        _ctx_body,
        grid=(nb,),
        in_specs=[
            pl.BlockSpec((bn, d), lambda j: (j, 0)),
            pl.BlockSpec((bn, ann), lambda j: (j, 0)),
            pl.BlockSpec((d + ann, cdim), lambda j: (0, 0)),
            pl.BlockSpec((1, cdim), lambda j: (0, 0)),
        ],
        out_specs=pl.BlockSpec((bn, cdim), lambda j: (j, 0)),
        out_shape=jax.ShapeDtypeStruct((n, cdim), jnp.float32),
    )



def _make_propagate(n, d, e_pad, acc_rows):
    per_tile = e_pad // NS
    zrows = acc_rows // NS

    mesh = plsc.VectorSubcoreMesh(
        core_axis_name="c", subcore_axis_name="s",
        num_cores=NC, num_subcores=NS,
    )

    @functools.partial(
        pl.kernel,
        out_type=jax.ShapeDtypeStruct((2, acc_rows, d), jnp.float32),
        mesh=mesh,
        scratch_types=[
            pltpu.VMEM((K,), jnp.int32),
            pltpu.VMEM((1, K), jnp.int32),
            pltpu.VMEM((K, d), jnp.float32),
            pltpu.VMEM((8, d), jnp.float32),
            pltpu.VMEM_SHARED((acc_rows, d), jnp.float32),
            pltpu.SemaphoreType.DMA,
        ],
    )
    def prop(table, gidx, sidx, out, gidx_v, sidx_v, rows_v, zbuf, acc, sem):
        c = lax.axis_index("c")
        s = lax.axis_index("s")
        zero16 = jnp.zeros((16,), jnp.float32)

        for r in range(8):
            for l in range(d // 16):
                zbuf[r, pl.ds(l * 16, 16)] = zero16

        def zcopy(r, carry):
            pltpu.sync_copy(zbuf, acc.at[pl.ds(s * zrows + r * 8, 8)])
            return carry

        lax.fori_loop(0, zrows // 8, zcopy, 0)
        plsc.subcore_barrier()

        base = c * e_pad + s * per_tile

        def chunk(i, carry):
            off = base + i * K
            pltpu.sync_copy(gidx.at[pl.ds(off, K)], gidx_v)
            pltpu.sync_copy(sidx.at[pl.ds(off, K)], sidx_v.at[0])
            pltpu.async_copy(table.at[gidx_v], rows_v, sem).wait()
            pltpu.sync_copy(rows_v, acc.at[sidx_v.at[0]], add=True)
            return carry

        lax.fori_loop(0, per_tile // K, chunk, 0)
        plsc.subcore_barrier()
        pltpu.sync_copy(
            acc.at[pl.ds(s * zrows, zrows)],
            out.at[c, pl.ds(s * zrows, zrows)],
        )

    return prop



def kernel(x, edge_index, edge_type, W_out, b_out, W_in, b_in,
           Wg, Ug, bg, Wi1, bi1, wi2, bi2, Wc, bc):
    n, ann = x.shape
    t = W_out.shape[0]
    d = W_out.shape[-1]
    e = edge_index.shape[1]
    hid = Wi1.shape[1]
    cdim = Wc.shape[1]

    src = edge_index[0].astype(jnp.int32)
    dst = edge_index[1].astype(jnp.int32)
    et = edge_type.astype(jnp.int32)

    fwd_g = et * n + src
    bwd_g = t * n + et * n + dst

    e_pad = -(-e // (NS * K)) * (NS * K)
    acc_rows = -(-(n + 1) // (8 * NS)) * (8 * NS)
    pad = e_pad - e

    def _pad(a, v):
        return jnp.pad(a, (0, pad), constant_values=v)

    gidx = jnp.concatenate([_pad(fwd_g, 0), _pad(bwd_g, 0)])
    sidx = jnp.concatenate([_pad(dst, n), _pad(src, n)])

    W_cat = jnp.concatenate([W_out, W_in], axis=0)
    b_cat = jnp.concatenate([b_out, b_in], axis=0).reshape(2 * t, 1, d)
    bg2 = bg.reshape(1, -1)
    bi1_2 = bi1.reshape(1, -1)
    bi2_2 = bi2.reshape(1, -1)
    bc2 = bc.reshape(1, -1)

    bn = 2000
    transform = _make_transform(n, d, 2 * t, bn)
    prop = _make_propagate(n, d, e_pad, acc_rows)
    gru = _make_gru(n, d, bn)
    imp_fn = _make_imp(n, d, ann, hid, bn)
    ctx_fn = _make_ctx(n, d, ann, cdim, bn)

    h = jnp.pad(x, ((0, 0), (0, d - ann)))
    imps = []
    for step in range(NUM_STEPS):
        for _ in range(NUM_INTER_STEPS):
            table = transform(h, W_cat, b_cat).reshape(2 * t * n, d)
            a2 = prop(table, gidx, sidx)
            h = gru(a2, h, Wg, Ug, bg2)
        if step != NUM_STEPS - 1:
            imps.append(imp_fn(h, x, Wi1, bi1_2, wi2, bi2_2))
    context = ctx_fn(h, x, Wc, bc2)
    return context, jnp.stack(imps)

# --- scband reference (transcript-rebuilt; emitter-appended) ---
"""Pipeline reference for scband-gsnn-55980603736147 (READ-ONLY COPY).

The authoritative reference and input builder live on the scoring server;
editing this copy changes nothing except your own understanding.
"""

import jax, jax.numpy as jnp
import numpy as np

N = 10000
E = 320000
STATE_DIM = 128
ANN_DIM = 64
N_EDGE_TYPES = 4
NUM_STEPS = 3
NUM_INTER_STEPS = 2
IMP_HIDDEN = 128
CONTEXT_DIM = 512


def setup_inputs(seed: int = 0) -> dict:
    key = jax.random.key(seed)
    ks = jax.random.split(key, 16)
    x = jax.random.normal(ks[0], (N, ANN_DIM), dtype=jnp.float32)
    edge_index = jax.random.randint(ks[1], (2, E), 0, N)
    edge_type = jax.random.randint(ks[2], (E,), 0, N_EDGE_TYPES)
    s = 0.02
    W_out = jax.random.normal(ks[3], (N_EDGE_TYPES, STATE_DIM, STATE_DIM), dtype=jnp.float32) * s
    b_out = jnp.zeros((N_EDGE_TYPES, STATE_DIM), dtype=jnp.float32)
    W_in = jax.random.normal(ks[4], (N_EDGE_TYPES, STATE_DIM, STATE_DIM), dtype=jnp.float32) * s
    b_in = jnp.zeros((N_EDGE_TYPES, STATE_DIM), dtype=jnp.float32)
    Wg = jax.random.normal(ks[5], (2 * STATE_DIM, 3 * STATE_DIM), dtype=jnp.float32) * s
    Ug = jax.random.normal(ks[6], (STATE_DIM, 3 * STATE_DIM), dtype=jnp.float32) * s
    bg = jnp.zeros((3 * STATE_DIM,), dtype=jnp.float32)
    Wi1 = jax.random.normal(ks[7], (STATE_DIM + ANN_DIM, IMP_HIDDEN), dtype=jnp.float32) * s
    bi1 = jnp.zeros((IMP_HIDDEN,), dtype=jnp.float32)
    wi2 = jax.random.normal(ks[8], (IMP_HIDDEN, 1), dtype=jnp.float32) * s
    bi2 = jnp.zeros((1,), dtype=jnp.float32)
    Wc = jax.random.normal(ks[9], (STATE_DIM + ANN_DIM, CONTEXT_DIM), dtype=jnp.float32) * s
    bc = jnp.zeros((CONTEXT_DIM,), dtype=jnp.float32)
    return {"x": x, "edge_index": edge_index, "edge_type": edge_type,
            "W_out": W_out, "b_out": b_out, "W_in": W_in, "b_in": b_in,
            "Wg": Wg, "Ug": Ug, "bg": bg,
            "Wi1": Wi1, "bi1": bi1, "wi2": wi2, "bi2": bi2,
            "Wc": Wc, "bc": bc}


def _gru(a, h, Wg, Ug, bg):
    D = STATE_DIM
    ga = a @ Wg + bg
    gh = h @ Ug
    z = jax.nn.sigmoid(ga[:, :D] + gh[:, :D])
    r = jax.nn.sigmoid(ga[:, D:2 * D] + gh[:, D:2 * D])
    ht = jnp.tanh(ga[:, 2 * D:] + r * gh[:, 2 * D:])
    return (1.0 - z) * h + z * ht


def reference(x, edge_index, edge_type, W_out, b_out, W_in, b_in, Wg, Ug, bg, Wi1, bi1, wi2, bi2, Wc, bc):
    # GSNN: padded annotations -> state; num_steps outer loop; each step runs
    # a BaseGGNN (num_inter_steps typed message-passing + GRU updates); the
    # importance net scores nodes after every non-final step; the context net
    # produces per-node context features at the end.
    D = STATE_DIM
    n = x.shape[0]
    h = jnp.pad(x, ((0, 0), (0, D - x.shape[1])))  # annotation padded to state_dim
    src = edge_index[0]
    dst = edge_index[1]
    imps = []
    for step in range(NUM_STEPS):
        for _ in range(NUM_INTER_STEPS):
            # per-edge-type linear message transforms (GGNN A_out / A_in)
            Hout = jnp.einsum('nd,tde->tne', h, W_out) + b_out[:, None, :]
            Hin = jnp.einsum('nd,tde->tne', h, W_in) + b_in[:, None, :]
            msg_fwd = Hout[edge_type, src]  # gather [E, D]
            msg_bwd = Hin[edge_type, dst]   # gather [E, D]
            a_in = jnp.zeros((n, D), h.dtype).at[dst].add(msg_fwd)   # scatter-add
            a_out = jnp.zeros((n, D), h.dtype).at[src].add(msg_bwd)  # scatter-add
            a = jnp.concatenate([a_in, a_out], axis=1)
            h = _gru(a, h, Wg, Ug, bg)
        if step != NUM_STEPS - 1:
            feat = jnp.concatenate([h, x], axis=1)  # use_annotation_input=1
            imp = jax.nn.sigmoid(jnp.tanh(feat @ Wi1 + bi1) @ wi2 + bi2)
            imps.append(imp)
    context = jnp.tanh(jnp.concatenate([h, x], axis=1) @ Wc + bc)
    return context, jnp.stack(imps)


if False:  # reference __main__ guard neutralized (emitter)
    out = reference(**setup_inputs())
    print(out[0].shape, out[1].shape)

if __name__ == "__main__":
    import jax
    _d = setup_inputs()
    print(jax.jit(kernel)(*tuple(_d.values())))

</pallas_src>

<mosaic_0001>
#map = affine_map<(d0, d1) -> (0, 0)>
#map1 = affine_map<(d0, d1) -> (0)>
#map2 = affine_map<(d0, d1) -> (0, 0, 0)>
module attributes {stable_mosaic.version = 14 : i64} {
  func.func @prop(%arg0: i32, %arg1: i32, %arg2: memref<80000x128xf32, #tpu.memory_space<hbm>>, %arg3: memref<643072xi32, #tpu.memory_space<hbm>>, %arg4: memref<643072xi32, #tpu.memory_space<hbm>>, %arg5: memref<2x10112x128xf32, #tpu.memory_space<hbm>>, %arg6: memref<128xi32, #tpu.memory_space<vmem>>, %arg7: memref<1x128xi32, #tpu.memory_space<vmem>>, %arg8: memref<128x128xf32, #tpu.memory_space<vmem>>, %arg9: memref<8x128xf32, #tpu.memory_space<vmem>>, %arg10: memref<10112x128xf32, #tpu.memory_space<vmem_shared>>, %arg11: memref<!tpu.dma_semaphore, #tpu.memory_space<semaphore_mem>>) attributes {dimension_semantics = [#tpu.dimension_semantics<core_parallel>, #tpu.dimension_semantics<subcore_parallel>], iteration_bounds = array<i64: 2, 16>, scalar_prefetch = 0 : i64, scratch_operands = 6 : i64, tpu.core_type = #tpu.core_type<sc_vector_subcore>, window_params = [{transform_indices = #map}, {transform_indices = #map1}, {transform_indices = #map1}, {transform_indices = #map2}]} {
    %broadcast_in_dim3A = arith.constant 0.000000e+00 : f32
    %broadcast_in_dim3A_0 = vector.broadcast %broadcast_in_dim3A : f32 to vector<16xf32>
    %swap3A = arith.constant 0 : i32
    %swap3A_1 = arith.index_cast %swap3A : i32 to index
    %swap3A_2 = arith.constant 0 : index
    %swap3A_3 = tpu.vector_load %arg9[%swap3A_1, %swap3A_2] {strides = array<i32>} : memref<8x128xf32, #tpu.memory_space<vmem>>, vector<1x16xf32>,
    %swap3A_4 = vector.shape_cast %swap3A_3 : vector<1x16xf32> to vector<16xf32>
    %swap3A_5 = vector.shape_cast %broadcast_in_dim3A_0 : vector<16xf32> to vector<1x16xf32>
    tpu.vector_store %arg9[%swap3A_1, %swap3A_2], %swap3A_5 {strides = array<i32>} : memref<8x128xf32, #tpu.memory_space<vmem>>, vector<1x16xf32>,
    %swap3A_6 = arith.constant 0 : i32
    %swap3A_7 = arith.index_cast %swap3A_6 : i32 to index
    %swap3A_8 = arith.constant 16 : index
    %swap3A_9 = tpu.vector_load %arg9[%swap3A_7, %swap3A_8] {strides = array<i32>} : memref<8x128xf32, #tpu.memory_space<vmem>>, vector<1x16xf32>,
    %swap3A_10 = vector.shape_cast %swap3A_9 : vector<1x16xf32> to vector<16xf32>
    %swap3A_11 = vector.shape_cast %broadcast_in_dim3A_0 : vector<16xf32> to vector<1x16xf32>
    tpu.vector_store %arg9[%swap3A_7, %swap3A_8], %swap3A_11 {strides = array<i32>} : memref<8x128xf32, #tpu.memory_space<vmem>>, vector<1x16xf32>,
    %swap3A_12 = arith.constant 0 : i32
    %swap3A_13 = arith.index_cast %swap3A_12 : i32 to index
    %swap3A_14 = arith.constant 32 : index
    %swap3A_15 = tpu.vector_load %arg9[%swap3A_13, %swap3A_14] {strides = array<i32>} : memref<8x128xf32, #tpu.memory_space<vmem>>, vector<1x16xf32>,
    %swap3A_16 = vector.shape_cast %swap3A_15 : vector<1x16xf32> to vector<16xf32>
    %swap3A_17 = vector.shape_cast %broadcast_in_dim3A_0 : vector<16xf32> to vector<1x16xf32>
    tpu.vector_store %arg9[%swap3A_13, %swap3A_14], %swap3A_17 {strides = array<i32>} : memref<8x128xf32, #tpu.memory_space<vmem>>, vector<1x16xf32>,
    %swap3A_18 = arith.constant 0 : i32
    %swap3A_19 = arith.index_cast %swap3A_18 : i32 to index
    %swap3A_20 = arith.constant 48 : index
    %swap3A_21 = tpu.vector_load %arg9[%swap3A_19, %swap3A_20] {strides = array<i32>} : memref<8x128xf32, #tpu.memory_space<vmem>>, vector<1x16xf32>,
    %swap3A_22 = vector.shape_cast %swap3A_21 : vector<1x16xf32> to vector<16xf32>
    %swap3A_23 = vector.shape_cast %broadcast_in_dim3A_0 : vector<16xf32> to vector<1x16xf32>
    tpu.vector_store %arg9[%swap3A_19, %swap3A_20], %swap3A_23 {strides = array<i32>} : memref<8x128xf32, #tpu.memory_space<vmem>>, vector<1x16xf32>,
    %swap3A_24 = arith.constant 0 : i32
    %swap3A_25 = arith.index_cast %swap3A_24 : i32 to index
    %swap3A_26 = arith.constant 64 : index
    %swap3A_27 = tpu.vector_load %arg9[%swap3A_25, %swap3A_26] {strides = array<i32>} : memref<8x128xf32, #tpu.memory_space<vmem>>, vector<1x16xf32>,
    %swap3A_28 = vector.shape_cast %swap3A_27 : vector<1x16xf32> to vector<16xf32>
    %swap3A_29 = vector.shape_cast %broadcast_in_dim3A_0 : vector<16xf32> to vector<1x16xf32>
    tpu.vector_store %arg9[%swap3A_25, %swap3A_26], %swap3A_29 {strides = array<i32>} : memref<8x128xf32, #tpu.memory_space<vmem>>, vector<1x16xf32>,
    %swap3A_30 = arith.constant 0 : i32
    %swap3A_31 = arith.index_cast %swap3A_30 : i32 to index
    %swap3A_32 = arith.constant 80 : index
    %swap3A_33 = tpu.vector_load %arg9[%swap3A_31, %swap3A_32] {strides = array<i32>} : memref<8x128xf32, #tpu.memory_space<vmem>>, vector<1x16xf32>,
    %swap3A_34 = vector.shape_cast %swap3A_33 : vector<1x16xf32> to vector<16xf32>
    %swap3A_35 = vector.shape_cast %broadcast_in_dim3A_0 : vector<16xf32> to vector<1x16xf32>
    tpu.vector_store %arg9[%swap3A_31, %swap3A_32], %swap3A_35 {strides = array<i32>} : memref<8x128xf32, #tpu.memory_space<vmem>>, vector<1x16xf32>,
    %swap3A_36 = arith.constant 0 : i32
    %swap3A_37 = arith.index_cast %swap3A_36 : i32 to index
    %swap3A_38 = arith.constant 96 : index
    %swap3A_39 = tpu.vector_load %arg9[%swap3A_37, %swap3A_38] {strides = array<i32>} : memref<8x128xf32, #tpu.memory_space<vmem>>, vector<1x16xf32>,
    %swap3A_40 = vector.shape_cast %swap3A_39 : vector<1x16xf32> to vector<16xf32>
    %swap3A_41 = vector.shape_cast %broadcast_in_dim3A_0 : vector<16xf32> to vector<1x16xf32>
    tpu.vector_store %arg9[%swap3A_37, %swap3A_38], %swap3A_41 {strides = array<i32>} : memref<8x128xf32, #tpu.memory_space<vmem>>, vector<1x16xf32>,
    %swap3A_42 = arith.constant 0 : i32
    %swap3A_43 = arith.index_cast %swap3A_42 : i32 to index
    %swap3A_44 = arith.constant 112 : index
    %swap3A_45 = tpu.vector_load %arg9[%swap3A_43, %swap3A_44] {strides = array<i32>} : memref<8x128xf32, #tpu.memory_space<vmem>>, vector<1x16xf32>,
    %swap3A_46 = vector.shape_cast %swap3A_45 : vector<1x16xf32> to vector<16xf32>
    %swap3A_47 = vector.shape_cast %broadcast_in_dim3A_0 : vector<16xf32> to vector<1x16xf32>
    tpu.vector_store %arg9[%swap3A_43, %swap3A_44], %swap3A_47 {strides = array<i32>} : memref<8x128xf32, #tpu.memory_space<vmem>>, vector<1x16xf32>,
    %swap3A_48 = arith.constant 1 : i32
    %swap3A_49 = arith.index_cast %swap3A_48 : i32 to index
    %swap3A_50 = arith.constant 0 : index
    %swap3A_51 = tpu.vector_load %arg9[%swap3A_49, %swap3A_50] {strides = array<i32>} : memref<8x128xf32, #tpu.memory_space<vmem>>, vector<1x16xf32>,
    %swap3A_52 = vector.shape_cast %swap3A_51 : vector<1x16xf32> to vector<16xf32>
    %swap3A_53 = vector.shape_cast %broadcast_in_dim3A_0 : vector<16xf32> to vector<1x16xf32>
    tpu.vector_store %arg9[%swap3A_49, %swap3A_50], %swap3A_53 {strides = array<i32>} : memref<8x128xf32, #tpu.memory_space<vmem>>, vector<1x16xf32>,
    %swap3A_54 = arith.constant 1 : i32
    %swap3A_55 = arith.index_cast %swap3A_54 : i32 to index
    %swap3A_56 = arith.constant 16 : index
    %swap3A_57 = tpu.vector_load %arg9[%swap3A_55, %swap3A_56] {strides = array<i32>} : memref<8x128xf32, #tpu.memory_space<vmem>>, vector<1x16xf32>,
    %swap3A_58 = vector.shape_cast %swap3A_57 : vector<1x16xf32> to vector<16xf32>
    %swap3A_59 = vector.shape_cast %broadcast_in_dim3A_0 : vector<16xf32> to vector<1x16xf32>
    tpu.vector_store %arg9[%swap3A_55, %swap3A_56], %swap3A_59 {strides = array<i32>} : memref<8x128xf32, #tpu.memory_space<vmem>>, vector<1x16xf32>,
    %swap3A_60 = arith.constant 1 : i32
    %swap3A_61 = arith.index_cast %swap3A_60 : i32 to index
    %swap3A_62 = arith.constant 32 : index
    %swap3A_63 = tpu.vector_load %arg9[%swap3A_61, %swap3A_62] {strides = array<i32>} : memref<8x128xf32, #tpu.memory_space<vmem>>, vector<1x16xf32>,
    %swap3A_64 = vector.shape_cast %swap3A_63 : vector<1x16xf32> to vector<16xf32>
    %swap3A_65 = vector.shape_cast %broadcast_in_dim3A_0 : vector<16xf32> to vector<1x16xf32>
    tpu.vector_store %arg9[%swap3A_61, %swap3A_62], %swap3A_65 {strides = array<i32>} : memref<8x128xf32, #tpu.memory_space<vmem>>, vector<1x16xf32>,
    %swap3A_66 = arith.constant 1 : i32
    %swap3A_67 = arith.index_cast %swap3A_66 : i32 to index
    %swap3A_68 = arith.constant 48 : index
    %swap3A_69 = tpu.vector_load %arg9[%swap3A_67, %swap3A_68] {strides = array<i32>} : memref<8x128xf32, #tpu.memory_space<vmem>>, vector<1x16xf32>,
    %swap3A_70 = vector.shape_cast %swap3A_69 : vector<1x16xf32> to vector<16xf32>
    %swap3A_71 = vector.shape_cast %broadcast_in_dim3A_0 : vector<16xf32> to vector<1x16xf32>
    tpu.vector_store %arg9[%swap3A_67, %swap3A_68], %swap3A_71 {strides = array<i32>} : memref<8x128xf32, #tpu.memory_space<vmem>>, vector<1x16xf32>,
    %swap3A_72 = arith.constant 1 : i32
    %swap3A_73 = arith.index_cast %swap3A_72 : i32 to index
    %swap3A_74 = arith.constant 64 : index
    %swap3A_75 = tpu.vector_load %arg9[%swap3A_73, %swap3A_74] {strides = array<i32>} : memref<8x128xf32, #tpu.memory_space<vmem>>, vector<1x16xf32>,
    %swap3A_76 = vector.shape_cast %swap3A_75 : vector<1x16xf32> to vector<16xf32>
    %swap3A_77 = vector.shape_cast %broadcast_in_dim3A_0 : vector<16xf32> to vector<1x16xf32>
    tpu.vector_store %arg9[%swap3A_73, %swap3A_74], %swap3A_77 {strides = array<i32>} : memref<8x128xf32, #tpu.memory_space<vmem>>, vector<1x16xf32>,
    %swap3A_78 = arith.constant 1 : i32
    %swap3A_79 = arith.index_cast %swap3A_78 : i32 to index
    %swap3A_80 = arith.constant 80 : index
    %swap3A_81 = tpu.vector_load %arg9[%swap3A_79, %swap3A_80] {strides = array<i32>} : memref<8x128xf32, #tpu.memory_space<vmem>>, vector<1x16xf32>,
    %swap3A_82 = vector.shape_cast %swap3A_81 : vector<1x16xf32> to vector<16xf32>
    %swap3A_83 = vector.shape_cast %broadcast_in_dim3A_0 : vector<16xf32> to vector<1x16xf32>
    tpu.vector_store %arg9[%swap3A_79, %swap3A_80], %swap3A_83 {strides = array<i32>} : memref<8x128xf32, #tpu.memory_space<vmem>>, vector<1x16xf32>,
    %swap3A_84 = arith.constant 1 : i32
    %swap3A_85 = arith.index_cast %swap3A_84 : i32 to index
    %swap3A_86 = arith.constant 96 : index
    %swap3A_87 = tpu.vector_load %arg9[%swap3A_85, %swap3A_86] {strides = array<i32>} : memref<8x128xf32, #tpu.memory_space<vmem>>, vector<1x16xf32>,
    %swap3A_88 = vector.shape_cast %swap3A_87 : vector<1x16xf32> to vector<16xf32>
    %swap3A_89 = vector.shape_cast %broadcast_in_dim3A_0 : vector<16xf32> to vector<1x16xf32>
    tpu.vector_store %arg9[%swap3A_85, %swap3A_86], %swap3A_89 {strides = array<i32>} : memref<8x128xf32, #tpu.memory_space<vmem>>, vector<1x16xf32>,
    %swap3A_90 = arith.constant 1 : i32
    %swap3A_91 = arith.index_cast %swap3A_90 : i32 to index
    %swap3A_92 = arith.constant 112 : index
    %swap3A_93 = tpu.vector_load %arg9[%swap3A_91, %swap3A_92] {strides = array<i32>} : memref<8x128xf32, #tpu.memory_space<vmem>>, vector<1x16xf32>,
    %swap3A_94 = vector.shape_cast %swap3A_93 : vector<1x16xf32> to vector<16xf32>
    %swap3A_95 = vector.shape_cast %broadcast_in_dim3A_0 : vector<16xf32> to vector<1x16xf32>
    tpu.vector_store %arg9[%swap3A_91, %swap3A_92], %swap3A_95 {strides = array<i32>} : memref<8x128xf32, #tpu.memory_space<vmem>>, vector<1x16xf32>,
    %swap3A_96 = arith.constant 2 : i32
    %swap3A_97 = arith.index_cast %swap3A_96 : i32 to index
    %swap3A_98 = arith.constant 0 : index
    %swap3A_99 = tpu.vector_load %arg9[%swap3A_97, %swap3A_98] {strides = array<i32>} : memref<8x128xf32, #tpu.memory_space<vmem>>, vector<1x16xf32>,
    %swap3A_100 = vector.shape_cast %swap3A_99 : vector<1x16xf32> to vector<16xf32>
    %swap3A_101 = vector.shape_cast %broadcast_in_dim3A_0 : vector<16xf32> to vector<1x16xf32>
    tpu.vector_store %arg9[%swap3A_97, %swap3A_98], %swap3A_101 {strides = array<i32>} : memref<8x128xf32, #tpu.memory_space<vmem>>, vector<1x16xf32>,
    %swap3A_102 = arith.constant 2 : i32
    %swap3A_103 = arith.index_cast %swap3A_102 : i32 to index
    %swap3A_104 = arith.constant 16 : index
    %swap3A_105 = tpu.vector_load %arg9[%swap3A_103, %swap3A_104] {strides = array<i32>} : memref<8x128xf32, #tpu.memory_space<vmem>>, vector<1x16xf32>,
    %swap3A_106 = vector.shape_cast %swap3A_105 : vector<1x16xf32> to vector<16xf32>
    %swap3A_107 = vector.shape_cast %broadcast_in_dim3A_0 : vector<16xf32> to vector<1x16xf32>
    tpu.vector_store %arg9[%swap3A_103, %swap3A_104], %swap3A_107 {strides = array<i32>} : memref<8x128xf32, #tpu.memory_space<vmem>>, vector<1x16xf32>,
    %swap3A_108 = arith.constant 2 : i32
    %swap3A_109 = arith.index_cast %swap3A_108 : i32 to index
    %swap3A_110 = arith.constant 32 : index
    %swap3A_111 = tpu.vector_load %arg9[%swap3A_109, %swap3A_110] {strides = array<i32>} : memref<8x128xf32, #tpu.memory_space<vmem>>, vector<1x16xf32>,
    %swap3A_112 = vector.shape_cast %swap3A_111 : vector<1x16xf32> to vector<16xf32>
    %swap3A_113 = vector.shape_cast %broadcast_in_dim3A_0 : vector<16xf32> to vector<1x16xf32>
    tpu.vector_store %arg9[%swap3A_109, %swap3A_110], %swap3A_113 {strides = array<i32>} : memref<8x128xf32, #tpu.memory_space<vmem>>, vector<1x16xf32>,
    %swap3A_114 = arith.constant 2 : i32
    %swap3A_115 = arith.index_cast %swap3A_114 : i32 to index
    %swap3A_116 = arith.constant 48 : index
    %swap3A_117 = tpu.vector_load %arg9[%swap3A_115, %swap3A_116] {strides = array<i32>} : memref<8x128xf32, #tpu.memory_space<vmem>>, vector<1x16xf32>,
    %swap3A_118 = vector.shape_cast %swap3A_117 : vector<1x16xf32> to vector<16xf32>
    %swap3A_119 = vector.shape_cast %broadcast_in_dim3A_0 : vector<16xf32> to vector<1x16xf32>
    tpu.vector_store %arg9[%swap3A_115, %swap3A_116], %swap3A_119 {strides = array<i32>} : memref<8x128xf32, #tpu.memory_space<vmem>>, vector<1x16xf32>,
    %swap3A_120 = arith.constant 2 : i32
    %swap3A_121 = arith.index_cast %swap3A_120 : i32 to index
    %swap3A_122 = arith.constant 64 : index
    %swap3A_123 = tpu.vector_load %arg9[%swap3A_121, %swap3A_122] {strides = array<i32>} : memref<8x128xf32, #tpu.memory_space<vmem>>, vector<1x16xf32>,
    %swap3A_124 = vector.shape_cast %swap3A_123 : vector<1x16xf32> to vector<16xf32>
    %swap3A_125 = vector.shape_cast %broadcast_in_dim3A_0 : vector<16xf32> to vector<1x16xf32>
    tpu.vector_store %arg9[%swap3A_121, %swap3A_122], %swap3A_125 {strides = array<i32>} : memref<8x128xf32, #tpu.memory_space<vmem>>, vector<1x16xf32>,
    %swap3A_126 = arith.constant 2 : i32
    %swap3A_127 = arith.index_cast %swap3A_126 : i32 to index
    %swap3A_128 = arith.constant 80 : index
    %swap3A_129 = tpu.vector_load %arg9[%swap3A_127, %swap3A_128] {strides = array<i32>} : memref<8x128xf32, #tpu.memory_space<vmem>>, vector<1x16xf32>,
    %swap3A_130 = vector.shape_cast %swap3A_129 : vector<1x16xf32> to vector<16xf32>
    %swap3A_131 = vector.shape_cast %broadcast_in_dim3A_0 : vector<16xf32> to vector<1x16xf32>
    tpu.vector_store %arg9[%swap3A_127, %swap3A_128], %swap3A_131 {strides = array<i32>} : memref<8x128xf32, #tpu.memory_space<vmem>>, vector<1x16xf32>,
    %swap3A_132 = arith.constant 2 : i32
    %swap3A_133 = arith.index_cast %swap3A_132 : i32 to index
    %swap3A_134 = arith.constant 96 : index
    %swap3A_135 = tpu.vector_load %arg9[%swap3A_133, %swap3A_134] {strides = array<i32>} : memref<8x128xf32, #tpu.memory_space<vmem>>, vector<1x16xf32>,
    %swap3A_136 = vector.shape_cast %swap3A_135 : vector<1x16xf32> to vector<16xf32>
    %swap3A_137 = vector.shape_cast %broadcast_in_dim3A_0 : vector<16xf32> to vector<1x16xf32>
    tpu.vector_store %arg9[%swap3A_133, %swap3A_134], %swap3A_137 {strides = array<i32>} : memref<8x128xf32, #tpu.memory_space<vmem>>, vector<1x16xf32>,
    %swap3A_138 = arith.constant 2 : i32
    %swap3A_139 = arith.index_cast %swap3A_138 : i32 to index
    %swap3A_140 = arith.constant 112 : index
    %swap3A_141 = tpu.vector_load %arg9[%swap3A_139, %swap3A_140] {strides = array<i32>} : memref<8x128xf32, #tpu.memory_space<vmem>>, vector<1x16xf32>,
    %swap3A_142 = vector.shape_cast %swap3A_141 : vector<1x16xf32> to vector<16xf32>
    %swap3A_143 = vector.shape_cast %broadcast_in_dim3A_0 : vector<16xf32> to vector<1x16xf32>
    tpu.vector_store %arg9[%swap3A_139, %swap3A_140], %swap3A_143 {strides = array<i32>} : memref<8x128xf32, #tpu.memory_space<vmem>>, vector<1x16xf32>,
    %swap3A_144 = arith.constant 3 : i32
    %swap3A_145 = arith.index_cast %swap3A_144 : i32 to index
    %swap3A_146 = arith.constant 0 : index
    %swap3A_147 = tpu.vector_load %arg9[%swap3A_145, %swap3A_146] {strides = array<i32>} : memref<8x128xf32, #tpu.memory_space<vmem>>, vector<1x16xf32>,
    %swap3A_148 = vector.shape_cast %swap3A_147 : vector<1x16xf32> to vector<16xf32>
    %swap3A_149 = vector.shape_cast %broadcast_in_dim3A_0 : vector<16xf32> to vector<1x16xf32>
    tpu.vector_store %arg9[%swap3A_145, %swap3A_146], %swap3A_149 {strides = array<i32>} : memref<8x128xf32, #tpu.memory_space<vmem>>, vector<1x16xf32>,
    %swap3A_150 = arith.constant 3 : i32
    %swap3A_151 = arith.index_cast %swap3A_150 : i32 to index
    %swap3A_152 = arith.constant 16 : index
    %swap3A_153 = tpu.vector_load %arg9[%swap3A_151, %swap3A_152] {strides = array<i32>} : memref<8x128xf32, #tpu.memory_space<vmem>>, vector<1x16xf32>,
    %swap3A_154 = vector.shape_cast %swap3A_153 : vector<1x16xf32> to vector<16xf32>
    %swap3A_155 = vector.shape_cast %broadcast_in_dim3A_0 : vector<16xf32> to vector<1x16xf32>
    tpu.vector_store %arg9[%swap3A_151, %swap3A_152], %swap3A_155 {strides = array<i32>} : memref<8x128xf32, #tpu.memory_space<vmem>>, vector<1x16xf32>,
    %swap3A_156 = arith.constant 3 : i32
    %swap3A_157 = arith.index_cast %swap3A_156 : i32 to index
    %swap3A_158 = arith.constant 32 : index
    %swap3A_159 = tpu.vector_load %arg9[%swap3A_157, %swap3A_158] {strides = array<i32>} : memref<8x128xf32, #tpu.memory_space<vmem>>, vector<1x16xf32>,
    %swap3A_160 = vector.shape_cast %swap3A_159 : vector<1x16xf32> to vector<16xf32>
    %swap3A_161 = vector.shape_cast %broadcast_in_dim3A_0 : vector<16xf32> to vector<1x16xf32>
    tpu.vector_store %arg9[%swap3A_157, %swap3A_158], %swap3A_161 {strides = array<i32>} : memref<8x128xf32, #tpu.memory_space<vmem>>, vector<1x16xf32>,
    %swap3A_162 = arith.constant 3 : i32
    %swap3A_163 = arith.index_cast %swap3A_162 : i32 to index
    %swap3A_164 = arith.constant 48 : index
    %swap3A_165 = tpu.vector_load %arg9[%swap3A_163, %swap3A_164] {strides = array<i32>} : memref<8x128xf32, #tpu.memory_space<vmem>>, vector<1x16xf32>,
    %swap3A_166 = vector.shape_cast %swap3A_165 : vector<1x16xf32> to vector<16xf32>
    %swap3A_167 = vector.shape_cast %broadcast_in_dim3A_0 : vector<16xf32> to vector<1x16xf32>
    tpu.vector_store %arg9[%swap3A_163, %swap3A_164], %swap3A_167 {strides = array<i32>} : memref<8x128xf32, #tpu.memory_space<vmem>>, vector<1x16xf32>,
    %swap3A_168 = arith.constant 3 : i32
    %swap3A_169 = arith.index_cast %swap3A_168 : i32 to index
    %swap3A_170 = arith.constant 64 : index
    %swap3A_171 = tpu.vector_load %arg9[%swap3A_169, %swap3A_170] {strides = array<i32>} : memref<8x128xf32, #tpu.memory_space<vmem>>, vector<1x16xf32>,
    %swap3A_172 = vector.shape_cast %swap3A_171 : vector<1x16xf32> to vector<16xf32>
    %swap3A_173 = vector.shape_cast %broadcast_in_dim3A_0 : vector<16xf32> to vector<1x16xf32>
    tpu.vector_store %arg9[%swap3A_169, %swap3A_170], %swap3A_173 {strides = array<i32>} : memref<8x128xf32, #tpu.memory_space<vmem>>, vector<1x16xf32>,
    %swap3A_174 = arith.constant 3 : i32
    %swap3A_175 = arith.index_cast %swap3A_174 : i32 to index
    %swap3A_176 = arith.constant 80 : index
    %swap3A_177 = tpu.vector_load %arg9[%swap3A_175, %swap3A_176] {strides = array<i32>} : memref<8x128xf32, #tpu.memory_space<vmem>>, vector<1x16xf32>,
    %swap3A_178 = vector.shape_cast %swap3A_177 : vector<1x16xf32> to vector<16xf32>
    %swap3A_179 = vector.shape_cast %broadcast_in_dim3A_0 : vector<16xf32> to vector<1x16xf32>
    tpu.vector_store %arg9[%swap3A_175, %swap3A_176], %swap3A_179 {strides = array<i32>} : memref<8x128xf32, #tpu.memory_space<vmem>>, vector<1x16xf32>,
    %swap3A_180 = arith.constant 3 : i32
    %swap3A_181 = arith.index_cast %swap3A_180 : i32 to index
    %swap3A_182 = arith.constant 96 : index
    %swap3A_183 = tpu.vector_load %arg9[%swap3A_181, %swap3A_182] {strides = array<i32>} : memref<8x128xf32, #tpu.memory_space<vmem>>, vector<1x16xf32>,
    %swap3A_184 = vector.shape_cast %swap3A_183 : vector<1x16xf32> to vector<16xf32>
    %swap3A_185 = vector.shape_cast %broadcast_in_dim3A_0 : vector<16xf32> to vector<1x16xf32>
    tpu.vector_store %arg9[%swap3A_181, %swap3A_182], %swap3A_185 {strides = array<i32>} : memref<8x128xf32, #tpu.memory_space<vmem>>, vector<1x16xf32>,
    %swap3A_186 = arith.constant 3 : i32
    %swap3A_187 = arith.index_cast %swap3A_186 : i32 to index
    %swap3A_188 = arith.constant 112 : index
    %swap3A_189 = tpu.vector_load %arg9[%swap3A_187, %swap3A_188] {strides = array<i32>} : memref<8x128xf32, #tpu.memory_space<vmem>>, vector<1x16xf32>,
    %swap3A_190 = vector.shape_cast %swap3A_189 : vector<1x16xf32> to vector<16xf32>
    %swap3A_191 = vector.shape_cast %broadcast_in_dim3A_0 : vector<16xf32> to vector<1x16xf32>
    tpu.vector_store %arg9[%swap3A_187, %swap3A_188], %swap3A_191 {strides = array<i32>} : memref<8x128xf32, #tpu.memory_space<vmem>>, vector<1x16xf32>,
    %swap3A_192 = arith.constant 4 : i32
    %swap3A_193 = arith.index_cast %swap3A_192 : i32 to index
    %swap3A_194 = arith.constant 0 : index
    %swap3A_195 = tpu.vector_load %arg9[%swap3A_193, %swap3A_194] {strides = array<i32>} : memref<8x128xf32, #tpu.memory_space<vmem>>, vector<1x16xf32>,
    %swap3A_196 = vector.shape_cast %swap3A_195 : vector<1x16xf32> to vector<16xf32>
    %swap3A_197 = vector.shape_cast %broadcast_in_dim3A_0 : vector<16xf32> to vector<1x16xf32>
    tpu.vector_store %arg9[%swap3A_193, %swap3A_194], %swap3A_197 {strides = array<i32>} : memref<8x128xf32, #tpu.memory_space<vmem>>, vector<1x16xf32>,
    %swap3A_198 = arith.constant 4 : i32
    %swap3A_199 = arith.index_cast %swap3A_198 : i32 to index
    %swap3A_200 = arith.constant 16 : index
    %swap3A_201 = tpu.vector_load %arg9[%swap3A_199, %swap3A_200] {strides = array<i32>} : memref<8x128xf32, #tpu.memory_space<vmem>>, vector<1x16xf32>,
    %swap3A_202 = vector.shape_cast %swap3A_201 : vector<1x16xf32> to vector<16xf32>
    %swap3A_203 = vector.shape_cast %broadcast_in_dim3A_0 : vector<16xf32> to vector<1x16xf32>
    tpu.vector_store %arg9[%swap3A_199, %swap3A_200], %swap3A_203 {strides = array<i32>} : memref<8x128xf32, #tpu.memory_space<vmem>>, vector<1x16xf32>,
    %swap3A_204 = arith.constant 4 : i32
    %swap3A_205 = arith.index_cast %swap3A_204 : i32 to index
    %swap3A_206 = arith.constant 32 : index
    %swap3A_207 = tpu.vector_load %arg9[%swap3A_205, %swap3A_206] {strides = array<i32>} : memref<8x128xf32, #tpu.memory_space<vmem>>, vector<1x16xf32>,
    %swap3A_208 = vector.shape_cast %swap3A_207 : vector<1x16xf32> to vector<16xf32>
    %swap3A_209 = vector.shape_cast %broadcast_in_dim3A_0 : vector<16xf32> to vector<1x16xf32>
    tpu.vector_store %arg9[%swap3A_205, %swap3A_206], %swap3A_209 {strides = array<i32>} : memref<8x128xf32, #tpu.memory_space<vmem>>, vector<1x16xf32>,
    %swap3A_210 = arith.constant 4 : i32
    %swap3A_211 = arith.index_cast %swap3A_210 : i32 to index
    %swap3A_212 = arith.constant 48 : index
    %swap3A_213 = tpu.vector_load %arg9[%swap3A_211, %swap3A_212] {strides = array<i32>} : memref<8x128xf32, #tpu.memory_space<vmem>>, vector<1x16xf32>,
    %swap3A_214 = vector.shape_cast %swap3A_213 : vector<1x16xf32> to vector<16xf32>
    %swap3A_215 = vector.shape_cast %broadcast_in_dim3A_0 : vector<16xf32> to vector<1x16xf32>
    tpu.vector_store %arg9[%swap3A_211, %swap3A_212], %swap3A_215 {strides = array<i32>} : memref<8x128xf32, #tpu.memory_space<vmem>>, vector<1x16xf32>,
    %swap3A_216 = arith.constant 4 : i32
    %swap3A_217 = arith.index_cast %swap3A_216 : i32 to index
    %swap3A_218 = arith.constant 64 : index
    %swap3A_219 = tpu.vector_load %arg9[%swap3A_217, %swap3A_218] {strides = array<i32>} : memref<8x128xf32, #tpu.memory_space<vmem>>, vector<1x16xf32>,
    %swap3A_220 = vector.shape_cast %swap3A_219 : vector<1x16xf32> to vector<16xf32>
    %swap3A_221 = vector.shape_cast %broadcast_in_dim3A_0 : vector<16xf32> to vector<1x16xf32>
    tpu.vector_store %arg9[%swap3A_217, %swap3A_218], %swap3A_221 {strides = array<i32>} : memref<8x128xf32, #tpu.memory_space<vmem>>, vector<1x16xf32>,
    %swap3A_222 = arith.constant 4 : i32
    %swap3A_223 = arith.index_cast %swap3A_222 : i32 to index
    %swap3A_224 = arith.constant 80 : index
    %swap3A_225 = tpu.vector_load %arg9[%swap3A_223, %swap3A_224] {strides = array<i32>} : memref<8x128xf32, #tpu.memory_space<vmem>>, vector<1x16xf32>,
    %swap3A_226 = vector.shape_cast %swap3A_225 : vector<1x16xf32> to vector<16xf32>
    %swap3A_227 = vector.shape_cast %broadcast_in_dim3A_0 : vector<16xf32> to vector<1x16xf32>
    tpu.vector_store %arg9[%swap3A_223, %swap3A_224], %swap3A_227 {strides = array<i32>} : memref<8x128xf32, #tpu.memory_space<vmem>>, vector<1x16xf32>,
    %swap3A_228 = arith.constant 4 : i32
    %swap3A_229 = arith.index_cast %swap3A_228 : i32 to index
    %swap3A_230 = arith.constant 96 : index
    %swap3A_231 = tpu.vector_load %arg9[%swap3A_229, %swap3A_230] {strides = array<i32>} : memref<8x128xf32, #tpu.memory_space<vmem>>, vector<1x16xf32>,
    %swap3A_232 = vector.shape_cast %swap3A_231 : vector<1x16xf32> to vector<16xf32>
    %swap3A_233 = vector.shape_cast %broadcast_in_dim3A_0 : vector<16xf32> to vector<1x16xf32>
    tpu.vector_store %arg9[%swap3A_229, %swap3A_230], %swap3A_233 {strides = array<i32>} : memref<8x128xf32, #tpu.memory_space<vmem>>, vector<1x16xf32>,
    %swap3A_234 = arith.constant 4 : i32
    %swap3A_235 = arith.index_cast %swap3A_234 : i32 to index
    %swap3A_236 = arith.constant 112 : index
    %swap3A_237 = tpu.vector_load %arg9[%swap3A_235, %swap3A_236] {strides = array<i32>} : memref<8x128xf32, #tpu.memory_space<vmem>>, vector<1x16xf32>,
    %swap3A_238 = vector.shape_cast %swap3A_237 : vector<1x16xf32> to vector<16xf32>
    %swap3A_239 = vector.shape_cast %broadcast_in_dim3A_0 : vector<16xf32> to vector<1x16xf32>
    tpu.vector_store %arg9[%swap3A_235, %swap3A_236], %swap3A_239 {strides = array<i32>} : memref<8x128xf32, #tpu.memory_space<vmem>>, vector<1x16xf32>,
    %swap3A_240 = arith.constant 5 : i32
    %swap3A_241 = arith.index_cast %swap3A_240 : i32 to index
    %swap3A_242 = arith.constant 0 : index
    %swap3A_243 = tpu.vector_load %arg9[%swap3A_241, %swap3A_242] {strides = array<i32>} : memref<8x128xf32, #tpu.memory_space<vmem>>, vector<1x16xf32>,
    %swap3A_244 = vector.shape_cast %swap3A_243 : vector<1x16xf32> to vector<16xf32>
    %swap3A_245 = vector.shape_cast %broadcast_in_dim3A_0 : vector<16xf32> to vector<1x16xf32>
    tpu.vector_store %arg9[%swap3A_241, %swap3A_242], %swap3A_245 {strides = array<i32>} : memref<8x128xf32, #tpu.memory_space<vmem>>, vector<1x16xf32>,
    %swap3A_246 = arith.constant 5 : i32
    %swap3A_247 = arith.index_cast %swap3A_246 : i32 to index
    %swap3A_248 = arith.constant 16 : index
    %swap3A_249 = tpu.vector_load %arg9[%swap3A_247, %swap3A_248] {strides = array<i32>} : memref<8x128xf32, #tpu.memory_space<vmem>>, vector<1x16xf32>,
    %swap3A_250 = vector.shape_cast %swap3A_249 : vector<1x16xf32> to vector<16xf32>
    %swap3A_251 = vector.shape_cast %broadcast_in_dim3A_0 : vector<16xf32> to vector<1x16xf32>
    tpu.vector_store %arg9[%swap3A_247, %swap3A_248], %swap3A_251 {strides = array<i32>} : memref<8x128xf32, #tpu.memory_space<vmem>>, vector<1x16xf32>,
    %swap3A_252 = arith.constant 5 : i32
    %swap3A_253 = arith.index_cast %swap3A_252 : i32 to index
    %swap3A_254 = arith.constant 32 : index
    %swap3A_255 = tpu.vector_load %arg9[%swap3A_253, %swap3A_254] {strides = array<i32>} : memref<8x128xf32, #tpu.memory_space<vmem>>, vector<1x16xf32>,
    %swap3A_256 = vector.shape_cast %swap3A_255 : vector<1x16xf32> to vector<16xf32>
    %swap3A_257 = vector.shape_cast %broadcast_in_dim3A_0 : vector<16xf32> to vector<1x16xf32>
    tpu.vector_store %arg9[%swap3A_253, %swap3A_254], %swap3A_257 {strides = array<i32>} : memref<8x128xf32, #tpu.memory_space<vmem>>, vector<1x16xf32>,
    %swap3A_258 = arith.constant 5 : i32
    %swap3A_259 = arith.index_cast %swap3A_258 : i32 to index
    %swap3A_260 = arith.constant 48 : index
    %swap3A_261 = tpu.vector_load %arg9[%swap3A_259, %swap3A_260] {strides = array<i32>} : memref<8x128xf32, #tpu.memory_space<vmem>>, vector<1x16xf32>,
    %swap3A_262 = vector.shape_cast %swap3A_261 : vector<1x16xf32> to vector<16xf32>
    %swap3A_263 = vector.shape_cast %broadcast_in_dim3A_0 : vector<16xf32> to vector<1x16xf32>
    tpu.vector_store %arg9[%swap3A_259, %swap3A_260], %swap3A_263 {strides = array<i32>} : memref<8x128xf32, #tpu.memory_space<vmem>>, vector<1x16xf32>,
    %swap3A_264 = arith.constant 5 : i32
    %swap3A_265 = arith.index_cast %swap3A_264 : i32 to index
    %swap3A_266 = arith.constant 64 : index
    %swap3A_267 = tpu.vector_load %arg9[%swap3A_265, %swap3A_266] {strides = array<i32>} : memref<8x128xf32, #tpu.memory_space<vmem>>, vector<1x16xf32>,
    %swap3A_268 = vector.shape_cast %swap3A_267 : vector<1x16xf32> to vector<16xf32>
    %swap3A_269 = vector.shape_cast %broadcast_in_dim3A_0 : vector<16xf32> to vector<1x16xf32>
    tpu.vector_store %arg9[%swap3A_265, %swap3A_266], %swap3A_269 {strides = array<i32>} : memref<8x128xf32, #tpu.memory_space<vmem>>, vector<1x16xf32>,
    %swap3A_270 = arith.constant 5 : i32
    %swap3A_271 = arith.index_cast %swap3A_270 : i32 to index
    %swap3A_272 = arith.constant 80 : index
    %swap3A_273 = tpu.vector_load %arg9[%swap3A_271, %swap3A_272] {strides = array<i32>} : memref<8x128xf32, #tpu.memory_space<vmem>>, vector<1x16xf32>,
    %swap3A_274 = vector.shape_cast %swap3A_273 : vector<1x16xf32> to vector<16xf32>
    %swap3A_275 = vector.shape_cast %broadcast_in_dim3A_0 : vector<16xf32> to vector<1x16xf32>
    tpu.vector_store %arg9[%swap3A_271, %swap3A_272], %swap3A_275 {strides = array<i32>} : memref<8x128xf32, #tpu.memory_space<vmem>>, vector<1x16xf32>,
    %swap3A_276 = arith.constant 5 : i32
    %swap3A_277 = arith.index_cast %swap3A_276 : i32 to index
    %swap3A_278 = arith.constant 96 : index
    %swap3A_279 = tpu.vector_load %arg9[%swap3A_277, %swap3A_278] {strides = array<i32>} : memref<8x128xf32, #tpu.memory_space<vmem>>, vector<1x16xf32>,
    %swap3A_280 = vector.shape_cast %swap3A_279 : vector<1x16xf32> to vector<16xf32>
    %swap3A_281 = vector.shape_cast %broadcast_in_dim3A_0 : vector<16xf32> to vector<1x16xf32>
    tpu.vector_store %arg9[%swap3A_277, %swap3A_278], %swap3A_281 {strides = array<i32>} : memref<8x128xf32, #tpu.memory_space<vmem>>, vector<1x16xf32>,
    %swap3A_282 = arith.constant 5 : i32
    %swap3A_283 = arith.index_cast %swap3A_282 : i32 to index
    %swap3A_284 = arith.constant 112 : index
    %swap3A_285 = tpu.vector_load %arg9[%swap3A_283, %swap3A_284] {strides = array<i32>} : memref<8x128xf32, #tpu.memory_space<vmem>>, vector<1x16xf32>,
    %swap3A_286 = vector.shape_cast %swap3A_285 : vector<1x16xf32> to vector<16xf32>
    %swap3A_287 = vector.shape_cast %broadcast_in_dim3A_0 : vector<16xf32> to vector<1x16xf32>
    tpu.vector_store %arg9[%swap3A_283, %swap3A_284], %swap3A_287 {strides = array<i32>} : memref<8x128xf32, #tpu.memory_space<vmem>>, vector<1x16xf32>,
    %swap3A_288 = arith.constant 6 : i32
    %swap3A_289 = arith.index_cast %swap3A_288 : i32 to index
    %swap3A_290 = arith.constant 0 : index
    %swap3A_291 = tpu.vector_load %arg9[%swap3A_289, %swap3A_290] {strides = array<i32>} : memref<8x128xf32, #tpu.memory_space<vmem>>, vector<1x16xf32>,
    %swap3A_292 = vector.shape_cast %swap3A_291 : vector<1x16xf32> to vector<16xf32>
    %swap3A_293 = vector.shape_cast %broadcast_in_dim3A_0 : vector<16xf32> to vector<1x16xf32>
    tpu.vector_store %arg9[%swap3A_289, %swap3A_290], %swap3A_293 {strides = array<i32>} : memref<8x128xf32, #tpu.memory_space<vmem>>, vector<1x16xf32>,
    %swap3A_294 = arith.constant 6 : i32
    %swap3A_295 = arith.index_cast %swap3A_294 : i32 to index
    %swap3A_296 = arith.constant 16 : index
    %swap3A_297 = tpu.vector_load %arg9[%swap3A_295, %swap3A_296] {strides = array<i32>} : memref<8x128xf32, #tpu.memory_space<vmem>>, vector<1x16xf32>,
    %swap3A_298 = vector.shape_cast %swap3A_297 : vector<1x16xf32> to vector<16xf32>
    %swap3A_299 = vector.shape_cast %broadcast_in_dim3A_0 : vector<16xf32> to vector<1x16xf32>
    tpu.vector_store %arg9[%swap3A_295, %swap3A_296], %swap3A_299 {strides = array<i32>} : memref<8x128xf32, #tpu.memory_space<vmem>>, vector<1x16xf32>,
    %swap3A_300 = arith.constant 6 : i32
    %swap3A_301 = arith.index_cast %swap3A_300 : i32 to index
    %swap3A_302 = arith.constant 32 : index
    %swap3A_303 = tpu.vector_load %arg9[%swap3A_301, %swap3A_302] {strides = array<i32>} : memref<8x128xf32, #tpu.memory_space<vmem>>, vector<1x16xf32>,
    %swap3A_304 = vector.shape_cast %swap3A_303 : vector<1x16xf32> to vector<16xf32>
    %swap3A_305 = vector.shape_cast %broadcast_in_dim3A_0 : vector<16xf32> to vector<1x16xf32>
    tpu.vector_store %arg9[%swap3A_301, %swap3A_302], %swap3A_305 {strides = array<i32>} : memref<8x128xf32, #tpu.memory_space<vmem>>, vector<1x16xf32>,
    %swap3A_306 = arith.constant 6 : i32
    %swap3A_307 = arith.index_cast %swap3A_306 : i32 to index
    %swap3A_308 = arith.constant 48 : index
    %swap3A_309 = tpu.vector_load %arg9[%swap3A_307, %swap3A_308] {strides = array<i32>} : memref<8x128xf32, #tpu.memory_space<vmem>>, vector<1x16xf32>,
    %swap3A_310 = vector.shape_cast %swap3A_309 : vector<1x16xf32> to vector<16xf32>
    %swap3A_311 = vector.shape_cast %broadcast_in_dim3A_0 : vector<16xf32> to vector<1x16xf32>
    tpu.vector_store %arg9[%swap3A_307, %swap3A_308], %swap3A_311 {strides = array<i32>} : memref<8x128xf32, #tpu.memory_space<vmem>>, vector<1x16xf32>,
    %swap3A_312 = arith.constant 6 : i32
    %swap3A_313 = arith.index_cast %swap3A_312 : i32 to index
    %swap3A_314 = arith.constant 64 : index
    %swap3A_315 = tpu.vector_load %arg9[%swap3A_313, %swap3A_314] {strides = array<i32>} : memref<8x128xf32, #tpu.memory_space<vmem>>, vector<1x16xf32>,
    %swap3A_316 = vector.shape_cast %swap3A_315 : vector<1x16xf32> to vector<16xf32>
    %swap3A_317 = vector.shape_cast %broadcast_in_dim3A_0 : vector<16xf32> to vector<1x16xf32>
    tpu.vector_store %arg9[%swap3A_313, %swap3A_314], %swap3A_317 {strides = array<i32>} : memref<8x128xf32, #tpu.memory_space<vmem>>, vector<1x16xf32>,
    %swap3A_318 = arith.constant 6 : i32
    %swap3A_319 = arith.index_cast %swap3A_318 : i32 to index
    %swap3A_320 = arith.constant 80 : index
    %swap3A_321 = tpu.vector_load %arg9[%swap3A_319, %swap3A_320] {strides = array<i32>} : memref<8x128xf32, #tpu.memory_space<vmem>>, vector<1x16xf32>,
    %swap3A_322 = vector.shape_cast %swap3A_321 : vector<1x16xf32> to vector<16xf32>
    %swap3A_323 = vector.shape_cast %broadcast_in_dim3A_0 : vector<16xf32> to vector<1x16xf32>
    tpu.vector_store %arg9[%swap3A_319, %swap3A_320], %swap3A_323 {strides = array<i32>} : memref<8x128xf32, #tpu.memory_space<vmem>>, vector<1x16xf32>,
    %swap3A_324 = arith.constant 6 : i32
    %swap3A_325 = arith.index_cast %swap3A_324 : i32 to index
    %swap3A_326 = arith.constant 96 : index
    %swap3A_327 = tpu.vector_load %arg9[%swap3A_325, %swap3A_326] {strides = array<i32>} : memref<8x128xf32, #tpu.memory_space<vmem>>, vector<1x16xf32>,
    %swap3A_328 = vector.shape_cast %swap3A_327 : vector<1x16xf32> to vector<16xf32>
    %swap3A_329 = vector.shape_cast %broadcast_in_dim3A_0 : vector<16xf32> to vector<1x16xf32>
    tpu.vector_store %arg9[%swap3A_325, %swap3A_326], %swap3A_329 {strides = array<i32>} : memref<8x128xf32, #tpu.memory_space<vmem>>, vector<1x16xf32>,
    %swap3A_330 = arith.constant 6 : i32
    %swap3A_331 = arith.index_cast %swap3A_330 : i32 to index
    %swap3A_332 = arith.constant 112 : index
    %swap3A_333 = tpu.vector_load %arg9[%swap3A_331, %swap3A_332] {strides = array<i32>} : memref<8x128xf32, #tpu.memory_space<vmem>>, vector<1x16xf32>,
    %swap3A_334 = vector.shape_cast %swap3A_333 : vector<1x16xf32> to vector<16xf32>
    %swap3A_335 = vector.shape_cast %broadcast_in_dim3A_0 : vector<16xf32> to vector<1x16xf32>
    tpu.vector_store %arg9[%swap3A_331, %swap3A_332], %swap3A_335 {strides = array<i32>} : memref<8x128xf32, #tpu.memory_space<vmem>>, vector<1x16xf32>,
    %swap3A_336 = arith.constant 7 : i32
    %swap3A_337 = arith.index_cast %swap3A_336 : i32 to index
    %swap3A_338 = arith.constant 0 : index
    %swap3A_339 = tpu.vector_load %arg9[%swap3A_337, %swap3A_338] {strides = array<i32>} : memref<8x128xf32, #tpu.memory_space<vmem>>, vector<1x16xf32>,
    %swap3A_340 = vector.shape_cast %swap3A_339 : vector<1x16xf32> to vector<16xf32>
    %swap3A_341 = vector.shape_cast %broadcast_in_dim3A_0 : vector<16xf32> to vector<1x16xf32>
    tpu.vector_store %arg9[%swap3A_337, %swap3A_338], %swap3A_341 {strides = array<i32>} : memref<8x128xf32, #tpu.memory_space<vmem>>, vector<1x16xf32>,
    %swap3A_342 = arith.constant 7 : i32
    %swap3A_343 = arith.index_cast %swap3A_342 : i32 to index
    %swap3A_344 = arith.constant 16 : index
    %swap3A_345 = tpu.vector_load %arg9[%swap3A_343, %swap3A_344] {strides = array<i32>} : memref<8x128xf32, #tpu.memory_space<vmem>>, vector<1x16xf32>,
    %swap3A_346 = vector.shape_cast %swap3A_345 : vector<1x16xf32> to vector<16xf32>
    %swap3A_347 = vector.shape_cast %broadcast_in_dim3A_0 : vector<16xf32> to vector<1x16xf32>
    tpu.vector_store %arg9[%swap3A_343, %swap3A_344], %swap3A_347 {strides = array<i32>} : memref<8x128xf32, #tpu.memory_space<vmem>>, vector<1x16xf32>,
    %swap3A_348 = arith.constant 7 : i32
    %swap3A_349 = arith.index_cast %swap3A_348 : i32 to index
    %swap3A_350 = arith.constant 32 : index
    %swap3A_351 = tpu.vector_load %arg9[%swap3A_349, %swap3A_350] {strides = array<i32>} : memref<8x128xf32, #tpu.memory_space<vmem>>, vector<1x16xf32>,
    %swap3A_352 = vector.shape_cast %swap3A_351 : vector<1x16xf32> to vector<16xf32>
    %swap3A_353 = vector.shape_cast %broadcast_in_dim3A_0 : vector<16xf32> to vector<1x16xf32>
    tpu.vector_store %arg9[%swap3A_349, %swap3A_350], %swap3A_353 {strides = array<i32>} : memref<8x128xf32, #tpu.memory_space<vmem>>, vector<1x16xf32>,
    %swap3A_354 = arith.constant 7 : i32
    %swap3A_355 = arith.index_cast %swap3A_354 : i32 to index
    %swap3A_356 = arith.constant 48 : index
    %swap3A_357 = tpu.vector_load %arg9[%swap3A_355, %swap3A_356] {strides = array<i32>} : memref<8x128xf32, #tpu.memory_space<vmem>>, vector<1x16xf32>,
    %swap3A_358 = vector.shape_cast %swap3A_357 : vector<1x16xf32> to vector<16xf32>
    %swap3A_359 = vector.shape_cast %broadcast_in_dim3A_0 : vector<16xf32> to vector<1x16xf32>
    tpu.vector_store %arg9[%swap3A_355, %swap3A_356], %swap3A_359 {strides = array<i32>} : memref<8x128xf32, #tpu.memory_space<vmem>>, vector<1x16xf32>,
    %swap3A_360 = arith.constant 7 : i32
    %swap3A_361 = arith.index_cast %swap3A_360 : i32 to index
    %swap3A_362 = arith.constant 64 : index
    %swap3A_363 = tpu.vector_load %arg9[%swap3A_361, %swap3A_362] {strides = array<i32>} : memref<8x128xf32, #tpu.memory_space<vmem>>, vector<1x16xf32>,
    %swap3A_364 = vector.shape_cast %swap3A_363 : vector<1x16xf32> to vector<16xf32>
    %swap3A_365 = vector.shape_cast %broadcast_in_dim3A_0 : vector<16xf32> to vector<1x16xf32>
    tpu.vector_store %arg9[%swap3A_361, %swap3A_362], %swap3A_365 {strides = array<i32>} : memref<8x128xf32, #tpu.memory_space<vmem>>, vector<1x16xf32>,
    %swap3A_366 = arith.constant 7 : i32
    %swap3A_367 = arith.index_cast %swap3A_366 : i32 to index
    %swap3A_368 = arith.constant 80 : index
    %swap3A_369 = tpu.vector_load %arg9[%swap3A_367, %swap3A_368] {strides = array<i32>} : memref<8x128xf32, #tpu.memory_space<vmem>>, vector<1x16xf32>,
    %swap3A_370 = vector.shape_cast %swap3A_369 : vector<1x16xf32> to vector<16xf32>
    %swap3A_371 = vector.shape_cast %broadcast_in_dim3A_0 : vector<16xf32> to vector<1x16xf32>
    tpu.vector_store %arg9[%swap3A_367, %swap3A_368], %swap3A_371 {strides = array<i32>} : memref<8x128xf32, #tpu.memory_space<vmem>>, vector<1x16xf32>,
    %swap3A_372 = arith.constant 7 : i32
    %swap3A_373 = arith.index_cast %swap3A_372 : i32 to index
    %swap3A_374 = arith.constant 96 : index
    %swap3A_375 = tpu.vector_load %arg9[%swap3A_373, %swap3A_374] {strides = array<i32>} : memref<8x128xf32, #tpu.memory_space<vmem>>, vector<1x16xf32>,
    %swap3A_376 = vector.shape_cast %swap3A_375 : vector<1x16xf32> to vector<16xf32>
    %swap3A_377 = vector.shape_cast %broadcast_in_dim3A_0 : vector<16xf32> to vector<1x16xf32>
    tpu.vector_store %arg9[%swap3A_373, %swap3A_374], %swap3A_377 {strides = array<i32>} : memref<8x128xf32, #tpu.memory_space<vmem>>, vector<1x16xf32>,
    %swap3A_378 = arith.constant 7 : i32
    %swap3A_379 = arith.index_cast %swap3A_378 : i32 to index
    %swap3A_380 = arith.constant 112 : index
    %swap3A_381 = tpu.vector_load %arg9[%swap3A_379, %swap3A_380] {strides = array<i32>} : memref<8x128xf32, #tpu.memory_space<vmem>>, vector<1x16xf32>,
    %swap3A_382 = vector.shape_cast %swap3A_381 : vector<1x16xf32> to vector<16xf32>
    %swap3A_383 = vector.shape_cast %broadcast_in_dim3A_0 : vector<16xf32> to vector<1x16xf32>
    tpu.vector_store %arg9[%swap3A_379, %swap3A_380], %swap3A_383 {strides = array<i32>} : memref<8x128xf32, #tpu.memory_space<vmem>>, vector<1x16xf32>,
    %scan3A = arith.constant 0 : i32
    %scan3A_384 = arith.constant 0 : i32
    %scan3A_385 = arith.constant 79 : i32
    %scan3A_386 = arith.addi %scan3A_384, %scan3A_385 : i32
    %scan3A_387 = arith.constant 1 : i32
    scf.for %scan3A_403 = %scan3A_384 to %scan3A_386 step %scan3A_387  : i32 {
      %mul3A_404 = arith.constant 632 : i32
      %mul3A_405 = arith.muli %arg1, %mul3A_404 : i32
      %mul3A_406 = arith.constant 8 : i32
      %mul3A_407 = arith.muli %scan3A_403, %mul3A_406 : i32
      %add3A_408 = arith.addi %mul3A_405, %mul3A_407 : i32
      "tpu.region"() ({
        %run_scoped3A = tpu.sem_alloc : memref<!tpu.dma_semaphore, #tpu.memory_space<semaphore_mem>>
        %dma_start3A = arith.constant 0 : i32
        %dma_start3A_409 = tpu.memref_slice %arg10[%add3A_408, %dma_start3A] : memref<10112x128xf32, #tpu.memory_space<vmem_shared>> -> memref<8x128xf32, #tpu.memory_space<vmem_shared>>
        %dma_start3A_410 = arith.constant 0 : i32
        %dma_start3A_411 = tpu.memref_slice %arg10[%add3A_408, %dma_start3A_410] : memref<10112x128xf32, #tpu.memory_space<vmem_shared>> -> memref<8x128xf32, #tpu.memory_space<vmem_shared>>
        tpu.enqueue_dma source(%arg9 : memref<8x128xf32, #tpu.memory_space<vmem>>) target(%dma_start3A_411 : memref<8x128xf32, #tpu.memory_space<vmem_shared>>) target_semaphore(%run_scoped3A : memref<!tpu.dma_semaphore, #tpu.memory_space<semaphore_mem>>)
        %dma_wait3A = arith.constant 0 : i32
        %dma_wait3A_412 = tpu.memref_slice %arg10[%add3A_408, %dma_wait3A] : memref<10112x128xf32, #tpu.memory_space<vmem_shared>> -> memref<8x128xf32, #tpu.memory_space<vmem_shared>>
        %dma_wait3A_413 = arith.constant 0 : i32
        %dma_wait3A_414 = tpu.memref_slice %arg10[%add3A_408, %dma_wait3A_413] : memref<10112x128xf32, #tpu.memory_space<vmem_shared>> -> memref<8x128xf32, #tpu.memory_space<vmem_shared>>
        tpu.wait_dma2 semaphore(%run_scoped3A : memref<!tpu.dma_semaphore, #tpu.memory_space<semaphore_mem>>) src(%arg9 : memref<8x128xf32, #tpu.memory_space<vmem>>) dst(%dma_wait3A_414 : memref<8x128xf32, #tpu.memory_space<vmem_shared>>)
        tpu.yield
      }) : () -> ()
    }
    %scan3A_388 = arith.constant 79 : i32
    %barrier3A = arith.constant 0 : index
    tpu.barrier barrier_id(%barrier3A)
    %mul3A = arith.constant 321536 : i32
    %mul3A_389 = arith.muli %arg0, %mul3A : i32
    %mul3A_390 = arith.constant 20096 : i32
    %mul3A_391 = arith.muli %arg1, %mul3A_390 : i32
    %add3A = arith.addi %mul3A_389, %mul3A_391 : i32
    %scan3A_392 = arith.constant 0 : i32
    %scan3A_393 = arith.constant 0 : i32
    %scan3A_394 = arith.constant 157 : i32
    %scan3A_395 = arith.addi %scan3A_393, %scan3A_394 : i32
    %scan3A_396 = arith.constant 1 : i32
    scf.for %scan3A_403 = %scan3A_393 to %scan3A_395 step %scan3A_396  : i32 {
      %mul3A_404 = arith.constant 128 : i32
      %mul3A_405 = arith.muli %scan3A_403, %mul3A_404 : i32
      %add3A_406 = arith.addi %add3A, %mul3A_405 : i32
      "tpu.region"() ({
        %run_scoped3A_412 = tpu.sem_alloc : memref<!tpu.dma_semaphore, #tpu.memory_space<semaphore_mem>>
        %dma_start3A_413 = tpu.memref_slice %arg3[%add3A_406] : memref<643072xi32, #tpu.memory_space<hbm>> -> memref<128xi32, #tpu.memory_space<hbm>>
        %dma_start3A_414 = tpu.memref_slice %arg3[%add3A_406] : memref<643072xi32, #tpu.memory_space<hbm>> -> memref<128xi32, #tpu.memory_space<hbm>>
        tpu.enqueue_dma source(%dma_start3A_414 : memref<128xi32, #tpu.memory_space<hbm>>) target(%arg6 : memref<128xi32, #tpu.memory_space<vmem>>) target_semaphore(%run_scoped3A_412 : memref<!tpu.dma_semaphore, #tpu.memory_space<semaphore_mem>>)
        %dma_wait3A_415 = tpu.memref_slice %arg3[%add3A_406] : memref<643072xi32, #tpu.memory_space<hbm>> -> memref<128xi32, #tpu.memory_space<hbm>>
        %dma_wait3A_416 = tpu.memref_slice %arg3[%add3A_406] : memref<643072xi32, #tpu.memory_space<hbm>> -> memref<128xi32, #tpu.memory_space<hbm>>
        tpu.wait_dma2 semaphore(%run_scoped3A_412 : memref<!tpu.dma_semaphore, #tpu.memory_space<semaphore_mem>>) src(%dma_wait3A_416 : memref<128xi32, #tpu.memory_space<hbm>>) dst(%arg6 : memref<128xi32, #tpu.memory_space<vmem>>)
        tpu.yield
      }) : () -> ()
      %run_scoped3A = arith.constant 0 : i32
      "tpu.region"() ({
        %run_scoped3A_412 = tpu.sem_alloc : memref<!tpu.dma_semaphore, #tpu.memory_space<semaphore_mem>>
        %dma_start3A_413 = arith.constant 0 : i32
        %dma_start3A_414 = tpu.memref_slice %arg7[%run_scoped3A, %dma_start3A_413] : memref<1x128xi32, #tpu.memory_space<vmem>> -> memref<1x128xi32, #tpu.memory_space<vmem>>
        %dma_start3A_415 = tpu.memref_squeeze %dma_start3A_414 : memref<1x128xi32, #tpu.memory_space<vmem>> -> memref<128xi32, #tpu.memory_space<vmem>>
        %dma_start3A_416 = tpu.memref_slice %arg4[%add3A_406] : memref<643072xi32, #tpu.memory_space<hbm>> -> memref<128xi32, #tpu.memory_space<hbm>>
        %dma_start3A_417 = arith.constant 0 : i32
        %dma_start3A_418 = tpu.memref_slice %arg7[%run_scoped3A, %dma_start3A_417] : memref<1x128xi32, #tpu.memory_space<vmem>> -> memref<1x128xi32, #tpu.memory_space<vmem>>
        %dma_start3A_419 = tpu.memref_squeeze %dma_start3A_418 : memref<1x128xi32, #tpu.memory_space<vmem>> -> memref<128xi32, #tpu.memory_space<vmem>>
        %dma_start3A_420 = tpu.memref_slice %arg4[%add3A_406] : memref<643072xi32, #tpu.memory_space<hbm>> -> memref<128xi32, #tpu.memory_space<hbm>>
        tpu.enqueue_dma source(%dma_start3A_420 : memref<128xi32, #tpu.memory_space<hbm>>) target(%dma_start3A_419 : memref<128xi32, #tpu.memory_space<vmem>>) target_semaphore(%run_scoped3A_412 : memref<!tpu.dma_semaphore, #tpu.memory_space<semaphore_mem>>)
        %dma_wait3A_421 = arith.constant 0 : i32
        %dma_wait3A_422 = tpu.memref_slice %arg7[%run_scoped3A, %dma_wait3A_421] : memref<1x128xi32, #tpu.memory_space<vmem>> -> memref<1x128xi32, #tpu.memory_space<vmem>>
        %dma_wait3A_423 = tpu.memref_squeeze %dma_wait3A_422 : memref<1x128xi32, #tpu.memory_space<vmem>> -> memref<128xi32, #tpu.memory_space<vmem>>
        %dma_wait3A_424 = tpu.memref_slice %arg4[%add3A_406] : memref<643072xi32, #tpu.memory_space<hbm>> -> memref<128xi32, #tpu.memory_space<hbm>>
        %dma_wait3A_425 = arith.constant 0 : i32
        %dma_wait3A_426 = tpu.memref_slice %arg7[%run_scoped3A, %dma_wait3A_425] : memref<1x128xi32, #tpu.memory_space<vmem>> -> memref<1x128xi32, #tpu.memory_space<vmem>>
        %dma_wait3A_427 = tpu.memref_squeeze %dma_wait3A_426 : memref<1x128xi32, #tpu.memory_space<vmem>> -> memref<128xi32, #tpu.memory_space<vmem>>
        %dma_wait3A_428 = tpu.memref_slice %arg4[%add3A_406] : memref<643072xi32, #tpu.memory_space<hbm>> -> memref<128xi32, #tpu.memory_space<hbm>>
        tpu.wait_dma2 semaphore(%run_scoped3A_412 : memref<!tpu.dma_semaphore, #tpu.memory_space<semaphore_mem>>) src(%dma_wait3A_428 : memref<128xi32, #tpu.memory_space<hbm>>) dst(%dma_wait3A_427 : memref<128xi32, #tpu.memory_space<vmem>>)
        tpu.yield
      }) : () -> ()
      %dma_start3A = arith.constant 0 : i32
      %dma_start3A_407 = arith.constant 0 : i32
      %dma_start3A_408 = tpu.memref_slice %arg2[%dma_start3A, %dma_start3A_407] : memref<80000x128xf32, #tpu.memory_space<hbm>> -> memref<80000x128xf32, #tpu.memory_space<hbm>>
      tpu.enqueue_indirect_dma source(%dma_start3A_408 : memref<80000x128xf32, #tpu.memory_space<hbm>>) target(%arg8 : memref<128x128xf32, #tpu.memory_space<vmem>>) offsets(%arg6 : memref<128xi32, #tpu.memory_space<vmem>>) semaphore(%arg11 : memref<!tpu.dma_semaphore, #tpu.memory_space<semaphore_mem>>)
      %dma_wait3A = arith.constant 0 : i32
      %dma_wait3A_409 = arith.constant 0 : i32
      %dma_wait3A_410 = tpu.memref_slice %arg2[%dma_wait3A, %dma_wait3A_409] : memref<80000x128xf32, #tpu.memory_space<hbm>> -> memref<80000x128xf32, #tpu.memory_space<hbm>>
      tpu.wait_indirect_dma semaphore(%arg11 : memref<!tpu.dma_semaphore, #tpu.memory_space<semaphore_mem>>) src(%dma_wait3A_410 : memref<80000x128xf32, #tpu.memory_space<hbm>>) dst(%arg8 : memref<128x128xf32, #tpu.memory_space<vmem>>)
      %run_scoped3A_411 = arith.constant 0 : i32
      "tpu.region"() ({
        %run_scoped3A_412 = tpu.sem_alloc : memref<!tpu.dma_semaphore, #tpu.memory_space<semaphore_mem>>
        %dma_start3A_413 = arith.constant 0 : i32
        %dma_start3A_414 = tpu.memref_slice %arg7[%run_scoped3A_411, %dma_start3A_413] : memref<1x128xi32, #tpu.memory_space<vmem>> -> memref<1x128xi32, #tpu.memory_space<vmem>>
        %dma_start3A_415 = tpu.memref_squeeze %dma_start3A_414 : memref<1x128xi32, #tpu.memory_space<vmem>> -> memref<128xi32, #tpu.memory_space<vmem>>
        %dma_start3A_416 = arith.constant 0 : i32
        %dma_start3A_417 = arith.constant 0 : i32
        %dma_start3A_418 = tpu.memref_slice %arg10[%dma_start3A_416, %dma_start3A_417] : memref<10112x128xf32, #tpu.memory_space<vmem_shared>> -> memref<10112x128xf32, #tpu.memory_space<vmem_shared>>
        tpu.enqueue_indirect_dma source(%arg8 : memref<128x128xf32, #tpu.memory_space<vmem>>) target(%dma_start3A_418 : memref<10112x128xf32, #tpu.memory_space<vmem_shared>>) offsets(%dma_start3A_415 : memref<128xi32, #tpu.memory_space<vmem>>) semaphore(%run_scoped3A_412 : memref<!tpu.dma_semaphore, #tpu.memory_space<semaphore_mem>>) {add = true}
        %dma_wait3A_419 = arith.constant 0 : i32
        %dma_wait3A_420 = tpu.memref_slice %arg7[%run_scoped3A_411, %dma_wait3A_419] : memref<1x128xi32, #tpu.memory_space<vmem>> -> memref<1x128xi32, #tpu.memory_space<vmem>>
        %dma_wait3A_421 = tpu.memref_squeeze %dma_wait3A_420 : memref<1x128xi32, #tpu.memory_space<vmem>> -> memref<128xi32, #tpu.memory_space<vmem>>
        %dma_wait3A_422 = arith.constant 0 : i32
        %dma_wait3A_423 = arith.constant 0 : i32
        %dma_wait3A_424 = tpu.memref_slice %arg10[%dma_wait3A_422, %dma_wait3A_423] : memref<10112x128xf32, #tpu.memory_space<vmem_shared>> -> memref<10112x128xf32, #tpu.memory_space<vmem_shared>>
        tpu.wait_indirect_dma semaphore(%run_scoped3A_412 : memref<!tpu.dma_semaphore, #tpu.memory_space<semaphore_mem>>) src(%arg8 : memref<128x128xf32, #tpu.memory_space<vmem>>) dst(%dma_wait3A_424 : memref<10112x128xf32, #tpu.memory_space<vmem_shared>>)
        tpu.yield
      }) : () -> ()
    }
    %scan3A_397 = arith.constant 157 : i32
    %barrier3A_398 = arith.constant 0 : index
    tpu.barrier barrier_id(%barrier3A_398)
    %mul3A_399 = arith.constant 632 : i32
    %mul3A_400 = arith.muli %arg1, %mul3A_399 : i32
    %mul3A_401 = arith.constant 632 : i32
    %mul3A_402 = arith.muli %arg1, %mul3A_401 : i32
    "tpu.region"() ({
      %run_scoped3A = tpu.sem_alloc : memref<!tpu.dma_semaphore, #tpu.memory_space<semaphore_mem>>
      %dma_start3A = arith.constant 0 : i32
      %dma_start3A_403 = tpu.memref_slice %arg5[%arg0, %mul3A_402, %dma_start3A] : memref<2x10112x128xf32, #tpu.memory_space<hbm>> -> memref<1x632x128xf32, #tpu.memory_space<hbm>>
      %dma_start3A_404 = tpu.memref_squeeze %dma_start3A_403 : memref<1x632x128xf32, #tpu.memory_space<hbm>> -> memref<632x128xf32, #tpu.memory_space<hbm>>
      %dma_start3A_405 = arith.constant 0 : i32
      %dma_start3A_406 = tpu.memref_slice %arg10[%mul3A_400, %dma_start3A_405] : memref<10112x128xf32, #tpu.memory_space<vmem_shared>> -> memref<632x128xf32, #tpu.memory_space<vmem_shared>>
      tpu.enqueue_dma source(%dma_start3A_406 : memref<632x128xf32, #tpu.memory_space<vmem_shared>>) target(%dma_start3A_404 : memref<632x128xf32, #tpu.memory_space<hbm>>) target_semaphore(%run_scoped3A : memref<!tpu.dma_semaphore, #tpu.memory_space<semaphore_mem>>)
      %dma_wait3A = arith.constant 0 : i32
      %dma_wait3A_407 = tpu.memref_slice %arg5[%arg0, %mul3A_402, %dma_wait3A] : memref<2x10112x128xf32, #tpu.memory_space<hbm>> -> memref<1x632x128xf32, #tpu.memory_space<hbm>>
      %dma_wait3A_408 = tpu.memref_squeeze %dma_wait3A_407 : memref<1x632x128xf32, #tpu.memory_space<hbm>> -> memref<632x128xf32, #tpu.memory_space<hbm>>
      %dma_wait3A_409 = arith.constant 0 : i32
      %dma_wait3A_410 = tpu.memref_slice %arg10[%mul3A_400, %dma_wait3A_409] : memref<10112x128xf32, #tpu.memory_space<vmem_shared>> -> memref<632x128xf32, #tpu.memory_space<vmem_shared>>
      tpu.wait_dma2 semaphore(%run_scoped3A : memref<!tpu.dma_semaphore, #tpu.memory_space<semaphore_mem>>) src(%dma_wait3A_410 : memref<632x128xf32, #tpu.memory_space<vmem_shared>>) dst(%dma_wait3A_408 : memref<632x128xf32, #tpu.memory_space<hbm>>)
      tpu.yield
    }) : () -> ()
    return
  }
}

#map = affine_map<(d0, d1) -> (0, 0)>
#map1 = affine_map<(d0, d1) -> (0)>
#map2 = affine_map<(d0, d1) -> (0, 0, 0)>
module attributes {stable_mosaic.version = 14 : i64} {
  func.func @prop(%arg0: i32, %arg1: i32, %arg2: memref<80000x128xf32, #tpu.memory_space<hbm>>, %arg3: memref<643072xi32, #tpu.memory_space<hbm>>, %arg4: memref<643072xi32, #tpu.memory_space<hbm>>, %arg5: memref<2x10112x128xf32, #tpu.memory_space<hbm>>, %arg6: memref<128xi32, #tpu.memory_space<vmem>>, %arg7: memref<1x128xi32, #tpu.memory_space<vmem>>, %arg8: memref<128x128xf32, #tpu.memory_space<vmem>>, %arg9: memref<8x128xf32, #tpu.memory_space<vmem>>, %arg10: memref<10112x128xf32, #tpu.memory_space<vmem_shared>>, %arg11: memref<!tpu.dma_semaphore, #tpu.memory_space<semaphore_mem>>) attributes {dimension_semantics = [#tpu.dimension_semantics<core_parallel>, #tpu.dimension_semantics<subcore_parallel>], iteration_bounds = array<i64: 2, 16>, scalar_prefetch = 0 : i64, scratch_operands = 6 : i64, tpu.core_type = #tpu.core_type<sc_vector_subcore>, window_params = [{transform_indices = #map}, {transform_indices = #map1}, {transform_indices = #map1}, {transform_indices = #map2}]} {
    %broadcast_in_dim3A = arith.constant 0.000000e+00 : f32
    %broadcast_in_dim3A_0 = vector.broadcast %broadcast_in_dim3A : f32 to vector<16xf32>
    %swap3A = arith.constant 0 : i32
    %swap3A_1 = arith.index_cast %swap3A : i32 to index
    %swap3A_2 = arith.constant 0 : index
    %swap3A_3 = tpu.vector_load %arg9[%swap3A_1, %swap3A_2] {strides = array<i32>} : memref<8x128xf32, #tpu.memory_space<vmem>>, vector<1x16xf32>,
    %swap3A_4 = vector.shape_cast %swap3A_3 : vector<1x16xf32> to vector<16xf32>
    %swap3A_5 = vector.shape_cast %broadcast_in_dim3A_0 : vector<16xf32> to vector<1x16xf32>
    tpu.vector_store %arg9[%swap3A_1, %swap3A_2], %swap3A_5 {strides = array<i32>} : memref<8x128xf32, #tpu.memory_space<vmem>>, vector<1x16xf32>,
    %swap3A_6 = arith.constant 0 : i32
    %swap3A_7 = arith.index_cast %swap3A_6 : i32 to index
    %swap3A_8 = arith.constant 16 : index
    %swap3A_9 = tpu.vector_load %arg9[%swap3A_7, %swap3A_8] {strides = array<i32>} : memref<8x128xf32, #tpu.memory_space<vmem>>, vector<1x16xf32>,
    %swap3A_10 = vector.shape_cast %swap3A_9 : vector<1x16xf32> to vector<16xf32>
    %swap3A_11 = vector.shape_cast %broadcast_in_dim3A_0 : vector<16xf32> to vector<1x16xf32>
    tpu.vector_store %arg9[%swap3A_7, %swap3A_8], %swap3A_11 {strides = array<i32>} : memref<8x128xf32, #tpu.memory_space<vmem>>, vector<1x16xf32>,
    %swap3A_12 = arith.constant 0 : i32
    %swap3A_13 = arith.index_cast %swap3A_12 : i32 to index
    %swap3A_14 = arith.constant 32 : index
    %swap3A_15 = tpu.vector_load %arg9[%swap3A_13, %swap3A_14] {strides = array<i32>} : memref<8x128xf32, #tpu.memory_space<vmem>>, vector<1x16xf32>,
    %swap3A_16 = vector.shape_cast %swap3A_15 : vector<1x16xf32> to vector<16xf32>
    %swap3A_17 = vector.shape_cast %broadcast_in_dim3A_0 : vector<16xf32> to vector<1x16xf32>
    tpu.vector_store %arg9[%swap3A_13, %swap3A_14], %swap3A_17 {strides = array<i32>} : memref<8x128xf32, #tpu.memory_space<vmem>>, vector<1x16xf32>,
    %swap3A_18 = arith.constant 0 : i32
    %swap3A_19 = arith.index_cast %swap3A_18 : i32 to index
    %swap3A_20 = arith.constant 48 : index
    %swap3A_21 = tpu.vector_load %arg9[%swap3A_19, %swap3A_20] {strides = array<i32>} : memref<8x128xf32, #tpu.memory_space<vmem>>, vector<1x16xf32>,
    %swap3A_22 = vector.shape_cast %swap3A_21 : vector<1x16xf32> to vector<16xf32>
    %swap3A_23 = vector.shape_cast %broadcast_in_dim3A_0 : vector<16xf32> to vector<1x16xf32>
    tpu.vector_store %arg9[%swap3A_19, %swap3A_20], %swap3A_23 {strides = array<i32>} : memref<8x128xf32, #tpu.memory_space<vmem>>, vector<1x16xf32>,
    %swap3A_24 = arith.constant 0 : i32
    %swap3A_25 = arith.index_cast %swap3A_24 : i32 to index
    %swap3A_26 = arith.constant 64 : index
    %swap3A_27 = tpu.vector_load %arg9[%swap3A_25, %swap3A_26] {strides = array<i32>} : memref<8x128xf32, #tpu.memory_space<vmem>>, vector<1x16xf32>,
    %swap3A_28 = vector.shape_cast %swap3A_27 : vector<1x16xf32> to vector<16xf32>
    %swap3A_29 = vector.shape_cast %broadcast_in_dim3A_0 : vector<16xf32> to vector<1x16xf32>
    tpu.vector_store %arg9[%swap3A_25, %swap3A_26], %swap3A_29 {strides = array<i32>} : memref<8x128xf32, #tpu.memory_space<vmem>>, vector<1x16xf32>,
    %swap3A_30 = arith.constant 0 : i32
    %swap3A_31 = arith.index_cast %swap3A_30 : i32 to index
    %swap3A_32 = arith.constant 80 : index
    %swap3A_33 = tpu.vector_load %arg9[%swap3A_31, %swap3A_32] {strides = array<i32>} : memref<8x128xf32, #tpu.memory_space<vmem>>, vector<1x16xf32>,
    %swap3A_34 = vector.shape_cast %swap3A_33 : vector<1x16xf32> to vector<16xf32>
    %swap3A_35 = vector.shape_cast %broadcast_in_dim3A_0 : vector<16xf32> to vector<1x16xf32>
    tpu.vector_store %arg9[%swap3A_31, %swap3A_32], %swap3A_35 {strides = array<i32>} : memref<8x128xf32, #tpu.memory_space<vmem>>, vector<1x16xf32>,
    %swap3A_36 = arith.constant 0 : i32
    %swap3A_37 = arith.index_cast %swap3A_36 : i32 to index
    %swap3A_38 = arith.constant 96 : index
    %swap3A_39 = tpu.vector_load %arg9[%swap3A_37, %swap3A_38] {strides = array<i32>} : memref<8x128xf32, #tpu.memory_space<vmem>>, vector<1x16xf32>,
    %swap3A_40 = vector.shape_cast %swap3A_39 : vector<1x16xf32> to vector<16xf32>
    %swap3A_41 = vector.shape_cast %broadcast_in_dim3A_0 : vector<16xf32> to vector<1x16xf32>
    tpu.vector_store %arg9[%swap3A_37, %swap3A_38], %swap3A_41 {strides = array<i32>} : memref<8x128xf32, #tpu.memory_space<vmem>>, vector<1x16xf32>,
    %swap3A_42 = arith.constant 0 : i32
    %swap3A_43 = arith.index_cast %swap3A_42 : i32 to index
    %swap3A_44 = arith.constant 112 : index
    %swap3A_45 = tpu.vector_load %arg9[%swap3A_43, %swap3A_44] {strides = array<i32>} : memref<8x128xf32, #tpu.memory_space<vmem>>, vector<1x16xf32>,
    %swap3A_46 = vector.shape_cast %swap3A_45 : vector<1x16xf32> to vector<16xf32>
    %swap3A_47 = vector.shape_cast %broadcast_in_dim3A_0 : vector<16xf32> to vector<1x16xf32>
    tpu.vector_store %arg9[%swap3A_43, %swap3A_44], %swap3A_47 {strides = array<i32>} : memref<8x128xf32, #tpu.memory_space<vmem>>, vector<1x16xf32>,
    %swap3A_48 = arith.constant 1 : i32
    %swap3A_49 = arith.index_cast %swap3A_48 : i32 to index
    %swap3A_50 = arith.constant 0 : index
    %swap3A_51 = tpu.vector_load %arg9[%swap3A_49, %swap3A_50] {strides = array<i32>} : memref<8x128xf32, #tpu.memory_space<vmem>>, vector<1x16xf32>,
    %swap3A_52 = vector.shape_cast %swap3A_51 : vector<1x16xf32> to vector<16xf32>
    %swap3A_53 = vector.shape_cast %broadcast_in_dim3A_0 : vector<16xf32> to vector<1x16xf32>
    tpu.vector_store %arg9[%swap3A_49, %swap3A_50], %swap3A_53 {strides = array<i32>} : memref<8x128xf32, #tpu.memory_space<vmem>>, vector<1x16xf32>,
    %swap3A_54 = arith.constant 1 : i32
    %swap3A_55 = arith.index_cast %swap3A_54 : i32 to index
    %swap3A_56 = arith.constant 16 : index
    %swap3A_57 = tpu.vector_load %arg9[%swap3A_55, %swap3A_56] {strides = array<i32>} : memref<8x128xf32, #tpu.memory_space<vmem>>, vector<1x16xf32>,
    %swap3A_58 = vector.shape_cast %swap3A_57 : vector<1x16xf32> to vector<16xf32>
    %swap3A_59 = vector.shape_cast %broadcast_in_dim3A_0 : vector<16xf32> to vector<1x16xf32>
    tpu.vector_store %arg9[%swap3A_55, %swap3A_56], %swap3A_59 {strides = array<i32>} : memref<8x128xf32, #tpu.memory_space<vmem>>, vector<1x16xf32>,
    %swap3A_60 = arith.constant 1 : i32
    %swap3A_61 = arith.index_cast %swap3A_60 : i32 to index
    %swap3A_62 = arith.constant 32 : index
    %swap3A_63 = tpu.vector_load %arg9[%swap3A_61, %swap3A_62] {strides = array<i32>} : memref<8x128xf32, #tpu.memory_space<vmem>>, vector<1x16xf32>,
    %swap3A_64 = vector.shape_cast %swap3A_63 : vector<1x16xf32> to vector<16xf32>
    %swap3A_65 = vector.shape_cast %broadcast_in_dim3A_0 : vector<16xf32> to vector<1x16xf32>
    tpu.vector_store %arg9[%swap3A_61, %swap3A_62], %swap3A_65 {strides = array<i32>} : memref<8x128xf32, #tpu.memory_space<vmem>>, vector<1x16xf32>,
    %swap3A_66 = arith.constant 1 : i32
    %swap3A_67 = arith.index_cast %swap3A_66 : i32 to index
    %swap3A_68 = arith.constant 48 : index
    %swap3A_69 = tpu.vector_load %arg9[%swap3A_67, %swap3A_68] {strides = array<i32>} : memref<8x128xf32, #tpu.memory_space<vmem>>, vector<1x16xf32>,
    %swap3A_70 = vector.shape_cast %swap3A_69 : vector<1x16xf32> to vector<16xf32>
    %swap3A_71 = vector.shape_cast %broadcast_in_dim3A_0 : vector<16xf32> to vector<1x16xf32>
    tpu.vector_store %arg9[%swap3A_67, %swap3A_68], %swap3A_71 {strides = array<i32>} : memref<8x128xf32, #tpu.memory_space<vmem>>, vector<1x16xf32>,
    %swap3A_72 = arith.constant 1 : i32
    %swap3A_73 = arith.index_cast %swap3A_72 : i32 to index
    %swap3A_74 = arith.constant 64 : index
    %swap3A_75 = tpu.vector_load %arg9[%swap3A_73, %swap3A_74] {strides = array<i32>} : memref<8x128xf32, #tpu.memory_space<vmem>>, vector<1x16xf32>,
    %swap3A_76 = vector.shape_cast %swap3A_75 : vector<1x16xf32> to vector<16xf32>
    %swap3A_77 = vector.shape_cast %broadcast_in_dim3A_0 : vector<16xf32> to vector<1x16xf32>
    tpu.vector_store %arg9[%swap3A_73, %swap3A_74], %swap3A_77 {strides = array<i32>} : memref<8x128xf32, #tpu.memory_space<vmem>>, vector<1x16xf32>,
    %swap3A_78 = arith.constant 1 : i32
    %swap3A_79 = arith.index_cast %swap3A_78 : i32 to index
    %swap3A_80 = arith.constant 80 : index
    %swap3A_81 = tpu.vector_load %arg9[%swap3A_79, %swap3A_80] {strides = array<i32>} : memref<8x128xf32, #tpu.memory_space<vmem>>, vector<1x16xf32>,
    %swap3A_82 = vector.shape_cast %swap3A_81 : vector<1x16xf32> to vector<16xf32>
    %swap3A_83 = vector.shape_cast %broadcast_in_dim3A_0 : vector<16xf32> to vector<1x16xf32>
    tpu.vector_store %arg9[%swap3A_79, %swap3A_80], %swap3A_83 {strides = array<i32>} : memref<8x128xf32, #tpu.memory_space<vmem>>, vector<1x16xf32>,
    %swap3A_84 = arith.constant 1 : i32
    %swap3A_85 = arith.index_cast %swap3A_84 : i32 to index
    %swap3A_86 = arith.constant 96 : index
    %swap3A_87 = tpu.vector_load %arg9[%swap3A_85, %swap3A_86] {strides = array<i32>} : memref<8x128xf32, #tpu.memory_space<vmem>>, vector<1x16xf32>,
    %swap3A_88 = vector.shape_cast %swap3A_87 : vector<1x16xf32> to vector<16xf32>
    %swap3A_89 = vector.shape_cast %broadcast_in_dim3A_0 : vector<16xf32> to vector<1x16xf32>
    tpu.vector_store %arg9[%swap3A_85, %swap3A_86], %swap3A_89 {strides = array<i32>} : memref<8x128xf32, #tpu.memory_space<vmem>>, vector<1x16xf32>,
    %swap3A_90 = arith.constant 1 : i32
    %swap3A_91 = arith.index_cast %swap3A_90 : i32 to index
    %swap3A_92 = arith.constant 112 : index
    %swap3A_93 = tpu.vector_load %arg9[%swap3A_91, %swap3A_92] {strides = array<i32>} : memref<8x128xf32, #tpu.memory_space<vmem>>, vector<1x16xf32>,
    %swap3A_94 = vector.shape_cast %swap3A_93 : vector<1x16xf32> to vector<16xf32>
    %swap3A_95 = vector.shape_cast %broadcast_in_dim3A_0 : vector<16xf32> to vector<1x16xf32>
    tpu.vector_store %arg9[%swap3A_91, %swap3A_92], %swap3A_95 {strides = array<i32>} : memref<8x128xf32, #tpu.memory_space<vmem>>, vector<1x16xf32>,
    %swap3A_96 = arith.constant 2 : i32
    %swap3A_97 = arith.index_cast %swap3A_96 : i32 to index
    %swap3A_98 = arith.constant 0 : index
    %swap3A_99 = tpu.vector_load %arg9[%swap3A_97, %swap3A_98] {strides = array<i32>} : memref<8x128xf32, #tpu.memory_space<vmem>>, vector<1x16xf32>,
    %swap3A_100 = vector.shape_cast %swap3A_99 : vector<1x16xf32> to vector<16xf32>
    %swap3A_101 = vector.shape_cast %broadcast_in_dim3A_0 : vector<16xf32> to vector<1x16xf32>
    tpu.vector_store %arg9[%swap3A_97, %swap3A_98], %swap3A_101 {strides = array<i32>} : memref<8x128xf32, #tpu.memory_space<vmem>>, vector<1x16xf32>,
    %swap3A_102 = arith.constant 2 : i32
    %swap3A_103 = arith.index_cast %swap3A_102 : i32 to index
    %swap3A_104 = arith.constant 16 : index
    %swap3A_105 = tpu.vector_load %arg9[%swap3A_103, %swap3A_104] {strides = array<i32>} : memref<8x128xf32, #tpu.memory_space<vmem>>, vector<1x16xf32>,
    %swap3A_106 = vector.shape_cast %swap3A_105 : vector<1x16xf32> to vector<16xf32>
    %swap3A_107 = vector.shape_cast %broadcast_in_dim3A_0 : vector<16xf32> to vector<1x16xf32>
    tpu.vector_store %arg9[%swap3A_103, %swap3A_104], %swap3A_107 {strides = array<i32>} : memref<8x128xf32, #tpu.memory_space<vmem>>, vector<1x16xf32>,
    %swap3A_108 = arith.constant 2 : i32
    %swap3A_109 = arith.index_cast %swap3A_108 : i32 to index
    %swap3A_110 = arith.constant 32 : index
    %swap3A_111 = tpu.vector_load %arg9[%swap3A_109, %swap3A_110] {strides = array<i32>} : memref<8x128xf32, #tpu.memory_space<vmem>>, vector<1x16xf32>,
    %swap3A_112 = vector.shape_cast %swap3A_111 : vector<1x16xf32> to vector<16xf32>
    %swap3A_113 = vector.shape_cast %broadcast_in_dim3A_0 : vector<16xf32> to vector<1x16xf32>
    tpu.vector_store %arg9[%swap3A_109, %swap3A_110], %swap3A_113 {strides = array<i32>} : memref<8x128xf32, #tpu.memory_space<vmem>>, vector<1x16xf32>,
    %swap3A_114 = arith.constant 2 : i32
    %swap3A_115 = arith.index_cast %swap3A_114 : i32 to index
    %swap3A_116 = arith.constant 48 : index
    %swap3A_117 = tpu.vector_load %arg9[%swap3A_115, %swap3A_116] {strides = array<i32>} : memref<8x128xf32, #tpu.memory_space<vmem>>, vector<1x16xf32>,
    %swap3A_118 = vector.shape_cast %swap3A_117 : vector<1x16xf32> to vector<16xf32>
    %swap3A_119 = vector.shape_cast %broadcast_in_dim3A_0 : vector<16xf32> to vector<1x16xf32>
    tpu.vector_store %arg9[%swap3A_115, %swap3A_116], %swap3A_119 {strides = array<i32>} : memref<8x128xf32, #tpu.memory_space<vmem>>, vector<1x16xf32>,
    %swap3A_120 = arith.constant 2 : i32
    %swap3A_121 = arith.index_cast %swap3A_120 : i32 to index
    %swap3A_122 = arith.constant 64 : index
    %swap3A_123 = tpu.vector_load %arg9[%swap3A_121, %swap3A_122] {strides = array<i32>} : memref<8x128xf32, #tpu.memory_space<vmem>>, vector<1x16xf32>,
    %swap3A_124 = vector.shape_cast %swap3A_123 : vector<1x16xf32> to vector<16xf32>
    %swap3A_125 = vector.shape_cast %broadcast_in_dim3A_0 : vector<16xf32> to vector<1x16xf32>
    tpu.vector_store %arg9[%swap3A_121, %swap3A_122], %swap3A_125 {strides = array<i32>} : memref<8x128xf32, #tpu.memory_space<vmem>>, vector<1x16xf32>,
    %swap3A_126 = arith.constant 2 : i32
    %swap3A_127 = arith.index_cast %swap3A_126 : i32 to index
    %swap3A_128 = arith.constant 80 : index
    %swap3A_129 = tpu.vector_load %arg9[%swap3A_127, %swap3A_128] {strides = array<i32>} : memref<8x128xf32, #tpu.memory_space<vmem>>, vector<1x16xf32>,
    %swap3A_130 = vector.shape_cast %swap3A_129 : vector<1x16xf32> to vector<16xf32>
    %swap3A_131 = vector.shape_cast %broadcast_in_dim3A_0 : vector<16xf32> to vector<1x16xf32>
    tpu.vector_store %arg9[%swap3A_127, %swap3A_128], %swap3A_131 {strides = array<i32>} : memref<8x128xf32, #tpu.memory_space<vmem>>, vector<1x16xf32>,
    %swap3A_132 = arith.constant 2 : i32
    %swap3A_133 = arith.index_cast %swap3A_132 : i32 to index
    %swap3A_134 = arith.constant 96 : index
    %swap3A_135 = tpu.vector_load %arg9[%swap3A_133, %swap3A_134] {strides = array<i32>} : memref<8x128xf32, #tpu.memory_space<vmem>>, vector<1x16xf32>,
    %swap3A_136 = vector.shape_cast %swap3A_135 : vector<1x16xf32> to vector<16xf32>
    %swap3A_137 = vector.shape_cast %broadcast_in_dim3A_0 : vector<16xf32> to vector<1x16xf32>
    tpu.vector_store %arg9[%swap3A_133, %swap3A_134], %swap3A_137 {strides = array<i32>} : memref<8x128xf32, #tpu.memory_space<vmem>>, vector<1x16xf32>,
    %swap3A_138 = arith.constant 2 : i32
    %swap3A_139 = arith.index_cast %swap3A_138 : i32 to index
    %swap3A_140 = arith.constant 112 : index
    %swap3A_141 = tpu.vector_load %arg9[%swap3A_139, %swap3A_140] {strides = array<i32>} : memref<8x128xf32, #tpu.memory_space<vmem>>, vector<1x16xf32>,
    %swap3A_142 = vector.shape_cast %swap3A_141 : vector<1x16xf32> to vector<16xf32>
    %swap3A_143 = vector.shape_cast %broadcast_in_dim3A_0 : vector<16xf32> to vector<1x16xf32>
    tpu.vector_store %arg9[%swap3A_139, %swap3A_140], %swap3A_143 {strides = array<i32>} : memref<8x128xf32, #tpu.memory_space<vmem>>, vector<1x16xf32>,
    %swap3A_144 = arith.constant 3 : i32
    %swap3A_145 = arith.index_cast %swap3A_144 : i32 to index
    %swap3A_146 = arith.constant 0 : index
    %swap3A_147 = tpu.vector_load %arg9[%swap3A_145, %swap3A_146] {strides = array<i32>} : memref<8x128xf32, #tpu.memory_space<vmem>>, vector<1x16xf32>,
    %swap3A_148 = vector.shape_cast %swap3A_147 : vector<1x16xf32> to vector<16xf32>
    %swap3A_149 = vector.shape_cast %broadcast_in_dim3A_0 : vector<16xf32> to vector<1x16xf32>
    tpu.vector_store %arg9[%swap3A_145, %swap3A_146], %swap3A_149 {strides = array<i32>} : memref<8x128xf32, #tpu.memory_space<vmem>>, vector<1x16xf32>,
    %swap3A_150 = arith.constant 3 : i32
    %swap3A_151 = arith.index_cast %swap3A_150 : i32 to index
    %swap3A_152 = arith.constant 16 : index
    %swap3A_153 = tpu.vector_load %arg9[%swap3A_151, %swap3A_152] {strides = array<i32>} : memref<8x128xf32, #tpu.memory_space<vmem>>, vector<1x16xf32>,
    %swap3A_154 = vector.shape_cast %swap3A_153 : vector<1x16xf32> to vector<16xf32>
    %swap3A_155 = vector.shape_cast %broadcast_in_dim3A_0 : vector<16xf32> to vector<1x16xf32>
    tpu.vector_store %arg9[%swap3A_151, %swap3A_152], %swap3A_155 {strides = array<i32>} : memref<8x128xf32, #tpu.memory_space<vmem>>, vector<1x16xf32>,
    %swap3A_156 = arith.constant 3 : i32
    %swap3A_157 = arith.index_cast %swap3A_156 : i32 to index
    %swap3A_158 = arith.constant 32 : index
    %swap3A_159 = tpu.vector_load %arg9[%swap3A_157, %swap3A_158] {strides = array<i32>} : memref<8x128xf32, #tpu.memory_space<vmem>>, vector<1x16xf32>,
    %swap3A_160 = vector.shape_cast %swap3A_159 : vector<1x16xf32> to vector<16xf32>
    %swap3A_161 = vector.shape_cast %broadcast_in_dim3A_0 : vector<16xf32> to vector<1x16xf32>
    tpu.vector_store %arg9[%swap3A_157, %swap3A_158], %swap3A_161 {strides = array<i32>} : memref<8x128xf32, #tpu.memory_space<vmem>>, vector<1x16xf32>,
    %swap3A_162 = arith.constant 3 : i32
    %swap3A_163 = arith.index_cast %swap3A_162 : i32 to index
    %swap3A_164 = arith.constant 48 : index
    %swap3A_165 = tpu.vector_load %arg9[%swap3A_163, %swap3A_164] {strides = array<i32>} : memref<8x128xf32, #tpu.memory_space<vmem>>, vector<1x16xf32>,
    %swap3A_166 = vector.shape_cast %swap3A_165 : vector<1x16xf32> to vector<16xf32>
    %swap3A_167 = vector.shape_cast %broadcast_in_dim3A_0 : vector<16xf32> to vector<1x16xf32>
    tpu.vector_store %arg9[%swap3A_163, %swap3A_164], %swap3A_167 {strides = array<i32>} : memref<8x128xf32, #tpu.memory_space<vmem>>, vector<1x16xf32>,
    %swap3A_168 = arith.constant 3 : i32
    %swap3A_169 = arith.index_cast %swap3A_168 : i32 to index
    %swap3A_170 = arith.constant 64 : index
    %swap3A_171 = tpu.vector_load %arg9[%swap3A_169, %swap3A_170] {strides = array<i32>} : memref<8x128xf32, #tpu.memory_space<vmem>>, vector<1x16xf32>,
    %swap3A_172 = vector.shape_cast %swap3A_171 : vector<1x16xf32> to vector<16xf32>
    %swap3A_173 = vector.shape_cast %broadcast_in_dim3A_0 : vector<16xf32> to vector<1x16xf32>
    tpu.vector_store %arg9[%swap3A_169, %swap3A_170], %swap3A_173 {strides = array<i32>} : memref<8x128xf32, #tpu.memory_space<vmem>>, vector<1x16xf32>,
    %swap3A_174 = arith.constant 3 : i32
    %swap3A_175 = arith.index_cast %swap3A_174 : i32 to index
    %swap3A_176 = arith.constant 80 : index
    %swap3A_177 = tpu.vector_load %arg9[%swap3A_175, %swap3A_176] {strides = array<i32>} : memref<8x128xf32, #tpu.memory_space<vmem>>, vector<1x16xf32>,
    %swap3A_178 = vector.shape_cast %swap3A_177 : vector<1x16xf32> to vector<16xf32>
    %swap3A_179 = vector.shape_cast %broadcast_in_dim3A_0 : vector<16xf32> to vector<1x16xf32>
    tpu.vector_store %arg9[%swap3A_175, %swap3A_176], %swap3A_179 {strides = array<i32>} : memref<8x128xf32, #tpu.memory_space<vmem>>, vector<1x16xf32>,
    %swap3A_180 = arith.constant 3 : i32
    %swap3A_181 = arith.index_cast %swap3A_180 : i32 to index
    %swap3A_182 = arith.constant 96 : index
    %swap3A_183 = tpu.vector_load %arg9[%swap3A_181, %swap3A_182] {strides = array<i32>} : memref<8x128xf32, #tpu.memory_space<vmem>>, vector<1x16xf32>,
    %swap3A_184 = vector.shape_cast %swap3A_183 : vector<1x16xf32> to vector<16xf32>
    %swap3A_185 = vector.shape_cast %broadcast_in_dim3A_0 : vector<16xf32> to vector<1x16xf32>
    tpu.vector_store %arg9[%swap3A_181, %swap3A_182], %swap3A_185 {strides = array<i32>} : memref<8x128xf32, #tpu.memory_space<vmem>>, vector<1x16xf32>,
    %swap3A_186 = arith.constant 3 : i32
    %swap3A_187 = arith.index_cast %swap3A_186 : i32 to index
    %swap3A_188 = arith.constant 112 : index
    %swap3A_189 = tpu.vector_load %arg9[%swap3A_187, %swap3A_188] {strides = array<i32>} : memref<8x128xf32, #tpu.memory_space<vmem>>, vector<1x16xf32>,
    %swap3A_190 = vector.shape_cast %swap3A_189 : vector<1x16xf32> to vector<16xf32>
    %swap3A_191 = vector.shape_cast %broadcast_in_dim3A_0 : vector<16xf32> to vector<1x16xf32>
    tpu.vector_store %arg9[%swap3A_187, %swap3A_188], %swap3A_191 {strides = array<i32>} : memref<8x128xf32, #tpu.memory_space<vmem>>, vector<1x16xf32>,
    %swap3A_192 = arith.constant 4 : i32
    %swap3A_193 = arith.index_cast %swap3A_192 : i32 to index
    %swap3A_194 = arith.constant 0 : index
    %swap3A_195 = tpu.vector_load %arg9[%swap3A_193, %swap3A_194] {strides = array<i32>} : memref<8x128xf32, #tpu.memory_space<vmem>>, vector<1x16xf32>,
    %swap3A_196 = vector.shape_cast %swap3A_195 : vector<1x16xf32> to vector<16xf32>
    %swap3A_197 = vector.shape_cast %broadcast_in_dim3A_0 : vector<16xf32> to vector<1x16xf32>
    tpu.vector_store %arg9[%swap3A_193, %swap3A_194], %swap3A_197 {strides = array<i32>} : memref<8x128xf32, #tpu.memory_space<vmem>>, vector<1x16xf32>,
    %swap3A_198 = arith.constant 4 : i32
    %swap3A_199 = arith.index_cast %swap3A_198 : i32 to index
    %swap3A_200 = arith.constant 16 : index
    %swap3A_201 = tpu.vector_load %arg9[%swap3A_199, %swap3A_200] {strides = array<i32>} : memref<8x128xf32, #tpu.memory_space<vmem>>, vector<1x16xf32>,
    %swap3A_202 = vector.shape_cast %swap3A_201 : vector<1x16xf32> to vector<16xf32>
    %swap3A_203 = vector.shape_cast %broadcast_in_dim3A_0 : vector<16xf32> to vector<1x16xf32>
    tpu.vector_store %arg9[%swap3A_199, %swap3A_200], %swap3A_203 {strides = array<i32>} : memref<8x128xf32, #tpu.memory_space<vmem>>, vector<1x16xf32>,
    %swap3A_204 = arith.constant 4 : i32
    %swap3A_205 = arith.index_cast %swap3A_204 : i32 to index
    %swap3A_206 = arith.constant 32 : index
    %swap3A_207 = tpu.vector_load %arg9[%swap3A_205, %swap3A_206] {strides = array<i32>} : memref<8x128xf32, #tpu.memory_space<vmem>>, vector<1x16xf32>,
    %swap3A_208 = vector.shape_cast %swap3A_207 : vector<1x16xf32> to vector<16xf32>
    %swap3A_209 = vector.shape_cast %broadcast_in_dim3A_0 : vector<16xf32> to vector<1x16xf32>
    tpu.vector_store %arg9[%swap3A_205, %swap3A_206], %swap3A_209 {strides = array<i32>} : memref<8x128xf32, #tpu.memory_space<vmem>>, vector<1x16xf32>,
    %swap3A_210 = arith.constant 4 : i32
    %swap3A_211 = arith.index_cast %swap3A_210 : i32 to index
    %swap3A_212 = arith.constant 48 : index
    %swap3A_213 = tpu.vector_load %arg9[%swap3A_211, %swap3A_212] {strides = array<i32>} : memref<8x128xf32, #tpu.memory_space<vmem>>, vector<1x16xf32>,
    %swap3A_214 = vector.shape_cast %swap3A_213 : vector<1x16xf32> to vector<16xf32>
    %swap3A_215 = vector.shape_cast %broadcast_in_dim3A_0 : vector<16xf32> to vector<1x16xf32>
    tpu.vector_store %arg9[%swap3A_211, %swap3A_212], %swap3A_215 {strides = array<i32>} : memref<8x128xf32, #tpu.memory_space<vmem>>, vector<1x16xf32>,
    %swap3A_216 = arith.constant 4 : i32
    %swap3A_217 = arith.index_cast %swap3A_216 : i32 to index
    %swap3A_218 = arith.constant 64 : index
    %swap3A_219 = tpu.vector_load %arg9[%swap3A_217, %swap3A_218] {strides = array<i32>} : memref<8x128xf32, #tpu.memory_space<vmem>>, vector<1x16xf32>,
    %swap3A_220 = vector.shape_cast %swap3A_219 : vector<1x16xf32> to vector<16xf32>
    %swap3A_221 = vector.shape_cast %broadcast_in_dim3A_0 : vector<16xf32> to vector<1x16xf32>
    tpu.vector_store %arg9[%swap3A_217, %swap3A_218], %swap3A_221 {strides = array<i32>} : memref<8x128xf32, #tpu.memory_space<vmem>>, vector<1x16xf32>,
    %swap3A_222 = arith.constant 4 : i32
    %swap3A_223 = arith.index_cast %swap3A_222 : i32 to index
    %swap3A_224 = arith.constant 80 : index
    %swap3A_225 = tpu.vector_load %arg9[%swap3A_223, %swap3A_224] {strides = array<i32>} : memref<8x128xf32, #tpu.memory_space<vmem>>, vector<1x16xf32>,
    %swap3A_226 = vector.shape_cast %swap3A_225 : vector<1x16xf32> to vector<16xf32>
    %swap3A_227 = vector.shape_cast %broadcast_in_dim3A_0 : vector<16xf32> to vector<1x16xf32>
    tpu.vector_store %arg9[%swap3A_223, %swap3A_224], %swap3A_227 {strides = array<i32>} : memref<8x128xf32, #tpu.memory_space<vmem>>, vector<1x16xf32>,
    %swap3A_228 = arith.constant 4 : i32
    %swap3A_229 = arith.index_cast %swap3A_228 : i32 to index
    %swap3A_230 = arith.constant 96 : index
    %swap3A_231 = tpu.vector_load %arg9[%swap3A_229, %swap3A_230] {strides = array<i32>} : memref<8x128xf32, #tpu.memory_space<vmem>>, vector<1x16xf32>,
    %swap3A_232 = vector.shape_cast %swap3A_231 : vector<1x16xf32> to vector<16xf32>
    %swap3A_233 = vector.shape_cast %broadcast_in_dim3A_0 : vector<16xf32> to vector<1x16xf32>
    tpu.vector_store %arg9[%swap3A_229, %swap3A_230], %swap3A_233 {strides = array<i32>} : memref<8x128xf32, #tpu.memory_space<vmem>>, vector<1x16xf32>,
    %swap3A_234 = arith.constant 4 : i32
    %swap3A_235 = arith.index_cast %swap3A_234 : i32 to index
    %swap3A_236 = arith.constant 112 : index
    %swap3A_237 = tpu.vector_load %arg9[%swap3A_235, %swap3A_236] {strides = array<i32>} : memref<8x128xf32, #tpu.memory_space<vmem>>, vector<1x16xf32>,
    %swap3A_238 = vector.shape_cast %swap3A_237 : vector<1x16xf32> to vector<16xf32>
    %swap3A_239 = vector.shape_cast %broadcast_in_dim3A_0 : vector<16xf32> to vector<1x16xf32>
    tpu.vector_store %arg9[%swap3A_235, %swap3A_236], %swap3A_239 {strides = array<i32>} : memref<8x128xf32, #tpu.memory_space<vmem>>, vector<1x16xf32>,
    %swap3A_240 = arith.constant 5 : i32
    %swap3A_241 = arith.index_cast %swap3A_240 : i32 to index
    %swap3A_242 = arith.constant 0 : index
    %swap3A_243 = tpu.vector_load %arg9[%swap3A_241, %swap3A_242] {strides = array<i32>} : memref<8x128xf32, #tpu.memory_space<vmem>>, vector<1x16xf32>,
    %swap3A_244 = vector.shape_cast %swap3A_243 : vector<1x16xf32> to vector<16xf32>
    %swap3A_245 = vector.shape_cast %broadcast_in_dim3A_0 : vector<16xf32> to vector<1x16xf32>
    tpu.vector_store %arg9[%swap3A_241, %swap3A_242], %swap3A_245 {strides = array<i32>} : memref<8x128xf32, #tpu.memory_space<vmem>>, vector<1x16xf32>,
    %swap3A_246 = arith.constant 5 : i32
    %swap3A_247 = arith.index_cast %swap3A_246 : i32 to index
    %swap3A_248 = arith.constant 16 : index
    %swap3A_249 = tpu.vector_load %arg9[%swap3A_247, %swap3A_248] {strides = array<i32>} : memref<8x128xf32, #tpu.memory_space<vmem>>, vector<1x16xf32>,
    %swap3A_250 = vector.shape_cast %swap3A_249 : vector<1x16xf32> to vector<16xf32>
    %swap3A_251 = vector.shape_cast %broadcast_in_dim3A_0 : vector<16xf32> to vector<1x16xf32>
    tpu.vector_store %arg9[%swap3A_247, %swap3A_248], %swap3A_251 {strides = array<i32>} : memref<8x128xf32, #tpu.memory_space<vmem>>, vector<1x16xf32>,
    %swap3A_252 = arith.constant 5 : i32
    %swap3A_253 = arith.index_cast %swap3A_252 : i32 to index
    %swap3A_254 = arith.constant 32 : index
    %swap3A_255 = tpu.vector_load %arg9[%swap3A_253, %swap3A_254] {strides = array<i32>} : memref<8x128xf32, #tpu.memory_space<vmem>>, vector<1x16xf32>,
    %swap3A_256 = vector.shape_cast %swap3A_255 : vector<1x16xf32> to vector<16xf32>
    %swap3A_257 = vector.shape_cast %broadcast_in_dim3A_0 : vector<16xf32> to vector<1x16xf32>
    tpu.vector_store %arg9[%swap3A_253, %swap3A_254], %swap3A_257 {strides = array<i32>} : memref<8x128xf32, #tpu.memory_space<vmem>>, vector<1x16xf32>,
    %swap3A_258 = arith.constant 5 : i32
    %swap3A_259 = arith.index_cast %swap3A_258 : i32 to index
    %swap3A_260 = arith.constant 48 : index
    %swap3A_261 = tpu.vector_load %arg9[%swap3A_259, %swap3A_260] {strides = array<i32>} : memref<8x128xf32, #tpu.memory_space<vmem>>, vector<1x16xf32>,
    %swap3A_262 = vector.shape_cast %swap3A_261 : vector<1x16xf32> to vector<16xf32>
    %swap3A_263 = vector.shape_cast %broadcast_in_dim3A_0 : vector<16xf32> to vector<1x16xf32>
    tpu.vector_store %arg9[%swap3A_259, %swap3A_260], %swap3A_263 {strides = array<i32>} : memref<8x128xf32, #tpu.memory_space<vmem>>, vector<1x16xf32>,
    %swap3A_264 = arith.constant 5 : i32
    %swap3A_265 = arith.index_cast %swap3A_264 : i32 to index
    %swap3A_266 = arith.constant 64 : index
    %swap3A_267 = tpu.vector_load %arg9[%swap3A_265, %swap3A_266] {strides = array<i32>} : memref<8x128xf32, #tpu.memory_space<vmem>>, vector<1x16xf32>,
    %swap3A_268 = vector.shape_cast %swap3A_267 : vector<1x16xf32> to vector<16xf32>
    %swap3A_269 = vector.shape_cast %broadcast_in_dim3A_0 : vector<16xf32> to vector<1x16xf32>
    tpu.vector_store %arg9[%swap3A_265, %swap3A_266], %swap3A_269 {strides = array<i32>} : memref<8x128xf32, #tpu.memory_space<vmem>>, vector<1x16xf32>,
    %swap3A_270 = arith.constant 5 : i32
    %swap3A_271 = arith.index_cast %swap3A_270 : i32 to index
    %swap3A_272 = arith.constant 80 : index
    %swap3A_273 = tpu.vector_load %arg9[%swap3A_271, %swap3A_272] {strides = array<i32>} : memref<8x128xf32, #tpu.memory_space<vmem>>, vector<1x16xf32>,
    %swap3A_274 = vector.shape_cast %swap3A_273 : vector<1x16xf32> to vector<16xf32>
    %swap3A_275 = vector.shape_cast %broadcast_in_dim3A_0 : vector<16xf32> to vector<1x16xf32>
    tpu.vector_store %arg9[%swap3A_271, %swap3A_272], %swap3A_275 {strides = array<i32>} : memref<8x128xf32, #tpu.memory_space<vmem>>, vector<1x16xf32>,
    %swap3A_276 = arith.constant 5 : i32
    %swap3A_277 = arith.index_cast %swap3A_276 : i32 to index
    %swap3A_278 = arith.constant 96 : index
    %swap3A_279 = tpu.vector_load %arg9[%swap3A_277, %swap3A_278] {strides = array<i32>} : memref<8x128xf32, #tpu.memory_space<vmem>>, vector<1x16xf32>,
    %swap3A_280 = vector.shape_cast %swap3A_279 : vector<1x16xf32> to vector<16xf32>
    %swap3A_281 = vector.shape_cast %broadcast_in_dim3A_0 : vector<16xf32> to vector<1x16xf32>
    tpu.vector_store %arg9[%swap3A_277, %swap3A_278], %swap3A_281 {strides = array<i32>} : memref<8x128xf32, #tpu.memory_space<vmem>>, vector<1x16xf32>,
    %swap3A_282 = arith.constant 5 : i32
    %swap3A_283 = arith.index_cast %swap3A_282 : i32 to index
    %swap3A_284 = arith.constant 112 : index
    %swap3A_285 = tpu.vector_load %arg9[%swap3A_283, %swap3A_284] {strides = array<i32>} : memref<8x128xf32, #tpu.memory_space<vmem>>, vector<1x16xf32>,
    %swap3A_286 = vector.shape_cast %swap3A_285 : vector<1x16xf32> to vector<16xf32>
    %swap3A_287 = vector.shape_cast %broadcast_in_dim3A_0 : vector<16xf32> to vector<1x16xf32>
    tpu.vector_store %arg9[%swap3A_283, %swap3A_284], %swap3A_287 {strides = array<i32>} : memref<8x128xf32, #tpu.memory_space<vmem>>, vector<1x16xf32>,
    %swap3A_288 = arith.constant 6 : i32
    %swap3A_289 = arith.index_cast %swap3A_288 : i32 to index
    %swap3A_290 = arith.constant 0 : index
    %swap3A_291 = tpu.vector_load %arg9[%swap3A_289, %swap3A_290] {strides = array<i32>} : memref<8x128xf32, #tpu.memory_space<vmem>>, vector<1x16xf32>,
    %swap3A_292 = vector.shape_cast %swap3A_291 : vector<1x16xf32> to vector<16xf32>
    %swap3A_293 = vector.shape_cast %broadcast_in_dim3A_0 : vector<16xf32> to vector<1x16xf32>
    tpu.vector_store %arg9[%swap3A_289, %swap3A_290], %swap3A_293 {strides = array<i32>} : memref<8x128xf32, #tpu.memory_space<vmem>>, vector<1x16xf32>,
    %swap3A_294 = arith.constant 6 : i32
    %swap3A_295 = arith.index_cast %swap3A_294 : i32 to index
    %swap3A_296 = arith.constant 16 : index
    %swap3A_297 = tpu.vector_load %arg9[%swap3A_295, %swap3A_296] {strides = array<i32>} : memref<8x128xf32, #tpu.memory_space<vmem>>, vector<1x16xf32>,
    %swap3A_298 = vector.shape_cast %swap3A_297 : vector<1x16xf32> to vector<16xf32>
    %swap3A_299 = vector.shape_cast %broadcast_in_dim3A_0 : vector<16xf32> to vector<1x16xf32>
    tpu.vector_store %arg9[%swap3A_295, %swap3A_296], %swap3A_299 {strides = array<i32>} : memref<8x128xf32, #tpu.memory_space<vmem>>, vector<1x16xf32>,
    %swap3A_300 = arith.constant 6 : i32
    %swap3A_301 = arith.index_cast %swap3A_300 : i32 to index
    %swap3A_302 = arith.constant 32 : index
    %swap3A_303 = tpu.vector_load %arg9[%swap3A_301, %swap3A_302] {strides = array<i32>} : memref<8x128xf32, #tpu.memory_space<vmem>>, vector<1x16xf32>,
    %swap3A_304 = vector.shape_cast %swap3A_303 : vector<1x16xf32> to vector<16xf32>
    %swap3A_305 = vector.shape_cast %broadcast_in_dim3A_0 : vector<16xf32> to vector<1x16xf32>
    tpu.vector_store %arg9[%swap3A_301, %swap3A_302], %swap3A_305 {strides = array<i32>} : memref<8x128xf32, #tpu.memory_space<vmem>>, vector<1x16xf32>,
    %swap3A_306 = arith.constant 6 : i32
    %swap3A_307 = arith.index_cast %swap3A_306 : i32 to index
    %swap3A_308 = arith.constant 48 : index
    %swap3A_309 = tpu.vector_load %arg9[%swap3A_307, %swap3A_308] {strides = array<i32>} : memref<8x128xf32, #tpu.memory_space<vmem>>, vector<1x16xf32>,
    %swap3A_310 = vector.shape_cast %swap3A_309 : vector<1x16xf32> to vector<16xf32>
    %swap3A_311 = vector.shape_cast %broadcast_in_dim3A_0 : vector<16xf32> to vector<1x16xf32>
    tpu.vector_store %arg9[%swap3A_307, %swap3A_308], %swap3A_311 {strides = array<i32>} : memref<8x128xf32, #tpu.memory_space<vmem>>, vector<1x16xf32>,
    %swap3A_312 = arith.constant 6 : i32
    %swap3A_313 = arith.index_cast %swap3A_312 : i32 to index
    %swap3A_314 = arith.constant 64 : index
    %swap3A_315 = tpu.vector_load %arg9[%swap3A_313, %swap3A_314] {strides = array<i32>} : memref<8x128xf32, #tpu.memory_space<vmem>>, vector<1x16xf32>,
    %swap3A_316 = vector.shape_cast %swap3A_315 : vector<1x16xf32> to vector<16xf32>
    %swap3A_317 = vector.shape_cast %broadcast_in_dim3A_0 : vector<16xf32> to vector<1x16xf32>
    tpu.vector_store %arg9[%swap3A_313, %swap3A_314], %swap3A_317 {strides = array<i32>} : memref<8x128xf32, #tpu.memory_space<vmem>>, vector<1x16xf32>,
    %swap3A_318 = arith.constant 6 : i32
    %swap3A_319 = arith.index_cast %swap3A_318 : i32 to index
    %swap3A_320 = arith.constant 80 : index
    %swap3A_321 = tpu.vector_load %arg9[%swap3A_319, %swap3A_320] {strides = array<i32>} : memref<8x128xf32, #tpu.memory_space<vmem>>, vector<1x16xf32>,
    %swap3A_322 = vector.shape_cast %swap3A_321 : vector<1x16xf32> to vector<16xf32>
    %swap3A_323 = vector.shape_cast %broadcast_in_dim3A_0 : vector<16xf32> to vector<1x16xf32>
    tpu.vector_store %arg9[%swap3A_319, %swap3A_320], %swap3A_323 {strides = array<i32>} : memref<8x128xf32, #tpu.memory_space<vmem>>, vector<1x16xf32>,
    %swap3A_324 = arith.constant 6 : i32
    %swap3A_325 = arith.index_cast %swap3A_324 : i32 to index
    %swap3A_326 = arith.constant 96 : index
    %swap3A_327 = tpu.vector_load %arg9[%swap3A_325, %swap3A_326] {strides = array<i32>} : memref<8x128xf32, #tpu.memory_space<vmem>>, vector<1x16xf32>,
    %swap3A_328 = vector.shape_cast %swap3A_327 : vector<1x16xf32> to vector<16xf32>
    %swap3A_329 = vector.shape_cast %broadcast_in_dim3A_0 : vector<16xf32> to vector<1x16xf32>
    tpu.vector_store %arg9[%swap3A_325, %swap3A_326], %swap3A_329 {strides = array<i32>} : memref<8x128xf32, #tpu.memory_space<vmem>>, vector<1x16xf32>,
    %swap3A_330 = arith.constant 6 : i32
    %swap3A_331 = arith.index_cast %swap3A_330 : i32 to index
    %swap3A_332 = arith.constant 112 : index
    %swap3A_333 = tpu.vector_load %arg9[%swap3A_331, %swap3A_332] {strides = array<i32>} : memref<8x128xf32, #tpu.memory_space<vmem>>, vector<1x16xf32>,
    %swap3A_334 = vector.shape_cast %swap3A_333 : vector<1x16xf32> to vector<16xf32>
    %swap3A_335 = vector.shape_cast %broadcast_in_dim3A_0 : vector<16xf32> to vector<1x16xf32>
    tpu.vector_store %arg9[%swap3A_331, %swap3A_332], %swap3A_335 {strides = array<i32>} : memref<8x128xf32, #tpu.memory_space<vmem>>, vector<1x16xf32>,
    %swap3A_336 = arith.constant 7 : i32
    %swap3A_337 = arith.index_cast %swap3A_336 : i32 to index
    %swap3A_338 = arith.constant 0 : index
    %swap3A_339 = tpu.vector_load %arg9[%swap3A_337, %swap3A_338] {strides = array<i32>} : memref<8x128xf32, #tpu.memory_space<vmem>>, vector<1x16xf32>,
    %swap3A_340 = vector.shape_cast %swap3A_339 : vector<1x16xf32> to vector<16xf32>
    %swap3A_341 = vector.shape_cast %broadcast_in_dim3A_0 : vector<16xf32> to vector<1x16xf32>
    tpu.vector_store %arg9[%swap3A_337, %swap3A_338], %swap3A_341 {strides = array<i32>} : memref<8x128xf32, #tpu.memory_space<vmem>>, vector<1x16xf32>,
    %swap3A_342 = arith.constant 7 : i32
    %swap3A_343 = arith.index_cast %swap3A_342 : i32 to index
    %swap3A_344 = arith.constant 16 : index
    %swap3A_345 = tpu.vector_load %arg9[%swap3A_343, %swap3A_344] {strides = array<i32>} : memref<8x128xf32, #tpu.memory_space<vmem>>, vector<1x16xf32>,
    %swap3A_346 = vector.shape_cast %swap3A_345 : vector<1x16xf32> to vector<16xf32>
    %swap3A_347 = vector.shape_cast %broadcast_in_dim3A_0 : vector<16xf32> to vector<1x16xf32>
    tpu.vector_store %arg9[%swap3A_343, %swap3A_344], %swap3A_347 {strides = array<i32>} : memref<8x128xf32, #tpu.memory_space<vmem>>, vector<1x16xf32>,
    %swap3A_348 = arith.constant 7 : i32
    %swap3A_349 = arith.index_cast %swap3A_348 : i32 to index
    %swap3A_350 = arith.constant 32 : index
    %swap3A_351 = tpu.vector_load %arg9[%swap3A_349, %swap3A_350] {strides = array<i32>} : memref<8x128xf32, #tpu.memory_space<vmem>>, vector<1x16xf32>,
    %swap3A_352 = vector.shape_cast %swap3A_351 : vector<1x16xf32> to vector<16xf32>
    %swap3A_353 = vector.shape_cast %broadcast_in_dim3A_0 : vector<16xf32> to vector<1x16xf32>
    tpu.vector_store %arg9[%swap3A_349, %swap3A_350], %swap3A_353 {strides = array<i32>} : memref<8x128xf32, #tpu.memory_space<vmem>>, vector<1x16xf32>,
    %swap3A_354 = arith.constant 7 : i32
    %swap3A_355 = arith.index_cast %swap3A_354 : i32 to index
    %swap3A_356 = arith.constant 48 : index
    %swap3A_357 = tpu.vector_load %arg9[%swap3A_355, %swap3A_356] {strides = array<i32>} : memref<8x128xf32, #tpu.memory_space<vmem>>, vector<1x16xf32>,
    %swap3A_358 = vector.shape_cast %swap3A_357 : vector<1x16xf32> to vector<16xf32>
    %swap3A_359 = vector.shape_cast %broadcast_in_dim3A_0 : vector<16xf32> to vector<1x16xf32>
    tpu.vector_store %arg9[%swap3A_355, %swap3A_356], %swap3A_359 {strides = array<i32>} : memref<8x128xf32, #tpu.memory_space<vmem>>, vector<1x16xf32>,
    %swap3A_360 = arith.constant 7 : i32
    %swap3A_361 = arith.index_cast %swap3A_360 : i32 to index
    %swap3A_362 = arith.constant 64 : index
    %swap3A_363 = tpu.vector_load %arg9[%swap3A_361, %swap3A_362] {strides = array<i32>} : memref<8x128xf32, #tpu.memory_space<vmem>>, vector<1x16xf32>,
    %swap3A_364 = vector.shape_cast %swap3A_363 : vector<1x16xf32> to vector<16xf32>
    %swap3A_365 = vector.shape_cast %broadcast_in_dim3A_0 : vector<16xf32> to vector<1x16xf32>
    tpu.vector_store %arg9[%swap3A_361, %swap3A_362], %swap3A_365 {strides = array<i32>} : memref<8x128xf32, #tpu.memory_space<vmem>>, vector<1x16xf32>,
    %swap3A_366 = arith.constant 7 : i32
    %swap3A_367 = arith.index_cast %swap3A_366 : i32 to index
    %swap3A_368 = arith.constant 80 : index
    %swap3A_369 = tpu.vector_load %arg9[%swap3A_367, %swap3A_368] {strides = array<i32>} : memref<8x128xf32, #tpu.memory_space<vmem>>, vector<1x16xf32>,
    %swap3A_370 = vector.shape_cast %swap3A_369 : vector<1x16xf32> to vector<16xf32>
    %swap3A_371 = vector.shape_cast %broadcast_in_dim3A_0 : vector<16xf32> to vector<1x16xf32>
    tpu.vector_store %arg9[%swap3A_367, %swap3A_368], %swap3A_371 {strides = array<i32>} : memref<8x128xf32, #tpu.memory_space<vmem>>, vector<1x16xf32>,
    %swap3A_372 = arith.constant 7 : i32
    %swap3A_373 = arith.index_cast %swap3A_372 : i32 to index
    %swap3A_374 = arith.constant 96 : index
    %swap3A_375 = tpu.vector_load %arg9[%swap3A_373, %swap3A_374] {strides = array<i32>} : memref<8x128xf32, #tpu.memory_space<vmem>>, vector<1x16xf32>,
    %swap3A_376 = vector.shape_cast %swap3A_375 : vector<1x16xf32> to vector<16xf32>
    %swap3A_377 = vector.shape_cast %broadcast_in_dim3A_0 : vector<16xf32> to vector<1x16xf32>
    tpu.vector_store %arg9[%swap3A_373, %swap3A_374], %swap3A_377 {strides = array<i32>} : memref<8x128xf32, #tpu.memory_space<vmem>>, vector<1x16xf32>,
    %swap3A_378 = arith.constant 7 : i32
    %swap3A_379 = arith.index_cast %swap3A_378 : i32 to index
    %swap3A_380 = arith.constant 112 : index
    %swap3A_381 = tpu.vector_load %arg9[%swap3A_379, %swap3A_380] {strides = array<i32>} : memref<8x128xf32, #tpu.memory_space<vmem>>, vector<1x16xf32>,
    %swap3A_382 = vector.shape_cast %swap3A_381 : vector<1x16xf32> to vector<16xf32>
    %swap3A_383 = vector.shape_cast %broadcast_in_dim3A_0 : vector<16xf32> to vector<1x16xf32>
    tpu.vector_store %arg9[%swap3A_379, %swap3A_380], %swap3A_383 {strides = array<i32>} : memref<8x128xf32, #tpu.memory_space<vmem>>, vector<1x16xf32>,
    %scan3A = arith.constant 0 : i32
    %scan3A_384 = arith.constant 0 : i32
    %scan3A_385 = arith.constant 79 : i32
    %scan3A_386 = arith.addi %scan3A_384, %scan3A_385 : i32
    %scan3A_387 = arith.constant 1 : i32
    scf.for %scan3A_403 = %scan3A_384 to %scan3A_386 step %scan3A_387  : i32 {
      %mul3A_404 = arith.constant 632 : i32
      %mul3A_405 = arith.muli %arg1, %mul3A_404 : i32
      %mul3A_406 = arith.constant 8 : i32
      %mul3A_407 = arith.muli %scan3A_403, %mul3A_406 : i32
      %add3A_408 = arith.addi %mul3A_405, %mul3A_407 : i32
      "tpu.region"() ({
        %run_scoped3A = tpu.sem_alloc : memref<!tpu.dma_semaphore, #tpu.memory_space<semaphore_mem>>
        %dma_start3A = arith.constant 0 : i32
        %dma_start3A_409 = tpu.memref_slice %arg10[%add3A_408, %dma_start3A] : memref<10112x128xf32, #tpu.memory_space<vmem_shared>> -> memref<8x128xf32, #tpu.memory_space<vmem_shared>>
        %dma_start3A_410 = arith.constant 0 : i32
        %dma_start3A_411 = tpu.memref_slice %arg10[%add3A_408, %dma_start3A_410] : memref<10112x128xf32, #tpu.memory_space<vmem_shared>> -> memref<8x128xf32, #tpu.memory_space<vmem_shared>>
        tpu.enqueue_dma source(%arg9 : memref<8x128xf32, #tpu.memory_space<vmem>>) target(%dma_start3A_411 : memref<8x128xf32, #tpu.memory_space<vmem_shared>>) target_semaphore(%run_scoped3A : memref<!tpu.dma_semaphore, #tpu.memory_space<semaphore_mem>>)
        %dma_wait3A = arith.constant 0 : i32
        %dma_wait3A_412 = tpu.memref_slice %arg10[%add3A_408, %dma_wait3A] : memref<10112x128xf32, #tpu.memory_space<vmem_shared>> -> memref<8x128xf32, #tpu.memory_space<vmem_shared>>
        %dma_wait3A_413 = arith.constant 0 : i32
        %dma_wait3A_414 = tpu.memref_slice %arg10[%add3A_408, %dma_wait3A_413] : memref<10112x128xf32, #tpu.memory_space<vmem_shared>> -> memref<8x128xf32, #tpu.memory_space<vmem_shared>>
        tpu.wait_dma2 semaphore(%run_scoped3A : memref<!tpu.dma_semaphore, #tpu.memory_space<semaphore_mem>>) src(%arg9 : memref<8x128xf32, #tpu.memory_space<vmem>>) dst(%dma_wait3A_414 : memref<8x128xf32, #tpu.memory_space<vmem_shared>>)
        tpu.yield
      }) : () -> ()
    }
    %scan3A_388 = arith.constant 79 : i32
    %barrier3A = arith.constant 0 : index
    tpu.barrier barrier_id(%barrier3A)
    %mul3A = arith.constant 321536 : i32
    %mul3A_389 = arith.muli %arg0, %mul3A : i32
    %mul3A_390 = arith.constant 20096 : i32
    %mul3A_391 = arith.muli %arg1, %mul3A_390 : i32
    %add3A = arith.addi %mul3A_389, %mul3A_391 : i32
    %scan3A_392 = arith.constant 0 : i32
    %scan3A_393 = arith.constant 0 : i32
    %scan3A_394 = arith.constant 157 : i32
    %scan3A_395 = arith.addi %scan3A_393, %scan3A_394 : i32
    %scan3A_396 = arith.constant 1 : i32
    scf.for %scan3A_403 = %scan3A_393 to %scan3A_395 step %scan3A_396  : i32 {
      %mul3A_404 = arith.constant 128 : i32
      %mul3A_405 = arith.muli %scan3A_403, %mul3A_404 : i32
      %add3A_406 = arith.addi %add3A, %mul3A_405 : i32
      "tpu.region"() ({
        %run_scoped3A_412 = tpu.sem_alloc : memref<!tpu.dma_semaphore, #tpu.memory_space<semaphore_mem>>
        %dma_start3A_413 = tpu.memref_slice %arg3[%add3A_406] : memref<643072xi32, #tpu.memory_space<hbm>> -> memref<128xi32, #tpu.memory_space<hbm>>
        %dma_start3A_414 = tpu.memref_slice %arg3[%add3A_406] : memref<643072xi32, #tpu.memory_space<hbm>> -> memref<128xi32, #tpu.memory_space<hbm>>
        tpu.enqueue_dma source(%dma_start3A_414 : memref<128xi32, #tpu.memory_space<hbm>>) target(%arg6 : memref<128xi32, #tpu.memory_space<vmem>>) target_semaphore(%run_scoped3A_412 : memref<!tpu.dma_semaphore, #tpu.memory_space<semaphore_mem>>)
        %dma_wait3A_415 = tpu.memref_slice %arg3[%add3A_406] : memref<643072xi32, #tpu.memory_space<hbm>> -> memref<128xi32, #tpu.memory_space<hbm>>
        %dma_wait3A_416 = tpu.memref_slice %arg3[%add3A_406] : memref<643072xi32, #tpu.memory_space<hbm>> -> memref<128xi32, #tpu.memory_space<hbm>>
        tpu.wait_dma2 semaphore(%run_scoped3A_412 : memref<!tpu.dma_semaphore, #tpu.memory_space<semaphore_mem>>) src(%dma_wait3A_416 : memref<128xi32, #tpu.memory_space<hbm>>) dst(%arg6 : memref<128xi32, #tpu.memory_space<vmem>>)
        tpu.yield
      }) : () -> ()
      %run_scoped3A = arith.constant 0 : i32
      "tpu.region"() ({
        %run_scoped3A_412 = tpu.sem_alloc : memref<!tpu.dma_semaphore, #tpu.memory_space<semaphore_mem>>
        %dma_start3A_413 = arith.constant 0 : i32
        %dma_start3A_414 = tpu.memref_slice %arg7[%run_scoped3A, %dma_start3A_413] : memref<1x128xi32, #tpu.memory_space<vmem>> -> memref<1x128xi32, #tpu.memory_space<vmem>>
        %dma_start3A_415 = tpu.memref_squeeze %dma_start3A_414 : memref<1x128xi32, #tpu.memory_space<vmem>> -> memref<128xi32, #tpu.memory_space<vmem>>
        %dma_start3A_416 = tpu.memref_slice %arg4[%add3A_406] : memref<643072xi32, #tpu.memory_space<hbm>> -> memref<128xi32, #tpu.memory_space<hbm>>
        %dma_start3A_417 = arith.constant 0 : i32
        %dma_start3A_418 = tpu.memref_slice %arg7[%run_scoped3A, %dma_start3A_417] : memref<1x128xi32, #tpu.memory_space<vmem>> -> memref<1x128xi32, #tpu.memory_space<vmem>>
        %dma_start3A_419 = tpu.memref_squeeze %dma_start3A_418 : memref<1x128xi32, #tpu.memory_space<vmem>> -> memref<128xi32, #tpu.memory_space<vmem>>
        %dma_start3A_420 = tpu.memref_slice %arg4[%add3A_406] : memref<643072xi32, #tpu.memory_space<hbm>> -> memref<128xi32, #tpu.memory_space<hbm>>
        tpu.enqueue_dma source(%dma_start3A_420 : memref<128xi32, #tpu.memory_space<hbm>>) target(%dma_start3A_419 : memref<128xi32, #tpu.memory_space<vmem>>) target_semaphore(%run_scoped3A_412 : memref<!tpu.dma_semaphore, #tpu.memory_space<semaphore_mem>>)
        %dma_wait3A_421 = arith.constant 0 : i32
        %dma_wait3A_422 = tpu.memref_slice %arg7[%run_scoped3A, %dma_wait3A_421] : memref<1x128xi32, #tpu.memory_space<vmem>> -> memref<1x128xi32, #tpu.memory_space<vmem>>
        %dma_wait3A_423 = tpu.memref_squeeze %dma_wait3A_422 : memref<1x128xi32, #tpu.memory_space<vmem>> -> memref<128xi32, #tpu.memory_space<vmem>>
        %dma_wait3A_424 = tpu.memref_slice %arg4[%add3A_406] : memref<643072xi32, #tpu.memory_space<hbm>> -> memref<128xi32, #tpu.memory_space<hbm>>
        %dma_wait3A_425 = arith.constant 0 : i32
        %dma_wait3A_426 = tpu.memref_slice %arg7[%run_scoped3A, %dma_wait3A_425] : memref<1x128xi32, #tpu.memory_space<vmem>> -> memref<1x128xi32, #tpu.memory_space<vmem>>
        %dma_wait3A_427 = tpu.memref_squeeze %dma_wait3A_426 : memref<1x128xi32, #tpu.memory_space<vmem>> -> memref<128xi32, #tpu.memory_space<vmem>>
        %dma_wait3A_428 = tpu.memref_slice %arg4[%add3A_406] : memref<643072xi32, #tpu.memory_space<hbm>> -> memref<128xi32, #tpu.memory_space<hbm>>
        tpu.wait_dma2 semaphore(%run_scoped3A_412 : memref<!tpu.dma_semaphore, #tpu.memory_space<semaphore_mem>>) src(%dma_wait3A_428 : memref<128xi32, #tpu.memory_space<hbm>>) dst(%dma_wait3A_427 : memref<128xi32, #tpu.memory_space<vmem>>)
        tpu.yield
      }) : () -> ()
      %dma_start3A = arith.constant 0 : i32
      %dma_start3A_407 = arith.constant 0 : i32
      %dma_start3A_408 = tpu.memref_slice %arg2[%dma_start3A, %dma_start3A_407] : memref<80000x128xf32, #tpu.memory_space<hbm>> -> memref<80000x128xf32, #tpu.memory_space<hbm>>
      tpu.enqueue_indirect_dma source(%dma_start3A_408 : memref<80000x128xf32, #tpu.memory_space<hbm>>) target(%arg8 : memref<128x128xf32, #tpu.memory_space<vmem>>) offsets(%arg6 : memref<128xi32, #tpu.memory_space<vmem>>) semaphore(%arg11 : memref<!tpu.dma_semaphore, #tpu.memory_space<semaphore_mem>>)
      %dma_wait3A = arith.constant 0 : i32
      %dma_wait3A_409 = arith.constant 0 : i32
      %dma_wait3A_410 = tpu.memref_slice %arg2[%dma_wait3A, %dma_wait3A_409] : memref<80000x128xf32, #tpu.memory_space<hbm>> -> memref<80000x128xf32, #tpu.memory_space<hbm>>
      tpu.wait_indirect_dma semaphore(%arg11 : memref<!tpu.dma_semaphore, #tpu.memory_space<semaphore_mem>>) src(%dma_wait3A_410 : memref<80000x128xf32, #tpu.memory_space<hbm>>) dst(%arg8 : memref<128x128xf32, #tpu.memory_space<vmem>>)
      %run_scoped3A_411 = arith.constant 0 : i32
      "tpu.region"() ({
        %run_scoped3A_412 = tpu.sem_alloc : memref<!tpu.dma_semaphore, #tpu.memory_space<semaphore_mem>>
        %dma_start3A_413 = arith.constant 0 : i32
        %dma_start3A_414 = tpu.memref_slice %arg7[%run_scoped3A_411, %dma_start3A_413] : memref<1x128xi32, #tpu.memory_space<vmem>> -> memref<1x128xi32, #tpu.memory_space<vmem>>
        %dma_start3A_415 = tpu.memref_squeeze %dma_start3A_414 : memref<1x128xi32, #tpu.memory_space<vmem>> -> memref<128xi32, #tpu.memory_space<vmem>>
        %dma_start3A_416 = arith.constant 0 : i32
        %dma_start3A_417 = arith.constant 0 : i32
        %dma_start3A_418 = tpu.memref_slice %arg10[%dma_start3A_416, %dma_start3A_417] : memref<10112x128xf32, #tpu.memory_space<vmem_shared>> -> memref<10112x128xf32, #tpu.memory_space<vmem_shared>>
        tpu.enqueue_indirect_dma source(%arg8 : memref<128x128xf32, #tpu.memory_space<vmem>>) target(%dma_start3A_418 : memref<10112x128xf32, #tpu.memory_space<vmem_shared>>) offsets(%dma_start3A_415 : memref<128xi32, #tpu.memory_space<vmem>>) semaphore(%run_scoped3A_412 : memref<!tpu.dma_semaphore, #tpu.memory_space<semaphore_mem>>) {add = true}
        %dma_wait3A_419 = arith.constant 0 : i32
        %dma_wait3A_420 = tpu.memref_slice %arg7[%run_scoped3A_411, %dma_wait3A_419] : memref<1x128xi32, #tpu.memory_space<vmem>> -> memref<1x128xi32, #tpu.memory_space<vmem>>
        %dma_wait3A_421 = tpu.memref_squeeze %dma_wait3A_420 : memref<1x128xi32, #tpu.memory_space<vmem>> -> memref<128xi32, #tpu.memory_space<vmem>>
        %dma_wait3A_422 = arith.constant 0 : i32
        %dma_wait3A_423 = arith.constant 0 : i32
        %dma_wait3A_424 = tpu.memref_slice %arg10[%dma_wait3A_422, %dma_wait3A_423] : memref<10112x128xf32, #tpu.memory_space<vmem_shared>> -> memref<10112x128xf32, #tpu.memory_space<vmem_shared>>
        tpu.wait_indirect_dma semaphore(%run_scoped3A_412 : memref<!tpu.dma_semaphore, #tpu.memory_space<semaphore_mem>>) src(%arg8 : memref<128x128xf32, #tpu.memory_space<vmem>>) dst(%dma_wait3A_424 : memref<10112x128xf32, #tpu.memory_space<vmem_shared>>)
        tpu.yield
      }) : () -> ()
    }
    %scan3A_397 = arith.constant 157 : i32
    %barrier3A_398 = arith.constant 0 : index
    tpu.barrier barrier_id(%barrier3A_398)
    %mul3A_399 = arith.constant 632 : i32
    %mul3A_400 = arith.muli %arg1, %mul3A_399 : i32
    %mul3A_401 = arith.constant 632 : i32
    %mul3A_402 = arith.muli %arg1, %mul3A_401 : i32
    "tpu.region"() ({
      %run_scoped3A = tpu.sem_alloc : memref<!tpu.dma_semaphore, #tpu.memory_space<semaphore_mem>>
      %dma_start3A = arith.constant 0 : i32
      %dma_start3A_403 = tpu.memref_slice %arg5[%arg0, %mul3A_402, %dma_start3A] : memref<2x10112x128xf32, #tpu.memory_space<hbm>> -> memref<1x632x128xf32, #tpu.memory_space<hbm>>
      %dma_start3A_404 = tpu.memref_squeeze %dma_start3A_403 : memref<1x632x128xf32, #tpu.memory_space<hbm>> -> memref<632x128xf32, #tpu.memory_space<hbm>>
      %dma_start3A_405 = arith.constant 0 : i32
      %dma_start3A_406 = tpu.memref_slice %arg10[%mul3A_400, %dma_start3A_405] : memref<10112x128xf32, #tpu.memory_space<vmem_shared>> -> memref<632x128xf32, #tpu.memory_space<vmem_shared>>
      tpu.enqueue_dma source(%dma_start3A_406 : memref<632x128xf32, #tpu.memory_space<vmem_shared>>) target(%dma_start3A_404 : memref<632x128xf32, #tpu.memory_space<hbm>>) target_semaphore(%run_scoped3A : memref<!tpu.dma_semaphore, #tpu.memory_space<semaphore_mem>>)
      %dma_wait3A = arith.constant 0 : i32
      %dma_wait3A_407 = tpu.memref_slice %arg5[%arg0, %mul3A_402, %dma_wait3A] : memref<2x10112x128xf32, #tpu.memory_space<hbm>> -> memref<1x632x128xf32, #tpu.memory_space<hbm>>
      %dma_wait3A_408 = tpu.memref_squeeze %dma_wait3A_407 : memref<1x632x128xf32, #tpu.memory_space<hbm>> -> memref<632x128xf32, #tpu.memory_space<hbm>>
      %dma_wait3A_409 = arith.constant 0 : i32
      %dma_wait3A_410 = tpu.memref_slice %arg10[%mul3A_400, %dma_wait3A_409] : memref<10112x128xf32, #tpu.memory_space<vmem_shared>> -> memref<632x128xf32, #tpu.memory_space<vmem_shared>>
      tpu.wait_dma2 semaphore(%run_scoped3A : memref<!tpu.dma_semaphore, #tpu.memory_space<semaphore_mem>>) src(%dma_wait3A_410 : memref<632x128xf32, #tpu.memory_space<vmem_shared>>) dst(%dma_wait3A_408 : memref<632x128xf32, #tpu.memory_space<hbm>>)
      tpu.yield
    }) : () -> ()
    return
  }
}

#map = affine_map<(d0, d1) -> (0, 0)>
#map1 = affine_map<(d0, d1) -> (0)>
#map2 = affine_map<(d0, d1) -> (0, 0, 0)>
module attributes {stable_mosaic.version = 14 : i64} {
  func.func @prop(%arg0: i32, %arg1: i32, %arg2: memref<80000x128xf32, #tpu.memory_space<hbm>>, %arg3: memref<643072xi32, #tpu.memory_space<hbm>>, %arg4: memref<643072xi32, #tpu.memory_space<hbm>>, %arg5: memref<2x10112x128xf32, #tpu.memory_space<hbm>>, %arg6: memref<128xi32, #tpu.memory_space<vmem>>, %arg7: memref<1x128xi32, #tpu.memory_space<vmem>>, %arg8: memref<128x128xf32, #tpu.memory_space<vmem>>, %arg9: memref<8x128xf32, #tpu.memory_space<vmem>>, %arg10: memref<10112x128xf32, #tpu.memory_space<vmem_shared>>, %arg11: memref<!tpu.dma_semaphore, #tpu.memory_space<semaphore_mem>>) attributes {dimension_semantics = [#tpu.dimension_semantics<core_parallel>, #tpu.dimension_semantics<subcore_parallel>], iteration_bounds = array<i64: 2, 16>, scalar_prefetch = 0 : i64, scratch_operands = 6 : i64, tpu.core_type = #tpu.core_type<sc_vector_subcore>, window_params = [{transform_indices = #map}, {transform_indices = #map1}, {transform_indices = #map1}, {transform_indices = #map2}]} {
    %broadcast_in_dim3A = arith.constant 0.000000e+00 : f32
    %broadcast_in_dim3A_0 = vector.broadcast %broadcast_in_dim3A : f32 to vector<16xf32>
    %swap3A = arith.constant 0 : i32
    %swap3A_1 = arith.index_cast %swap3A : i32 to index
    %swap3A_2 = arith.constant 0 : index
    %swap3A_3 = tpu.vector_load %arg9[%swap3A_1, %swap3A_2] {strides = array<i32>} : memref<8x128xf32, #tpu.memory_space<vmem>>, vector<1x16xf32>,
    %swap3A_4 = vector.shape_cast %swap3A_3 : vector<1x16xf32> to vector<16xf32>
    %swap3A_5 = vector.shape_cast %broadcast_in_dim3A_0 : vector<16xf32> to vector<1x16xf32>
    tpu.vector_store %arg9[%swap3A_1, %swap3A_2], %swap3A_5 {strides = array<i32>} : memref<8x128xf32, #tpu.memory_space<vmem>>, vector<1x16xf32>,
    %swap3A_6 = arith.constant 0 : i32
    %swap3A_7 = arith.index_cast %swap3A_6 : i32 to index
    %swap3A_8 = arith.constant 16 : index
    %swap3A_9 = tpu.vector_load %arg9[%swap3A_7, %swap3A_8] {strides = array<i32>} : memref<8x128xf32, #tpu.memory_space<vmem>>, vector<1x16xf32>,
    %swap3A_10 = vector.shape_cast %swap3A_9 : vector<1x16xf32> to vector<16xf32>
    %swap3A_11 = vector.shape_cast %broadcast_in_dim3A_0 : vector<16xf32> to vector<1x16xf32>
    tpu.vector_store %arg9[%swap3A_7, %swap3A_8], %swap3A_11 {strides = array<i32>} : memref<8x128xf32, #tpu.memory_space<vmem>>, vector<1x16xf32>,
    %swap3A_12 = arith.constant 0 : i32
    %swap3A_13 = arith.index_cast %swap3A_12 : i32 to index
    %swap3A_14 = arith.constant 32 : index
    %swap3A_15 = tpu.vector_load %arg9[%swap3A_13, %swap3A_14] {strides = array<i32>} : memref<8x128xf32, #tpu.memory_space<vmem>>, vector<1x16xf32>,
    %swap3A_16 = vector.shape_cast %swap3A_15 : vector<1x16xf32> to vector<16xf32>
    %swap3A_17 = vector.shape_cast %broadcast_in_dim3A_0 : vector<16xf32> to vector<1x16xf32>
    tpu.vector_store %arg9[%swap3A_13, %swap3A_14], %swap3A_17 {strides = array<i32>} : memref<8x128xf32, #tpu.memory_space<vmem>>, vector<1x16xf32>,
    %swap3A_18 = arith.constant 0 : i32
    %swap3A_19 = arith.index_cast %swap3A_18 : i32 to index
    %swap3A_20 = arith.constant 48 : index
    %swap3A_21 = tpu.vector_load %arg9[%swap3A_19, %swap3A_20] {strides = array<i32>} : memref<8x128xf32, #tpu.memory_space<vmem>>, vector<1x16xf32>,
    %swap3A_22 = vector.shape_cast %swap3A_21 : vector<1x16xf32> to vector<16xf32>
    %swap3A_23 = vector.shape_cast %broadcast_in_dim3A_0 : vector<16xf32> to vector<1x16xf32>
    tpu.vector_store %arg9[%swap3A_19, %swap3A_20], %swap3A_23 {strides = array<i32>} : memref<8x128xf32, #tpu.memory_space<vmem>>, vector<1x16xf32>,
    %swap3A_24 = arith.constant 0 : i32
    %swap3A_25 = arith.index_cast %swap3A_24 : i32 to index
    %swap3A_26 = arith.constant 64 : index
    %swap3A_27 = tpu.vector_load %arg9[%swap3A_25, %swap3A_26] {strides = array<i32>} : memref<8x128xf32, #tpu.memory_space<vmem>>, vector<1x16xf32>,
    %swap3A_28 = vector.shape_cast %swap3A_27 : vector<1x16xf32> to vector<16xf32>
    %swap3A_29 = vector.shape_cast %broadcast_in_dim3A_0 : vector<16xf32> to vector<1x16xf32>
    tpu.vector_store %arg9[%swap3A_25, %swap3A_26], %swap3A_29 {strides = array<i32>} : memref<8x128xf32, #tpu.memory_space<vmem>>, vector<1x16xf32>,
    %swap3A_30 = arith.constant 0 : i32
    %swap3A_31 = arith.index_cast %swap3A_30 : i32 to index
    %swap3A_32 = arith.constant 80 : index
    %swap3A_33 = tpu.vector_load %arg9[%swap3A_31, %swap3A_32] {strides = array<i32>} : memref<8x128xf32, #tpu.memory_space<vmem>>, vector<1x16xf32>,
    %swap3A_34 = vector.shape_cast %swap3A_33 : vector<1x16xf32> to vector<16xf32>
    %swap3A_35 = vector.shape_cast %broadcast_in_dim3A_0 : vector<16xf32> to vector<1x16xf32>
    tpu.vector_store %arg9[%swap3A_31, %swap3A_32], %swap3A_35 {strides = array<i32>} : memref<8x128xf32, #tpu.memory_space<vmem>>, vector<1x16xf32>,
    %swap3A_36 = arith.constant 0 : i32
    %swap3A_37 = arith.index_cast %swap3A_36 : i32 to index
    %swap3A_38 = arith.constant 96 : index
    %swap3A_39 = tpu.vector_load %arg9[%swap3A_37, %swap3A_38] {strides = array<i32>} : memref<8x128xf32, #tpu.memory_space<vmem>>, vector<1x16xf32>,
    %swap3A_40 = vector.shape_cast %swap3A_39 : vector<1x16xf32> to vector<16xf32>
    %swap3A_41 = vector.shape_cast %broadcast_in_dim3A_0 : vector<16xf32> to vector<1x16xf32>
    tpu.vector_store %arg9[%swap3A_37, %swap3A_38], %swap3A_41 {strides = array<i32>} : memref<8x128xf32, #tpu.memory_space<vmem>>, vector<1x16xf32>,
    %swap3A_42 = arith.constant 0 : i32
    %swap3A_43 = arith.index_cast %swap3A_42 : i32 to index
    %swap3A_44 = arith.constant 112 : index
    %swap3A_45 = tpu.vector_load %arg9[%swap3A_43, %swap3A_44] {strides = array<i32>} : memref<8x128xf32, #tpu.memory_space<vmem>>, vector<1x16xf32>,
    %swap3A_46 = vector.shape_cast %swap3A_45 : vector<1x16xf32> to vector<16xf32>
    %swap3A_47 = vector.shape_cast %broadcast_in_dim3A_0 : vector<16xf32> to vector<1x16xf32>
    tpu.vector_store %arg9[%swap3A_43, %swap3A_44], %swap3A_47 {strides = array<i32>} : memref<8x128xf32, #tpu.memory_space<vmem>>, vector<1x16xf32>,
    %swap3A_48 = arith.constant 1 : i32
    %swap3A_49 = arith.index_cast %swap3A_48 : i32 to index
    %swap3A_50 = arith.constant 0 : index
    %swap3A_51 = tpu.vector_load %arg9[%swap3A_49, %swap3A_50] {strides = array<i32>} : memref<8x128xf32, #tpu.memory_space<vmem>>, vector<1x16xf32>,
    %swap3A_52 = vector.shape_cast %swap3A_51 : vector<1x16xf32> to vector<16xf32>
    %swap3A_53 = vector.shape_cast %broadcast_in_dim3A_0 : vector<16xf32> to vector<1x16xf32>
    tpu.vector_store %arg9[%swap3A_49, %swap3A_50], %swap3A_53 {strides = array<i32>} : memref<8x128xf32, #tpu.memory_space<vmem>>, vector<1x16xf32>,
    %swap3A_54 = arith.constant 1 : i32
    %swap3A_55 = arith.index_cast %swap3A_54 : i32 to index
    %swap3A_56 = arith.constant 16 : index
    %swap3A_57 = tpu.vector_load %arg9[%swap3A_55, %swap3A_56] {strides = array<i32>} : memref<8x128xf32, #tpu.memory_space<vmem>>, vector<1x16xf32>,
    %swap3A_58 = vector.shape_cast %swap3A_57 : vector<1x16xf32> to vector<16xf32>
    %swap3A_59 = vector.shape_cast %broadcast_in_dim3A_0 : vector<16xf32> to vector<1x16xf32>
    tpu.vector_store %arg9[%swap3A_55, %swap3A_56], %swap3A_59 {strides = array<i32>} : memref<8x128xf32, #tpu.memory_space<vmem>>, vector<1x16xf32>,
    %swap3A_60 = arith.constant 1 : i32
    %swap3A_61 = arith.index_cast %swap3A_60 : i32 to index
    %swap3A_62 = arith.constant 32 : index
    %swap3A_63 = tpu.vector_load %arg9[%swap3A_61, %swap3A_62] {strides = array<i32>} : memref<8x128xf32, #tpu.memory_space<vmem>>, vector<1x16xf32>,
    %swap3A_64 = vector.shape_cast %swap3A_63 : vector<1x16xf32> to vector<16xf32>
    %swap3A_65 = vector.shape_cast %broadcast_in_dim3A_0 : vector<16xf32> to vector<1x16xf32>
    tpu.vector_store %arg9[%swap3A_61, %swap3A_62], %swap3A_65 {strides = array<i32>} : memref<8x128xf32, #tpu.memory_space<vmem>>, vector<1x16xf32>,
    %swap3A_66 = arith.constant 1 : i32
    %swap3A_67 = arith.index_cast %swap3A_66 : i32 to index
    %swap3A_68 = arith.constant 48 : index
    %swap3A_69 = tpu.vector_load %arg9[%swap3A_67, %swap3A_68] {strides = array<i32>} : memref<8x128xf32, #tpu.memory_space<vmem>>, vector<1x16xf32>,
    %swap3A_70 = vector.shape_cast %swap3A_69 : vector<1x16xf32> to vector<16xf32>
    %swap3A_71 = vector.shape_cast %broadcast_in_dim3A_0 : vector<16xf32> to vector<1x16xf32>
    tpu.vector_store %arg9[%swap3A_67, %swap3A_68], %swap3A_71 {strides = array<i32>} : memref<8x128xf32, #tpu.memory_space<vmem>>, vector<1x16xf32>,
    %swap3A_72 = arith.constant 1 : i32
    %swap3A_73 = arith.index_cast %swap3A_72 : i32 to index
    %swap3A_74 = arith.constant 64 : index
    %swap3A_75 = tpu.vector_load %arg9[%swap3A_73, %swap3A_74] {strides = array<i32>} : memref<8x128xf32, #tpu.memory_space<vmem>>, vector<1x16xf32>,
    %swap3A_76 = vector.shape_cast %swap3A_75 : vector<1x16xf32> to vector<16xf32>
    %swap3A_77 = vector.shape_cast %broadcast_in_dim3A_0 : vector<16xf32> to vector<1x16xf32>
    tpu.vector_store %arg9[%swap3A_73, %swap3A_74], %swap3A_77 {strides = array<i32>} : memref<8x128xf32, #tpu.memory_space<vmem>>, vector<1x16xf32>,
    %swap3A_78 = arith.constant 1 : i32
    %swap3A_79 = arith.index_cast %swap3A_78 : i32 to index
    %swap3A_80 = arith.constant 80 : index
    %swap3A_81 = tpu.vector_load %arg9[%swap3A_79, %swap3A_80] {strides = array<i32>} : memref<8x128xf32, #tpu.memory_space<vmem>>, vector<1x16xf32>,
    %swap3A_82 = vector.shape_cast %swap3A_81 : vector<1x16xf32> to vector<16xf32>
    %swap3A_83 = vector.shape_cast %broadcast_in_dim3A_0 : vector<16xf32> to vector<1x16xf32>
    tpu.vector_store %arg9[%swap3A_79, %swap3A_80], %swap3A_83 {strides = array<i32>} : memref<8x128xf32, #tpu.memory_space<vmem>>, vector<1x16xf32>,
    %swap3A_84 = arith.constant 1 : i32
    %swap3A_85 = arith.index_cast %swap3A_84 : i32 to index
    %swap3A_86 = arith.constant 96 : index
    %swap3A_87 = tpu.vector_load %arg9[%swap3A_85, %swap3A_86] {strides = array<i32>} : memref<8x128xf32, #tpu.memory_space<vmem>>, vector<1x16xf32>,
    %swap3A_88 = vector.shape_cast %swap3A_87 : vector<1x16xf32> to vector<16xf32>
    %swap3A_89 = vector.shape_cast %broadcast_in_dim3A_0 : vector<16xf32> to vector<1x16xf32>
    tpu.vector_store %arg9[%swap3A_85, %swap3A_86], %swap3A_89 {strides = array<i32>} : memref<8x128xf32, #tpu.memory_space<vmem>>, vector<1x16xf32>,
    %swap3A_90 = arith.constant 1 : i32
    %swap3A_91 = arith.index_cast %swap3A_90 : i32 to index
    %swap3A_92 = arith.constant 112 : index
    %swap3A_93 = tpu.vector_load %arg9[%swap3A_91, %swap3A_92] {strides = array<i32>} : memref<8x128xf32, #tpu.memory_space<vmem>>, vector<1x16xf32>,
    %swap3A_94 = vector.shape_cast %swap3A_93 : vector<1x16xf32> to vector<16xf32>
    %swap3A_95 = vector.shape_cast %broadcast_in_dim3A_0 : vector<16xf32> to vector<1x16xf32>
    tpu.vector_store %arg9[%swap3A_91, %swap3A_92], %swap3A_95 {strides = array<i32>} : memref<8x128xf32, #tpu.memory_space<vmem>>, vector<1x16xf32>,
    %swap3A_96 = arith.constant 2 : i32
    %swap3A_97 = arith.index_cast %swap3A_96 : i32 to index
    %swap3A_98 = arith.constant 0 : index
    %swap3A_99 = tpu.vector_load %arg9[%swap3A_97, %swap3A_98] {strides = array<i32>} : memref<8x128xf32, #tpu.memory_space<vmem>>, vector<1x16xf32>,
    %swap3A_100 = vector.shape_cast %swap3A_99 : vector<1x16xf32> to vector<16xf32>
    %swap3A_101 = vector.shape_cast %broadcast_in_dim3A_0 : vector<16xf32> to vector<1x16xf32>
    tpu.vector_store %arg9[%swap3A_97, %swap3A_98], %swap3A_101 {strides = array<i32>} : memref<8x128xf32, #tpu.memory_space<vmem>>, vector<1x16xf32>,
    %swap3A_102 = arith.constant 2 : i32
    %swap3A_103 = arith.index_cast %swap3A_102 : i32 to index
    %swap3A_104 = arith.constant 16 : index
    %swap3A_105 = tpu.vector_load %arg9[%swap3A_103, %swap3A_104] {strides = array<i32>} : memref<8x128xf32, #tpu.memory_space<vmem>>, vector<1x16xf32>,
    %swap3A_106 = vector.shape_cast %swap3A_105 : vector<1x16xf32> to vector<16xf32>
    %swap3A_107 = vector.shape_cast %broadcast_in_dim3A_0 : vector<16xf32> to vector<1x16xf32>
    tpu.vector_store %arg9[%swap3A_103, %swap3A_104], %swap3A_107 {strides = array<i32>} : memref<8x128xf32, #tpu.memory_space<vmem>>, vector<1x16xf32>,
    %swap3A_108 = arith.constant 2 : i32
    %swap3A_109 = arith.index_cast %swap3A_108 : i32 to index
    %swap3A_110 = arith.constant 32 : index
    %swap3A_111 = tpu.vector_load %arg9[%swap3A_109, %swap3A_110] {strides = array<i32>} : memref<8x128xf32, #tpu.memory_space<vmem>>, vector<1x16xf32>,
    %swap3A_112 = vector.shape_cast %swap3A_111 : vector<1x16xf32> to vector<16xf32>
    %swap3A_113 = vector.shape_cast %broadcast_in_dim3A_0 : vector<16xf32> to vector<1x16xf32>
    tpu.vector_store %arg9[%swap3A_109, %swap3A_110], %swap3A_113 {strides = array<i32>} : memref<8x128xf32, #tpu.memory_space<vmem>>, vector<1x16xf32>,
    %swap3A_114 = arith.constant 2 : i32
    %swap3A_115 = arith.index_cast %swap3A_114 : i32 to index
    %swap3A_116 = arith.constant 48 : index
    %swap3A_117 = tpu.vector_load %arg9[%swap3A_115, %swap3A_116] {strides = array<i32>} : memref<8x128xf32, #tpu.memory_space<vmem>>, vector<1x16xf32>,
    %swap3A_118 = vector.shape_cast %swap3A_117 : vector<1x16xf32> to vector<16xf32>
    %swap3A_119 = vector.shape_cast %broadcast_in_dim3A_0 : vector<16xf32> to vector<1x16xf32>
    tpu.vector_store %arg9[%swap3A_115, %swap3A_116], %swap3A_119 {strides = array<i32>} : memref<8x128xf32, #tpu.memory_space<vmem>>, vector<1x16xf32>,
    %swap3A_120 = arith.constant 2 : i32
    %swap3A_121 = arith.index_cast %swap3A_120 : i32 to index
    %swap3A_122 = arith.constant 64 : index
    %swap3A_123 = tpu.vector_load %arg9[%swap3A_121, %swap3A_122] {strides = array<i32>} : memref<8x128xf32, #tpu.memory_space<vmem>>, vector<1x16xf32>,
    %swap3A_124 = vector.shape_cast %swap3A_123 : vector<1x16xf32> to vector<16xf32>
    %swap3A_125 = vector.shape_cast %broadcast_in_dim3A_0 : vector<16xf32> to vector<1x16xf32>
    tpu.vector_store %arg9[%swap3A_121, %swap3A_122], %swap3A_125 {strides = array<i32>} : memref<8x128xf32, #tpu.memory_space<vmem>>, vector<1x16xf32>,
    %swap3A_126 = arith.constant 2 : i32
    %swap3A_127 = arith.index_cast %swap3A_126 : i32 to index
    %swap3A_128 = arith.constant 80 : index
    %swap3A_129 = tpu.vector_load %arg9[%swap3A_127, %swap3A_128] {strides = array<i32>} : memref<8x128xf32, #tpu.memory_space<vmem>>, vector<1x16xf32>,
    %swap3A_130 = vector.shape_cast %swap3A_129 : vector<1x16xf32> to vector<16xf32>
    %swap3A_131 = vector.shape_cast %broadcast_in_dim3A_0 : vector<16xf32> to vector<1x16xf32>
    tpu.vector_store %arg9[%swap3A_127, %swap3A_128], %swap3A_131 {strides = array<i32>} : memref<8x128xf32, #tpu.memory_space<vmem>>, vector<1x16xf32>,
    %swap3A_132 = arith.constant 2 : i32
    %swap3A_133 = arith.index_cast %swap3A_132 : i32 to index
    %swap3A_134 = arith.constant 96 : index
    %swap3A_135 = tpu.vector_load %arg9[%swap3A_133, %swap3A_134] {strides = array<i32>} : memref<8x128xf32, #tpu.memory_space<vmem>>, vector<1x16xf32>,
    %swap3A_136 = vector.shape_cast %swap3A_135 : vector<1x16xf32> to vector<16xf32>
    %swap3A_137 = vector.shape_cast %broadcast_in_dim3A_0 : vector<16xf32> to vector<1x16xf32>
    tpu.vector_store %arg9[%swap3A_133, %swap3A_134], %swap3A_137 {strides = array<i32>} : memref<8x128xf32, #tpu.memory_space<vmem>>, vector<1x16xf32>,
    %swap3A_138 = arith.constant 2 : i32
    %swap3A_139 = arith.index_cast %swap3A_138 : i32 to index
    %swap3A_140 = arith.constant 112 : index
    %swap3A_141 = tpu.vector_load %arg9[%swap3A_139, %swap3A_140] {strides = array<i32>} : memref<8x128xf32, #tpu.memory_space<vmem>>, vector<1x16xf32>,
    %swap3A_142 = vector.shape_cast %swap3A_141 : vector<1x16xf32> to vector<16xf32>
    %swap3A_143 = vector.shape_cast %broadcast_in_dim3A_0 : vector<16xf32> to vector<1x16xf32>
    tpu.vector_store %arg9[%swap3A_139, %swap3A_140], %swap3A_143 {strides = array<i32>} : memref<8x128xf32, #tpu.memory_space<vmem>>, vector<1x16xf32>,
    %swap3A_144 = arith.constant 3 : i32
    %swap3A_145 = arith.index_cast %swap3A_144 : i32 to index
    %swap3A_146 = arith.constant 0 : index
    %swap3A_147 = tpu.vector_load %arg9[%swap3A_145, %swap3A_146] {strides = array<i32>} : memref<8x128xf32, #tpu.memory_space<vmem>>, vector<1x16xf32>,
    %swap3A_148 = vector.shape_cast %swap3A_147 : vector<1x16xf32> to vector<16xf32>
    %swap3A_149 = vector.shape_cast %broadcast_in_dim3A_0 : vector<16xf32> to vector<1x16xf32>
    tpu.vector_store %arg9[%swap3A_145, %swap3A_146], %swap3A_149 {strides = array<i32>} : memref<8x128xf32, #tpu.memory_space<vmem>>, vector<1x16xf32>,
    %swap3A_150 = arith.constant 3 : i32
    %swap3A_151 = arith.index_cast %swap3A_150 : i32 to index
    %swap3A_152 = arith.constant 16 : index
    %swap3A_153 = tpu.vector_load %arg9[%swap3A_151, %swap3A_152] {strides = array<i32>} : memref<8x128xf32, #tpu.memory_space<vmem>>, vector<1x16xf32>,
    %swap3A_154 = vector.shape_cast %swap3A_153 : vector<1x16xf32> to vector<16xf32>
    %swap3A_155 = vector.shape_cast %broadcast_in_dim3A_0 : vector<16xf32> to vector<1x16xf32>
    tpu.vector_store %arg9[%swap3A_151, %swap3A_152], %swap3A_155 {strides = array<i32>} : memref<8x128xf32, #tpu.memory_space<vmem>>, vector<1x16xf32>,
    %swap3A_156 = arith.constant 3 : i32
    %swap3A_157 = arith.index_cast %swap3A_156 : i32 to index
    %swap3A_158 = arith.constant 32 : index
    %swap3A_159 = tpu.vector_load %arg9[%swap3A_157, %swap3A_158] {strides = array<i32>} : memref<8x128xf32, #tpu.memory_space<vmem>>, vector<1x16xf32>,
    %swap3A_160 = vector.shape_cast %swap3A_159 : vector<1x16xf32> to vector<16xf32>
    %swap3A_161 = vector.shape_cast %broadcast_in_dim3A_0 : vector<16xf32> to vector<1x16xf32>
    tpu.vector_store %arg9[%swap3A_157, %swap3A_158], %swap3A_161 {strides = array<i32>} : memref<8x128xf32, #tpu.memory_space<vmem>>, vector<1x16xf32>,
    %swap3A_162 = arith.constant 3 : i32
    %swap3A_163 = arith.index_cast %swap3A_162 : i32 to index
    %swap3A_164 = arith.constant 48 : index
    %swap3A_165 = tpu.vector_load %arg9[%swap3A_163, %swap3A_164] {strides = array<i32>} : memref<8x128xf32, #tpu.memory_space<vmem>>, vector<1x16xf32>,
    %swap3A_166 = vector.shape_cast %swap3A_165 : vector<1x16xf32> to vector<16xf32>
    %swap3A_167 = vector.shape_cast %broadcast_in_dim3A_0 : vector<16xf32> to vector<1x16xf32>
    tpu.vector_store %arg9[%swap3A_163, %swap3A_164], %swap3A_167 {strides = array<i32>} : memref<8x128xf32, #tpu.memory_space<vmem>>, vector<1x16xf32>,
    %swap3A_168 = arith.constant 3 : i32
    %swap3A_169 = arith.index_cast %swap3A_168 : i32 to index
    %swap3A_170 = arith.constant 64 : index
    %swap3A_171 = tpu.vector_load %arg9[%swap3A_169, %swap3A_170] {strides = array<i32>} : memref<8x128xf32, #tpu.memory_space<vmem>>, vector<1x16xf32>,
    %swap3A_172 = vector.shape_cast %swap3A_171 : vector<1x16xf32> to vector<16xf32>
    %swap3A_173 = vector.shape_cast %broadcast_in_dim3A_0 : vector<16xf32> to vector<1x16xf32>
    tpu.vector_store %arg9[%swap3A_169, %swap3A_170], %swap3A_173 {strides = array<i32>} : memref<8x128xf32, #tpu.memory_space<vmem>>, vector<1x16xf32>,
    %swap3A_174 = arith.constant 3 : i32
    %swap3A_175 = arith.index_cast %swap3A_174 : i32 to index
    %swap3A_176 = arith.constant 80 : index
    %swap3A_177 = tpu.vector_load %arg9[%swap3A_175, %swap3A_176] {strides = array<i32>} : memref<8x128xf32, #tpu.memory_space<vmem>>, vector<1x16xf32>,
    %swap3A_178 = vector.shape_cast %swap3A_177 : vector<1x16xf32> to vector<16xf32>
    %swap3A_179 = vector.shape_cast %broadcast_in_dim3A_0 : vector<16xf32> to vector<1x16xf32>
    tpu.vector_store %arg9[%swap3A_175, %swap3A_176], %swap3A_179 {strides = array<i32>} : memref<8x128xf32, #tpu.memory_space<vmem>>, vector<1x16xf32>,
    %swap3A_180 = arith.constant 3 : i32
    %swap3A_181 = arith.index_cast %swap3A_180 : i32 to index
    %swap3A_182 = arith.constant 96 : index
    %swap3A_183 = tpu.vector_load %arg9[%swap3A_181, %swap3A_182] {strides = array<i32>} : memref<8x128xf32, #tpu.memory_space<vmem>>, vector<1x16xf32>,
    %swap3A_184 = vector.shape_cast %swap3A_183 : vector<1x16xf32> to vector<16xf32>
    %swap3A_185 = vector.shape_cast %broadcast_in_dim3A_0 : vector<16xf32> to vector<1x16xf32>
    tpu.vector_store %arg9[%swap3A_181, %swap3A_182], %swap3A_185 {strides = array<i32>} : memref<8x128xf32, #tpu.memory_space<vmem>>, vector<1x16xf32>,
    %swap3A_186 = arith.constant 3 : i32
    %swap3A_187 = arith.index_cast %swap3A_186 : i32 to index
    %swap3A_188 = arith.constant 112 : index
    %swap3A_189 = tpu.vector_load %arg9[%swap3A_187, %swap3A_188] {strides = array<i32>} : memref<8x128xf32, #tpu.memory_space<vmem>>, vector<1x16xf32>,
    %swap3A_190 = vector.shape_cast %swap3A_189 : vector<1x16xf32> to vector<16xf32>
    %swap3A_191 = vector.shape_cast %broadcast_in_dim3A_0 : vector<16xf32> to vector<1x16xf32>
    tpu.vector_store %arg9[%swap3A_187, %swap3A_188], %swap3A_191 {strides = array<i32>} : memref<8x128xf32, #tpu.memory_space<vmem>>, vector<1x16xf32>,
    %swap3A_192 = arith.constant 4 : i32
    %swap3A_193 = arith.index_cast %swap3A_192 : i32 to index
    %swap3A_194 = arith.constant 0 : index
    %swap3A_195 = tpu.vector_load %arg9[%swap3A_193, %swap3A_194] {strides = array<i32>} : memref<8x128xf32, #tpu.memory_space<vmem>>, vector<1x16xf32>,
    %swap3A_196 = vector.shape_cast %swap3A_195 : vector<1x16xf32> to vector<16xf32>
    %swap3A_197 = vector.shape_cast %broadcast_in_dim3A_0 : vector<16xf32> to vector<1x16xf32>
    tpu.vector_store %arg9[%swap3A_193, %swap3A_194], %swap3A_197 {strides = array<i32>} : memref<8x128xf32, #tpu.memory_space<vmem>>, vector<1x16xf32>,
    %swap3A_198 = arith.constant 4 : i32
    %swap3A_199 = arith.index_cast %swap3A_198 : i32 to index
    %swap3A_200 = arith.constant 16 : index
    %swap3A_201 = tpu.vector_load %arg9[%swap3A_199, %swap3A_200] {strides = array<i32>} : memref<8x128xf32, #tpu.memory_space<vmem>>, vector<1x16xf32>,
    %swap3A_202 = vector.shape_cast %swap3A_201 : vector<1x16xf32> to vector<16xf32>
    %swap3A_203 = vector.shape_cast %broadcast_in_dim3A_0 : vector<16xf32> to vector<1x16xf32>
    tpu.vector_store %arg9[%swap3A_199, %swap3A_200], %swap3A_203 {strides = array<i32>} : memref<8x128xf32, #tpu.memory_space<vmem>>, vector<1x16xf32>,
    %swap3A_204 = arith.constant 4 : i32
    %swap3A_205 = arith.index_cast %swap3A_204 : i32 to index
    %swap3A_206 = arith.constant 32 : index
    %swap3A_207 = tpu.vector_load %arg9[%swap3A_205, %swap3A_206] {strides = array<i32>} : memref<8x128xf32, #tpu.memory_space<vmem>>, vector<1x16xf32>,
    %swap3A_208 = vector.shape_cast %swap3A_207 : vector<1x16xf32> to vector<16xf32>
    %swap3A_209 = vector.shape_cast %broadcast_in_dim3A_0 : vector<16xf32> to vector<1x16xf32>
    tpu.vector_store %arg9[%swap3A_205, %swap3A_206], %swap3A_209 {strides = array<i32>} : memref<8x128xf32, #tpu.memory_space<vmem>>, vector<1x16xf32>,
    %swap3A_210 = arith.constant 4 : i32
    %swap3A_211 = arith.index_cast %swap3A_210 : i32 to index
    %swap3A_212 = arith.constant 48 : index
    %swap3A_213 = tpu.vector_load %arg9[%swap3A_211, %swap3A_212] {strides = array<i32>} : memref<8x128xf32, #tpu.memory_space<vmem>>, vector<1x16xf32>,
    %swap3A_214 = vector.shape_cast %swap3A_213 : vector<1x16xf32> to vector<16xf32>
    %swap3A_215 = vector.shape_cast %broadcast_in_dim3A_0 : vector<16xf32> to vector<1x16xf32>
    tpu.vector_store %arg9[%swap3A_211, %swap3A_212], %swap3A_215 {strides = array<i32>} : memref<8x128xf32, #tpu.memory_space<vmem>>, vector<1x16xf32>,
    %swap3A_216 = arith.constant 4 : i32
    %swap3A_217 = arith.index_cast %swap3A_216 : i32 to index
    %swap3A_218 = arith.constant 64 : index
    %swap3A_219 = tpu.vector_load %arg9[%swap3A_217, %swap3A_218] {strides = array<i32>} : memref<8x128xf32, #tpu.memory_space<vmem>>, vector<1x16xf32>,
    %swap3A_220 = vector.shape_cast %swap3A_219 : vector<1x16xf32> to vector<16xf32>
    %swap3A_221 = vector.shape_cast %broadcast_in_dim3A_0 : vector<16xf32> to vector<1x16xf32>
    tpu.vector_store %arg9[%swap3A_217, %swap3A_218], %swap3A_221 {strides = array<i32>} : memref<8x128xf32, #tpu.memory_space<vmem>>, vector<1x16xf32>,
    %swap3A_222 = arith.constant 4 : i32
    %swap3A_223 = arith.index_cast %swap3A_222 : i32 to index
    %swap3A_224 = arith.constant 80 : index
    %swap3A_225 = tpu.vector_load %arg9[%swap3A_223, %swap3A_224] {strides = array<i32>} : memref<8x128xf32, #tpu.memory_space<vmem>>, vector<1x16xf32>,
    %swap3A_226 = vector.shape_cast %swap3A_225 : vector<1x16xf32> to vector<16xf32>
    %swap3A_227 = vector.shape_cast %broadcast_in_dim3A_0 : vector<16xf32> to vector<1x16xf32>
    tpu.vector_store %arg9[%swap3A_223, %swap3A_224], %swap3A_227 {strides = array<i32>} : memref<8x128xf32, #tpu.memory_space<vmem>>, vector<1x16xf32>,
    %swap3A_228 = arith.constant 4 : i32
    %swap3A_229 = arith.index_cast %swap3A_228 : i32 to index
    %swap3A_230 = arith.constant 96 : index
    %swap3A_231 = tpu.vector_load %arg9[%swap3A_229, %swap3A_230] {strides = array<i32>} : memref<8x128xf32, #tpu.memory_space<vmem>>, vector<1x16xf32>,
    %swap3A_232 = vector.shape_cast %swap3A_231 : vector<1x16xf32> to vector<16xf32>
    %swap3A_233 = vector.shape_cast %broadcast_in_dim3A_0 : vector<16xf32> to vector<1x16xf32>
    tpu.vector_store %arg9[%swap3A_229, %swap3A_230], %swap3A_233 {strides = array<i32>} : memref<8x128xf32, #tpu.memory_space<vmem>>, vector<1x16xf32>,
    %swap3A_234 = arith.constant 4 : i32
    %swap3A_235 = arith.index_cast %swap3A_234 : i32 to index
    %swap3A_236 = arith.constant 112 : index
    %swap3A_237 = tpu.vector_load %arg9[%swap3A_235, %swap3A_236] {strides = array<i32>} : memref<8x128xf32, #tpu.memory_space<vmem>>, vector<1x16xf32>,
    %swap3A_238 = vector.shape_cast %swap3A_237 : vector<1x16xf32> to vector<16xf32>
    %swap3A_239 = vector.shape_cast %broadcast_in_dim3A_0 : vector<16xf32> to vector<1x16xf32>
    tpu.vector_store %arg9[%swap3A_235, %swap3A_236], %swap3A_239 {strides = array<i32>} : memref<8x128xf32, #tpu.memory_space<vmem>>, vector<1x16xf32>,
    %swap3A_240 = arith.constant 5 : i32
    %swap3A_241 = arith.index_cast %swap3A_240 : i32 to index
    %swap3A_242 = arith.constant 0 : index
    %swap3A_243 = tpu.vector_load %arg9[%swap3A_241, %swap3A_242] {strides = array<i32>} : memref<8x128xf32, #tpu.memory_space<vmem>>, vector<1x16xf32>,
    %swap3A_244 = vector.shape_cast %swap3A_243 : vector<1x16xf32> to vector<16xf32>
    %swap3A_245 = vector.shape_cast %broadcast_in_dim3A_0 : vector<16xf32> to vector<1x16xf32>
    tpu.vector_store %arg9[%swap3A_241, %swap3A_242], %swap3A_245 {strides = array<i32>} : memref<8x128xf32, #tpu.memory_space<vmem>>, vector<1x16xf32>,
    %swap3A_246 = arith.constant 5 : i32
    %swap3A_247 = arith.index_cast %swap3A_246 : i32 to index
    %swap3A_248 = arith.constant 16 : index
    %swap3A_249 = tpu.vector_load %arg9[%swap3A_247, %swap3A_248] {strides = array<i32>} : memref<8x128xf32, #tpu.memory_space<vmem>>, vector<1x16xf32>,
    %swap3A_250 = vector.shape_cast %swap3A_249 : vector<1x16xf32> to vector<16xf32>
    %swap3A_251 = vector.shape_cast %broadcast_in_dim3A_0 : vector<16xf32> to vector<1x16xf32>
    tpu.vector_store %arg9[%swap3A_247, %swap3A_248], %swap3A_251 {strides = array<i32>} : memref<8x128xf32, #tpu.memory_space<vmem>>, vector<1x16xf32>,
    %swap3A_252 = arith.constant 5 : i32
    %swap3A_253 = arith.index_cast %swap3A_252 : i32 to index
    %swap3A_254 = arith.constant 32 : index
    %swap3A_255 = tpu.vector_load %arg9[%swap3A_253, %swap3A_254] {strides = array<i32>} : memref<8x128xf32, #tpu.memory_space<vmem>>, vector<1x16xf32>,
    %swap3A_256 = vector.shape_cast %swap3A_255 : vector<1x16xf32> to vector<16xf32>
    %swap3A_257 = vector.shape_cast %broadcast_in_dim3A_0 : vector<16xf32> to vector<1x16xf32>
    tpu.vector_store %arg9[%swap3A_253, %swap3A_254], %swap3A_257 {strides = array<i32>} : memref<8x128xf32, #tpu.memory_space<vmem>>, vector<1x16xf32>,
    %swap3A_258 = arith.constant 5 : i32
    %swap3A_259 = arith.index_cast %swap3A_258 : i32 to index
    %swap3A_260 = arith.constant 48 : index
    %swap3A_261 = tpu.vector_load %arg9[%swap3A_259, %swap3A_260] {strides = array<i32>} : memref<8x128xf32, #tpu.memory_space<vmem>>, vector<1x16xf32>,
    %swap3A_262 = vector.shape_cast %swap3A_261 : vector<1x16xf32> to vector<16xf32>
    %swap3A_263 = vector.shape_cast %broadcast_in_dim3A_0 : vector<16xf32> to vector<1x16xf32>
    tpu.vector_store %arg9[%swap3A_259, %swap3A_260], %swap3A_263 {strides = array<i32>} : memref<8x128xf32, #tpu.memory_space<vmem>>, vector<1x16xf32>,
    %swap3A_264 = arith.constant 5 : i32
    %swap3A_265 = arith.index_cast %swap3A_264 : i32 to index
    %swap3A_266 = arith.constant 64 : index
    %swap3A_267 = tpu.vector_load %arg9[%swap3A_265, %swap3A_266] {strides = array<i32>} : memref<8x128xf32, #tpu.memory_space<vmem>>, vector<1x16xf32>,
    %swap3A_268 = vector.shape_cast %swap3A_267 : vector<1x16xf32> to vector<16xf32>
    %swap3A_269 = vector.shape_cast %broadcast_in_dim3A_0 : vector<16xf32> to vector<1x16xf32>
    tpu.vector_store %arg9[%swap3A_265, %swap3A_266], %swap3A_269 {strides = array<i32>} : memref<8x128xf32, #tpu.memory_space<vmem>>, vector<1x16xf32>,
    %swap3A_270 = arith.constant 5 : i32
    %swap3A_271 = arith.index_cast %swap3A_270 : i32 to index
    %swap3A_272 = arith.constant 80 : index
    %swap3A_273 = tpu.vector_load %arg9[%swap3A_271, %swap3A_272] {strides = array<i32>} : memref<8x128xf32, #tpu.memory_space<vmem>>, vector<1x16xf32>,
    %swap3A_274 = vector.shape_cast %swap3A_273 : vector<1x16xf32> to vector<16xf32>
    %swap3A_275 = vector.shape_cast %broadcast_in_dim3A_0 : vector<16xf32> to vector<1x16xf32>
    tpu.vector_store %arg9[%swap3A_271, %swap3A_272], %swap3A_275 {strides = array<i32>} : memref<8x128xf32, #tpu.memory_space<vmem>>, vector<1x16xf32>,
    %swap3A_276 = arith.constant 5 : i32
    %swap3A_277 = arith.index_cast %swap3A_276 : i32 to index
    %swap3A_278 = arith.constant 96 : index
    %swap3A_279 = tpu.vector_load %arg9[%swap3A_277, %swap3A_278] {strides = array<i32>} : memref<8x128xf32, #tpu.memory_space<vmem>>, vector<1x16xf32>,
    %swap3A_280 = vector.shape_cast %swap3A_279 : vector<1x16xf32> to vector<16xf32>
    %swap3A_281 = vector.shape_cast %broadcast_in_dim3A_0 : vector<16xf32> to vector<1x16xf32>
    tpu.vector_store %arg9[%swap3A_277, %swap3A_278], %swap3A_281 {strides = array<i32>} : memref<8x128xf32, #tpu.memory_space<vmem>>, vector<1x16xf32>,
    %swap3A_282 = arith.constant 5 : i32
    %swap3A_283 = arith.index_cast %swap3A_282 : i32 to index
    %swap3A_284 = arith.constant 112 : index
    %swap3A_285 = tpu.vector_load %arg9[%swap3A_283, %swap3A_284] {strides = array<i32>} : memref<8x128xf32, #tpu.memory_space<vmem>>, vector<1x16xf32>,
    %swap3A_286 = vector.shape_cast %swap3A_285 : vector<1x16xf32> to vector<16xf32>
    %swap3A_287 = vector.shape_cast %broadcast_in_dim3A_0 : vector<16xf32> to vector<1x16xf32>
    tpu.vector_store %arg9[%swap3A_283, %swap3A_284], %swap3A_287 {strides = array<i32>} : memref<8x128xf32, #tpu.memory_space<vmem>>, vector<1x16xf32>,
    %swap3A_288 = arith.constant 6 : i32
    %swap3A_289 = arith.index_cast %swap3A_288 : i32 to index
    %swap3A_290 = arith.constant 0 : index
    %swap3A_291 = tpu.vector_load %arg9[%swap3A_289, %swap3A_290] {strides = array<i32>} : memref<8x128xf32, #tpu.memory_space<vmem>>, vector<1x16xf32>,
    %swap3A_292 = vector.shape_cast %swap3A_291 : vector<1x16xf32> to vector<16xf32>
    %swap3A_293 = vector.shape_cast %broadcast_in_dim3A_0 : vector<16xf32> to vector<1x16xf32>
    tpu.vector_store %arg9[%swap3A_289, %swap3A_290], %swap3A_293 {strides = array<i32>} : memref<8x128xf32, #tpu.memory_space<vmem>>, vector<1x16xf32>,
    %swap3A_294 = arith.constant 6 : i32
    %swap3A_295 = arith.index_cast %swap3A_294 : i32 to index
    %swap3A_296 = arith.constant 16 : index
    %swap3A_297 = tpu.vector_load %arg9[%swap3A_295, %swap3A_296] {strides = array<i32>} : memref<8x128xf32, #tpu.memory_space<vmem>>, vector<1x16xf32>,
    %swap3A_298 = vector.shape_cast %swap3A_297 : vector<1x16xf32> to vector<16xf32>
    %swap3A_299 = vector.shape_cast %broadcast_in_dim3A_0 : vector<16xf32> to vector<1x16xf32>
    tpu.vector_store %arg9[%swap3A_295, %swap3A_296], %swap3A_299 {strides = array<i32>} : memref<8x128xf32, #tpu.memory_space<vmem>>, vector<1x16xf32>,
    %swap3A_300 = arith.constant 6 : i32
    %swap3A_301 = arith.index_cast %swap3A_300 : i32 to index
    %swap3A_302 = arith.constant 32 : index
    %swap3A_303 = tpu.vector_load %arg9[%swap3A_301, %swap3A_302] {strides = array<i32>} : memref<8x128xf32, #tpu.memory_space<vmem>>, vector<1x16xf32>,
    %swap3A_304 = vector.shape_cast %swap3A_303 : vector<1x16xf32> to vector<16xf32>
    %swap3A_305 = vector.shape_cast %broadcast_in_dim3A_0 : vector<16xf32> to vector<1x16xf32>
    tpu.vector_store %arg9[%swap3A_301, %swap3A_302], %swap3A_305 {strides = array<i32>} : memref<8x128xf32, #tpu.memory_space<vmem>>, vector<1x16xf32>,
    %swap3A_306 = arith.constant 6 : i32
    %swap3A_307 = arith.index_cast %swap3A_306 : i32 to index
    %swap3A_308 = arith.constant 48 : index
    %swap3A_309 = tpu.vector_load %arg9[%swap3A_307, %swap3A_308] {strides = array<i32>} : memref<8x128xf32, #tpu.memory_space<vmem>>, vector<1x16xf32>,
    %swap3A_310 = vector.shape_cast %swap3A_309 : vector<1x16xf32> to vector<16xf32>
    %swap3A_311 = vector.shape_cast %broadcast_in_dim3A_0 : vector<16xf32> to vector<1x16xf32>
    tpu.vector_store %arg9[%swap3A_307, %swap3A_308], %swap3A_311 {strides = array<i32>} : memref<8x128xf32, #tpu.memory_space<vmem>>, vector<1x16xf32>,
    %swap3A_312 = arith.constant 6 : i32
    %swap3A_313 = arith.index_cast %swap3A_312 : i32 to index
    %swap3A_314 = arith.constant 64 : index
    %swap3A_315 = tpu.vector_load %arg9[%swap3A_313, %swap3A_314] {strides = array<i32>} : memref<8x128xf32, #tpu.memory_space<vmem>>, vector<1x16xf32>,
    %swap3A_316 = vector.shape_cast %swap3A_315 : vector<1x16xf32> to vector<16xf32>
    %swap3A_317 = vector.shape_cast %broadcast_in_dim3A_0 : vector<16xf32> to vector<1x16xf32>
    tpu.vector_store %arg9[%swap3A_313, %swap3A_314], %swap3A_317 {strides = array<i32>} : memref<8x128xf32, #tpu.memory_space<vmem>>, vector<1x16xf32>,
    %swap3A_318 = arith.constant 6 : i32
    %swap3A_319 = arith.index_cast %swap3A_318 : i32 to index
    %swap3A_320 = arith.constant 80 : index
    %swap3A_321 = tpu.vector_load %arg9[%swap3A_319, %swap3A_320] {strides = array<i32>} : memref<8x128xf32, #tpu.memory_space<vmem>>, vector<1x16xf32>,
    %swap3A_322 = vector.shape_cast %swap3A_321 : vector<1x16xf32> to vector<16xf32>
    %swap3A_323 = vector.shape_cast %broadcast_in_dim3A_0 : vector<16xf32> to vector<1x16xf32>
    tpu.vector_store %arg9[%swap3A_319, %swap3A_320], %swap3A_323 {strides = array<i32>} : memref<8x128xf32, #tpu.memory_space<vmem>>, vector<1x16xf32>,
    %swap3A_324 = arith.constant 6 : i32
    %swap3A_325 = arith.index_cast %swap3A_324 : i32 to index
    %swap3A_326 = arith.constant 96 : index
    %swap3A_327 = tpu.vector_load %arg9[%swap3A_325, %swap3A_326] {strides = array<i32>} : memref<8x128xf32, #tpu.memory_space<vmem>>, vector<1x16xf32>,
    %swap3A_328 = vector.shape_cast %swap3A_327 : vector<1x16xf32> to vector<16xf32>
    %swap3A_329 = vector.shape_cast %broadcast_in_dim3A_0 : vector<16xf32> to vector<1x16xf32>
    tpu.vector_store %arg9[%swap3A_325, %swap3A_326], %swap3A_329 {strides = array<i32>} : memref<8x128xf32, #tpu.memory_space<vmem>>, vector<1x16xf32>,
    %swap3A_330 = arith.constant 6 : i32
    %swap3A_331 = arith.index_cast %swap3A_330 : i32 to index
    %swap3A_332 = arith.constant 112 : index
    %swap3A_333 = tpu.vector_load %arg9[%swap3A_331, %swap3A_332] {strides = array<i32>} : memref<8x128xf32, #tpu.memory_space<vmem>>, vector<1x16xf32>,
    %swap3A_334 = vector.shape_cast %swap3A_333 : vector<1x16xf32> to vector<16xf32>
    %swap3A_335 = vector.shape_cast %broadcast_in_dim3A_0 : vector<16xf32> to vector<1x16xf32>
    tpu.vector_store %arg9[%swap3A_331, %swap3A_332], %swap3A_335 {strides = array<i32>} : memref<8x128xf32, #tpu.memory_space<vmem>>, vector<1x16xf32>,
    %swap3A_336 = arith.constant 7 : i32
    %swap3A_337 = arith.index_cast %swap3A_336 : i32 to index
    %swap3A_338 = arith.constant 0 : index
    %swap3A_339 = tpu.vector_load %arg9[%swap3A_337, %swap3A_338] {strides = array<i32>} : memref<8x128xf32, #tpu.memory_space<vmem>>, vector<1x16xf32>,
    %swap3A_340 = vector.shape_cast %swap3A_339 : vector<1x16xf32> to vector<16xf32>
    %swap3A_341 = vector.shape_cast %broadcast_in_dim3A_0 : vector<16xf32> to vector<1x16xf32>
    tpu.vector_store %arg9[%swap3A_337, %swap3A_338], %swap3A_341 {strides = array<i32>} : memref<8x128xf32, #tpu.memory_space<vmem>>, vector<1x16xf32>,
    %swap3A_342 = arith.constant 7 : i32
    %swap3A_343 = arith.index_cast %swap3A_342 : i32 to index
    %swap3A_344 = arith.constant 16 : index
    %swap3A_345 = tpu.vector_load %arg9[%swap3A_343, %swap3A_344] {strides = array<i32>} : memref<8x128xf32, #tpu.memory_space<vmem>>, vector<1x16xf32>,
    %swap3A_346 = vector.shape_cast %swap3A_345 : vector<1x16xf32> to vector<16xf32>
    %swap3A_347 = vector.shape_cast %broadcast_in_dim3A_0 : vector<16xf32> to vector<1x16xf32>
    tpu.vector_store %arg9[%swap3A_343, %swap3A_344], %swap3A_347 {strides = array<i32>} : memref<8x128xf32, #tpu.memory_space<vmem>>, vector<1x16xf32>,
    %swap3A_348 = arith.constant 7 : i32
    %swap3A_349 = arith.index_cast %swap3A_348 : i32 to index
    %swap3A_350 = arith.constant 32 : index
    %swap3A_351 = tpu.vector_load %arg9[%swap3A_349, %swap3A_350] {strides = array<i32>} : memref<8x128xf32, #tpu.memory_space<vmem>>, vector<1x16xf32>,
    %swap3A_352 = vector.shape_cast %swap3A_351 : vector<1x16xf32> to vector<16xf32>
    %swap3A_353 = vector.shape_cast %broadcast_in_dim3A_0 : vector<16xf32> to vector<1x16xf32>
    tpu.vector_store %arg9[%swap3A_349, %swap3A_350], %swap3A_353 {strides = array<i32>} : memref<8x128xf32, #tpu.memory_space<vmem>>, vector<1x16xf32>,
    %swap3A_354 = arith.constant 7 : i32
    %swap3A_355 = arith.index_cast %swap3A_354 : i32 to index
    %swap3A_356 = arith.constant 48 : index
    %swap3A_357 = tpu.vector_load %arg9[%swap3A_355, %swap3A_356] {strides = array<i32>} : memref<8x128xf32, #tpu.memory_space<vmem>>, vector<1x16xf32>,
    %swap3A_358 = vector.shape_cast %swap3A_357 : vector<1x16xf32> to vector<16xf32>
    %swap3A_359 = vector.shape_cast %broadcast_in_dim3A_0 : vector<16xf32> to vector<1x16xf32>
    tpu.vector_store %arg9[%swap3A_355, %swap3A_356], %swap3A_359 {strides = array<i32>} : memref<8x128xf32, #tpu.memory_space<vmem>>, vector<1x16xf32>,
    %swap3A_360 = arith.constant 7 : i32
    %swap3A_361 = arith.index_cast %swap3A_360 : i32 to index
    %swap3A_362 = arith.constant 64 : index
    %swap3A_363 = tpu.vector_load %arg9[%swap3A_361, %swap3A_362] {strides = array<i32>} : memref<8x128xf32, #tpu.memory_space<vmem>>, vector<1x16xf32>,
    %swap3A_364 = vector.shape_cast %swap3A_363 : vector<1x16xf32> to vector<16xf32>
    %swap3A_365 = vector.shape_cast %broadcast_in_dim3A_0 : vector<16xf32> to vector<1x16xf32>
    tpu.vector_store %arg9[%swap3A_361, %swap3A_362], %swap3A_365 {strides = array<i32>} : memref<8x128xf32, #tpu.memory_space<vmem>>, vector<1x16xf32>,
    %swap3A_366 = arith.constant 7 : i32
    %swap3A_367 = arith.index_cast %swap3A_366 : i32 to index
    %swap3A_368 = arith.constant 80 : index
    %swap3A_369 = tpu.vector_load %arg9[%swap3A_367, %swap3A_368] {strides = array<i32>} : memref<8x128xf32, #tpu.memory_space<vmem>>, vector<1x16xf32>,
    %swap3A_370 = vector.shape_cast %swap3A_369 : vector<1x16xf32> to vector<16xf32>
    %swap3A_371 = vector.shape_cast %broadcast_in_dim3A_0 : vector<16xf32> to vector<1x16xf32>
    tpu.vector_store %arg9[%swap3A_367, %swap3A_368], %swap3A_371 {strides = array<i32>} : memref<8x128xf32, #tpu.memory_space<vmem>>, vector<1x16xf32>,
    %swap3A_372 = arith.constant 7 : i32
    %swap3A_373 = arith.index_cast %swap3A_372 : i32 to index
    %swap3A_374 = arith.constant 96 : index
    %swap3A_375 = tpu.vector_load %arg9[%swap3A_373, %swap3A_374] {strides = array<i32>} : memref<8x128xf32, #tpu.memory_space<vmem>>, vector<1x16xf32>,
    %swap3A_376 = vector.shape_cast %swap3A_375 : vector<1x16xf32> to vector<16xf32>
    %swap3A_377 = vector.shape_cast %broadcast_in_dim3A_0 : vector<16xf32> to vector<1x16xf32>
    tpu.vector_store %arg9[%swap3A_373, %swap3A_374], %swap3A_377 {strides = array<i32>} : memref<8x128xf32, #tpu.memory_space<vmem>>, vector<1x16xf32>,
    %swap3A_378 = arith.constant 7 : i32
    %swap3A_379 = arith.index_cast %swap3A_378 : i32 to index
    %swap3A_380 = arith.constant 112 : index
    %swap3A_381 = tpu.vector_load %arg9[%swap3A_379, %swap3A_380] {strides = array<i32>} : memref<8x128xf32, #tpu.memory_space<vmem>>, vector<1x16xf32>,
    %swap3A_382 = vector.shape_cast %swap3A_381 : vector<1x16xf32> to vector<16xf32>
    %swap3A_383 = vector.shape_cast %broadcast_in_dim3A_0 : vector<16xf32> to vector<1x16xf32>
    tpu.vector_store %arg9[%swap3A_379, %swap3A_380], %swap3A_383 {strides = array<i32>} : memref<8x128xf32, #tpu.memory_space<vmem>>, vector<1x16xf32>,
    %scan3A = arith.constant 0 : i32
    %scan3A_384 = arith.constant 0 : i32
    %scan3A_385 = arith.constant 79 : i32
    %scan3A_386 = arith.addi %scan3A_384, %scan3A_385 : i32
    %scan3A_387 = arith.constant 1 : i32
    scf.for %scan3A_403 = %scan3A_384 to %scan3A_386 step %scan3A_387  : i32 {
      %mul3A_404 = arith.constant 632 : i32
      %mul3A_405 = arith.muli %arg1, %mul3A_404 : i32
      %mul3A_406 = arith.constant 8 : i32
      %mul3A_407 = arith.muli %scan3A_403, %mul3A_406 : i32
      %add3A_408 = arith.addi %mul3A_405, %mul3A_407 : i32
      "tpu.region"() ({
        %run_scoped3A = tpu.sem_alloc : memref<!tpu.dma_semaphore, #tpu.memory_space<semaphore_mem>>
        %dma_start3A = arith.constant 0 : i32
        %dma_start3A_409 = tpu.memref_slice %arg10[%add3A_408, %dma_start3A] : memref<10112x128xf32, #tpu.memory_space<vmem_shared>> -> memref<8x128xf32, #tpu.memory_space<vmem_shared>>
        %dma_start3A_410 = arith.constant 0 : i32
        %dma_start3A_411 = tpu.memref_slice %arg10[%add3A_408, %dma_start3A_410] : memref<10112x128xf32, #tpu.memory_space<vmem_shared>> -> memref<8x128xf32, #tpu.memory_space<vmem_shared>>
        tpu.enqueue_dma source(%arg9 : memref<8x128xf32, #tpu.memory_space<vmem>>) target(%dma_start3A_411 : memref<8x128xf32, #tpu.memory_space<vmem_shared>>) target_semaphore(%run_scoped3A : memref<!tpu.dma_semaphore, #tpu.memory_space<semaphore_mem>>)
        %dma_wait3A = arith.constant 0 : i32
        %dma_wait3A_412 = tpu.memref_slice %arg10[%add3A_408, %dma_wait3A] : memref<10112x128xf32, #tpu.memory_space<vmem_shared>> -> memref<8x128xf32, #tpu.memory_space<vmem_shared>>
        %dma_wait3A_413 = arith.constant 0 : i32
        %dma_wait3A_414 = tpu.memref_slice %arg10[%add3A_408, %dma_wait3A_413] : memref<10112x128xf32, #tpu.memory_space<vmem_shared>> -> memref<8x128xf32, #tpu.memory_space<vmem_shared>>
        tpu.wait_dma2 semaphore(%run_scoped3A : memref<!tpu.dma_semaphore, #tpu.memory_space<semaphore_mem>>) src(%arg9 : memref<8x128xf32, #tpu.memory_space<vmem>>) dst(%dma_wait3A_414 : memref<8x128xf32, #tpu.memory_space<vmem_shared>>)
        tpu.yield
      }) : () -> ()
    }
    %scan3A_388 = arith.constant 79 : i32
    %barrier3A = arith.constant 0 : index
    tpu.barrier barrier_id(%barrier3A)
    %mul3A = arith.constant 321536 : i32
    %mul3A_389 = arith.muli %arg0, %mul3A : i32
    %mul3A_390 = arith.constant 20096 : i32
    %mul3A_391 = arith.muli %arg1, %mul3A_390 : i32
    %add3A = arith.addi %mul3A_389, %mul3A_391 : i32
    %scan3A_392 = arith.constant 0 : i32
    %scan3A_393 = arith.constant 0 : i32
    %scan3A_394 = arith.constant 157 : i32
    %scan3A_395 = arith.addi %scan3A_393, %scan3A_394 : i32
    %scan3A_396 = arith.constant 1 : i32
    scf.for %scan3A_403 = %scan3A_393 to %scan3A_395 step %scan3A_396  : i32 {
      %mul3A_404 = arith.constant 128 : i32
      %mul3A_405 = arith.muli %scan3A_403, %mul3A_404 : i32
      %add3A_406 = arith.addi %add3A, %mul3A_405 : i32
      "tpu.region"() ({
        %run_scoped3A_412 = tpu.sem_alloc : memref<!tpu.dma_semaphore, #tpu.memory_space<semaphore_mem>>
        %dma_start3A_413 = tpu.memref_slice %arg3[%add3A_406] : memref<643072xi32, #tpu.memory_space<hbm>> -> memref<128xi32, #tpu.memory_space<hbm>>
        %dma_start3A_414 = tpu.memref_slice %arg3[%add3A_406] : memref<643072xi32, #tpu.memory_space<hbm>> -> memref<128xi32, #tpu.memory_space<hbm>>
        tpu.enqueue_dma source(%dma_start3A_414 : memref<128xi32, #tpu.memory_space<hbm>>) target(%arg6 : memref<128xi32, #tpu.memory_space<vmem>>) target_semaphore(%run_scoped3A_412 : memref<!tpu.dma_semaphore, #tpu.memory_space<semaphore_mem>>)
        %dma_wait3A_415 = tpu.memref_slice %arg3[%add3A_406] : memref<643072xi32, #tpu.memory_space<hbm>> -> memref<128xi32, #tpu.memory_space<hbm>>
        %dma_wait3A_416 = tpu.memref_slice %arg3[%add3A_406] : memref<643072xi32, #tpu.memory_space<hbm>> -> memref<128xi32, #tpu.memory_space<hbm>>
        tpu.wait_dma2 semaphore(%run_scoped3A_412 : memref<!tpu.dma_semaphore, #tpu.memory_space<semaphore_mem>>) src(%dma_wait3A_416 : memref<128xi32, #tpu.memory_space<hbm>>) dst(%arg6 : memref<128xi32, #tpu.memory_space<vmem>>)
        tpu.yield
      }) : () -> ()
      %run_scoped3A = arith.constant 0 : i32
      "tpu.region"() ({
        %run_scoped3A_412 = tpu.sem_alloc : memref<!tpu.dma_semaphore, #tpu.memory_space<semaphore_mem>>
        %dma_start3A_413 = arith.constant 0 : i32
        %dma_start3A_414 = tpu.memref_slice %arg7[%run_scoped3A, %dma_start3A_413] : memref<1x128xi32, #tpu.memory_space<vmem>> -> memref<1x128xi32, #tpu.memory_space<vmem>>
        %dma_start3A_415 = tpu.memref_squeeze %dma_start3A_414 : memref<1x128xi32, #tpu.memory_space<vmem>> -> memref<128xi32, #tpu.memory_space<vmem>>
        %dma_start3A_416 = tpu.memref_slice %arg4[%add3A_406] : memref<643072xi32, #tpu.memory_space<hbm>> -> memref<128xi32, #tpu.memory_space<hbm>>
        %dma_start3A_417 = arith.constant 0 : i32
        %dma_start3A_418 = tpu.memref_slice %arg7[%run_scoped3A, %dma_start3A_417] : memref<1x128xi32, #tpu.memory_space<vmem>> -> memref<1x128xi32, #tpu.memory_space<vmem>>
        %dma_start3A_419 = tpu.memref_squeeze %dma_start3A_418 : memref<1x128xi32, #tpu.memory_space<vmem>> -> memref<128xi32, #tpu.memory_space<vmem>>
        %dma_start3A_420 = tpu.memref_slice %arg4[%add3A_406] : memref<643072xi32, #tpu.memory_space<hbm>> -> memref<128xi32, #tpu.memory_space<hbm>>
        tpu.enqueue_dma source(%dma_start3A_420 : memref<128xi32, #tpu.memory_space<hbm>>) target(%dma_start3A_419 : memref<128xi32, #tpu.memory_space<vmem>>) target_semaphore(%run_scoped3A_412 : memref<!tpu.dma_semaphore, #tpu.memory_space<semaphore_mem>>)
        %dma_wait3A_421 = arith.constant 0 : i32
        %dma_wait3A_422 = tpu.memref_slice %arg7[%run_scoped3A, %dma_wait3A_421] : memref<1x128xi32, #tpu.memory_space<vmem>> -> memref<1x128xi32, #tpu.memory_space<vmem>>
        %dma_wait3A_423 = tpu.memref_squeeze %dma_wait3A_422 : memref<1x128xi32, #tpu.memory_space<vmem>> -> memref<128xi32, #tpu.memory_space<vmem>>
        %dma_wait3A_424 = tpu.memref_slice %arg4[%add3A_406] : memref<643072xi32, #tpu.memory_space<hbm>> -> memref<128xi32, #tpu.memory_space<hbm>>
        %dma_wait3A_425 = arith.constant 0 : i32
        %dma_wait3A_426 = tpu.memref_slice %arg7[%run_scoped3A, %dma_wait3A_425] : memref<1x128xi32, #tpu.memory_space<vmem>> -> memref<1x128xi32, #tpu.memory_space<vmem>>
        %dma_wait3A_427 = tpu.memref_squeeze %dma_wait3A_426 : memref<1x128xi32, #tpu.memory_space<vmem>> -> memref<128xi32, #tpu.memory_space<vmem>>
        %dma_wait3A_428 = tpu.memref_slice %arg4[%add3A_406] : memref<643072xi32, #tpu.memory_space<hbm>> -> memref<128xi32, #tpu.memory_space<hbm>>
        tpu.wait_dma2 semaphore(%run_scoped3A_412 : memref<!tpu.dma_semaphore, #tpu.memory_space<semaphore_mem>>) src(%dma_wait3A_428 : memref<128xi32, #tpu.memory_space<hbm>>) dst(%dma_wait3A_427 : memref<128xi32, #tpu.memory_space<vmem>>)
        tpu.yield
      }) : () -> ()
      %dma_start3A = arith.constant 0 : i32
      %dma_start3A_407 = arith.constant 0 : i32
      %dma_start3A_408 = tpu.memref_slice %arg2[%dma_start3A, %dma_start3A_407] : memref<80000x128xf32, #tpu.memory_space<hbm>> -> memref<80000x128xf32, #tpu.memory_space<hbm>>
      tpu.enqueue_indirect_dma source(%dma_start3A_408 : memref<80000x128xf32, #tpu.memory_space<hbm>>) target(%arg8 : memref<128x128xf32, #tpu.memory_space<vmem>>) offsets(%arg6 : memref<128xi32, #tpu.memory_space<vmem>>) semaphore(%arg11 : memref<!tpu.dma_semaphore, #tpu.memory_space<semaphore_mem>>)
      %dma_wait3A = arith.constant 0 : i32
      %dma_wait3A_409 = arith.constant 0 : i32
      %dma_wait3A_410 = tpu.memref_slice %arg2[%dma_wait3A, %dma_wait3A_409] : memref<80000x128xf32, #tpu.memory_space<hbm>> -> memref<80000x128xf32, #tpu.memory_space<hbm>>
      tpu.wait_indirect_dma semaphore(%arg11 : memref<!tpu.dma_semaphore, #tpu.memory_space<semaphore_mem>>) src(%dma_wait3A_410 : memref<80000x128xf32, #tpu.memory_space<hbm>>) dst(%arg8 : memref<128x128xf32, #tpu.memory_space<vmem>>)
      %run_scoped3A_411 = arith.constant 0 : i32
      "tpu.region"() ({
        %run_scoped3A_412 = tpu.sem_alloc : memref<!tpu.dma_semaphore, #tpu.memory_space<semaphore_mem>>
        %dma_start3A_413 = arith.constant 0 : i32
        %dma_start3A_414 = tpu.memref_slice %arg7[%run_scoped3A_411, %dma_start3A_413] : memref<1x128xi32, #tpu.memory_space<vmem>> -> memref<1x128xi32, #tpu.memory_space<vmem>>
        %dma_start3A_415 = tpu.memref_squeeze %dma_start3A_414 : memref<1x128xi32, #tpu.memory_space<vmem>> -> memref<128xi32, #tpu.memory_space<vmem>>
        %dma_start3A_416 = arith.constant 0 : i32
        %dma_start3A_417 = arith.constant 0 : i32
        %dma_start3A_418 = tpu.memref_slice %arg10[%dma_start3A_416, %dma_start3A_417] : memref<10112x128xf32, #tpu.memory_space<vmem_shared>> -> memref<10112x128xf32, #tpu.memory_space<vmem_shared>>
        tpu.enqueue_indirect_dma source(%arg8 : memref<128x128xf32, #tpu.memory_space<vmem>>) target(%dma_start3A_418 : memref<10112x128xf32, #tpu.memory_space<vmem_shared>>) offsets(%dma_start3A_415 : memref<128xi32, #tpu.memory_space<vmem>>) semaphore(%run_scoped3A_412 : memref<!tpu.dma_semaphore, #tpu.memory_space<semaphore_mem>>) {add = true}
        %dma_wait3A_419 = arith.constant 0 : i32
        %dma_wait3A_420 = tpu.memref_slice %arg7[%run_scoped3A_411, %dma_wait3A_419] : memref<1x128xi32, #tpu.memory_space<vmem>> -> memref<1x128xi32, #tpu.memory_space<vmem>>
        %dma_wait3A_421 = tpu.memref_squeeze %dma_wait3A_420 : memref<1x128xi32, #tpu.memory_space<vmem>> -> memref<128xi32, #tpu.memory_space<vmem>>
        %dma_wait3A_422 = arith.constant 0 : i32
        %dma_wait3A_423 = arith.constant 0 : i32
        %dma_wait3A_424 = tpu.memref_slice %arg10[%dma_wait3A_422, %dma_wait3A_423] : memref<10112x128xf32, #tpu.memory_space<vmem_shared>> -> memref<10112x128xf32, #tpu.memory_space<vmem_shared>>
        tpu.wait_indirect_dma semaphore(%run_scoped3A_412 : memref<!tpu.dma_semaphore, #tpu.memory_space<semaphore_mem>>) src(%arg8 : memref<128x128xf32, #tpu.memory_space<vmem>>) dst(%dma_wait3A_424 : memref<10112x128xf32, #tpu.memory_space<vmem_shared>>)
        tpu.yield
      }) : () -> ()
    }
    %scan3A_397 = arith.constant 157 : i32
    %barrier3A_398 = arith.constant 0 : index
    tpu.barrier barrier_id(%barrier3A_398)
    %mul3A_399 = arith.constant 632 : i32
    %mul3A_400 = arith.muli %arg1, %mul3A_399 : i32
    %mul3A_401 = arith.constant 632 : i32
    %mul3A_402 = arith.muli %arg1, %mul3A_401 : i32
    "tpu.region"() ({
      %run_scoped3A = tpu.sem_alloc : memref<!tpu.dma_semaphore, #tpu.memory_space<semaphore_mem>>
      %dma_start3A = arith.constant 0 : i32
      %dma_start3A_403 = tpu.memref_slice %arg5[%arg0, %mul3A_402, %dma_start3A] : memref<2x10112x128xf32, #tpu.memory_space<hbm>> -> memref<1x632x128xf32, #tpu.memory_space<hbm>>
      %dma_start3A_404 = tpu.memref_squeeze %dma_start3A_403 : memref<1x632x128xf32, #tpu.memory_space<hbm>> -> memref<632x128xf32, #tpu.memory_space<hbm>>
      %dma_start3A_405 = arith.constant 0 : i32
      %dma_start3A_406 = tpu.memref_slice %arg10[%mul3A_400, %dma_start3A_405] : memref<10112x128xf32, #tpu.memory_space<vmem_shared>> -> memref<632x128xf32, #tpu.memory_space<vmem_shared>>
      tpu.enqueue_dma source(%dma_start3A_406 : memref<632x128xf32, #tpu.memory_space<vmem_shared>>) target(%dma_start3A_404 : memref<632x128xf32, #tpu.memory_space<hbm>>) target_semaphore(%run_scoped3A : memref<!tpu.dma_semaphore, #tpu.memory_space<semaphore_mem>>)
      %dma_wait3A = arith.constant 0 : i32
      %dma_wait3A_407 = tpu.memref_slice %arg5[%arg0, %mul3A_402, %dma_wait3A] : memref<2x10112x128xf32, #tpu.memory_space<hbm>> -> memref<1x632x128xf32, #tpu.memory_space<hbm>>
      %dma_wait3A_408 = tpu.memref_squeeze %dma_wait3A_407 : memref<1x632x128xf32, #tpu.memory_space<hbm>> -> memref<632x128xf32, #tpu.memory_space<hbm>>
      %dma_wait3A_409 = arith.constant 0 : i32
      %dma_wait3A_410 = tpu.memref_slice %arg10[%mul3A_400, %dma_wait3A_409] : memref<10112x128xf32, #tpu.memory_space<vmem_shared>> -> memref<632x128xf32, #tpu.memory_space<vmem_shared>>
      tpu.wait_dma2 semaphore(%run_scoped3A : memref<!tpu.dma_semaphore, #tpu.memory_space<semaphore_mem>>) src(%dma_wait3A_410 : memref<632x128xf32, #tpu.memory_space<vmem_shared>>) dst(%dma_wait3A_408 : memref<632x128xf32, #tpu.memory_space<hbm>>)
      tpu.yield
    }) : () -> ()
    return
  }
}

#map = affine_map<(d0, d1) -> (0, 0)>
#map1 = affine_map<(d0, d1) -> (0)>
#map2 = affine_map<(d0, d1) -> (0, 0, 0)>
module attributes {stable_mosaic.version = 14 : i64} {
  func.func @prop(%arg0: i32, %arg1: i32, %arg2: memref<80000x128xf32, #tpu.memory_space<hbm>>, %arg3: memref<643072xi32, #tpu.memory_space<hbm>>, %arg4: memref<643072xi32, #tpu.memory_space<hbm>>, %arg5: memref<2x10112x128xf32, #tpu.memory_space<hbm>>, %arg6: memref<128xi32, #tpu.memory_space<vmem>>, %arg7: memref<1x128xi32, #tpu.memory_space<vmem>>, %arg8: memref<128x128xf32, #tpu.memory_space<vmem>>, %arg9: memref<8x128xf32, #tpu.memory_space<vmem>>, %arg10: memref<10112x128xf32, #tpu.memory_space<vmem_shared>>, %arg11: memref<!tpu.dma_semaphore, #tpu.memory_space<semaphore_mem>>) attributes {dimension_semantics = [#tpu.dimension_semantics<core_parallel>, #tpu.dimension_semantics<subcore_parallel>], iteration_bounds = array<i64: 2, 16>, scalar_prefetch = 0 : i64, scratch_operands = 6 : i64, tpu.core_type = #tpu.core_type<sc_vector_subcore>, window_params = [{transform_indices = #map}, {transform_indices = #map1}, {transform_indices = #map1}, {transform_indices = #map2}]} {
    %broadcast_in_dim3A = arith.constant 0.000000e+00 : f32
    %broadcast_in_dim3A_0 = vector.broadcast %broadcast_in_dim3A : f32 to vector<16xf32>
    %swap3A = arith.constant 0 : i32
    %swap3A_1 = arith.index_cast %swap3A : i32 to index
    %swap3A_2 = arith.constant 0 : index
    %swap3A_3 = tpu.vector_load %arg9[%swap3A_1, %swap3A_2] {strides = array<i32>} : memref<8x128xf32, #tpu.memory_space<vmem>>, vector<1x16xf32>,
    %swap3A_4 = vector.shape_cast %swap3A_3 : vector<1x16xf32> to vector<16xf32>
    %swap3A_5 = vector.shape_cast %broadcast_in_dim3A_0 : vector<16xf32> to vector<1x16xf32>
    tpu.vector_store %arg9[%swap3A_1, %swap3A_2], %swap3A_5 {strides = array<i32>} : memref<8x128xf32, #tpu.memory_space<vmem>>, vector<1x16xf32>,
    %swap3A_6 = arith.constant 0 : i32
    %swap3A_7 = arith.index_cast %swap3A_6 : i32 to index
    %swap3A_8 = arith.constant 16 : index
    %swap3A_9 = tpu.vector_load %arg9[%swap3A_7, %swap3A_8] {strides = array<i32>} : memref<8x128xf32, #tpu.memory_space<vmem>>, vector<1x16xf32>,
    %swap3A_10 = vector.shape_cast %swap3A_9 : vector<1x16xf32> to vector<16xf32>
    %swap3A_11 = vector.shape_cast %broadcast_in_dim3A_0 : vector<16xf32> to vector<1x16xf32>
    tpu.vector_store %arg9[%swap3A_7, %swap3A_8], %swap3A_11 {strides = array<i32>} : memref<8x128xf32, #tpu.memory_space<vmem>>, vector<1x16xf32>,
    %swap3A_12 = arith.constant 0 : i32
    %swap3A_13 = arith.index_cast %swap3A_12 : i32 to index
    %swap3A_14 = arith.constant 32 : index
    %swap3A_15 = tpu.vector_load %arg9[%swap3A_13, %swap3A_14] {strides = array<i32>} : memref<8x128xf32, #tpu.memory_space<vmem>>, vector<1x16xf32>,
    %swap3A_16 = vector.shape_cast %swap3A_15 : vector<1x16xf32> to vector<16xf32>
    %swap3A_17 = vector.shape_cast %broadcast_in_dim3A_0 : vector<16xf32> to vector<1x16xf32>
    tpu.vector_store %arg9[%swap3A_13, %swap3A_14], %swap3A_17 {strides = array<i32>} : memref<8x128xf32, #tpu.memory_space<vmem>>, vector<1x16xf32>,
    %swap3A_18 = arith.constant 0 : i32
    %swap3A_19 = arith.index_cast %swap3A_18 : i32 to index
    %swap3A_20 = arith.constant 48 : index
    %swap3A_21 = tpu.vector_load %arg9[%swap3A_19, %swap3A_20] {strides = array<i32>} : memref<8x128xf32, #tpu.memory_space<vmem>>, vector<1x16xf32>,
    %swap3A_22 = vector.shape_cast %swap3A_21 : vector<1x16xf32> to vector<16xf32>
    %swap3A_23 = vector.shape_cast %broadcast_in_dim3A_0 : vector<16xf32> to vector<1x16xf32>
    tpu.vector_store %arg9[%swap3A_19, %swap3A_20], %swap3A_23 {strides = array<i32>} : memref<8x128xf32, #tpu.memory_space<vmem>>, vector<1x16xf32>,
    %swap3A_24 = arith.constant 0 : i32
    %swap3A_25 = arith.index_cast %swap3A_24 : i32 to index
    %swap3A_26 = arith.constant 64 : index
    %swap3A_27 = tpu.vector_load %arg9[%swap3A_25, %swap3A_26] {strides = array<i32>} : memref<8x128xf32, #tpu.memory_space<vmem>>, vector<1x16xf32>,
    %swap3A_28 = vector.shape_cast %swap3A_27 : vector<1x16xf32> to vector<16xf32>
    %swap3A_29 = vector.shape_cast %broadcast_in_dim3A_0 : vector<16xf32> to vector<1x16xf32>
    tpu.vector_store %arg9[%swap3A_25, %swap3A_26], %swap3A_29 {strides = array<i32>} : memref<8x128xf32, #tpu.memory_space<vmem>>, vector<1x16xf32>,
    %swap3A_30 = arith.constant 0 : i32
    %swap3A_31 = arith.index_cast %swap3A_30 : i32 to index
    %swap3A_32 = arith.constant 80 : index
    %swap3A_33 = tpu.vector_load %arg9[%swap3A_31, %swap3A_32] {strides = array<i32>} : memref<8x128xf32, #tpu.memory_space<vmem>>, vector<1x16xf32>,
    %swap3A_34 = vector.shape_cast %swap3A_33 : vector<1x16xf32> to vector<16xf32>
    %swap3A_35 = vector.shape_cast %broadcast_in_dim3A_0 : vector<16xf32> to vector<1x16xf32>
    tpu.vector_store %arg9[%swap3A_31, %swap3A_32], %swap3A_35 {strides = array<i32>} : memref<8x128xf32, #tpu.memory_space<vmem>>, vector<1x16xf32>,
    %swap3A_36 = arith.constant 0 : i32
    %swap3A_37 = arith.index_cast %swap3A_36 : i32 to index
    %swap3A_38 = arith.constant 96 : index
    %swap3A_39 = tpu.vector_load %arg9[%swap3A_37, %swap3A_38] {strides = array<i32>} : memref<8x128xf32, #tpu.memory_space<vmem>>, vector<1x16xf32>,
    %swap3A_40 = vector.shape_cast %swap3A_39 : vector<1x16xf32> to vector<16xf32>
    %swap3A_41 = vector.shape_cast %broadcast_in_dim3A_0 : vector<16xf32> to vector<1x16xf32>
    tpu.vector_store %arg9[%swap3A_37, %swap3A_38], %swap3A_41 {strides = array<i32>} : memref<8x128xf32, #tpu.memory_space<vmem>>, vector<1x16xf32>,
    %swap3A_42 = arith.constant 0 : i32
    %swap3A_43 = arith.index_cast %swap3A_42 : i32 to index
    %swap3A_44 = arith.constant 112 : index
    %swap3A_45 = tpu.vector_load %arg9[%swap3A_43, %swap3A_44] {strides = array<i32>} : memref<8x128xf32, #tpu.memory_space<vmem>>, vector<1x16xf32>,
    %swap3A_46 = vector.shape_cast %swap3A_45 : vector<1x16xf32> to vector<16xf32>
    %swap3A_47 = vector.shape_cast %broadcast_in_dim3A_0 : vector<16xf32> to vector<1x16xf32>
    tpu.vector_store %arg9[%swap3A_43, %swap3A_44], %swap3A_47 {strides = array<i32>} : memref<8x128xf32, #tpu.memory_space<vmem>>, vector<1x16xf32>,
    %swap3A_48 = arith.constant 1 : i32
    %swap3A_49 = arith.index_cast %swap3A_48 : i32 to index
    %swap3A_50 = arith.constant 0 : index
    %swap3A_51 = tpu.vector_load %arg9[%swap3A_49, %swap3A_50] {strides = array<i32>} : memref<8x128xf32, #tpu.memory_space<vmem>>, vector<1x16xf32>,
    %swap3A_52 = vector.shape_cast %swap3A_51 : vector<1x16xf32> to vector<16xf32>
    %swap3A_53 = vector.shape_cast %broadcast_in_dim3A_0 : vector<16xf32> to vector<1x16xf32>
    tpu.vector_store %arg9[%swap3A_49, %swap3A_50], %swap3A_53 {strides = array<i32>} : memref<8x128xf32, #tpu.memory_space<vmem>>, vector<1x16xf32>,
    %swap3A_54 = arith.constant 1 : i32
    %swap3A_55 = arith.index_cast %swap3A_54 : i32 to index
    %swap3A_56 = arith.constant 16 : index
    %swap3A_57 = tpu.vector_load %arg9[%swap3A_55, %swap3A_56] {strides = array<i32>} : memref<8x128xf32, #tpu.memory_space<vmem>>, vector<1x16xf32>,
    %swap3A_58 = vector.shape_cast %swap3A_57 : vector<1x16xf32> to vector<16xf32>
    %swap3A_59 = vector.shape_cast %broadcast_in_dim3A_0 : vector<16xf32> to vector<1x16xf32>
    tpu.vector_store %arg9[%swap3A_55, %swap3A_56], %swap3A_59 {strides = array<i32>} : memref<8x128xf32, #tpu.memory_space<vmem>>, vector<1x16xf32>,
    %swap3A_60 = arith.constant 1 : i32
    %swap3A_61 = arith.index_cast %swap3A_60 : i32 to index
    %swap3A_62 = arith.constant 32 : index
    %swap3A_63 = tpu.vector_load %arg9[%swap3A_61, %swap3A_62] {strides = array<i32>} : memref<8x128xf32, #tpu.memory_space<vmem>>, vector<1x16xf32>,
    %swap3A_64 = vector.shape_cast %swap3A_63 : vector<1x16xf32> to vector<16xf32>
    %swap3A_65 = vector.shape_cast %broadcast_in_dim3A_0 : vector<16xf32> to vector<1x16xf32>
    tpu.vector_store %arg9[%swap3A_61, %swap3A_62], %swap3A_65 {strides = array<i32>} : memref<8x128xf32, #tpu.memory_space<vmem>>, vector<1x16xf32>,
    %swap3A_66 = arith.constant 1 : i32
    %swap3A_67 = arith.index_cast %swap3A_66 : i32 to index
    %swap3A_68 = arith.constant 48 : index
    %swap3A_69 = tpu.vector_load %arg9[%swap3A_67, %swap3A_68] {strides = array<i32>} : memref<8x128xf32, #tpu.memory_space<vmem>>, vector<1x16xf32>,
    %swap3A_70 = vector.shape_cast %swap3A_69 : vector<1x16xf32> to vector<16xf32>
    %swap3A_71 = vector.shape_cast %broadcast_in_dim3A_0 : vector<16xf32> to vector<1x16xf32>
    tpu.vector_store %arg9[%swap3A_67, %swap3A_68], %swap3A_71 {strides = array<i32>} : memref<8x128xf32, #tpu.memory_space<vmem>>, vector<1x16xf32>,
    %swap3A_72 = arith.constant 1 : i32
    %swap3A_73 = arith.index_cast %swap3A_72 : i32 to index
    %swap3A_74 = arith.constant 64 : index
    %swap3A_75 = tpu.vector_load %arg9[%swap3A_73, %swap3A_74] {strides = array<i32>} : memref<8x128xf32, #tpu.memory_space<vmem>>, vector<1x16xf32>,
    %swap3A_76 = vector.shape_cast %swap3A_75 : vector<1x16xf32> to vector<16xf32>
    %swap3A_77 = vector.shape_cast %broadcast_in_dim3A_0 : vector<16xf32> to vector<1x16xf32>
    tpu.vector_store %arg9[%swap3A_73, %swap3A_74], %swap3A_77 {strides = array<i32>} : memref<8x128xf32, #tpu.memory_space<vmem>>, vector<1x16xf32>,
    %swap3A_78 = arith.constant 1 : i32
    %swap3A_79 = arith.index_cast %swap3A_78 : i32 to index
    %swap3A_80 = arith.constant 80 : index
    %swap3A_81 = tpu.vector_load %arg9[%swap3A_79, %swap3A_80] {strides = array<i32>} : memref<8x128xf32, #tpu.memory_space<vmem>>, vector<1x16xf32>,
    %swap3A_82 = vector.shape_cast %swap3A_81 : vector<1x16xf32> to vector<16xf32>
    %swap3A_83 = vector.shape_cast %broadcast_in_dim3A_0 : vector<16xf32> to vector<1x16xf32>
    tpu.vector_store %arg9[%swap3A_79, %swap3A_80], %swap3A_83 {strides = array<i32>} : memref<8x128xf32, #tpu.memory_space<vmem>>, vector<1x16xf32>,
    %swap3A_84 = arith.constant 1 : i32
    %swap3A_85 = arith.index_cast %swap3A_84 : i32 to index
    %swap3A_86 = arith.constant 96 : index
    %swap3A_87 = tpu.vector_load %arg9[%swap3A_85, %swap3A_86] {strides = array<i32>} : memref<8x128xf32, #tpu.memory_space<vmem>>, vector<1x16xf32>,
    %swap3A_88 = vector.shape_cast %swap3A_87 : vector<1x16xf32> to vector<16xf32>
    %swap3A_89 = vector.shape_cast %broadcast_in_dim3A_0 : vector<16xf32> to vector<1x16xf32>
    tpu.vector_store %arg9[%swap3A_85, %swap3A_86], %swap3A_89 {strides = array<i32>} : memref<8x128xf32, #tpu.memory_space<vmem>>, vector<1x16xf32>,
    %swap3A_90 = arith.constant 1 : i32
    %swap3A_91 = arith.index_cast %swap3A_90 : i32 to index
    %swap3A_92 = arith.constant 112 : index
    %swap3A_93 = tpu.vector_load %arg9[%swap3A_91, %swap3A_92] {strides = array<i32>} : memref<8x128xf32, #tpu.memory_space<vmem>>, vector<1x16xf32>,
    %swap3A_94 = vector.shape_cast %swap3A_93 : vector<1x16xf32> to vector<16xf32>
    %swap3A_95 = vector.shape_cast %broadcast_in_dim3A_0 : vector<16xf32> to vector<1x16xf32>
    tpu.vector_store %arg9[%swap3A_91, %swap3A_92], %swap3A_95 {strides = array<i32>} : memref<8x128xf32, #tpu.memory_space<vmem>>, vector<1x16xf32>,
    %swap3A_96 = arith.constant 2 : i32
    %swap3A_97 = arith.index_cast %swap3A_96 : i32 to index
    %swap3A_98 = arith.constant 0 : index
    %swap3A_99 = tpu.vector_load %arg9[%swap3A_97, %swap3A_98] {strides = array<i32>} : memref<8x128xf32, #tpu.memory_space<vmem>>, vector<1x16xf32>,
    %swap3A_100 = vector.shape_cast %swap3A_99 : vector<1x16xf32> to vector<16xf32>
    %swap3A_101 = vector.shape_cast %broadcast_in_dim3A_0 : vector<16xf32> to vector<1x16xf32>
    tpu.vector_store %arg9[%swap3A_97, %swap3A_98], %swap3A_101 {strides = array<i32>} : memref<8x128xf32, #tpu.memory_space<vmem>>, vector<1x16xf32>,
    %swap3A_102 = arith.constant 2 : i32
    %swap3A_103 = arith.index_cast %swap3A_102 : i32 to index
    %swap3A_104 = arith.constant 16 : index
    %swap3A_105 = tpu.vector_load %arg9[%swap3A_103, %swap3A_104] {strides = array<i32>} : memref<8x128xf32, #tpu.memory_space<vmem>>, vector<1x16xf32>,
    %swap3A_106 = vector.shape_cast %swap3A_105 : vector<1x16xf32> to vector<16xf32>
    %swap3A_107 = vector.shape_cast %broadcast_in_dim3A_0 : vector<16xf32> to vector<1x16xf32>
    tpu.vector_store %arg9[%swap3A_103, %swap3A_104], %swap3A_107 {strides = array<i32>} : memref<8x128xf32, #tpu.memory_space<vmem>>, vector<1x16xf32>,
    %swap3A_108 = arith.constant 2 : i32
    %swap3A_109 = arith.index_cast %swap3A_108 : i32 to index
    %swap3A_110 = arith.constant 32 : index
    %swap3A_111 = tpu.vector_load %arg9[%swap3A_109, %swap3A_110] {strides = array<i32>} : memref<8x128xf32, #tpu.memory_space<vmem>>, vector<1x16xf32>,
    %swap3A_112 = vector.shape_cast %swap3A_111 : vector<1x16xf32> to vector<16xf32>
    %swap3A_113 = vector.shape_cast %broadcast_in_dim3A_0 : vector<16xf32> to vector<1x16xf32>
    tpu.vector_store %arg9[%swap3A_109, %swap3A_110], %swap3A_113 {strides = array<i32>} : memref<8x128xf32, #tpu.memory_space<vmem>>, vector<1x16xf32>,
    %swap3A_114 = arith.constant 2 : i32
    %swap3A_115 = arith.index_cast %swap3A_114 : i32 to index
    %swap3A_116 = arith.constant 48 : index
    %swap3A_117 = tpu.vector_load %arg9[%swap3A_115, %swap3A_116] {strides = array<i32>} : memref<8x128xf32, #tpu.memory_space<vmem>>, vector<1x16xf32>,
    %swap3A_118 = vector.shape_cast %swap3A_117 : vector<1x16xf32> to vector<16xf32>
    %swap3A_119 = vector.shape_cast %broadcast_in_dim3A_0 : vector<16xf32> to vector<1x16xf32>
    tpu.vector_store %arg9[%swap3A_115, %swap3A_116], %swap3A_119 {strides = array<i32>} : memref<8x128xf32, #tpu.memory_space<vmem>>, vector<1x16xf32>,
    %swap3A_120 = arith.constant 2 : i32
    %swap3A_121 = arith.index_cast %swap3A_120 : i32 to index
    %swap3A_122 = arith.constant 64 : index
    %swap3A_123 = tpu.vector_load %arg9[%swap3A_121, %swap3A_122] {strides = array<i32>} : memref<8x128xf32, #tpu.memory_space<vmem>>, vector<1x16xf32>,
    %swap3A_124 = vector.shape_cast %swap3A_123 : vector<1x16xf32> to vector<16xf32>
    %swap3A_125 = vector.shape_cast %broadcast_in_dim3A_0 : vector<16xf32> to vector<1x16xf32>
    tpu.vector_store %arg9[%swap3A_121, %swap3A_122], %swap3A_125 {strides = array<i32>} : memref<8x128xf32, #tpu.memory_space<vmem>>, vector<1x16xf32>,
    %swap3A_126 = arith.constant 2 : i32
    %swap3A_127 = arith.index_cast %swap3A_126 : i32 to index
    %swap3A_128 = arith.constant 80 : index
    %swap3A_129 = tpu.vector_load %arg9[%swap3A_127, %swap3A_128] {strides = array<i32>} : memref<8x128xf32, #tpu.memory_space<vmem>>, vector<1x16xf32>,
    %swap3A_130 = vector.shape_cast %swap3A_129 : vector<1x16xf32> to vector<16xf32>
    %swap3A_131 = vector.shape_cast %broadcast_in_dim3A_0 : vector<16xf32> to vector<1x16xf32>
    tpu.vector_store %arg9[%swap3A_127, %swap3A_128], %swap3A_131 {strides = array<i32>} : memref<8x128xf32, #tpu.memory_space<vmem>>, vector<1x16xf32>,
    %swap3A_132 = arith.constant 2 : i32
    %swap3A_133 = arith.index_cast %swap3A_132 : i32 to index
    %swap3A_134 = arith.constant 96 : index
    %swap3A_135 = tpu.vector_load %arg9[%swap3A_133, %swap3A_134] {strides = array<i32>} : memref<8x128xf32, #tpu.memory_space<vmem>>, vector<1x16xf32>,
    %swap3A_136 = vector.shape_cast %swap3A_135 : vector<1x16xf32> to vector<16xf32>
    %swap3A_137 = vector.shape_cast %broadcast_in_dim3A_0 : vector<16xf32> to vector<1x16xf32>
    tpu.vector_store %arg9[%swap3A_133, %swap3A_134], %swap3A_137 {strides = array<i32>} : memref<8x128xf32, #tpu.memory_space<vmem>>, vector<1x16xf32>,
    %swap3A_138 = arith.constant 2 : i32
    %swap3A_139 = arith.index_cast %swap3A_138 : i32 to index
    %swap3A_140 = arith.constant 112 : index
    %swap3A_141 = tpu.vector_load %arg9[%swap3A_139, %swap3A_140] {strides = array<i32>} : memref<8x128xf32, #tpu.memory_space<vmem>>, vector<1x16xf32>,
    %swap3A_142 = vector.shape_cast %swap3A_141 : vector<1x16xf32> to vector<16xf32>
    %swap3A_143 = vector.shape_cast %broadcast_in_dim3A_0 : vector<16xf32> to vector<1x16xf32>
    tpu.vector_store %arg9[%swap3A_139, %swap3A_140], %swap3A_143 {strides = array<i32>} : memref<8x128xf32, #tpu.memory_space<vmem>>, vector<1x16xf32>,
    %swap3A_144 = arith.constant 3 : i32
    %swap3A_145 = arith.index_cast %swap3A_144 : i32 to index
    %swap3A_146 = arith.constant 0 : index
    %swap3A_147 = tpu.vector_load %arg9[%swap3A_145, %swap3A_146] {strides = array<i32>} : memref<8x128xf32, #tpu.memory_space<vmem>>, vector<1x16xf32>,
    %swap3A_148 = vector.shape_cast %swap3A_147 : vector<1x16xf32> to vector<16xf32>
    %swap3A_149 = vector.shape_cast %broadcast_in_dim3A_0 : vector<16xf32> to vector<1x16xf32>
    tpu.vector_store %arg9[%swap3A_145, %swap3A_146], %swap3A_149 {strides = array<i32>} : memref<8x128xf32, #tpu.memory_space<vmem>>, vector<1x16xf32>,
    %swap3A_150 = arith.constant 3 : i32
    %swap3A_151 = arith.index_cast %swap3A_150 : i32 to index
    %swap3A_152 = arith.constant 16 : index
    %swap3A_153 = tpu.vector_load %arg9[%swap3A_151, %swap3A_152] {strides = array<i32>} : memref<8x128xf32, #tpu.memory_space<vmem>>, vector<1x16xf32>,
    %swap3A_154 = vector.shape_cast %swap3A_153 : vector<1x16xf32> to vector<16xf32>
    %swap3A_155 = vector.shape_cast %broadcast_in_dim3A_0 : vector<16xf32> to vector<1x16xf32>
    tpu.vector_store %arg9[%swap3A_151, %swap3A_152], %swap3A_155 {strides = array<i32>} : memref<8x128xf32, #tpu.memory_space<vmem>>, vector<1x16xf32>,
    %swap3A_156 = arith.constant 3 : i32
    %swap3A_157 = arith.index_cast %swap3A_156 : i32 to index
    %swap3A_158 = arith.constant 32 : index
    %swap3A_159 = tpu.vector_load %arg9[%swap3A_157, %swap3A_158] {strides = array<i32>} : memref<8x128xf32, #tpu.memory_space<vmem>>, vector<1x16xf32>,
    %swap3A_160 = vector.shape_cast %swap3A_159 : vector<1x16xf32> to vector<16xf32>
    %swap3A_161 = vector.shape_cast %broadcast_in_dim3A_0 : vector<16xf32> to vector<1x16xf32>
    tpu.vector_store %arg9[%swap3A_157, %swap3A_158], %swap3A_161 {strides = array<i32>} : memref<8x128xf32, #tpu.memory_space<vmem>>, vector<1x16xf32>,
    %swap3A_162 = arith.constant 3 : i32
    %swap3A_163 = arith.index_cast %swap3A_162 : i32 to index
    %swap3A_164 = arith.constant 48 : index
    %swap3A_165 = tpu.vector_load %arg9[%swap3A_163, %swap3A_164] {strides = array<i32>} : memref<8x128xf32, #tpu.memory_space<vmem>>, vector<1x16xf32>,
    %swap3A_166 = vector.shape_cast %swap3A_165 : vector<1x16xf32> to vector<16xf32>
    %swap3A_167 = vector.shape_cast %broadcast_in_dim3A_0 : vector<16xf32> to vector<1x16xf32>
    tpu.vector_store %arg9[%swap3A_163, %swap3A_164], %swap3A_167 {strides = array<i32>} : memref<8x128xf32, #tpu.memory_space<vmem>>, vector<1x16xf32>,
    %swap3A_168 = arith.constant 3 : i32
    %swap3A_169 = arith.index_cast %swap3A_168 : i32 to index
    %swap3A_170 = arith.constant 64 : index
    %swap3A_171 = tpu.vector_load %arg9[%swap3A_169, %swap3A_170] {strides = array<i32>} : memref<8x128xf32, #tpu.memory_space<vmem>>, vector<1x16xf32>,
    %swap3A_172 = vector.shape_cast %swap3A_171 : vector<1x16xf32> to vector<16xf32>
    %swap3A_173 = vector.shape_cast %broadcast_in_dim3A_0 : vector<16xf32> to vector<1x16xf32>
    tpu.vector_store %arg9[%swap3A_169, %swap3A_170], %swap3A_173 {strides = array<i32>} : memref<8x128xf32, #tpu.memory_space<vmem>>, vector<1x16xf32>,
    %swap3A_174 = arith.constant 3 : i32
    %swap3A_175 = arith.index_cast %swap3A_174 : i32 to index
    %swap3A_176 = arith.constant 80 : index
    %swap3A_177 = tpu.vector_load %arg9[%swap3A_175, %swap3A_176] {strides = array<i32>} : memref<8x128xf32, #tpu.memory_space<vmem>>, vector<1x16xf32>,
    %swap3A_178 = vector.shape_cast %swap3A_177 : vector<1x16xf32> to vector<16xf32>
    %swap3A_179 = vector.shape_cast %broadcast_in_dim3A_0 : vector<16xf32> to vector<1x16xf32>
    tpu.vector_store %arg9[%swap3A_175, %swap3A_176], %swap3A_179 {strides = array<i32>} : memref<8x128xf32, #tpu.memory_space<vmem>>, vector<1x16xf32>,
    %swap3A_180 = arith.constant 3 : i32
    %swap3A_181 = arith.index_cast %swap3A_180 : i32 to index
    %swap3A_182 = arith.constant 96 : index
    %swap3A_183 = tpu.vector_load %arg9[%swap3A_181, %swap3A_182] {strides = array<i32>} : memref<8x128xf32, #tpu.memory_space<vmem>>, vector<1x16xf32>,
    %swap3A_184 = vector.shape_cast %swap3A_183 : vector<1x16xf32> to vector<16xf32>
    %swap3A_185 = vector.shape_cast %broadcast_in_dim3A_0 : vector<16xf32> to vector<1x16xf32>
    tpu.vector_store %arg9[%swap3A_181, %swap3A_182], %swap3A_185 {strides = array<i32>} : memref<8x128xf32, #tpu.memory_space<vmem>>, vector<1x16xf32>,
    %swap3A_186 = arith.constant 3 : i32
    %swap3A_187 = arith.index_cast %swap3A_186 : i32 to index
    %swap3A_188 = arith.constant 112 : index
    %swap3A_189 = tpu.vector_load %arg9[%swap3A_187, %swap3A_188] {strides = array<i32>} : memref<8x128xf32, #tpu.memory_space<vmem>>, vector<1x16xf32>,
    %swap3A_190 = vector.shape_cast %swap3A_189 : vector<1x16xf32> to vector<16xf32>
    %swap3A_191 = vector.shape_cast %broadcast_in_dim3A_0 : vector<16xf32> to vector<1x16xf32>
    tpu.vector_store %arg9[%swap3A_187, %swap3A_188], %swap3A_191 {strides = array<i32>} : memref<8x128xf32, #tpu.memory_space<vmem>>, vector<1x16xf32>,
    %swap3A_192 = arith.constant 4 : i32
    %swap3A_193 = arith.index_cast %swap3A_192 : i32 to index
    %swap3A_194 = arith.constant 0 : index
    %swap3A_195 = tpu.vector_load %arg9[%swap3A_193, %swap3A_194] {strides = array<i32>} : memref<8x128xf32, #tpu.memory_space<vmem>>, vector<1x16xf32>,
    %swap3A_196 = vector.shape_cast %swap3A_195 : vector<1x16xf32> to vector<16xf32>
    %swap3A_197 = vector.shape_cast %broadcast_in_dim3A_0 : vector<16xf32> to vector<1x16xf32>
    tpu.vector_store %arg9[%swap3A_193, %swap3A_194], %swap3A_197 {strides = array<i32>} : memref<8x128xf32, #tpu.memory_space<vmem>>, vector<1x16xf32>,
    %swap3A_198 = arith.constant 4 : i32
    %swap3A_199 = arith.index_cast %swap3A_198 : i32 to index
    %swap3A_200 = arith.constant 16 : index
    %swap3A_201 = tpu.vector_load %arg9[%swap3A_199, %swap3A_200] {strides = array<i32>} : memref<8x128xf32, #tpu.memory_space<vmem>>, vector<1x16xf32>,
    %swap3A_202 = vector.shape_cast %swap3A_201 : vector<1x16xf32> to vector<16xf32>
    %swap3A_203 = vector.shape_cast %broadcast_in_dim3A_0 : vector<16xf32> to vector<1x16xf32>
    tpu.vector_store %arg9[%swap3A_199, %swap3A_200], %swap3A_203 {strides = array<i32>} : memref<8x128xf32, #tpu.memory_space<vmem>>, vector<1x16xf32>,
    %swap3A_204 = arith.constant 4 : i32
    %swap3A_205 = arith.index_cast %swap3A_204 : i32 to index
    %swap3A_206 = arith.constant 32 : index
    %swap3A_207 = tpu.vector_load %arg9[%swap3A_205, %swap3A_206] {strides = array<i32>} : memref<8x128xf32, #tpu.memory_space<vmem>>, vector<1x16xf32>,
    %swap3A_208 = vector.shape_cast %swap3A_207 : vector<1x16xf32> to vector<16xf32>
    %swap3A_209 = vector.shape_cast %broadcast_in_dim3A_0 : vector<16xf32> to vector<1x16xf32>
    tpu.vector_store %arg9[%swap3A_205, %swap3A_206], %swap3A_209 {strides = array<i32>} : memref<8x128xf32, #tpu.memory_space<vmem>>, vector<1x16xf32>,
    %swap3A_210 = arith.constant 4 : i32
    %swap3A_211 = arith.index_cast %swap3A_210 : i32 to index
    %swap3A_212 = arith.constant 48 : index
    %swap3A_213 = tpu.vector_load %arg9[%swap3A_211, %swap3A_212] {strides = array<i32>} : memref<8x128xf32, #tpu.memory_space<vmem>>, vector<1x16xf32>,
    %swap3A_214 = vector.shape_cast %swap3A_213 : vector<1x16xf32> to vector<16xf32>
    %swap3A_215 = vector.shape_cast %broadcast_in_dim3A_0 : vector<16xf32> to vector<1x16xf32>
    tpu.vector_store %arg9[%swap3A_211, %swap3A_212], %swap3A_215 {strides = array<i32>} : memref<8x128xf32, #tpu.memory_space<vmem>>, vector<1x16xf32>,
    %swap3A_216 = arith.constant 4 : i32
    %swap3A_217 = arith.index_cast %swap3A_216 : i32 to index
    %swap3A_218 = arith.constant 64 : index
    %swap3A_219 = tpu.vector_load %arg9[%swap3A_217, %swap3A_218] {strides = array<i32>} : memref<8x128xf32, #tpu.memory_space<vmem>>, vector<1x16xf32>,
    %swap3A_220 = vector.shape_cast %swap3A_219 : vector<1x16xf32> to vector<16xf32>
    %swap3A_221 = vector.shape_cast %broadcast_in_dim3A_0 : vector<16xf32> to vector<1x16xf32>
    tpu.vector_store %arg9[%swap3A_217, %swap3A_218], %swap3A_221 {strides = array<i32>} : memref<8x128xf32, #tpu.memory_space<vmem>>, vector<1x16xf32>,
    %swap3A_222 = arith.constant 4 : i32
    %swap3A_223 = arith.index_cast %swap3A_222 : i32 to index
    %swap3A_224 = arith.constant 80 : index
    %swap3A_225 = tpu.vector_load %arg9[%swap3A_223, %swap3A_224] {strides = array<i32>} : memref<8x128xf32, #tpu.memory_space<vmem>>, vector<1x16xf32>,
    %swap3A_226 = vector.shape_cast %swap3A_225 : vector<1x16xf32> to vector<16xf32>
    %swap3A_227 = vector.shape_cast %broadcast_in_dim3A_0 : vector<16xf32> to vector<1x16xf32>
    tpu.vector_store %arg9[%swap3A_223, %swap3A_224], %swap3A_227 {strides = array<i32>} : memref<8x128xf32, #tpu.memory_space<vmem>>, vector<1x16xf32>,
    %swap3A_228 = arith.constant 4 : i32
    %swap3A_229 = arith.index_cast %swap3A_228 : i32 to index
    %swap3A_230 = arith.constant 96 : index
    %swap3A_231 = tpu.vector_load %arg9[%swap3A_229, %swap3A_230] {strides = array<i32>} : memref<8x128xf32, #tpu.memory_space<vmem>>, vector<1x16xf32>,
    %swap3A_232 = vector.shape_cast %swap3A_231 : vector<1x16xf32> to vector<16xf32>
    %swap3A_233 = vector.shape_cast %broadcast_in_dim3A_0 : vector<16xf32> to vector<1x16xf32>
    tpu.vector_store %arg9[%swap3A_229, %swap3A_230], %swap3A_233 {strides = array<i32>} : memref<8x128xf32, #tpu.memory_space<vmem>>, vector<1x16xf32>,
    %swap3A_234 = arith.constant 4 : i32
    %swap3A_235 = arith.index_cast %swap3A_234 : i32 to index
    %swap3A_236 = arith.constant 112 : index
    %swap3A_237 = tpu.vector_load %arg9[%swap3A_235, %swap3A_236] {strides = array<i32>} : memref<8x128xf32, #tpu.memory_space<vmem>>, vector<1x16xf32>,
    %swap3A_238 = vector.shape_cast %swap3A_237 : vector<1x16xf32> to vector<16xf32>
    %swap3A_239 = vector.shape_cast %broadcast_in_dim3A_0 : vector<16xf32> to vector<1x16xf32>
    tpu.vector_store %arg9[%swap3A_235, %swap3A_236], %swap3A_239 {strides = array<i32>} : memref<8x128xf32, #tpu.memory_space<vmem>>, vector<1x16xf32>,
    %swap3A_240 = arith.constant 5 : i32
    %swap3A_241 = arith.index_cast %swap3A_240 : i32 to index
    %swap3A_242 = arith.constant 0 : index
    %swap3A_243 = tpu.vector_load %arg9[%swap3A_241, %swap3A_242] {strides = array<i32>} : memref<8x128xf32, #tpu.memory_space<vmem>>, vector<1x16xf32>,
    %swap3A_244 = vector.shape_cast %swap3A_243 : vector<1x16xf32> to vector<16xf32>
    %swap3A_245 = vector.shape_cast %broadcast_in_dim3A_0 : vector<16xf32> to vector<1x16xf32>
    tpu.vector_store %arg9[%swap3A_241, %swap3A_242], %swap3A_245 {strides = array<i32>} : memref<8x128xf32, #tpu.memory_space<vmem>>, vector<1x16xf32>,
    %swap3A_246 = arith.constant 5 : i32
    %swap3A_247 = arith.index_cast %swap3A_246 : i32 to index
    %swap3A_248 = arith.constant 16 : index
    %swap3A_249 = tpu.vector_load %arg9[%swap3A_247, %swap3A_248] {strides = array<i32>} : memref<8x128xf32, #tpu.memory_space<vmem>>, vector<1x16xf32>,
    %swap3A_250 = vector.shape_cast %swap3A_249 : vector<1x16xf32> to vector<16xf32>
    %swap3A_251 = vector.shape_cast %broadcast_in_dim3A_0 : vector<16xf32> to vector<1x16xf32>
    tpu.vector_store %arg9[%swap3A_247, %swap3A_248], %swap3A_251 {strides = array<i32>} : memref<8x128xf32, #tpu.memory_space<vmem>>, vector<1x16xf32>,
    %swap3A_252 = arith.constant 5 : i32
    %swap3A_253 = arith.index_cast %swap3A_252 : i32 to index
    %swap3A_254 = arith.constant 32 : index
    %swap3A_255 = tpu.vector_load %arg9[%swap3A_253, %swap3A_254] {strides = array<i32>} : memref<8x128xf32, #tpu.memory_space<vmem>>, vector<1x16xf32>,
    %swap3A_256 = vector.shape_cast %swap3A_255 : vector<1x16xf32> to vector<16xf32>
    %swap3A_257 = vector.shape_cast %broadcast_in_dim3A_0 : vector<16xf32> to vector<1x16xf32>
    tpu.vector_store %arg9[%swap3A_253, %swap3A_254], %swap3A_257 {strides = array<i32>} : memref<8x128xf32, #tpu.memory_space<vmem>>, vector<1x16xf32>,
    %swap3A_258 = arith.constant 5 : i32
    %swap3A_259 = arith.index_cast %swap3A_258 : i32 to index
    %swap3A_260 = arith.constant 48 : index
    %swap3A_261 = tpu.vector_load %arg9[%swap3A_259, %swap3A_260] {strides = array<i32>} : memref<8x128xf32, #tpu.memory_space<vmem>>, vector<1x16xf32>,
    %swap3A_262 = vector.shape_cast %swap3A_261 : vector<1x16xf32> to vector<16xf32>
    %swap3A_263 = vector.shape_cast %broadcast_in_dim3A_0 : vector<16xf32> to vector<1x16xf32>
    tpu.vector_store %arg9[%swap3A_259, %swap3A_260], %swap3A_263 {strides = array<i32>} : memref<8x128xf32, #tpu.memory_space<vmem>>, vector<1x16xf32>,
    %swap3A_264 = arith.constant 5 : i32
    %swap3A_265 = arith.index_cast %swap3A_264 : i32 to index
    %swap3A_266 = arith.constant 64 : index
    %swap3A_267 = tpu.vector_load %arg9[%swap3A_265, %swap3A_266] {strides = array<i32>} : memref<8x128xf32, #tpu.memory_space<vmem>>, vector<1x16xf32>,
    %swap3A_268 = vector.shape_cast %swap3A_267 : vector<1x16xf32> to vector<16xf32>
    %swap3A_269 = vector.shape_cast %broadcast_in_dim3A_0 : vector<16xf32> to vector<1x16xf32>
    tpu.vector_store %arg9[%swap3A_265, %swap3A_266], %swap3A_269 {strides = array<i32>} : memref<8x128xf32, #tpu.memory_space<vmem>>, vector<1x16xf32>,
    %swap3A_270 = arith.constant 5 : i32
    %swap3A_271 = arith.index_cast %swap3A_270 : i32 to index
    %swap3A_272 = arith.constant 80 : index
    %swap3A_273 = tpu.vector_load %arg9[%swap3A_271, %swap3A_272] {strides = array<i32>} : memref<8x128xf32, #tpu.memory_space<vmem>>, vector<1x16xf32>,
    %swap3A_274 = vector.shape_cast %swap3A_273 : vector<1x16xf32> to vector<16xf32>
    %swap3A_275 = vector.shape_cast %broadcast_in_dim3A_0 : vector<16xf32> to vector<1x16xf32>
    tpu.vector_store %arg9[%swap3A_271, %swap3A_272], %swap3A_275 {strides = array<i32>} : memref<8x128xf32, #tpu.memory_space<vmem>>, vector<1x16xf32>,
    %swap3A_276 = arith.constant 5 : i32
    %swap3A_277 = arith.index_cast %swap3A_276 : i32 to index
    %swap3A_278 = arith.constant 96 : index
    %swap3A_279 = tpu.vector_load %arg9[%swap3A_277, %swap3A_278] {strides = array<i32>} : memref<8x128xf32, #tpu.memory_space<vmem>>, vector<1x16xf32>,
    %swap3A_280 = vector.shape_cast %swap3A_279 : vector<1x16xf32> to vector<16xf32>
    %swap3A_281 = vector.shape_cast %broadcast_in_dim3A_0 : vector<16xf32> to vector<1x16xf32>
    tpu.vector_store %arg9[%swap3A_277, %swap3A_278], %swap3A_281 {strides = array<i32>} : memref<8x128xf32, #tpu.memory_space<vmem>>, vector<1x16xf32>,
    %swap3A_282 = arith.constant 5 : i32
    %swap3A_283 = arith.index_cast %swap3A_282 : i32 to index
    %swap3A_284 = arith.constant 112 : index
    %swap3A_285 = tpu.vector_load %arg9[%swap3A_283, %swap3A_284] {strides = array<i32>} : memref<8x128xf32, #tpu.memory_space<vmem>>, vector<1x16xf32>,
    %swap3A_286 = vector.shape_cast %swap3A_285 : vector<1x16xf32> to vector<16xf32>
    %swap3A_287 = vector.shape_cast %broadcast_in_dim3A_0 : vector<16xf32> to vector<1x16xf32>
    tpu.vector_store %arg9[%swap3A_283, %swap3A_284], %swap3A_287 {strides = array<i32>} : memref<8x128xf32, #tpu.memory_space<vmem>>, vector<1x16xf32>,
    %swap3A_288 = arith.constant 6 : i32
    %swap3A_289 = arith.index_cast %swap3A_288 : i32 to index
    %swap3A_290 = arith.constant 0 : index
    %swap3A_291 = tpu.vector_load %arg9[%swap3A_289, %swap3A_290] {strides = array<i32>} : memref<8x128xf32, #tpu.memory_space<vmem>>, vector<1x16xf32>,
    %swap3A_292 = vector.shape_cast %swap3A_291 : vector<1x16xf32> to vector<16xf32>
    %swap3A_293 = vector.shape_cast %broadcast_in_dim3A_0 : vector<16xf32> to vector<1x16xf32>
    tpu.vector_store %arg9[%swap3A_289, %swap3A_290], %swap3A_293 {strides = array<i32>} : memref<8x128xf32, #tpu.memory_space<vmem>>, vector<1x16xf32>,
    %swap3A_294 = arith.constant 6 : i32
    %swap3A_295 = arith.index_cast %swap3A_294 : i32 to index
    %swap3A_296 = arith.constant 16 : index
    %swap3A_297 = tpu.vector_load %arg9[%swap3A_295, %swap3A_296] {strides = array<i32>} : memref<8x128xf32, #tpu.memory_space<vmem>>, vector<1x16xf32>,
    %swap3A_298 = vector.shape_cast %swap3A_297 : vector<1x16xf32> to vector<16xf32>
    %swap3A_299 = vector.shape_cast %broadcast_in_dim3A_0 : vector<16xf32> to vector<1x16xf32>
    tpu.vector_store %arg9[%swap3A_295, %swap3A_296], %swap3A_299 {strides = array<i32>} : memref<8x128xf32, #tpu.memory_space<vmem>>, vector<1x16xf32>,
    %swap3A_300 = arith.constant 6 : i32
    %swap3A_301 = arith.index_cast %swap3A_300 : i32 to index
    %swap3A_302 = arith.constant 32 : index
    %swap3A_303 = tpu.vector_load %arg9[%swap3A_301, %swap3A_302] {strides = array<i32>} : memref<8x128xf32, #tpu.memory_space<vmem>>, vector<1x16xf32>,
    %swap3A_304 = vector.shape_cast %swap3A_303 : vector<1x16xf32> to vector<16xf32>
    %swap3A_305 = vector.shape_cast %broadcast_in_dim3A_0 : vector<16xf32> to vector<1x16xf32>
    tpu.vector_store %arg9[%swap3A_301, %swap3A_302], %swap3A_305 {strides = array<i32>} : memref<8x128xf32, #tpu.memory_space<vmem>>, vector<1x16xf32>,
    %swap3A_306 = arith.constant 6 : i32
    %swap3A_307 = arith.index_cast %swap3A_306 : i32 to index
    %swap3A_308 = arith.constant 48 : index
    %swap3A_309 = tpu.vector_load %arg9[%swap3A_307, %swap3A_308] {strides = array<i32>} : memref<8x128xf32, #tpu.memory_space<vmem>>, vector<1x16xf32>,
    %swap3A_310 = vector.shape_cast %swap3A_309 : vector<1x16xf32> to vector<16xf32>
    %swap3A_311 = vector.shape_cast %broadcast_in_dim3A_0 : vector<16xf32> to vector<1x16xf32>
    tpu.vector_store %arg9[%swap3A_307, %swap3A_308], %swap3A_311 {strides = array<i32>} : memref<8x128xf32, #tpu.memory_space<vmem>>, vector<1x16xf32>,
    %swap3A_312 = arith.constant 6 : i32
    %swap3A_313 = arith.index_cast %swap3A_312 : i32 to index
    %swap3A_314 = arith.constant 64 : index
    %swap3A_315 = tpu.vector_load %arg9[%swap3A_313, %swap3A_314] {strides = array<i32>} : memref<8x128xf32, #tpu.memory_space<vmem>>, vector<1x16xf32>,
    %swap3A_316 = vector.shape_cast %swap3A_315 : vector<1x16xf32> to vector<16xf32>
    %swap3A_317 = vector.shape_cast %broadcast_in_dim3A_0 : vector<16xf32> to vector<1x16xf32>
    tpu.vector_store %arg9[%swap3A_313, %swap3A_314], %swap3A_317 {strides = array<i32>} : memref<8x128xf32, #tpu.memory_space<vmem>>, vector<1x16xf32>,
    %swap3A_318 = arith.constant 6 : i32
    %swap3A_319 = arith.index_cast %swap3A_318 : i32 to index
    %swap3A_320 = arith.constant 80 : index
    %swap3A_321 = tpu.vector_load %arg9[%swap3A_319, %swap3A_320] {strides = array<i32>} : memref<8x128xf32, #tpu.memory_space<vmem>>, vector<1x16xf32>,
    %swap3A_322 = vector.shape_cast %swap3A_321 : vector<1x16xf32> to vector<16xf32>
    %swap3A_323 = vector.shape_cast %broadcast_in_dim3A_0 : vector<16xf32> to vector<1x16xf32>
    tpu.vector_store %arg9[%swap3A_319, %swap3A_320], %swap3A_323 {strides = array<i32>} : memref<8x128xf32, #tpu.memory_space<vmem>>, vector<1x16xf32>,
    %swap3A_324 = arith.constant 6 : i32
    %swap3A_325 = arith.index_cast %swap3A_324 : i32 to index
    %swap3A_326 = arith.constant 96 : index
    %swap3A_327 = tpu.vector_load %arg9[%swap3A_325, %swap3A_326] {strides = array<i32>} : memref<8x128xf32, #tpu.memory_space<vmem>>, vector<1x16xf32>,
    %swap3A_328 = vector.shape_cast %swap3A_327 : vector<1x16xf32> to vector<16xf32>
    %swap3A_329 = vector.shape_cast %broadcast_in_dim3A_0 : vector<16xf32> to vector<1x16xf32>
    tpu.vector_store %arg9[%swap3A_325, %swap3A_326], %swap3A_329 {strides = array<i32>} : memref<8x128xf32, #tpu.memory_space<vmem>>, vector<1x16xf32>,
    %swap3A_330 = arith.constant 6 : i32
    %swap3A_331 = arith.index_cast %swap3A_330 : i32 to index
    %swap3A_332 = arith.constant 112 : index
    %swap3A_333 = tpu.vector_load %arg9[%swap3A_331, %swap3A_332] {strides = array<i32>} : memref<8x128xf32, #tpu.memory_space<vmem>>, vector<1x16xf32>,
    %swap3A_334 = vector.shape_cast %swap3A_333 : vector<1x16xf32> to vector<16xf32>
    %swap3A_335 = vector.shape_cast %broadcast_in_dim3A_0 : vector<16xf32> to vector<1x16xf32>
    tpu.vector_store %arg9[%swap3A_331, %swap3A_332], %swap3A_335 {strides = array<i32>} : memref<8x128xf32, #tpu.memory_space<vmem>>, vector<1x16xf32>,
    %swap3A_336 = arith.constant 7 : i32
    %swap3A_337 = arith.index_cast %swap3A_336 : i32 to index
    %swap3A_338 = arith.constant 0 : index
    %swap3A_339 = tpu.vector_load %arg9[%swap3A_337, %swap3A_338] {strides = array<i32>} : memref<8x128xf32, #tpu.memory_space<vmem>>, vector<1x16xf32>,
    %swap3A_340 = vector.shape_cast %swap3A_339 : vector<1x16xf32> to vector<16xf32>
    %swap3A_341 = vector.shape_cast %broadcast_in_dim3A_0 : vector<16xf32> to vector<1x16xf32>
    tpu.vector_store %arg9[%swap3A_337, %swap3A_338], %swap3A_341 {strides = array<i32>} : memref<8x128xf32, #tpu.memory_space<vmem>>, vector<1x16xf32>,
    %swap3A_342 = arith.constant 7 : i32
    %swap3A_343 = arith.index_cast %swap3A_342 : i32 to index
    %swap3A_344 = arith.constant 16 : index
    %swap3A_345 = tpu.vector_load %arg9[%swap3A_343, %swap3A_344] {strides = array<i32>} : memref<8x128xf32, #tpu.memory_space<vmem>>, vector<1x16xf32>,
    %swap3A_346 = vector.shape_cast %swap3A_345 : vector<1x16xf32> to vector<16xf32>
    %swap3A_347 = vector.shape_cast %broadcast_in_dim3A_0 : vector<16xf32> to vector<1x16xf32>
    tpu.vector_store %arg9[%swap3A_343, %swap3A_344], %swap3A_347 {strides = array<i32>} : memref<8x128xf32, #tpu.memory_space<vmem>>, vector<1x16xf32>,
    %swap3A_348 = arith.constant 7 : i32
    %swap3A_349 = arith.index_cast %swap3A_348 : i32 to index
    %swap3A_350 = arith.constant 32 : index
    %swap3A_351 = tpu.vector_load %arg9[%swap3A_349, %swap3A_350] {strides = array<i32>} : memref<8x128xf32, #tpu.memory_space<vmem>>, vector<1x16xf32>,
    %swap3A_352 = vector.shape_cast %swap3A_351 : vector<1x16xf32> to vector<16xf32>
    %swap3A_353 = vector.shape_cast %broadcast_in_dim3A_0 : vector<16xf32> to vector<1x16xf32>
    tpu.vector_store %arg9[%swap3A_349, %swap3A_350], %swap3A_353 {strides = array<i32>} : memref<8x128xf32, #tpu.memory_space<vmem>>, vector<1x16xf32>,
    %swap3A_354 = arith.constant 7 : i32
    %swap3A_355 = arith.index_cast %swap3A_354 : i32 to index
    %swap3A_356 = arith.constant 48 : index
    %swap3A_357 = tpu.vector_load %arg9[%swap3A_355, %swap3A_356] {strides = array<i32>} : memref<8x128xf32, #tpu.memory_space<vmem>>, vector<1x16xf32>,
    %swap3A_358 = vector.shape_cast %swap3A_357 : vector<1x16xf32> to vector<16xf32>
    %swap3A_359 = vector.shape_cast %broadcast_in_dim3A_0 : vector<16xf32> to vector<1x16xf32>
    tpu.vector_store %arg9[%swap3A_355, %swap3A_356], %swap3A_359 {strides = array<i32>} : memref<8x128xf32, #tpu.memory_space<vmem>>, vector<1x16xf32>,
    %swap3A_360 = arith.constant 7 : i32
    %swap3A_361 = arith.index_cast %swap3A_360 : i32 to index
    %swap3A_362 = arith.constant 64 : index
    %swap3A_363 = tpu.vector_load %arg9[%swap3A_361, %swap3A_362] {strides = array<i32>} : memref<8x128xf32, #tpu.memory_space<vmem>>, vector<1x16xf32>,
    %swap3A_364 = vector.shape_cast %swap3A_363 : vector<1x16xf32> to vector<16xf32>
    %swap3A_365 = vector.shape_cast %broadcast_in_dim3A_0 : vector<16xf32> to vector<1x16xf32>
    tpu.vector_store %arg9[%swap3A_361, %swap3A_362], %swap3A_365 {strides = array<i32>} : memref<8x128xf32, #tpu.memory_space<vmem>>, vector<1x16xf32>,
    %swap3A_366 = arith.constant 7 : i32
    %swap3A_367 = arith.index_cast %swap3A_366 : i32 to index
    %swap3A_368 = arith.constant 80 : index
    %swap3A_369 = tpu.vector_load %arg9[%swap3A_367, %swap3A_368] {strides = array<i32>} : memref<8x128xf32, #tpu.memory_space<vmem>>, vector<1x16xf32>,
    %swap3A_370 = vector.shape_cast %swap3A_369 : vector<1x16xf32> to vector<16xf32>
    %swap3A_371 = vector.shape_cast %broadcast_in_dim3A_0 : vector<16xf32> to vector<1x16xf32>
    tpu.vector_store %arg9[%swap3A_367, %swap3A_368], %swap3A_371 {strides = array<i32>} : memref<8x128xf32, #tpu.memory_space<vmem>>, vector<1x16xf32>,
    %swap3A_372 = arith.constant 7 : i32
    %swap3A_373 = arith.index_cast %swap3A_372 : i32 to index
    %swap3A_374 = arith.constant 96 : index
    %swap3A_375 = tpu.vector_load %arg9[%swap3A_373, %swap3A_374] {strides = array<i32>} : memref<8x128xf32, #tpu.memory_space<vmem>>, vector<1x16xf32>,
    %swap3A_376 = vector.shape_cast %swap3A_375 : vector<1x16xf32> to vector<16xf32>
    %swap3A_377 = vector.shape_cast %broadcast_in_dim3A_0 : vector<16xf32> to vector<1x16xf32>
    tpu.vector_store %arg9[%swap3A_373, %swap3A_374], %swap3A_377 {strides = array<i32>} : memref<8x128xf32, #tpu.memory_space<vmem>>, vector<1x16xf32>,
    %swap3A_378 = arith.constant 7 : i32
    %swap3A_379 = arith.index_cast %swap3A_378 : i32 to index
    %swap3A_380 = arith.constant 112 : index
    %swap3A_381 = tpu.vector_load %arg9[%swap3A_379, %swap3A_380] {strides = array<i32>} : memref<8x128xf32, #tpu.memory_space<vmem>>, vector<1x16xf32>,
    %swap3A_382 = vector.shape_cast %swap3A_381 : vector<1x16xf32> to vector<16xf32>
    %swap3A_383 = vector.shape_cast %broadcast_in_dim3A_0 : vector<16xf32> to vector<1x16xf32>
    tpu.vector_store %arg9[%swap3A_379, %swap3A_380], %swap3A_383 {strides = array<i32>} : memref<8x128xf32, #tpu.memory_space<vmem>>, vector<1x16xf32>,
    %scan3A = arith.constant 0 : i32
    %scan3A_384 = arith.constant 0 : i32
    %scan3A_385 = arith.constant 79 : i32
    %scan3A_386 = arith.addi %scan3A_384, %scan3A_385 : i32
    %scan3A_387 = arith.constant 1 : i32
    scf.for %scan3A_403 = %scan3A_384 to %scan3A_386 step %scan3A_387  : i32 {
      %mul3A_404 = arith.constant 632 : i32
      %mul3A_405 = arith.muli %arg1, %mul3A_404 : i32
      %mul3A_406 = arith.constant 8 : i32
      %mul3A_407 = arith.muli %scan3A_403, %mul3A_406 : i32
      %add3A_408 = arith.addi %mul3A_405, %mul3A_407 : i32
      "tpu.region"() ({
        %run_scoped3A = tpu.sem_alloc : memref<!tpu.dma_semaphore, #tpu.memory_space<semaphore_mem>>
        %dma_start3A = arith.constant 0 : i32
        %dma_start3A_409 = tpu.memref_slice %arg10[%add3A_408, %dma_start3A] : memref<10112x128xf32, #tpu.memory_space<vmem_shared>> -> memref<8x128xf32, #tpu.memory_space<vmem_shared>>
        %dma_start3A_410 = arith.constant 0 : i32
        %dma_start3A_411 = tpu.memref_slice %arg10[%add3A_408, %dma_start3A_410] : memref<10112x128xf32, #tpu.memory_space<vmem_shared>> -> memref<8x128xf32, #tpu.memory_space<vmem_shared>>
        tpu.enqueue_dma source(%arg9 : memref<8x128xf32, #tpu.memory_space<vmem>>) target(%dma_start3A_411 : memref<8x128xf32, #tpu.memory_space<vmem_shared>>) target_semaphore(%run_scoped3A : memref<!tpu.dma_semaphore, #tpu.memory_space<semaphore_mem>>)
        %dma_wait3A = arith.constant 0 : i32
        %dma_wait3A_412 = tpu.memref_slice %arg10[%add3A_408, %dma_wait3A] : memref<10112x128xf32, #tpu.memory_space<vmem_shared>> -> memref<8x128xf32, #tpu.memory_space<vmem_shared>>
        %dma_wait3A_413 = arith.constant 0 : i32
        %dma_wait3A_414 = tpu.memref_slice %arg10[%add3A_408, %dma_wait3A_413] : memref<10112x128xf32, #tpu.memory_space<vmem_shared>> -> memref<8x128xf32, #tpu.memory_space<vmem_shared>>
        tpu.wait_dma2 semaphore(%run_scoped3A : memref<!tpu.dma_semaphore, #tpu.memory_space<semaphore_mem>>) src(%arg9 : memref<8x128xf32, #tpu.memory_space<vmem>>) dst(%dma_wait3A_414 : memref<8x128xf32, #tpu.memory_space<vmem_shared>>)
        tpu.yield
      }) : () -> ()
    }
    %scan3A_388 = arith.constant 79 : i32
    %barrier3A = arith.constant 0 : index
    tpu.barrier barrier_id(%barrier3A)
    %mul3A = arith.constant 321536 : i32
    %mul3A_389 = arith.muli %arg0, %mul3A : i32
    %mul3A_390 = arith.constant 20096 : i32
    %mul3A_391 = arith.muli %arg1, %mul3A_390 : i32
    %add3A = arith.addi %mul3A_389, %mul3A_391 : i32
    %scan3A_392 = arith.constant 0 : i32
    %scan3A_393 = arith.constant 0 : i32
    %scan3A_394 = arith.constant 157 : i32
    %scan3A_395 = arith.addi %scan3A_393, %scan3A_394 : i32
    %scan3A_396 = arith.constant 1 : i32
    scf.for %scan3A_403 = %scan3A_393 to %scan3A_395 step %scan3A_396  : i32 {
      %mul3A_404 = arith.constant 128 : i32
      %mul3A_405 = arith.muli %scan3A_403, %mul3A_404 : i32
      %add3A_406 = arith.addi %add3A, %mul3A_405 : i32
      "tpu.region"() ({
        %run_scoped3A_412 = tpu.sem_alloc : memref<!tpu.dma_semaphore, #tpu.memory_space<semaphore_mem>>
        %dma_start3A_413 = tpu.memref_slice %arg3[%add3A_406] : memref<643072xi32, #tpu.memory_space<hbm>> -> memref<128xi32, #tpu.memory_space<hbm>>
        %dma_start3A_414 = tpu.memref_slice %arg3[%add3A_406] : memref<643072xi32, #tpu.memory_space<hbm>> -> memref<128xi32, #tpu.memory_space<hbm>>
        tpu.enqueue_dma source(%dma_start3A_414 : memref<128xi32, #tpu.memory_space<hbm>>) target(%arg6 : memref<128xi32, #tpu.memory_space<vmem>>) target_semaphore(%run_scoped3A_412 : memref<!tpu.dma_semaphore, #tpu.memory_space<semaphore_mem>>)
        %dma_wait3A_415 = tpu.memref_slice %arg3[%add3A_406] : memref<643072xi32, #tpu.memory_space<hbm>> -> memref<128xi32, #tpu.memory_space<hbm>>
        %dma_wait3A_416 = tpu.memref_slice %arg3[%add3A_406] : memref<643072xi32, #tpu.memory_space<hbm>> -> memref<128xi32, #tpu.memory_space<hbm>>
        tpu.wait_dma2 semaphore(%run_scoped3A_412 : memref<!tpu.dma_semaphore, #tpu.memory_space<semaphore_mem>>) src(%dma_wait3A_416 : memref<128xi32, #tpu.memory_space<hbm>>) dst(%arg6 : memref<128xi32, #tpu.memory_space<vmem>>)
        tpu.yield
      }) : () -> ()
      %run_scoped3A = arith.constant 0 : i32
      "tpu.region"() ({
        %run_scoped3A_412 = tpu.sem_alloc : memref<!tpu.dma_semaphore, #tpu.memory_space<semaphore_mem>>
        %dma_start3A_413 = arith.constant 0 : i32
        %dma_start3A_414 = tpu.memref_slice %arg7[%run_scoped3A, %dma_start3A_413] : memref<1x128xi32, #tpu.memory_space<vmem>> -> memref<1x128xi32, #tpu.memory_space<vmem>>
        %dma_start3A_415 = tpu.memref_squeeze %dma_start3A_414 : memref<1x128xi32, #tpu.memory_space<vmem>> -> memref<128xi32, #tpu.memory_space<vmem>>
        %dma_start3A_416 = tpu.memref_slice %arg4[%add3A_406] : memref<643072xi32, #tpu.memory_space<hbm>> -> memref<128xi32, #tpu.memory_space<hbm>>
        %dma_start3A_417 = arith.constant 0 : i32
        %dma_start3A_418 = tpu.memref_slice %arg7[%run_scoped3A, %dma_start3A_417] : memref<1x128xi32, #tpu.memory_space<vmem>> -> memref<1x128xi32, #tpu.memory_space<vmem>>
        %dma_start3A_419 = tpu.memref_squeeze %dma_start3A_418 : memref<1x128xi32, #tpu.memory_space<vmem>> -> memref<128xi32, #tpu.memory_space<vmem>>
        %dma_start3A_420 = tpu.memref_slice %arg4[%add3A_406] : memref<643072xi32, #tpu.memory_space<hbm>> -> memref<128xi32, #tpu.memory_space<hbm>>
        tpu.enqueue_dma source(%dma_start3A_420 : memref<128xi32, #tpu.memory_space<hbm>>) target(%dma_start3A_419 : memref<128xi32, #tpu.memory_space<vmem>>) target_semaphore(%run_scoped3A_412 : memref<!tpu.dma_semaphore, #tpu.memory_space<semaphore_mem>>)
        %dma_wait3A_421 = arith.constant 0 : i32
        %dma_wait3A_422 = tpu.memref_slice %arg7[%run_scoped3A, %dma_wait3A_421] : memref<1x128xi32, #tpu.memory_space<vmem>> -> memref<1x128xi32, #tpu.memory_space<vmem>>
        %dma_wait3A_423 = tpu.memref_squeeze %dma_wait3A_422 : memref<1x128xi32, #tpu.memory_space<vmem>> -> memref<128xi32, #tpu.memory_space<vmem>>
        %dma_wait3A_424 = tpu.memref_slice %arg4[%add3A_406] : memref<643072xi32, #tpu.memory_space<hbm>> -> memref<128xi32, #tpu.memory_space<hbm>>
        %dma_wait3A_425 = arith.constant 0 : i32
        %dma_wait3A_426 = tpu.memref_slice %arg7[%run_scoped3A, %dma_wait3A_425] : memref<1x128xi32, #tpu.memory_space<vmem>> -> memref<1x128xi32, #tpu.memory_space<vmem>>
        %dma_wait3A_427 = tpu.memref_squeeze %dma_wait3A_426 : memref<1x128xi32, #tpu.memory_space<vmem>> -> memref<128xi32, #tpu.memory_space<vmem>>
        %dma_wait3A_428 = tpu.memref_slice %arg4[%add3A_406] : memref<643072xi32, #tpu.memory_space<hbm>> -> memref<128xi32, #tpu.memory_space<hbm>>
        tpu.wait_dma2 semaphore(%run_scoped3A_412 : memref<!tpu.dma_semaphore, #tpu.memory_space<semaphore_mem>>) src(%dma_wait3A_428 : memref<128xi32, #tpu.memory_space<hbm>>) dst(%dma_wait3A_427 : memref<128xi32, #tpu.memory_space<vmem>>)
        tpu.yield
      }) : () -> ()
      %dma_start3A = arith.constant 0 : i32
      %dma_start3A_407 = arith.constant 0 : i32
      %dma_start3A_408 = tpu.memref_slice %arg2[%dma_start3A, %dma_start3A_407] : memref<80000x128xf32, #tpu.memory_space<hbm>> -> memref<80000x128xf32, #tpu.memory_space<hbm>>
      tpu.enqueue_indirect_dma source(%dma_start3A_408 : memref<80000x128xf32, #tpu.memory_space<hbm>>) target(%arg8 : memref<128x128xf32, #tpu.memory_space<vmem>>) offsets(%arg6 : memref<128xi32, #tpu.memory_space<vmem>>) semaphore(%arg11 : memref<!tpu.dma_semaphore, #tpu.memory_space<semaphore_mem>>)
      %dma_wait3A = arith.constant 0 : i32
      %dma_wait3A_409 = arith.constant 0 : i32
      %dma_wait3A_410 = tpu.memref_slice %arg2[%dma_wait3A, %dma_wait3A_409] : memref<80000x128xf32, #tpu.memory_space<hbm>> -> memref<80000x128xf32, #tpu.memory_space<hbm>>
      tpu.wait_indirect_dma semaphore(%arg11 : memref<!tpu.dma_semaphore, #tpu.memory_space<semaphore_mem>>) src(%dma_wait3A_410 : memref<80000x128xf32, #tpu.memory_space<hbm>>) dst(%arg8 : memref<128x128xf32, #tpu.memory_space<vmem>>)
      %run_scoped3A_411 = arith.constant 0 : i32
      "tpu.region"() ({
        %run_scoped3A_412 = tpu.sem_alloc : memref<!tpu.dma_semaphore, #tpu.memory_space<semaphore_mem>>
        %dma_start3A_413 = arith.constant 0 : i32
        %dma_start3A_414 = tpu.memref_slice %arg7[%run_scoped3A_411, %dma_start3A_413] : memref<1x128xi32, #tpu.memory_space<vmem>> -> memref<1x128xi32, #tpu.memory_space<vmem>>
        %dma_start3A_415 = tpu.memref_squeeze %dma_start3A_414 : memref<1x128xi32, #tpu.memory_space<vmem>> -> memref<128xi32, #tpu.memory_space<vmem>>
        %dma_start3A_416 = arith.constant 0 : i32
        %dma_start3A_417 = arith.constant 0 : i32
        %dma_start3A_418 = tpu.memref_slice %arg10[%dma_start3A_416, %dma_start3A_417] : memref<10112x128xf32, #tpu.memory_space<vmem_shared>> -> memref<10112x128xf32, #tpu.memory_space<vmem_shared>>
        tpu.enqueue_indirect_dma source(%arg8 : memref<128x128xf32, #tpu.memory_space<vmem>>) target(%dma_start3A_418 : memref<10112x128xf32, #tpu.memory_space<vmem_shared>>) offsets(%dma_start3A_415 : memref<128xi32, #tpu.memory_space<vmem>>) semaphore(%run_scoped3A_412 : memref<!tpu.dma_semaphore, #tpu.memory_space<semaphore_mem>>) {add = true}
        %dma_wait3A_419 = arith.constant 0 : i32
        %dma_wait3A_420 = tpu.memref_slice %arg7[%run_scoped3A_411, %dma_wait3A_419] : memref<1x128xi32, #tpu.memory_space<vmem>> -> memref<1x128xi32, #tpu.memory_space<vmem>>
        %dma_wait3A_421 = tpu.memref_squeeze %dma_wait3A_420 : memref<1x128xi32, #tpu.memory_space<vmem>> -> memref<128xi32, #tpu.memory_space<vmem>>
        %dma_wait3A_422 = arith.constant 0 : i32
        %dma_wait3A_423 = arith.constant 0 : i32
        %dma_wait3A_424 = tpu.memref_slice %arg10[%dma_wait3A_422, %dma_wait3A_423] : memref<10112x128xf32, #tpu.memory_space<vmem_shared>> -> memref<10112x128xf32, #tpu.memory_space<vmem_shared>>
        tpu.wait_indirect_dma semaphore(%run_scoped3A_412 : memref<!tpu.dma_semaphore, #tpu.memory_space<semaphore_mem>>) src(%arg8 : memref<128x128xf32, #tpu.memory_space<vmem>>) dst(%dma_wait3A_424 : memref<10112x128xf32, #tpu.memory_space<vmem_shared>>)
        tpu.yield
      }) : () -> ()
    }
    %scan3A_397 = arith.constant 157 : i32
    %barrier3A_398 = arith.constant 0 : index
    tpu.barrier barrier_id(%barrier3A_398)
    %mul3A_399 = arith.constant 632 : i32
    %mul3A_400 = arith.muli %arg1, %mul3A_399 : i32
    %mul3A_401 = arith.constant 632 : i32
    %mul3A_402 = arith.muli %arg1, %mul3A_401 : i32
    "tpu.region"() ({
      %run_scoped3A = tpu.sem_alloc : memref<!tpu.dma_semaphore, #tpu.memory_space<semaphore_mem>>
      %dma_start3A = arith.constant 0 : i32
      %dma_start3A_403 = tpu.memref_slice %arg5[%arg0, %mul3A_402, %dma_start3A] : memref<2x10112x128xf32, #tpu.memory_space<hbm>> -> memref<1x632x128xf32, #tpu.memory_space<hbm>>
      %dma_start3A_404 = tpu.memref_squeeze %dma_start3A_403 : memref<1x632x128xf32, #tpu.memory_space<hbm>> -> memref<632x128xf32, #tpu.memory_space<hbm>>
      %dma_start3A_405 = arith.constant 0 : i32
      %dma_start3A_406 = tpu.memref_slice %arg10[%mul3A_400, %dma_start3A_405] : memref<10112x128xf32, #tpu.memory_space<vmem_shared>> -> memref<632x128xf32, #tpu.memory_space<vmem_shared>>
      tpu.enqueue_dma source(%dma_start3A_406 : memref<632x128xf32, #tpu.memory_space<vmem_shared>>) target(%dma_start3A_404 : memref<632x128xf32, #tpu.memory_space<hbm>>) target_semaphore(%run_scoped3A : memref<!tpu.dma_semaphore, #tpu.memory_space<semaphore_mem>>)
      %dma_wait3A = arith.constant 0 : i32
      %dma_wait3A_407 = tpu.memref_slice %arg5[%arg0, %mul3A_402, %dma_wait3A] : memref<2x10112x128xf32, #tpu.memory_space<hbm>> -> memref<1x632x128xf32, #tpu.memory_space<hbm>>
      %dma_wait3A_408 = tpu.memref_squeeze %dma_wait3A_407 : memref<1x632x128xf32, #tpu.memory_space<hbm>> -> memref<632x128xf32, #tpu.memory_space<hbm>>
      %dma_wait3A_409 = arith.constant 0 : i32
      %dma_wait3A_410 = tpu.memref_slice %arg10[%mul3A_400, %dma_wait3A_409] : memref<10112x128xf32, #tpu.memory_space<vmem_shared>> -> memref<632x128xf32, #tpu.memory_space<vmem_shared>>
      tpu.wait_dma2 semaphore(%run_scoped3A : memref<!tpu.dma_semaphore, #tpu.memory_space<semaphore_mem>>) src(%dma_wait3A_410 : memref<632x128xf32, #tpu.memory_space<vmem_shared>>) dst(%dma_wait3A_408 : memref<632x128xf32, #tpu.memory_space<hbm>>)
      tpu.yield
    }) : () -> ()
    return
  }
}

#map = affine_map<(d0, d1) -> (0, 0)>
#map1 = affine_map<(d0, d1) -> (0)>
#map2 = affine_map<(d0, d1) -> (0, 0, 0)>
module attributes {stable_mosaic.version = 14 : i64} {
  func.func @prop(%arg0: i32, %arg1: i32, %arg2: memref<80000x128xf32, #tpu.memory_space<hbm>>, %arg3: memref<643072xi32, #tpu.memory_space<hbm>>, %arg4: memref<643072xi32, #tpu.memory_space<hbm>>, %arg5: memref<2x10112x128xf32, #tpu.memory_space<hbm>>, %arg6: memref<128xi32, #tpu.memory_space<vmem>>, %arg7: memref<1x128xi32, #tpu.memory_space<vmem>>, %arg8: memref<128x128xf32, #tpu.memory_space<vmem>>, %arg9: memref<8x128xf32, #tpu.memory_space<vmem>>, %arg10: memref<10112x128xf32, #tpu.memory_space<vmem_shared>>, %arg11: memref<!tpu.dma_semaphore, #tpu.memory_space<semaphore_mem>>) attributes {dimension_semantics = [#tpu.dimension_semantics<core_parallel>, #tpu.dimension_semantics<subcore_parallel>], iteration_bounds = array<i64: 2, 16>, scalar_prefetch = 0 : i64, scratch_operands = 6 : i64, tpu.core_type = #tpu.core_type<sc_vector_subcore>, window_params = [{transform_indices = #map}, {transform_indices = #map1}, {transform_indices = #map1}, {transform_indices = #map2}]} {
    %broadcast_in_dim3A = arith.constant 0.000000e+00 : f32
    %broadcast_in_dim3A_0 = vector.broadcast %broadcast_in_dim3A : f32 to vector<16xf32>
    %swap3A = arith.constant 0 : i32
    %swap3A_1 = arith.index_cast %swap3A : i32 to index
    %swap3A_2 = arith.constant 0 : index
    %swap3A_3 = tpu.vector_load %arg9[%swap3A_1, %swap3A_2] {strides = array<i32>} : memref<8x128xf32, #tpu.memory_space<vmem>>, vector<1x16xf32>,
    %swap3A_4 = vector.shape_cast %swap3A_3 : vector<1x16xf32> to vector<16xf32>
    %swap3A_5 = vector.shape_cast %broadcast_in_dim3A_0 : vector<16xf32> to vector<1x16xf32>
    tpu.vector_store %arg9[%swap3A_1, %swap3A_2], %swap3A_5 {strides = array<i32>} : memref<8x128xf32, #tpu.memory_space<vmem>>, vector<1x16xf32>,
    %swap3A_6 = arith.constant 0 : i32
    %swap3A_7 = arith.index_cast %swap3A_6 : i32 to index
    %swap3A_8 = arith.constant 16 : index
    %swap3A_9 = tpu.vector_load %arg9[%swap3A_7, %swap3A_8] {strides = array<i32>} : memref<8x128xf32, #tpu.memory_space<vmem>>, vector<1x16xf32>,
    %swap3A_10 = vector.shape_cast %swap3A_9 : vector<1x16xf32> to vector<16xf32>
    %swap3A_11 = vector.shape_cast %broadcast_in_dim3A_0 : vector<16xf32> to vector<1x16xf32>
    tpu.vector_store %arg9[%swap3A_7, %swap3A_8], %swap3A_11 {strides = array<i32>} : memref<8x128xf32, #tpu.memory_space<vmem>>, vector<1x16xf32>,
    %swap3A_12 = arith.constant 0 : i32
    %swap3A_13 = arith.index_cast %swap3A_12 : i32 to index
    %swap3A_14 = arith.constant 32 : index
    %swap3A_15 = tpu.vector_load %arg9[%swap3A_13, %swap3A_14] {strides = array<i32>} : memref<8x128xf32, #tpu.memory_space<vmem>>, vector<1x16xf32>,
    %swap3A_16 = vector.shape_cast %swap3A_15 : vector<1x16xf32> to vector<16xf32>
    %swap3A_17 = vector.shape_cast %broadcast_in_dim3A_0 : vector<16xf32> to vector<1x16xf32>
    tpu.vector_store %arg9[%swap3A_13, %swap3A_14], %swap3A_17 {strides = array<i32>} : memref<8x128xf32, #tpu.memory_space<vmem>>, vector<1x16xf32>,
    %swap3A_18 = arith.constant 0 : i32
    %swap3A_19 = arith.index_cast %swap3A_18 : i32 to index
    %swap3A_20 = arith.constant 48 : index
    %swap3A_21 = tpu.vector_load %arg9[%swap3A_19, %swap3A_20] {strides = array<i32>} : memref<8x128xf32, #tpu.memory_space<vmem>>, vector<1x16xf32>,
    %swap3A_22 = vector.shape_cast %swap3A_21 : vector<1x16xf32> to vector<16xf32>
    %swap3A_23 = vector.shape_cast %broadcast_in_dim3A_0 : vector<16xf32> to vector<1x16xf32>
    tpu.vector_store %arg9[%swap3A_19, %swap3A_20], %swap3A_23 {strides = array<i32>} : memref<8x128xf32, #tpu.memory_space<vmem>>, vector<1x16xf32>,
    %swap3A_24 = arith.constant 0 : i32
    %swap3A_25 = arith.index_cast %swap3A_24 : i32 to index
    %swap3A_26 = arith.constant 64 : index
    %swap3A_27 = tpu.vector_load %arg9[%swap3A_25, %swap3A_26] {strides = array<i32>} : memref<8x128xf32, #tpu.memory_space<vmem>>, vector<1x16xf32>,
    %swap3A_28 = vector.shape_cast %swap3A_27 : vector<1x16xf32> to vector<16xf32>
    %swap3A_29 = vector.shape_cast %broadcast_in_dim3A_0 : vector<16xf32> to vector<1x16xf32>
    tpu.vector_store %arg9[%swap3A_25, %swap3A_26], %swap3A_29 {strides = array<i32>} : memref<8x128xf32, #tpu.memory_space<vmem>>, vector<1x16xf32>,
    %swap3A_30 = arith.constant 0 : i32
    %swap3A_31 = arith.index_cast %swap3A_30 : i32 to index
    %swap3A_32 = arith.constant 80 : index
    %swap3A_33 = tpu.vector_load %arg9[%swap3A_31, %swap3A_32] {strides = array<i32>} : memref<8x128xf32, #tpu.memory_space<vmem>>, vector<1x16xf32>,
    %swap3A_34 = vector.shape_cast %swap3A_33 : vector<1x16xf32> to vector<16xf32>
    %swap3A_35 = vector.shape_cast %broadcast_in_dim3A_0 : vector<16xf32> to vector<1x16xf32>
    tpu.vector_store %arg9[%swap3A_31, %swap3A_32], %swap3A_35 {strides = array<i32>} : memref<8x128xf32, #tpu.memory_space<vmem>>, vector<1x16xf32>,
    %swap3A_36 = arith.constant 0 : i32
    %swap3A_37 = arith.index_cast %swap3A_36 : i32 to index
    %swap3A_38 = arith.constant 96 : index
    %swap3A_39 = tpu.vector_load %arg9[%swap3A_37, %swap3A_38] {strides = array<i32>} : memref<8x128xf32, #tpu.memory_space<vmem>>, vector<1x16xf32>,
    %swap3A_40 = vector.shape_cast %swap3A_39 : vector<1x16xf32> to vector<16xf32>
    %swap3A_41 = vector.shape_cast %broadcast_in_dim3A_0 : vector<16xf32> to vector<1x16xf32>
    tpu.vector_store %arg9[%swap3A_37, %swap3A_38], %swap3A_41 {strides = array<i32>} : memref<8x128xf32, #tpu.memory_space<vmem>>, vector<1x16xf32>,
    %swap3A_42 = arith.constant 0 : i32
    %swap3A_43 = arith.index_cast %swap3A_42 : i32 to index
    %swap3A_44 = arith.constant 112 : index
    %swap3A_45 = tpu.vector_load %arg9[%swap3A_43, %swap3A_44] {strides = array<i32>} : memref<8x128xf32, #tpu.memory_space<vmem>>, vector<1x16xf32>,
    %swap3A_46 = vector.shape_cast %swap3A_45 : vector<1x16xf32> to vector<16xf32>
    %swap3A_47 = vector.shape_cast %broadcast_in_dim3A_0 : vector<16xf32> to vector<1x16xf32>
    tpu.vector_store %arg9[%swap3A_43, %swap3A_44], %swap3A_47 {strides = array<i32>} : memref<8x128xf32, #tpu.memory_space<vmem>>, vector<1x16xf32>,
    %swap3A_48 = arith.constant 1 : i32
    %swap3A_49 = arith.index_cast %swap3A_48 : i32 to index
    %swap3A_50 = arith.constant 0 : index
    %swap3A_51 = tpu.vector_load %arg9[%swap3A_49, %swap3A_50] {strides = array<i32>} : memref<8x128xf32, #tpu.memory_space<vmem>>, vector<1x16xf32>,
    %swap3A_52 = vector.shape_cast %swap3A_51 : vector<1x16xf32> to vector<16xf32>
    %swap3A_53 = vector.shape_cast %broadcast_in_dim3A_0 : vector<16xf32> to vector<1x16xf32>
    tpu.vector_store %arg9[%swap3A_49, %swap3A_50], %swap3A_53 {strides = array<i32>} : memref<8x128xf32, #tpu.memory_space<vmem>>, vector<1x16xf32>,
    %swap3A_54 = arith.constant 1 : i32
    %swap3A_55 = arith.index_cast %swap3A_54 : i32 to index
    %swap3A_56 = arith.constant 16 : index
    %swap3A_57 = tpu.vector_load %arg9[%swap3A_55, %swap3A_56] {strides = array<i32>} : memref<8x128xf32, #tpu.memory_space<vmem>>, vector<1x16xf32>,
    %swap3A_58 = vector.shape_cast %swap3A_57 : vector<1x16xf32> to vector<16xf32>
    %swap3A_59 = vector.shape_cast %broadcast_in_dim3A_0 : vector<16xf32> to vector<1x16xf32>
    tpu.vector_store %arg9[%swap3A_55, %swap3A_56], %swap3A_59 {strides = array<i32>} : memref<8x128xf32, #tpu.memory_space<vmem>>, vector<1x16xf32>,
    %swap3A_60 = arith.constant 1 : i32
    %swap3A_61 = arith.index_cast %swap3A_60 : i32 to index
    %swap3A_62 = arith.constant 32 : index
    %swap3A_63 = tpu.vector_load %arg9[%swap3A_61, %swap3A_62] {strides = array<i32>} : memref<8x128xf32, #tpu.memory_space<vmem>>, vector<1x16xf32>,
    %swap3A_64 = vector.shape_cast %swap3A_63 : vector<1x16xf32> to vector<16xf32>
    %swap3A_65 = vector.shape_cast %broadcast_in_dim3A_0 : vector<16xf32> to vector<1x16xf32>
    tpu.vector_store %arg9[%swap3A_61, %swap3A_62], %swap3A_65 {strides = array<i32>} : memref<8x128xf32, #tpu.memory_space<vmem>>, vector<1x16xf32>,
    %swap3A_66 = arith.constant 1 : i32
    %swap3A_67 = arith.index_cast %swap3A_66 : i32 to index
    %swap3A_68 = arith.constant 48 : index
    %swap3A_69 = tpu.vector_load %arg9[%swap3A_67, %swap3A_68] {strides = array<i32>} : memref<8x128xf32, #tpu.memory_space<vmem>>, vector<1x16xf32>,
    %swap3A_70 = vector.shape_cast %swap3A_69 : vector<1x16xf32> to vector<16xf32>
    %swap3A_71 = vector.shape_cast %broadcast_in_dim3A_0 : vector<16xf32> to vector<1x16xf32>
    tpu.vector_store %arg9[%swap3A_67, %swap3A_68], %swap3A_71 {strides = array<i32>} : memref<8x128xf32, #tpu.memory_space<vmem>>, vector<1x16xf32>,
    %swap3A_72 = arith.constant 1 : i32
    %swap3A_73 = arith.index_cast %swap3A_72 : i32 to index
    %swap3A_74 = arith.constant 64 : index
    %swap3A_75 = tpu.vector_load %arg9[%swap3A_73, %swap3A_74] {strides = array<i32>} : memref<8x128xf32, #tpu.memory_space<vmem>>, vector<1x16xf32>,
    %swap3A_76 = vector.shape_cast %swap3A_75 : vector<1x16xf32> to vector<16xf32>
    %swap3A_77 = vector.shape_cast %broadcast_in_dim3A_0 : vector<16xf32> to vector<1x16xf32>
    tpu.vector_store %arg9[%swap3A_73, %swap3A_74], %swap3A_77 {strides = array<i32>} : memref<8x128xf32, #tpu.memory_space<vmem>>, vector<1x16xf32>,
    %swap3A_78 = arith.constant 1 : i32
    %swap3A_79 = arith.index_cast %swap3A_78 : i32 to index
    %swap3A_80 = arith.constant 80 : index
    %swap3A_81 = tpu.vector_load %arg9[%swap3A_79, %swap3A_80] {strides = array<i32>} : memref<8x128xf32, #tpu.memory_space<vmem>>, vector<1x16xf32>,
    %swap3A_82 = vector.shape_cast %swap3A_81 : vector<1x16xf32> to vector<16xf32>
    %swap3A_83 = vector.shape_cast %broadcast_in_dim3A_0 : vector<16xf32> to vector<1x16xf32>
    tpu.vector_store %arg9[%swap3A_79, %swap3A_80], %swap3A_83 {strides = array<i32>} : memref<8x128xf32, #tpu.memory_space<vmem>>, vector<1x16xf32>,
    %swap3A_84 = arith.constant 1 : i32
    %swap3A_85 = arith.index_cast %swap3A_84 : i32 to index
    %swap3A_86 = arith.constant 96 : index
    %swap3A_87 = tpu.vector_load %arg9[%swap3A_85, %swap3A_86] {strides = array<i32>} : memref<8x128xf32, #tpu.memory_space<vmem>>, vector<1x16xf32>,
    %swap3A_88 = vector.shape_cast %swap3A_87 : vector<1x16xf32> to vector<16xf32>
    %swap3A_89 = vector.shape_cast %broadcast_in_dim3A_0 : vector<16xf32> to vector<1x16xf32>
    tpu.vector_store %arg9[%swap3A_85, %swap3A_86], %swap3A_89 {strides = array<i32>} : memref<8x128xf32, #tpu.memory_space<vmem>>, vector<1x16xf32>,
    %swap3A_90 = arith.constant 1 : i32
    %swap3A_91 = arith.index_cast %swap3A_90 : i32 to index
    %swap3A_92 = arith.constant 112 : index
    %swap3A_93 = tpu.vector_load %arg9[%swap3A_91, %swap3A_92] {strides = array<i32>} : memref<8x128xf32, #tpu.memory_space<vmem>>, vector<1x16xf32>,
    %swap3A_94 = vector.shape_cast %swap3A_93 : vector<1x16xf32> to vector<16xf32>
    %swap3A_95 = vector.shape_cast %broadcast_in_dim3A_0 : vector<16xf32> to vector<1x16xf32>
    tpu.vector_store %arg9[%swap3A_91, %swap3A_92], %swap3A_95 {strides = array<i32>} : memref<8x128xf32, #tpu.memory_space<vmem>>, vector<1x16xf32>,
    %swap3A_96 = arith.constant 2 : i32
    %swap3A_97 = arith.index_cast %swap3A_96 : i32 to index
    %swap3A_98 = arith.constant 0 : index
    %swap3A_99 = tpu.vector_load %arg9[%swap3A_97, %swap3A_98] {strides = array<i32>} : memref<8x128xf32, #tpu.memory_space<vmem>>, vector<1x16xf32>,
    %swap3A_100 = vector.shape_cast %swap3A_99 : vector<1x16xf32> to vector<16xf32>
    %swap3A_101 = vector.shape_cast %broadcast_in_dim3A_0 : vector<16xf32> to vector<1x16xf32>
    tpu.vector_store %arg9[%swap3A_97, %swap3A_98], %swap3A_101 {strides = array<i32>} : memref<8x128xf32, #tpu.memory_space<vmem>>, vector<1x16xf32>,
    %swap3A_102 = arith.constant 2 : i32
    %swap3A_103 = arith.index_cast %swap3A_102 : i32 to index
    %swap3A_104 = arith.constant 16 : index
    %swap3A_105 = tpu.vector_load %arg9[%swap3A_103, %swap3A_104] {strides = array<i32>} : memref<8x128xf32, #tpu.memory_space<vmem>>, vector<1x16xf32>,
    %swap3A_106 = vector.shape_cast %swap3A_105 : vector<1x16xf32> to vector<16xf32>
    %swap3A_107 = vector.shape_cast %broadcast_in_dim3A_0 : vector<16xf32> to vector<1x16xf32>
    tpu.vector_store %arg9[%swap3A_103, %swap3A_104], %swap3A_107 {strides = array<i32>} : memref<8x128xf32, #tpu.memory_space<vmem>>, vector<1x16xf32>,
    %swap3A_108 = arith.constant 2 : i32
    %swap3A_109 = arith.index_cast %swap3A_108 : i32 to index
    %swap3A_110 = arith.constant 32 : index
    %swap3A_111 = tpu.vector_load %arg9[%swap3A_109, %swap3A_110] {strides = array<i32>} : memref<8x128xf32, #tpu.memory_space<vmem>>, vector<1x16xf32>,
    %swap3A_112 = vector.shape_cast %swap3A_111 : vector<1x16xf32> to vector<16xf32>
    %swap3A_113 = vector.shape_cast %broadcast_in_dim3A_0 : vector<16xf32> to vector<1x16xf32>
    tpu.vector_store %arg9[%swap3A_109, %swap3A_110], %swap3A_113 {strides = array<i32>} : memref<8x128xf32, #tpu.memory_space<vmem>>, vector<1x16xf32>,
    %swap3A_114 = arith.constant 2 : i32
    %swap3A_115 = arith.index_cast %swap3A_114 : i32 to index
    %swap3A_116 = arith.constant 48 : index
    %swap3A_117 = tpu.vector_load %arg9[%swap3A_115, %swap3A_116] {strides = array<i32>} : memref<8x128xf32, #tpu.memory_space<vmem>>, vector<1x16xf32>,
    %swap3A_118 = vector.shape_cast %swap3A_117 : vector<1x16xf32> to vector<16xf32>
    %swap3A_119 = vector.shape_cast %broadcast_in_dim3A_0 : vector<16xf32> to vector<1x16xf32>
    tpu.vector_store %arg9[%swap3A_115, %swap3A_116], %swap3A_119 {strides = array<i32>} : memref<8x128xf32, #tpu.memory_space<vmem>>, vector<1x16xf32>,
    %swap3A_120 = arith.constant 2 : i32
    %swap3A_121 = arith.index_cast %swap3A_120 : i32 to index
    %swap3A_122 = arith.constant 64 : index
    %swap3A_123 = tpu.vector_load %arg9[%swap3A_121, %swap3A_122] {strides = array<i32>} : memref<8x128xf32, #tpu.memory_space<vmem>>, vector<1x16xf32>,
    %swap3A_124 = vector.shape_cast %swap3A_123 : vector<1x16xf32> to vector<16xf32>
    %swap3A_125 = vector.shape_cast %broadcast_in_dim3A_0 : vector<16xf32> to vector<1x16xf32>
    tpu.vector_store %arg9[%swap3A_121, %swap3A_122], %swap3A_125 {strides = array<i32>} : memref<8x128xf32, #tpu.memory_space<vmem>>, vector<1x16xf32>,
    %swap3A_126 = arith.constant 2 : i32
    %swap3A_127 = arith.index_cast %swap3A_126 : i32 to index
    %swap3A_128 = arith.constant 80 : index
    %swap3A_129 = tpu.vector_load %arg9[%swap3A_127, %swap3A_128] {strides = array<i32>} : memref<8x128xf32, #tpu.memory_space<vmem>>, vector<1x16xf32>,
    %swap3A_130 = vector.shape_cast %swap3A_129 : vector<1x16xf32> to vector<16xf32>
    %swap3A_131 = vector.shape_cast %broadcast_in_dim3A_0 : vector<16xf32> to vector<1x16xf32>
    tpu.vector_store %arg9[%swap3A_127, %swap3A_128], %swap3A_131 {strides = array<i32>} : memref<8x128xf32, #tpu.memory_space<vmem>>, vector<1x16xf32>,
    %swap3A_132 = arith.constant 2 : i32
    %swap3A_133 = arith.index_cast %swap3A_132 : i32 to index
    %swap3A_134 = arith.constant 96 : index
    %swap3A_135 = tpu.vector_load %arg9[%swap3A_133, %swap3A_134] {strides = array<i32>} : memref<8x128xf32, #tpu.memory_space<vmem>>, vector<1x16xf32>,
    %swap3A_136 = vector.shape_cast %swap3A_135 : vector<1x16xf32> to vector<16xf32>
    %swap3A_137 = vector.shape_cast %broadcast_in_dim3A_0 : vector<16xf32> to vector<1x16xf32>
    tpu.vector_store %arg9[%swap3A_133, %swap3A_134], %swap3A_137 {strides = array<i32>} : memref<8x128xf32, #tpu.memory_space<vmem>>, vector<1x16xf32>,
    %swap3A_138 = arith.constant 2 : i32
    %swap3A_139 = arith.index_cast %swap3A_138 : i32 to index
    %swap3A_140 = arith.constant 112 : index
    %swap3A_141 = tpu.vector_load %arg9[%swap3A_139, %swap3A_140] {strides = array<i32>} : memref<8x128xf32, #tpu.memory_space<vmem>>, vector<1x16xf32>,
    %swap3A_142 = vector.shape_cast %swap3A_141 : vector<1x16xf32> to vector<16xf32>
    %swap3A_143 = vector.shape_cast %broadcast_in_dim3A_0 : vector<16xf32> to vector<1x16xf32>
    tpu.vector_store %arg9[%swap3A_139, %swap3A_140], %swap3A_143 {strides = array<i32>} : memref<8x128xf32, #tpu.memory_space<vmem>>, vector<1x16xf32>,
    %swap3A_144 = arith.constant 3 : i32
    %swap3A_145 = arith.index_cast %swap3A_144 : i32 to index
    %swap3A_146 = arith.constant 0 : index
    %swap3A_147 = tpu.vector_load %arg9[%swap3A_145, %swap3A_146] {strides = array<i32>} : memref<8x128xf32, #tpu.memory_space<vmem>>, vector<1x16xf32>,
    %swap3A_148 = vector.shape_cast %swap3A_147 : vector<1x16xf32> to vector<16xf32>
    %swap3A_149 = vector.shape_cast %broadcast_in_dim3A_0 : vector<16xf32> to vector<1x16xf32>
    tpu.vector_store %arg9[%swap3A_145, %swap3A_146], %swap3A_149 {strides = array<i32>} : memref<8x128xf32, #tpu.memory_space<vmem>>, vector<1x16xf32>,
    %swap3A_150 = arith.constant 3 : i32
    %swap3A_151 = arith.index_cast %swap3A_150 : i32 to index
    %swap3A_152 = arith.constant 16 : index
    %swap3A_153 = tpu.vector_load %arg9[%swap3A_151, %swap3A_152] {strides = array<i32>} : memref<8x128xf32, #tpu.memory_space<vmem>>, vector<1x16xf32>,
    %swap3A_154 = vector.shape_cast %swap3A_153 : vector<1x16xf32> to vector<16xf32>
    %swap3A_155 = vector.shape_cast %broadcast_in_dim3A_0 : vector<16xf32> to vector<1x16xf32>
    tpu.vector_store %arg9[%swap3A_151, %swap3A_152], %swap3A_155 {strides = array<i32>} : memref<8x128xf32, #tpu.memory_space<vmem>>, vector<1x16xf32>,
    %swap3A_156 = arith.constant 3 : i32
    %swap3A_157 = arith.index_cast %swap3A_156 : i32 to index
    %swap3A_158 = arith.constant 32 : index
    %swap3A_159 = tpu.vector_load %arg9[%swap3A_157, %swap3A_158] {strides = array<i32>} : memref<8x128xf32, #tpu.memory_space<vmem>>, vector<1x16xf32>,
    %swap3A_160 = vector.shape_cast %swap3A_159 : vector<1x16xf32> to vector<16xf32>
    %swap3A_161 = vector.shape_cast %broadcast_in_dim3A_0 : vector<16xf32> to vector<1x16xf32>
    tpu.vector_store %arg9[%swap3A_157, %swap3A_158], %swap3A_161 {strides = array<i32>} : memref<8x128xf32, #tpu.memory_space<vmem>>, vector<1x16xf32>,
    %swap3A_162 = arith.constant 3 : i32
    %swap3A_163 = arith.index_cast %swap3A_162 : i32 to index
    %swap3A_164 = arith.constant 48 : index
    %swap3A_165 = tpu.vector_load %arg9[%swap3A_163, %swap3A_164] {strides = array<i32>} : memref<8x128xf32, #tpu.memory_space<vmem>>, vector<1x16xf32>,
    %swap3A_166 = vector.shape_cast %swap3A_165 : vector<1x16xf32> to vector<16xf32>
    %swap3A_167 = vector.shape_cast %broadcast_in_dim3A_0 : vector<16xf32> to vector<1x16xf32>
    tpu.vector_store %arg9[%swap3A_163, %swap3A_164], %swap3A_167 {strides = array<i32>} : memref<8x128xf32, #tpu.memory_space<vmem>>, vector<1x16xf32>,
    %swap3A_168 = arith.constant 3 : i32
    %swap3A_169 = arith.index_cast %swap3A_168 : i32 to index
    %swap3A_170 = arith.constant 64 : index
    %swap3A_171 = tpu.vector_load %arg9[%swap3A_169, %swap3A_170] {strides = array<i32>} : memref<8x128xf32, #tpu.memory_space<vmem>>, vector<1x16xf32>,
    %swap3A_172 = vector.shape_cast %swap3A_171 : vector<1x16xf32> to vector<16xf32>
    %swap3A_173 = vector.shape_cast %broadcast_in_dim3A_0 : vector<16xf32> to vector<1x16xf32>
    tpu.vector_store %arg9[%swap3A_169, %swap3A_170], %swap3A_173 {strides = array<i32>} : memref<8x128xf32, #tpu.memory_space<vmem>>, vector<1x16xf32>,
    %swap3A_174 = arith.constant 3 : i32
    %swap3A_175 = arith.index_cast %swap3A_174 : i32 to index
    %swap3A_176 = arith.constant 80 : index
    %swap3A_177 = tpu.vector_load %arg9[%swap3A_175, %swap3A_176] {strides = array<i32>} : memref<8x128xf32, #tpu.memory_space<vmem>>, vector<1x16xf32>,
    %swap3A_178 = vector.shape_cast %swap3A_177 : vector<1x16xf32> to vector<16xf32>
    %swap3A_179 = vector.shape_cast %broadcast_in_dim3A_0 : vector<16xf32> to vector<1x16xf32>
    tpu.vector_store %arg9[%swap3A_175, %swap3A_176], %swap3A_179 {strides = array<i32>} : memref<8x128xf32, #tpu.memory_space<vmem>>, vector<1x16xf32>,
    %swap3A_180 = arith.constant 3 : i32
    %swap3A_181 = arith.index_cast %swap3A_180 : i32 to index
    %swap3A_182 = arith.constant 96 : index
    %swap3A_183 = tpu.vector_load %arg9[%swap3A_181, %swap3A_182] {strides = array<i32>} : memref<8x128xf32, #tpu.memory_space<vmem>>, vector<1x16xf32>,
    %swap3A_184 = vector.shape_cast %swap3A_183 : vector<1x16xf32> to vector<16xf32>
    %swap3A_185 = vector.shape_cast %broadcast_in_dim3A_0 : vector<16xf32> to vector<1x16xf32>
    tpu.vector_store %arg9[%swap3A_181, %swap3A_182], %swap3A_185 {strides = array<i32>} : memref<8x128xf32, #tpu.memory_space<vmem>>, vector<1x16xf32>,
    %swap3A_186 = arith.constant 3 : i32
    %swap3A_187 = arith.index_cast %swap3A_186 : i32 to index
    %swap3A_188 = arith.constant 112 : index
    %swap3A_189 = tpu.vector_load %arg9[%swap3A_187, %swap3A_188] {strides = array<i32>} : memref<8x128xf32, #tpu.memory_space<vmem>>, vector<1x16xf32>,
    %swap3A_190 = vector.shape_cast %swap3A_189 : vector<1x16xf32> to vector<16xf32>
    %swap3A_191 = vector.shape_cast %broadcast_in_dim3A_0 : vector<16xf32> to vector<1x16xf32>
    tpu.vector_store %arg9[%swap3A_187, %swap3A_188], %swap3A_191 {strides = array<i32>} : memref<8x128xf32, #tpu.memory_space<vmem>>, vector<1x16xf32>,
    %swap3A_192 = arith.constant 4 : i32
    %swap3A_193 = arith.index_cast %swap3A_192 : i32 to index
    %swap3A_194 = arith.constant 0 : index
    %swap3A_195 = tpu.vector_load %arg9[%swap3A_193, %swap3A_194] {strides = array<i32>} : memref<8x128xf32, #tpu.memory_space<vmem>>, vector<1x16xf32>,
    %swap3A_196 = vector.shape_cast %swap3A_195 : vector<1x16xf32> to vector<16xf32>
    %swap3A_197 = vector.shape_cast %broadcast_in_dim3A_0 : vector<16xf32> to vector<1x16xf32>
    tpu.vector_store %arg9[%swap3A_193, %swap3A_194], %swap3A_197 {strides = array<i32>} : memref<8x128xf32, #tpu.memory_space<vmem>>, vector<1x16xf32>,
    %swap3A_198 = arith.constant 4 : i32
    %swap3A_199 = arith.index_cast %swap3A_198 : i32 to index
    %swap3A_200 = arith.constant 16 : index
    %swap3A_201 = tpu.vector_load %arg9[%swap3A_199, %swap3A_200] {strides = array<i32>} : memref<8x128xf32, #tpu.memory_space<vmem>>, vector<1x16xf32>,
    %swap3A_202 = vector.shape_cast %swap3A_201 : vector<1x16xf32> to vector<16xf32>
    %swap3A_203 = vector.shape_cast %broadcast_in_dim3A_0 : vector<16xf32> to vector<1x16xf32>
    tpu.vector_store %arg9[%swap3A_199, %swap3A_200], %swap3A_203 {strides = array<i32>} : memref<8x128xf32, #tpu.memory_space<vmem>>, vector<1x16xf32>,
    %swap3A_204 = arith.constant 4 : i32
    %swap3A_205 = arith.index_cast %swap3A_204 : i32 to index
    %swap3A_206 = arith.constant 32 : index
    %swap3A_207 = tpu.vector_load %arg9[%swap3A_205, %swap3A_206] {strides = array<i32>} : memref<8x128xf32, #tpu.memory_space<vmem>>, vector<1x16xf32>,
    %swap3A_208 = vector.shape_cast %swap3A_207 : vector<1x16xf32> to vector<16xf32>
    %swap3A_209 = vector.shape_cast %broadcast_in_dim3A_0 : vector<16xf32> to vector<1x16xf32>
    tpu.vector_store %arg9[%swap3A_205, %swap3A_206], %swap3A_209 {strides = array<i32>} : memref<8x128xf32, #tpu.memory_space<vmem>>, vector<1x16xf32>,
    %swap3A_210 = arith.constant 4 : i32
    %swap3A_211 = arith.index_cast %swap3A_210 : i32 to index
    %swap3A_212 = arith.constant 48 : index
    %swap3A_213 = tpu.vector_load %arg9[%swap3A_211, %swap3A_212] {strides = array<i32>} : memref<8x128xf32, #tpu.memory_space<vmem>>, vector<1x16xf32>,
    %swap3A_214 = vector.shape_cast %swap3A_213 : vector<1x16xf32> to vector<16xf32>
    %swap3A_215 = vector.shape_cast %broadcast_in_dim3A_0 : vector<16xf32> to vector<1x16xf32>
    tpu.vector_store %arg9[%swap3A_211, %swap3A_212], %swap3A_215 {strides = array<i32>} : memref<8x128xf32, #tpu.memory_space<vmem>>, vector<1x16xf32>,
    %swap3A_216 = arith.constant 4 : i32
    %swap3A_217 = arith.index_cast %swap3A_216 : i32 to index
    %swap3A_218 = arith.constant 64 : index
    %swap3A_219 = tpu.vector_load %arg9[%swap3A_217, %swap3A_218] {strides = array<i32>} : memref<8x128xf32, #tpu.memory_space<vmem>>, vector<1x16xf32>,
    %swap3A_220 = vector.shape_cast %swap3A_219 : vector<1x16xf32> to vector<16xf32>
    %swap3A_221 = vector.shape_cast %broadcast_in_dim3A_0 : vector<16xf32> to vector<1x16xf32>
    tpu.vector_store %arg9[%swap3A_217, %swap3A_218], %swap3A_221 {strides = array<i32>} : memref<8x128xf32, #tpu.memory_space<vmem>>, vector<1x16xf32>,
    %swap3A_222 = arith.constant 4 : i32
    %swap3A_223 = arith.index_cast %swap3A_222 : i32 to index
    %swap3A_224 = arith.constant 80 : index
    %swap3A_225 = tpu.vector_load %arg9[%swap3A_223, %swap3A_224] {strides = array<i32>} : memref<8x128xf32, #tpu.memory_space<vmem>>, vector<1x16xf32>,
    %swap3A_226 = vector.shape_cast %swap3A_225 : vector<1x16xf32> to vector<16xf32>
    %swap3A_227 = vector.shape_cast %broadcast_in_dim3A_0 : vector<16xf32> to vector<1x16xf32>
    tpu.vector_store %arg9[%swap3A_223, %swap3A_224], %swap3A_227 {strides = array<i32>} : memref<8x128xf32, #tpu.memory_space<vmem>>, vector<1x16xf32>,
    %swap3A_228 = arith.constant 4 : i32
    %swap3A_229 = arith.index_cast %swap3A_228 : i32 to index
    %swap3A_230 = arith.constant 96 : index
    %swap3A_231 = tpu.vector_load %arg9[%swap3A_229, %swap3A_230] {strides = array<i32>} : memref<8x128xf32, #tpu.memory_space<vmem>>, vector<1x16xf32>,
    %swap3A_232 = vector.shape_cast %swap3A_231 : vector<1x16xf32> to vector<16xf32>
    %swap3A_233 = vector.shape_cast %broadcast_in_dim3A_0 : vector<16xf32> to vector<1x16xf32>
    tpu.vector_store %arg9[%swap3A_229, %swap3A_230], %swap3A_233 {strides = array<i32>} : memref<8x128xf32, #tpu.memory_space<vmem>>, vector<1x16xf32>,
    %swap3A_234 = arith.constant 4 : i32
    %swap3A_235 = arith.index_cast %swap3A_234 : i32 to index
    %swap3A_236 = arith.constant 112 : index
    %swap3A_237 = tpu.vector_load %arg9[%swap3A_235, %swap3A_236] {strides = array<i32>} : memref<8x128xf32, #tpu.memory_space<vmem>>, vector<1x16xf32>,
    %swap3A_238 = vector.shape_cast %swap3A_237 : vector<1x16xf32> to vector<16xf32>
    %swap3A_239 = vector.shape_cast %broadcast_in_dim3A_0 : vector<16xf32> to vector<1x16xf32>
    tpu.vector_store %arg9[%swap3A_235, %swap3A_236], %swap3A_239 {strides = array<i32>} : memref<8x128xf32, #tpu.memory_space<vmem>>, vector<1x16xf32>,
    %swap3A_240 = arith.constant 5 : i32
    %swap3A_241 = arith.index_cast %swap3A_240 : i32 to index
    %swap3A_242 = arith.constant 0 : index
    %swap3A_243 = tpu.vector_load %arg9[%swap3A_241, %swap3A_242] {strides = array<i32>} : memref<8x128xf32, #tpu.memory_space<vmem>>, vector<1x16xf32>,
    %swap3A_244 = vector.shape_cast %swap3A_243 : vector<1x16xf32> to vector<16xf32>
    %swap3A_245 = vector.shape_cast %broadcast_in_dim3A_0 : vector<16xf32> to vector<1x16xf32>
    tpu.vector_store %arg9[%swap3A_241, %swap3A_242], %swap3A_245 {strides = array<i32>} : memref<8x128xf32, #tpu.memory_space<vmem>>, vector<1x16xf32>,
    %swap3A_246 = arith.constant 5 : i32
    %swap3A_247 = arith.index_cast %swap3A_246 : i32 to index
    %swap3A_248 = arith.constant 16 : index
    %swap3A_249 = tpu.vector_load %arg9[%swap3A_247, %swap3A_248] {strides = array<i32>} : memref<8x128xf32, #tpu.memory_space<vmem>>, vector<1x16xf32>,
    %swap3A_250 = vector.shape_cast %swap3A_249 : vector<1x16xf32> to vector<16xf32>
    %swap3A_251 = vector.shape_cast %broadcast_in_dim3A_0 : vector<16xf32> to vector<1x16xf32>
    tpu.vector_store %arg9[%swap3A_247, %swap3A_248], %swap3A_251 {strides = array<i32>} : memref<8x128xf32, #tpu.memory_space<vmem>>, vector<1x16xf32>,
    %swap3A_252 = arith.constant 5 : i32
    %swap3A_253 = arith.index_cast %swap3A_252 : i32 to index
    %swap3A_254 = arith.constant 32 : index
    %swap3A_255 = tpu.vector_load %arg9[%swap3A_253, %swap3A_254] {strides = array<i32>} : memref<8x128xf32, #tpu.memory_space<vmem>>, vector<1x16xf32>,
    %swap3A_256 = vector.shape_cast %swap3A_255 : vector<1x16xf32> to vector<16xf32>
    %swap3A_257 = vector.shape_cast %broadcast_in_dim3A_0 : vector<16xf32> to vector<1x16xf32>
    tpu.vector_store %arg9[%swap3A_253, %swap3A_254], %swap3A_257 {strides = array<i32>} : memref<8x128xf32, #tpu.memory_space<vmem>>, vector<1x16xf32>,
    %swap3A_258 = arith.constant 5 : i32
    %swap3A_259 = arith.index_cast %swap3A_258 : i32 to index
    %swap3A_260 = arith.constant 48 : index
    %swap3A_261 = tpu.vector_load %arg9[%swap3A_259, %swap3A_260] {strides = array<i32>} : memref<8x128xf32, #tpu.memory_space<vmem>>, vector<1x16xf32>,
    %swap3A_262 = vector.shape_cast %swap3A_261 : vector<1x16xf32> to vector<16xf32>
    %swap3A_263 = vector.shape_cast %broadcast_in_dim3A_0 : vector<16xf32> to vector<1x16xf32>
    tpu.vector_store %arg9[%swap3A_259, %swap3A_260], %swap3A_263 {strides = array<i32>} : memref<8x128xf32, #tpu.memory_space<vmem>>, vector<1x16xf32>,
    %swap3A_264 = arith.constant 5 : i32
    %swap3A_265 = arith.index_cast %swap3A_264 : i32 to index
    %swap3A_266 = arith.constant 64 : index
    %swap3A_267 = tpu.vector_load %arg9[%swap3A_265, %swap3A_266] {strides = array<i32>} : memref<8x128xf32, #tpu.memory_space<vmem>>, vector<1x16xf32>,
    %swap3A_268 = vector.shape_cast %swap3A_267 : vector<1x16xf32> to vector<16xf32>
    %swap3A_269 = vector.shape_cast %broadcast_in_dim3A_0 : vector<16xf32> to vector<1x16xf32>
    tpu.vector_store %arg9[%swap3A_265, %swap3A_266], %swap3A_269 {strides = array<i32>} : memref<8x128xf32, #tpu.memory_space<vmem>>, vector<1x16xf32>,
    %swap3A_270 = arith.constant 5 : i32
    %swap3A_271 = arith.index_cast %swap3A_270 : i32 to index
    %swap3A_272 = arith.constant 80 : index
    %swap3A_273 = tpu.vector_load %arg9[%swap3A_271, %swap3A_272] {strides = array<i32>} : memref<8x128xf32, #tpu.memory_space<vmem>>, vector<1x16xf32>,
    %swap3A_274 = vector.shape_cast %swap3A_273 : vector<1x16xf32> to vector<16xf32>
    %swap3A_275 = vector.shape_cast %broadcast_in_dim3A_0 : vector<16xf32> to vector<1x16xf32>
    tpu.vector_store %arg9[%swap3A_271, %swap3A_272], %swap3A_275 {strides = array<i32>} : memref<8x128xf32, #tpu.memory_space<vmem>>, vector<1x16xf32>,
    %swap3A_276 = arith.constant 5 : i32
    %swap3A_277 = arith.index_cast %swap3A_276 : i32 to index
    %swap3A_278 = arith.constant 96 : index
    %swap3A_279 = tpu.vector_load %arg9[%swap3A_277, %swap3A_278] {strides = array<i32>} : memref<8x128xf32, #tpu.memory_space<vmem>>, vector<1x16xf32>,
    %swap3A_280 = vector.shape_cast %swap3A_279 : vector<1x16xf32> to vector<16xf32>
    %swap3A_281 = vector.shape_cast %broadcast_in_dim3A_0 : vector<16xf32> to vector<1x16xf32>
    tpu.vector_store %arg9[%swap3A_277, %swap3A_278], %swap3A_281 {strides = array<i32>} : memref<8x128xf32, #tpu.memory_space<vmem>>, vector<1x16xf32>,
    %swap3A_282 = arith.constant 5 : i32
    %swap3A_283 = arith.index_cast %swap3A_282 : i32 to index
    %swap3A_284 = arith.constant 112 : index
    %swap3A_285 = tpu.vector_load %arg9[%swap3A_283, %swap3A_284] {strides = array<i32>} : memref<8x128xf32, #tpu.memory_space<vmem>>, vector<1x16xf32>,
    %swap3A_286 = vector.shape_cast %swap3A_285 : vector<1x16xf32> to vector<16xf32>
    %swap3A_287 = vector.shape_cast %broadcast_in_dim3A_0 : vector<16xf32> to vector<1x16xf32>
    tpu.vector_store %arg9[%swap3A_283, %swap3A_284], %swap3A_287 {strides = array<i32>} : memref<8x128xf32, #tpu.memory_space<vmem>>, vector<1x16xf32>,
    %swap3A_288 = arith.constant 6 : i32
    %swap3A_289 = arith.index_cast %swap3A_288 : i32 to index
    %swap3A_290 = arith.constant 0 : index
    %swap3A_291 = tpu.vector_load %arg9[%swap3A_289, %swap3A_290] {strides = array<i32>} : memref<8x128xf32, #tpu.memory_space<vmem>>, vector<1x16xf32>,
    %swap3A_292 = vector.shape_cast %swap3A_291 : vector<1x16xf32> to vector<16xf32>
    %swap3A_293 = vector.shape_cast %broadcast_in_dim3A_0 : vector<16xf32> to vector<1x16xf32>
    tpu.vector_store %arg9[%swap3A_289, %swap3A_290], %swap3A_293 {strides = array<i32>} : memref<8x128xf32, #tpu.memory_space<vmem>>, vector<1x16xf32>,
    %swap3A_294 = arith.constant 6 : i32
    %swap3A_295 = arith.index_cast %swap3A_294 : i32 to index
    %swap3A_296 = arith.constant 16 : index
    %swap3A_297 = tpu.vector_load %arg9[%swap3A_295, %swap3A_296] {strides = array<i32>} : memref<8x128xf32, #tpu.memory_space<vmem>>, vector<1x16xf32>,
    %swap3A_298 = vector.shape_cast %swap3A_297 : vector<1x16xf32> to vector<16xf32>
    %swap3A_299 = vector.shape_cast %broadcast_in_dim3A_0 : vector<16xf32> to vector<1x16xf32>
    tpu.vector_store %arg9[%swap3A_295, %swap3A_296], %swap3A_299 {strides = array<i32>} : memref<8x128xf32, #tpu.memory_space<vmem>>, vector<1x16xf32>,
    %swap3A_300 = arith.constant 6 : i32
    %swap3A_301 = arith.index_cast %swap3A_300 : i32 to index
    %swap3A_302 = arith.constant 32 : index
    %swap3A_303 = tpu.vector_load %arg9[%swap3A_301, %swap3A_302] {strides = array<i32>} : memref<8x128xf32, #tpu.memory_space<vmem>>, vector<1x16xf32>,
    %swap3A_304 = vector.shape_cast %swap3A_303 : vector<1x16xf32> to vector<16xf32>
    %swap3A_305 = vector.shape_cast %broadcast_in_dim3A_0 : vector<16xf32> to vector<1x16xf32>
    tpu.vector_store %arg9[%swap3A_301, %swap3A_302], %swap3A_305 {strides = array<i32>} : memref<8x128xf32, #tpu.memory_space<vmem>>, vector<1x16xf32>,
    %swap3A_306 = arith.constant 6 : i32
    %swap3A_307 = arith.index_cast %swap3A_306 : i32 to index
    %swap3A_308 = arith.constant 48 : index
    %swap3A_309 = tpu.vector_load %arg9[%swap3A_307, %swap3A_308] {strides = array<i32>} : memref<8x128xf32, #tpu.memory_space<vmem>>, vector<1x16xf32>,
    %swap3A_310 = vector.shape_cast %swap3A_309 : vector<1x16xf32> to vector<16xf32>
    %swap3A_311 = vector.shape_cast %broadcast_in_dim3A_0 : vector<16xf32> to vector<1x16xf32>
    tpu.vector_store %arg9[%swap3A_307, %swap3A_308], %swap3A_311 {strides = array<i32>} : memref<8x128xf32, #tpu.memory_space<vmem>>, vector<1x16xf32>,
    %swap3A_312 = arith.constant 6 : i32
    %swap3A_313 = arith.index_cast %swap3A_312 : i32 to index
    %swap3A_314 = arith.constant 64 : index
    %swap3A_315 = tpu.vector_load %arg9[%swap3A_313, %swap3A_314] {strides = array<i32>} : memref<8x128xf32, #tpu.memory_space<vmem>>, vector<1x16xf32>,
    %swap3A_316 = vector.shape_cast %swap3A_315 : vector<1x16xf32> to vector<16xf32>
    %swap3A_317 = vector.shape_cast %broadcast_in_dim3A_0 : vector<16xf32> to vector<1x16xf32>
    tpu.vector_store %arg9[%swap3A_313, %swap3A_314], %swap3A_317 {strides = array<i32>} : memref<8x128xf32, #tpu.memory_space<vmem>>, vector<1x16xf32>,
    %swap3A_318 = arith.constant 6 : i32
    %swap3A_319 = arith.index_cast %swap3A_318 : i32 to index
    %swap3A_320 = arith.constant 80 : index
    %swap3A_321 = tpu.vector_load %arg9[%swap3A_319, %swap3A_320] {strides = array<i32>} : memref<8x128xf32, #tpu.memory_space<vmem>>, vector<1x16xf32>,
    %swap3A_322 = vector.shape_cast %swap3A_321 : vector<1x16xf32> to vector<16xf32>
    %swap3A_323 = vector.shape_cast %broadcast_in_dim3A_0 : vector<16xf32> to vector<1x16xf32>
    tpu.vector_store %arg9[%swap3A_319, %swap3A_320], %swap3A_323 {strides = array<i32>} : memref<8x128xf32, #tpu.memory_space<vmem>>, vector<1x16xf32>,
    %swap3A_324 = arith.constant 6 : i32
    %swap3A_325 = arith.index_cast %swap3A_324 : i32 to index
    %swap3A_326 = arith.constant 96 : index
    %swap3A_327 = tpu.vector_load %arg9[%swap3A_325, %swap3A_326] {strides = array<i32>} : memref<8x128xf32, #tpu.memory_space<vmem>>, vector<1x16xf32>,
    %swap3A_328 = vector.shape_cast %swap3A_327 : vector<1x16xf32> to vector<16xf32>
    %swap3A_329 = vector.shape_cast %broadcast_in_dim3A_0 : vector<16xf32> to vector<1x16xf32>
    tpu.vector_store %arg9[%swap3A_325, %swap3A_326], %swap3A_329 {strides = array<i32>} : memref<8x128xf32, #tpu.memory_space<vmem>>, vector<1x16xf32>,
    %swap3A_330 = arith.constant 6 : i32
    %swap3A_331 = arith.index_cast %swap3A_330 : i32 to index
    %swap3A_332 = arith.constant 112 : index
    %swap3A_333 = tpu.vector_load %arg9[%swap3A_331, %swap3A_332] {strides = array<i32>} : memref<8x128xf32, #tpu.memory_space<vmem>>, vector<1x16xf32>,
    %swap3A_334 = vector.shape_cast %swap3A_333 : vector<1x16xf32> to vector<16xf32>
    %swap3A_335 = vector.shape_cast %broadcast_in_dim3A_0 : vector<16xf32> to vector<1x16xf32>
    tpu.vector_store %arg9[%swap3A_331, %swap3A_332], %swap3A_335 {strides = array<i32>} : memref<8x128xf32, #tpu.memory_space<vmem>>, vector<1x16xf32>,
    %swap3A_336 = arith.constant 7 : i32
    %swap3A_337 = arith.index_cast %swap3A_336 : i32 to index
    %swap3A_338 = arith.constant 0 : index
    %swap3A_339 = tpu.vector_load %arg9[%swap3A_337, %swap3A_338] {strides = array<i32>} : memref<8x128xf32, #tpu.memory_space<vmem>>, vector<1x16xf32>,
    %swap3A_340 = vector.shape_cast %swap3A_339 : vector<1x16xf32> to vector<16xf32>
    %swap3A_341 = vector.shape_cast %broadcast_in_dim3A_0 : vector<16xf32> to vector<1x16xf32>
    tpu.vector_store %arg9[%swap3A_337, %swap3A_338], %swap3A_341 {strides = array<i32>} : memref<8x128xf32, #tpu.memory_space<vmem>>, vector<1x16xf32>,
    %swap3A_342 = arith.constant 7 : i32
    %swap3A_343 = arith.index_cast %swap3A_342 : i32 to index
    %swap3A_344 = arith.constant 16 : index
    %swap3A_345 = tpu.vector_load %arg9[%swap3A_343, %swap3A_344] {strides = array<i32>} : memref<8x128xf32, #tpu.memory_space<vmem>>, vector<1x16xf32>,
    %swap3A_346 = vector.shape_cast %swap3A_345 : vector<1x16xf32> to vector<16xf32>
    %swap3A_347 = vector.shape_cast %broadcast_in_dim3A_0 : vector<16xf32> to vector<1x16xf32>
    tpu.vector_store %arg9[%swap3A_343, %swap3A_344], %swap3A_347 {strides = array<i32>} : memref<8x128xf32, #tpu.memory_space<vmem>>, vector<1x16xf32>,
    %swap3A_348 = arith.constant 7 : i32
    %swap3A_349 = arith.index_cast %swap3A_348 : i32 to index
    %swap3A_350 = arith.constant 32 : index
    %swap3A_351 = tpu.vector_load %arg9[%swap3A_349, %swap3A_350] {strides = array<i32>} : memref<8x128xf32, #tpu.memory_space<vmem>>, vector<1x16xf32>,
    %swap3A_352 = vector.shape_cast %swap3A_351 : vector<1x16xf32> to vector<16xf32>
    %swap3A_353 = vector.shape_cast %broadcast_in_dim3A_0 : vector<16xf32> to vector<1x16xf32>
    tpu.vector_store %arg9[%swap3A_349, %swap3A_350], %swap3A_353 {strides = array<i32>} : memref<8x128xf32, #tpu.memory_space<vmem>>, vector<1x16xf32>,
    %swap3A_354 = arith.constant 7 : i32
    %swap3A_355 = arith.index_cast %swap3A_354 : i32 to index
    %swap3A_356 = arith.constant 48 : index
    %swap3A_357 = tpu.vector_load %arg9[%swap3A_355, %swap3A_356] {strides = array<i32>} : memref<8x128xf32, #tpu.memory_space<vmem>>, vector<1x16xf32>,
    %swap3A_358 = vector.shape_cast %swap3A_357 : vector<1x16xf32> to vector<16xf32>
    %swap3A_359 = vector.shape_cast %broadcast_in_dim3A_0 : vector<16xf32> to vector<1x16xf32>
    tpu.vector_store %arg9[%swap3A_355, %swap3A_356], %swap3A_359 {strides = array<i32>} : memref<8x128xf32, #tpu.memory_space<vmem>>, vector<1x16xf32>,
    %swap3A_360 = arith.constant 7 : i32
    %swap3A_361 = arith.index_cast %swap3A_360 : i32 to index
    %swap3A_362 = arith.constant 64 : index
    %swap3A_363 = tpu.vector_load %arg9[%swap3A_361, %swap3A_362] {strides = array<i32>} : memref<8x128xf32, #tpu.memory_space<vmem>>, vector<1x16xf32>,
    %swap3A_364 = vector.shape_cast %swap3A_363 : vector<1x16xf32> to vector<16xf32>
    %swap3A_365 = vector.shape_cast %broadcast_in_dim3A_0 : vector<16xf32> to vector<1x16xf32>
    tpu.vector_store %arg9[%swap3A_361, %swap3A_362], %swap3A_365 {strides = array<i32>} : memref<8x128xf32, #tpu.memory_space<vmem>>, vector<1x16xf32>,
    %swap3A_366 = arith.constant 7 : i32
    %swap3A_367 = arith.index_cast %swap3A_366 : i32 to index
    %swap3A_368 = arith.constant 80 : index
    %swap3A_369 = tpu.vector_load %arg9[%swap3A_367, %swap3A_368] {strides = array<i32>} : memref<8x128xf32, #tpu.memory_space<vmem>>, vector<1x16xf32>,
    %swap3A_370 = vector.shape_cast %swap3A_369 : vector<1x16xf32> to vector<16xf32>
    %swap3A_371 = vector.shape_cast %broadcast_in_dim3A_0 : vector<16xf32> to vector<1x16xf32>
    tpu.vector_store %arg9[%swap3A_367, %swap3A_368], %swap3A_371 {strides = array<i32>} : memref<8x128xf32, #tpu.memory_space<vmem>>, vector<1x16xf32>,
    %swap3A_372 = arith.constant 7 : i32
    %swap3A_373 = arith.index_cast %swap3A_372 : i32 to index
    %swap3A_374 = arith.constant 96 : index
    %swap3A_375 = tpu.vector_load %arg9[%swap3A_373, %swap3A_374] {strides = array<i32>} : memref<8x128xf32, #tpu.memory_space<vmem>>, vector<1x16xf32>,
    %swap3A_376 = vector.shape_cast %swap3A_375 : vector<1x16xf32> to vector<16xf32>
    %swap3A_377 = vector.shape_cast %broadcast_in_dim3A_0 : vector<16xf32> to vector<1x16xf32>
    tpu.vector_store %arg9[%swap3A_373, %swap3A_374], %swap3A_377 {strides = array<i32>} : memref<8x128xf32, #tpu.memory_space<vmem>>, vector<1x16xf32>,
    %swap3A_378 = arith.constant 7 : i32
    %swap3A_379 = arith.index_cast %swap3A_378 : i32 to index
    %swap3A_380 = arith.constant 112 : index
    %swap3A_381 = tpu.vector_load %arg9[%swap3A_379, %swap3A_380] {strides = array<i32>} : memref<8x128xf32, #tpu.memory_space<vmem>>, vector<1x16xf32>,
    %swap3A_382 = vector.shape_cast %swap3A_381 : vector<1x16xf32> to vector<16xf32>
    %swap3A_383 = vector.shape_cast %broadcast_in_dim3A_0 : vector<16xf32> to vector<1x16xf32>
    tpu.vector_store %arg9[%swap3A_379, %swap3A_380], %swap3A_383 {strides = array<i32>} : memref<8x128xf32, #tpu.memory_space<vmem>>, vector<1x16xf32>,
    %scan3A = arith.constant 0 : i32
    %scan3A_384 = arith.constant 0 : i32
    %scan3A_385 = arith.constant 79 : i32
    %scan3A_386 = arith.addi %scan3A_384, %scan3A_385 : i32
    %scan3A_387 = arith.constant 1 : i32
    scf.for %scan3A_403 = %scan3A_384 to %scan3A_386 step %scan3A_387  : i32 {
      %mul3A_404 = arith.constant 632 : i32
      %mul3A_405 = arith.muli %arg1, %mul3A_404 : i32
      %mul3A_406 = arith.constant 8 : i32
      %mul3A_407 = arith.muli %scan3A_403, %mul3A_406 : i32
      %add3A_408 = arith.addi %mul3A_405, %mul3A_407 : i32
      "tpu.region"() ({
        %run_scoped3A = tpu.sem_alloc : memref<!tpu.dma_semaphore, #tpu.memory_space<semaphore_mem>>
        %dma_start3A = arith.constant 0 : i32
        %dma_start3A_409 = tpu.memref_slice %arg10[%add3A_408, %dma_start3A] : memref<10112x128xf32, #tpu.memory_space<vmem_shared>> -> memref<8x128xf32, #tpu.memory_space<vmem_shared>>
        %dma_start3A_410 = arith.constant 0 : i32
        %dma_start3A_411 = tpu.memref_slice %arg10[%add3A_408, %dma_start3A_410] : memref<10112x128xf32, #tpu.memory_space<vmem_shared>> -> memref<8x128xf32, #tpu.memory_space<vmem_shared>>
        tpu.enqueue_dma source(%arg9 : memref<8x128xf32, #tpu.memory_space<vmem>>) target(%dma_start3A_411 : memref<8x128xf32, #tpu.memory_space<vmem_shared>>) target_semaphore(%run_scoped3A : memref<!tpu.dma_semaphore, #tpu.memory_space<semaphore_mem>>)
        %dma_wait3A = arith.constant 0 : i32
        %dma_wait3A_412 = tpu.memref_slice %arg10[%add3A_408, %dma_wait3A] : memref<10112x128xf32, #tpu.memory_space<vmem_shared>> -> memref<8x128xf32, #tpu.memory_space<vmem_shared>>
        %dma_wait3A_413 = arith.constant 0 : i32
        %dma_wait3A_414 = tpu.memref_slice %arg10[%add3A_408, %dma_wait3A_413] : memref<10112x128xf32, #tpu.memory_space<vmem_shared>> -> memref<8x128xf32, #tpu.memory_space<vmem_shared>>
        tpu.wait_dma2 semaphore(%run_scoped3A : memref<!tpu.dma_semaphore, #tpu.memory_space<semaphore_mem>>) src(%arg9 : memref<8x128xf32, #tpu.memory_space<vmem>>) dst(%dma_wait3A_414 : memref<8x128xf32, #tpu.memory_space<vmem_shared>>)
        tpu.yield
      }) : () -> ()
    }
    %scan3A_388 = arith.constant 79 : i32
    %barrier3A = arith.constant 0 : index
    tpu.barrier barrier_id(%barrier3A)
    %mul3A = arith.constant 321536 : i32
    %mul3A_389 = arith.muli %arg0, %mul3A : i32
    %mul3A_390 = arith.constant 20096 : i32
    %mul3A_391 = arith.muli %arg1, %mul3A_390 : i32
    %add3A = arith.addi %mul3A_389, %mul3A_391 : i32
    %scan3A_392 = arith.constant 0 : i32
    %scan3A_393 = arith.constant 0 : i32
    %scan3A_394 = arith.constant 157 : i32
    %scan3A_395 = arith.addi %scan3A_393, %scan3A_394 : i32
    %scan3A_396 = arith.constant 1 : i32
    scf.for %scan3A_403 = %scan3A_393 to %scan3A_395 step %scan3A_396  : i32 {
      %mul3A_404 = arith.constant 128 : i32
      %mul3A_405 = arith.muli %scan3A_403, %mul3A_404 : i32
      %add3A_406 = arith.addi %add3A, %mul3A_405 : i32
      "tpu.region"() ({
        %run_scoped3A_412 = tpu.sem_alloc : memref<!tpu.dma_semaphore, #tpu.memory_space<semaphore_mem>>
        %dma_start3A_413 = tpu.memref_slice %arg3[%add3A_406] : memref<643072xi32, #tpu.memory_space<hbm>> -> memref<128xi32, #tpu.memory_space<hbm>>
        %dma_start3A_414 = tpu.memref_slice %arg3[%add3A_406] : memref<643072xi32, #tpu.memory_space<hbm>> -> memref<128xi32, #tpu.memory_space<hbm>>
        tpu.enqueue_dma source(%dma_start3A_414 : memref<128xi32, #tpu.memory_space<hbm>>) target(%arg6 : memref<128xi32, #tpu.memory_space<vmem>>) target_semaphore(%run_scoped3A_412 : memref<!tpu.dma_semaphore, #tpu.memory_space<semaphore_mem>>)
        %dma_wait3A_415 = tpu.memref_slice %arg3[%add3A_406] : memref<643072xi32, #tpu.memory_space<hbm>> -> memref<128xi32, #tpu.memory_space<hbm>>
        %dma_wait3A_416 = tpu.memref_slice %arg3[%add3A_406] : memref<643072xi32, #tpu.memory_space<hbm>> -> memref<128xi32, #tpu.memory_space<hbm>>
        tpu.wait_dma2 semaphore(%run_scoped3A_412 : memref<!tpu.dma_semaphore, #tpu.memory_space<semaphore_mem>>) src(%dma_wait3A_416 : memref<128xi32, #tpu.memory_space<hbm>>) dst(%arg6 : memref<128xi32, #tpu.memory_space<vmem>>)
        tpu.yield
      }) : () -> ()
      %run_scoped3A = arith.constant 0 : i32
      "tpu.region"() ({
        %run_scoped3A_412 = tpu.sem_alloc : memref<!tpu.dma_semaphore, #tpu.memory_space<semaphore_mem>>
        %dma_start3A_413 = arith.constant 0 : i32
        %dma_start3A_414 = tpu.memref_slice %arg7[%run_scoped3A, %dma_start3A_413] : memref<1x128xi32, #tpu.memory_space<vmem>> -> memref<1x128xi32, #tpu.memory_space<vmem>>
        %dma_start3A_415 = tpu.memref_squeeze %dma_start3A_414 : memref<1x128xi32, #tpu.memory_space<vmem>> -> memref<128xi32, #tpu.memory_space<vmem>>
        %dma_start3A_416 = tpu.memref_slice %arg4[%add3A_406] : memref<643072xi32, #tpu.memory_space<hbm>> -> memref<128xi32, #tpu.memory_space<hbm>>
        %dma_start3A_417 = arith.constant 0 : i32
        %dma_start3A_418 = tpu.memref_slice %arg7[%run_scoped3A, %dma_start3A_417] : memref<1x128xi32, #tpu.memory_space<vmem>> -> memref<1x128xi32, #tpu.memory_space<vmem>>
        %dma_start3A_419 = tpu.memref_squeeze %dma_start3A_418 : memref<1x128xi32, #tpu.memory_space<vmem>> -> memref<128xi32, #tpu.memory_space<vmem>>
        %dma_start3A_420 = tpu.memref_slice %arg4[%add3A_406] : memref<643072xi32, #tpu.memory_space<hbm>> -> memref<128xi32, #tpu.memory_space<hbm>>
        tpu.enqueue_dma source(%dma_start3A_420 : memref<128xi32, #tpu.memory_space<hbm>>) target(%dma_start3A_419 : memref<128xi32, #tpu.memory_space<vmem>>) target_semaphore(%run_scoped3A_412 : memref<!tpu.dma_semaphore, #tpu.memory_space<semaphore_mem>>)
        %dma_wait3A_421 = arith.constant 0 : i32
        %dma_wait3A_422 = tpu.memref_slice %arg7[%run_scoped3A, %dma_wait3A_421] : memref<1x128xi32, #tpu.memory_space<vmem>> -> memref<1x128xi32, #tpu.memory_space<vmem>>
        %dma_wait3A_423 = tpu.memref_squeeze %dma_wait3A_422 : memref<1x128xi32, #tpu.memory_space<vmem>> -> memref<128xi32, #tpu.memory_space<vmem>>
        %dma_wait3A_424 = tpu.memref_slice %arg4[%add3A_406] : memref<643072xi32, #tpu.memory_space<hbm>> -> memref<128xi32, #tpu.memory_space<hbm>>
        %dma_wait3A_425 = arith.constant 0 : i32
        %dma_wait3A_426 = tpu.memref_slice %arg7[%run_scoped3A, %dma_wait3A_425] : memref<1x128xi32, #tpu.memory_space<vmem>> -> memref<1x128xi32, #tpu.memory_space<vmem>>
        %dma_wait3A_427 = tpu.memref_squeeze %dma_wait3A_426 : memref<1x128xi32, #tpu.memory_space<vmem>> -> memref<128xi32, #tpu.memory_space<vmem>>
        %dma_wait3A_428 = tpu.memref_slice %arg4[%add3A_406] : memref<643072xi32, #tpu.memory_space<hbm>> -> memref<128xi32, #tpu.memory_space<hbm>>
        tpu.wait_dma2 semaphore(%run_scoped3A_412 : memref<!tpu.dma_semaphore, #tpu.memory_space<semaphore_mem>>) src(%dma_wait3A_428 : memref<128xi32, #tpu.memory_space<hbm>>) dst(%dma_wait3A_427 : memref<128xi32, #tpu.memory_space<vmem>>)
        tpu.yield
      }) : () -> ()
      %dma_start3A = arith.constant 0 : i32
      %dma_start3A_407 = arith.constant 0 : i32
      %dma_start3A_408 = tpu.memref_slice %arg2[%dma_start3A, %dma_start3A_407] : memref<80000x128xf32, #tpu.memory_space<hbm>> -> memref<80000x128xf32, #tpu.memory_space<hbm>>
      tpu.enqueue_indirect_dma source(%dma_start3A_408 : memref<80000x128xf32, #tpu.memory_space<hbm>>) target(%arg8 : memref<128x128xf32, #tpu.memory_space<vmem>>) offsets(%arg6 : memref<128xi32, #tpu.memory_space<vmem>>) semaphore(%arg11 : memref<!tpu.dma_semaphore, #tpu.memory_space<semaphore_mem>>)
      %dma_wait3A = arith.constant 0 : i32
      %dma_wait3A_409 = arith.constant 0 : i32
      %dma_wait3A_410 = tpu.memref_slice %arg2[%dma_wait3A, %dma_wait3A_409] : memref<80000x128xf32, #tpu.memory_space<hbm>> -> memref<80000x128xf32, #tpu.memory_space<hbm>>
      tpu.wait_indirect_dma semaphore(%arg11 : memref<!tpu.dma_semaphore, #tpu.memory_space<semaphore_mem>>) src(%dma_wait3A_410 : memref<80000x128xf32, #tpu.memory_space<hbm>>) dst(%arg8 : memref<128x128xf32, #tpu.memory_space<vmem>>)
      %run_scoped3A_411 = arith.constant 0 : i32
      "tpu.region"() ({
        %run_scoped3A_412 = tpu.sem_alloc : memref<!tpu.dma_semaphore, #tpu.memory_space<semaphore_mem>>
        %dma_start3A_413 = arith.constant 0 : i32
        %dma_start3A_414 = tpu.memref_slice %arg7[%run_scoped3A_411, %dma_start3A_413] : memref<1x128xi32, #tpu.memory_space<vmem>> -> memref<1x128xi32, #tpu.memory_space<vmem>>
        %dma_start3A_415 = tpu.memref_squeeze %dma_start3A_414 : memref<1x128xi32, #tpu.memory_space<vmem>> -> memref<128xi32, #tpu.memory_space<vmem>>
        %dma_start3A_416 = arith.constant 0 : i32
        %dma_start3A_417 = arith.constant 0 : i32
        %dma_start3A_418 = tpu.memref_slice %arg10[%dma_start3A_416, %dma_start3A_417] : memref<10112x128xf32, #tpu.memory_space<vmem_shared>> -> memref<10112x128xf32, #tpu.memory_space<vmem_shared>>
        tpu.enqueue_indirect_dma source(%arg8 : memref<128x128xf32, #tpu.memory_space<vmem>>) target(%dma_start3A_418 : memref<10112x128xf32, #tpu.memory_space<vmem_shared>>) offsets(%dma_start3A_415 : memref<128xi32, #tpu.memory_space<vmem>>) semaphore(%run_scoped3A_412 : memref<!tpu.dma_semaphore, #tpu.memory_space<semaphore_mem>>) {add = true}
        %dma_wait3A_419 = arith.constant 0 : i32
        %dma_wait3A_420 = tpu.memref_slice %arg7[%run_scoped3A_411, %dma_wait3A_419] : memref<1x128xi32, #tpu.memory_space<vmem>> -> memref<1x128xi32, #tpu.memory_space<vmem>>
        %dma_wait3A_421 = tpu.memref_squeeze %dma_wait3A_420 : memref<1x128xi32, #tpu.memory_space<vmem>> -> memref<128xi32, #tpu.memory_space<vmem>>
        %dma_wait3A_422 = arith.constant 0 : i32
        %dma_wait3A_423 = arith.constant 0 : i32
        %dma_wait3A_424 = tpu.memref_slice %arg10[%dma_wait3A_422, %dma_wait3A_423] : memref<10112x128xf32, #tpu.memory_space<vmem_shared>> -> memref<10112x128xf32, #tpu.memory_space<vmem_shared>>
        tpu.wait_indirect_dma semaphore(%run_scoped3A_412 : memref<!tpu.dma_semaphore, #tpu.memory_space<semaphore_mem>>) src(%arg8 : memref<128x128xf32, #tpu.memory_space<vmem>>) dst(%dma_wait3A_424 : memref<10112x128xf32, #tpu.memory_space<vmem_shared>>)
        tpu.yield
      }) : () -> ()
    }
    %scan3A_397 = arith.constant 157 : i32
    %barrier3A_398 = arith.constant 0 : index
    tpu.barrier barrier_id(%barrier3A_398)
    %mul3A_399 = arith.constant 632 : i32
    %mul3A_400 = arith.muli %arg1, %mul3A_399 : i32
    %mul3A_401 = arith.constant 632 : i32
    %mul3A_402 = arith.muli %arg1, %mul3A_401 : i32
    "tpu.region"() ({
      %run_scoped3A = tpu.sem_alloc : memref<!tpu.dma_semaphore, #tpu.memory_space<semaphore_mem>>
      %dma_start3A = arith.constant 0 : i32
      %dma_start3A_403 = tpu.memref_slice %arg5[%arg0, %mul3A_402, %dma_start3A] : memref<2x10112x128xf32, #tpu.memory_space<hbm>> -> memref<1x632x128xf32, #tpu.memory_space<hbm>>
      %dma_start3A_404 = tpu.memref_squeeze %dma_start3A_403 : memref<1x632x128xf32, #tpu.memory_space<hbm>> -> memref<632x128xf32, #tpu.memory_space<hbm>>
      %dma_start3A_405 = arith.constant 0 : i32
      %dma_start3A_406 = tpu.memref_slice %arg10[%mul3A_400, %dma_start3A_405] : memref<10112x128xf32, #tpu.memory_space<vmem_shared>> -> memref<632x128xf32, #tpu.memory_space<vmem_shared>>
      tpu.enqueue_dma source(%dma_start3A_406 : memref<632x128xf32, #tpu.memory_space<vmem_shared>>) target(%dma_start3A_404 : memref<632x128xf32, #tpu.memory_space<hbm>>) target_semaphore(%run_scoped3A : memref<!tpu.dma_semaphore, #tpu.memory_space<semaphore_mem>>)
      %dma_wait3A = arith.constant 0 : i32
      %dma_wait3A_407 = tpu.memref_slice %arg5[%arg0, %mul3A_402, %dma_wait3A] : memref<2x10112x128xf32, #tpu.memory_space<hbm>> -> memref<1x632x128xf32, #tpu.memory_space<hbm>>
      %dma_wait3A_408 = tpu.memref_squeeze %dma_wait3A_407 : memref<1x632x128xf32, #tpu.memory_space<hbm>> -> memref<632x128xf32, #tpu.memory_space<hbm>>
      %dma_wait3A_409 = arith.constant 0 : i32
      %dma_wait3A_410 = tpu.memref_slice %arg10[%mul3A_400, %dma_wait3A_409] : memref<10112x128xf32, #tpu.memory_space<vmem_shared>> -> memref<632x128xf32, #tpu.memory_space<vmem_shared>>
      tpu.wait_dma2 semaphore(%run_scoped3A : memref<!tpu.dma_semaphore, #tpu.memory_space<semaphore_mem>>) src(%dma_wait3A_410 : memref<632x128xf32, #tpu.memory_space<vmem_shared>>) dst(%dma_wait3A_408 : memref<632x128xf32, #tpu.memory_space<hbm>>)
      tpu.yield
    }) : () -> ()
    return
  }
}

#map = affine_map<(d0, d1) -> (0, 0)>
#map1 = affine_map<(d0, d1) -> (0)>
#map2 = affine_map<(d0, d1) -> (0, 0, 0)>
module attributes {stable_mosaic.version = 14 : i64} {
  func.func @prop(%arg0: i32, %arg1: i32, %arg2: memref<80000x128xf32, #tpu.memory_space<hbm>>, %arg3: memref<643072xi32, #tpu.memory_space<hbm>>, %arg4: memref<643072xi32, #tpu.memory_space<hbm>>, %arg5: memref<2x10112x128xf32, #tpu.memory_space<hbm>>, %arg6: memref<128xi32, #tpu.memory_space<vmem>>, %arg7: memref<1x128xi32, #tpu.memory_space<vmem>>, %arg8: memref<128x128xf32, #tpu.memory_space<vmem>>, %arg9: memref<8x128xf32, #tpu.memory_space<vmem>>, %arg10: memref<10112x128xf32, #tpu.memory_space<vmem_shared>>, %arg11: memref<!tpu.dma_semaphore, #tpu.memory_space<semaphore_mem>>) attributes {dimension_semantics = [#tpu.dimension_semantics<core_parallel>, #tpu.dimension_semantics<subcore_parallel>], iteration_bounds = array<i64: 2, 16>, scalar_prefetch = 0 : i64, scratch_operands = 6 : i64, tpu.core_type = #tpu.core_type<sc_vector_subcore>, window_params = [{transform_indices = #map}, {transform_indices = #map1}, {transform_indices = #map1}, {transform_indices = #map2}]} {
    %broadcast_in_dim3A = arith.constant 0.000000e+00 : f32
    %broadcast_in_dim3A_0 = vector.broadcast %broadcast_in_dim3A : f32 to vector<16xf32>
    %swap3A = arith.constant 0 : i32
    %swap3A_1 = arith.index_cast %swap3A : i32 to index
    %swap3A_2 = arith.constant 0 : index
    %swap3A_3 = tpu.vector_load %arg9[%swap3A_1, %swap3A_2] {strides = array<i32>} : memref<8x128xf32, #tpu.memory_space<vmem>>, vector<1x16xf32>,
    %swap3A_4 = vector.shape_cast %swap3A_3 : vector<1x16xf32> to vector<16xf32>
    %swap3A_5 = vector.shape_cast %broadcast_in_dim3A_0 : vector<16xf32> to vector<1x16xf32>
    tpu.vector_store %arg9[%swap3A_1, %swap3A_2], %swap3A_5 {strides = array<i32>} : memref<8x128xf32, #tpu.memory_space<vmem>>, vector<1x16xf32>,
    %swap3A_6 = arith.constant 0 : i32
    %swap3A_7 = arith.index_cast %swap3A_6 : i32 to index
    %swap3A_8 = arith.constant 16 : index
    %swap3A_9 = tpu.vector_load %arg9[%swap3A_7, %swap3A_8] {strides = array<i32>} : memref<8x128xf32, #tpu.memory_space<vmem>>, vector<1x16xf32>,
    %swap3A_10 = vector.shape_cast %swap3A_9 : vector<1x16xf32> to vector<16xf32>
    %swap3A_11 = vector.shape_cast %broadcast_in_dim3A_0 : vector<16xf32> to vector<1x16xf32>
    tpu.vector_store %arg9[%swap3A_7, %swap3A_8], %swap3A_11 {strides = array<i32>} : memref<8x128xf32, #tpu.memory_space<vmem>>, vector<1x16xf32>,
    %swap3A_12 = arith.constant 0 : i32
    %swap3A_13 = arith.index_cast %swap3A_12 : i32 to index
    %swap3A_14 = arith.constant 32 : index
    %swap3A_15 = tpu.vector_load %arg9[%swap3A_13, %swap3A_14] {strides = array<i32>} : memref<8x128xf32, #tpu.memory_space<vmem>>, vector<1x16xf32>,
    %swap3A_16 = vector.shape_cast %swap3A_15 : vector<1x16xf32> to vector<16xf32>
    %swap3A_17 = vector.shape_cast %broadcast_in_dim3A_0 : vector<16xf32> to vector<1x16xf32>
    tpu.vector_store %arg9[%swap3A_13, %swap3A_14], %swap3A_17 {strides = array<i32>} : memref<8x128xf32, #tpu.memory_space<vmem>>, vector<1x16xf32>,
    %swap3A_18 = arith.constant 0 : i32
    %swap3A_19 = arith.index_cast %swap3A_18 : i32 to index
    %swap3A_20 = arith.constant 48 : index
    %swap3A_21 = tpu.vector_load %arg9[%swap3A_19, %swap3A_20] {strides = array<i32>} : memref<8x128xf32, #tpu.memory_space<vmem>>, vector<1x16xf32>,
    %swap3A_22 = vector.shape_cast %swap3A_21 : vector<1x16xf32> to vector<16xf32>
    %swap3A_23 = vector.shape_cast %broadcast_in_dim3A_0 : vector<16xf32> to vector<1x16xf32>
    tpu.vector_store %arg9[%swap3A_19, %swap3A_20], %swap3A_23 {strides = array<i32>} : memref<8x128xf32, #tpu.memory_space<vmem>>, vector<1x16xf32>,
    %swap3A_24 = arith.constant 0 : i32
    %swap3A_25 = arith.index_cast %swap3A_24 : i32 to index
    %swap3A_26 = arith.constant 64 : index
    %swap3A_27 = tpu.vector_load %arg9[%swap3A_25, %swap3A_26] {strides = array<i32>} : memref<8x128xf32, #tpu.memory_space<vmem>>, vector<1x16xf32>,
    %swap3A_28 = vector.shape_cast %swap3A_27 : vector<1x16xf32> to vector<16xf32>
    %swap3A_29 = vector.shape_cast %broadcast_in_dim3A_0 : vector<16xf32> to vector<1x16xf32>
    tpu.vector_store %arg9[%swap3A_25, %swap3A_26], %swap3A_29 {strides = array<i32>} : memref<8x128xf32, #tpu.memory_space<vmem>>, vector<1x16xf32>,
    %swap3A_30 = arith.constant 0 : i32
    %swap3A_31 = arith.index_cast %swap3A_30 : i32 to index
    %swap3A_32 = arith.constant 80 : index
    %swap3A_33 = tpu.vector_load %arg9[%swap3A_31, %swap3A_32] {strides = array<i32>} : memref<8x128xf32, #tpu.memory_space<vmem>>, vector<1x16xf32>,
    %swap3A_34 = vector.shape_cast %swap3A_33 : vector<1x16xf32> to vector<16xf32>
    %swap3A_35 = vector.shape_cast %broadcast_in_dim3A_0 : vector<16xf32> to vector<1x16xf32>
    tpu.vector_store %arg9[%swap3A_31, %swap3A_32], %swap3A_35 {strides = array<i32>} : memref<8x128xf32, #tpu.memory_space<vmem>>, vector<1x16xf32>,
    %swap3A_36 = arith.constant 0 : i32
    %swap3A_37 = arith.index_cast %swap3A_36 : i32 to index
    %swap3A_38 = arith.constant 96 : index
    %swap3A_39 = tpu.vector_load %arg9[%swap3A_37, %swap3A_38] {strides = array<i32>} : memref<8x128xf32, #tpu.memory_space<vmem>>, vector<1x16xf32>,
    %swap3A_40 = vector.shape_cast %swap3A_39 : vector<1x16xf32> to vector<16xf32>
    %swap3A_41 = vector.shape_cast %broadcast_in_dim3A_0 : vector<16xf32> to vector<1x16xf32>
    tpu.vector_store %arg9[%swap3A_37, %swap3A_38], %swap3A_41 {strides = array<i32>} : memref<8x128xf32, #tpu.memory_space<vmem>>, vector<1x16xf32>,
    %swap3A_42 = arith.constant 0 : i32
    %swap3A_43 = arith.index_cast %swap3A_42 : i32 to index
    %swap3A_44 = arith.constant 112 : index
    %swap3A_45 = tpu.vector_load %arg9[%swap3A_43, %swap3A_44] {strides = array<i32>} : memref<8x128xf32, #tpu.memory_space<vmem>>, vector<1x16xf32>,
    %swap3A_46 = vector.shape_cast %swap3A_45 : vector<1x16xf32> to vector<16xf32>
    %swap3A_47 = vector.shape_cast %broadcast_in_dim3A_0 : vector<16xf32> to vector<1x16xf32>
    tpu.vector_store %arg9[%swap3A_43, %swap3A_44], %swap3A_47 {strides = array<i32>} : memref<8x128xf32, #tpu.memory_space<vmem>>, vector<1x16xf32>,
    %swap3A_48 = arith.constant 1 : i32
    %swap3A_49 = arith.index_cast %swap3A_48 : i32 to index
    %swap3A_50 = arith.constant 0 : index
    %swap3A_51 = tpu.vector_load %arg9[%swap3A_49, %swap3A_50] {strides = array<i32>} : memref<8x128xf32, #tpu.memory_space<vmem>>, vector<1x16xf32>,
    %swap3A_52 = vector.shape_cast %swap3A_51 : vector<1x16xf32> to vector<16xf32>
    %swap3A_53 = vector.shape_cast %broadcast_in_dim3A_0 : vector<16xf32> to vector<1x16xf32>
    tpu.vector_store %arg9[%swap3A_49, %swap3A_50], %swap3A_53 {strides = array<i32>} : memref<8x128xf32, #tpu.memory_space<vmem>>, vector<1x16xf32>,
    %swap3A_54 = arith.constant 1 : i32
    %swap3A_55 = arith.index_cast %swap3A_54 : i32 to index
    %swap3A_56 = arith.constant 16 : index
    %swap3A_57 = tpu.vector_load %arg9[%swap3A_55, %swap3A_56] {strides = array<i32>} : memref<8x128xf32, #tpu.memory_space<vmem>>, vector<1x16xf32>,
    %swap3A_58 = vector.shape_cast %swap3A_57 : vector<1x16xf32> to vector<16xf32>
    %swap3A_59 = vector.shape_cast %broadcast_in_dim3A_0 : vector<16xf32> to vector<1x16xf32>
    tpu.vector_store %arg9[%swap3A_55, %swap3A_56], %swap3A_59 {strides = array<i32>} : memref<8x128xf32, #tpu.memory_space<vmem>>, vector<1x16xf32>,
    %swap3A_60 = arith.constant 1 : i32
    %swap3A_61 = arith.index_cast %swap3A_60 : i32 to index
    %swap3A_62 = arith.constant 32 : index
    %swap3A_63 = tpu.vector_load %arg9[%swap3A_61, %swap3A_62] {strides = array<i32>} : memref<8x128xf32, #tpu.memory_space<vmem>>, vector<1x16xf32>,
    %swap3A_64 = vector.shape_cast %swap3A_63 : vector<1x16xf32> to vector<16xf32>
    %swap3A_65 = vector.shape_cast %broadcast_in_dim3A_0 : vector<16xf32> to vector<1x16xf32>
    tpu.vector_store %arg9[%swap3A_61, %swap3A_62], %swap3A_65 {strides = array<i32>} : memref<8x128xf32, #tpu.memory_space<vmem>>, vector<1x16xf32>,
    %swap3A_66 = arith.constant 1 : i32
    %swap3A_67 = arith.index_cast %swap3A_66 : i32 to index
    %swap3A_68 = arith.constant 48 : index
    %swap3A_69 = tpu.vector_load %arg9[%swap3A_67, %swap3A_68] {strides = array<i32>} : memref<8x128xf32, #tpu.memory_space<vmem>>, vector<1x16xf32>,
    %swap3A_70 = vector.shape_cast %swap3A_69 : vector<1x16xf32> to vector<16xf32>
    %swap3A_71 = vector.shape_cast %broadcast_in_dim3A_0 : vector<16xf32> to vector<1x16xf32>
    tpu.vector_store %arg9[%swap3A_67, %swap3A_68], %swap3A_71 {strides = array<i32>} : memref<8x128xf32, #tpu.memory_space<vmem>>, vector<1x16xf32>,
    %swap3A_72 = arith.constant 1 : i32
    %swap3A_73 = arith.index_cast %swap3A_72 : i32 to index
    %swap3A_74 = arith.constant 64 : index
    %swap3A_75 = tpu.vector_load %arg9[%swap3A_73, %swap3A_74] {strides = array<i32>} : memref<8x128xf32, #tpu.memory_space<vmem>>, vector<1x16xf32>,
    %swap3A_76 = vector.shape_cast %swap3A_75 : vector<1x16xf32> to vector<16xf32>
    %swap3A_77 = vector.shape_cast %broadcast_in_dim3A_0 : vector<16xf32> to vector<1x16xf32>
    tpu.vector_store %arg9[%swap3A_73, %swap3A_74], %swap3A_77 {strides = array<i32>} : memref<8x128xf32, #tpu.memory_space<vmem>>, vector<1x16xf32>,
    %swap3A_78 = arith.constant 1 : i32
    %swap3A_79 = arith.index_cast %swap3A_78 : i32 to index
    %swap3A_80 = arith.constant 80 : index
    %swap3A_81 = tpu.vector_load %arg9[%swap3A_79, %swap3A_80] {strides = array<i32>} : memref<8x128xf32, #tpu.memory_space<vmem>>, vector<1x16xf32>,
    %swap3A_82 = vector.shape_cast %swap3A_81 : vector<1x16xf32> to vector<16xf32>
    %swap3A_83 = vector.shape_cast %broadcast_in_dim3A_0 : vector<16xf32> to vector<1x16xf32>
    tpu.vector_store %arg9[%swap3A_79, %swap3A_80], %swap3A_83 {strides = array<i32>} : memref<8x128xf32, #tpu.memory_space<vmem>>, vector<1x16xf32>,
    %swap3A_84 = arith.constant 1 : i32
    %swap3A_85 = arith.index_cast %swap3A_84 : i32 to index
    %swap3A_86 = arith.constant 96 : index
    %swap3A_87 = tpu.vector_load %arg9[%swap3A_85, %swap3A_86] {strides = array<i32>} : memref<8x128xf32, #tpu.memory_space<vmem>>, vector<1x16xf32>,
    %swap3A_88 = vector.shape_cast %swap3A_87 : vector<1x16xf32> to vector<16xf32>
    %swap3A_89 = vector.shape_cast %broadcast_in_dim3A_0 : vector<16xf32> to vector<1x16xf32>
    tpu.vector_store %arg9[%swap3A_85, %swap3A_86], %swap3A_89 {strides = array<i32>} : memref<8x128xf32, #tpu.memory_space<vmem>>, vector<1x16xf32>,
    %swap3A_90 = arith.constant 1 : i32
    %swap3A_91 = arith.index_cast %swap3A_90 : i32 to index
    %swap3A_92 = arith.constant 112 : index
    %swap3A_93 = tpu.vector_load %arg9[%swap3A_91, %swap3A_92] {strides = array<i32>} : memref<8x128xf32, #tpu.memory_space<vmem>>, vector<1x16xf32>,
    %swap3A_94 = vector.shape_cast %swap3A_93 : vector<1x16xf32> to vector<16xf32>
    %swap3A_95 = vector.shape_cast %broadcast_in_dim3A_0 : vector<16xf32> to vector<1x16xf32>
    tpu.vector_store %arg9[%swap3A_91, %swap3A_92], %swap3A_95 {strides = array<i32>} : memref<8x128xf32, #tpu.memory_space<vmem>>, vector<1x16xf32>,
    %swap3A_96 = arith.constant 2 : i32
    %swap3A_97 = arith.index_cast %swap3A_96 : i32 to index
    %swap3A_98 = arith.constant 0 : index
    %swap3A_99 = tpu.vector_load %arg9[%swap3A_97, %swap3A_98] {strides = array<i32>} : memref<8x128xf32, #tpu.memory_space<vmem>>, vector<1x16xf32>,
    %swap3A_100 = vector.shape_cast %swap3A_99 : vector<1x16xf32> to vector<16xf32>
    %swap3A_101 = vector.shape_cast %broadcast_in_dim3A_0 : vector<16xf32> to vector<1x16xf32>
    tpu.vector_store %arg9[%swap3A_97, %swap3A_98], %swap3A_101 {strides = array<i32>} : memref<8x128xf32, #tpu.memory_space<vmem>>, vector<1x16xf32>,
    %swap3A_102 = arith.constant 2 : i32
    %swap3A_103 = arith.index_cast %swap3A_102 : i32 to index
    %swap3A_104 = arith.constant 16 : index
    %swap3A_105 = tpu.vector_load %arg9[%swap3A_103, %swap3A_104] {strides = array<i32>} : memref<8x128xf32, #tpu.memory_space<vmem>>, vector<1x16xf32>,
    %swap3A_106 = vector.shape_cast %swap3A_105 : vector<1x16xf32> to vector<16xf32>
    %swap3A_107 = vector.shape_cast %broadcast_in_dim3A_0 : vector<16xf32> to vector<1x16xf32>
    tpu.vector_store %arg9[%swap3A_103, %swap3A_104], %swap3A_107 {strides = array<i32>} : memref<8x128xf32, #tpu.memory_space<vmem>>, vector<1x16xf32>,
    %swap3A_108 = arith.constant 2 : i32
    %swap3A_109 = arith.index_cast %swap3A_108 : i32 to index
    %swap3A_110 = arith.constant 32 : index
    %swap3A_111 = tpu.vector_load %arg9[%swap3A_109, %swap3A_110] {strides = array<i32>} : memref<8x128xf32, #tpu.memory_space<vmem>>, vector<1x16xf32>,
    %swap3A_112 = vector.shape_cast %swap3A_111 : vector<1x16xf32> to vector<16xf32>
    %swap3A_113 = vector.shape_cast %broadcast_in_dim3A_0 : vector<16xf32> to vector<1x16xf32>
    tpu.vector_store %arg9[%swap3A_109, %swap3A_110], %swap3A_113 {strides = array<i32>} : memref<8x128xf32, #tpu.memory_space<vmem>>, vector<1x16xf32>,
    %swap3A_114 = arith.constant 2 : i32
    %swap3A_115 = arith.index_cast %swap3A_114 : i32 to index
    %swap3A_116 = arith.constant 48 : index
    %swap3A_117 = tpu.vector_load %arg9[%swap3A_115, %swap3A_116] {strides = array<i32>} : memref<8x128xf32, #tpu.memory_space<vmem>>, vector<1x16xf32>,
    %swap3A_118 = vector.shape_cast %swap3A_117 : vector<1x16xf32> to vector<16xf32>
    %swap3A_119 = vector.shape_cast %broadcast_in_dim3A_0 : vector<16xf32> to vector<1x16xf32>
    tpu.vector_store %arg9[%swap3A_115, %swap3A_116], %swap3A_119 {strides = array<i32>} : memref<8x128xf32, #tpu.memory_space<vmem>>, vector<1x16xf32>,
    %swap3A_120 = arith.constant 2 : i32
    %swap3A_121 = arith.index_cast %swap3A_120 : i32 to index
    %swap3A_122 = arith.constant 64 : index
    %swap3A_123 = tpu.vector_load %arg9[%swap3A_121, %swap3A_122] {strides = array<i32>} : memref<8x128xf32, #tpu.memory_space<vmem>>, vector<1x16xf32>,
    %swap3A_124 = vector.shape_cast %swap3A_123 : vector<1x16xf32> to vector<16xf32>
    %swap3A_125 = vector.shape_cast %broadcast_in_dim3A_0 : vector<16xf32> to vector<1x16xf32>
    tpu.vector_store %arg9[%swap3A_121, %swap3A_122], %swap3A_125 {strides = array<i32>} : memref<8x128xf32, #tpu.memory_space<vmem>>, vector<1x16xf32>,
    %swap3A_126 = arith.constant 2 : i32
    %swap3A_127 = arith.index_cast %swap3A_126 : i32 to index
    %swap3A_128 = arith.constant 80 : index
    %swap3A_129 = tpu.vector_load %arg9[%swap3A_127, %swap3A_128] {strides = array<i32>} : memref<8x128xf32, #tpu.memory_space<vmem>>, vector<1x16xf32>,
    %swap3A_130 = vector.shape_cast %swap3A_129 : vector<1x16xf32> to vector<16xf32>
    %swap3A_131 = vector.shape_cast %broadcast_in_dim3A_0 : vector<16xf32> to vector<1x16xf32>
    tpu.vector_store %arg9[%swap3A_127, %swap3A_128], %swap3A_131 {strides = array<i32>} : memref<8x128xf32, #tpu.memory_space<vmem>>, vector<1x16xf32>,
    %swap3A_132 = arith.constant 2 : i32
    %swap3A_133 = arith.index_cast %swap3A_132 : i32 to index
    %swap3A_134 = arith.constant 96 : index
    %swap3A_135 = tpu.vector_load %arg9[%swap3A_133, %swap3A_134] {strides = array<i32>} : memref<8x128xf32, #tpu.memory_space<vmem>>, vector<1x16xf32>,
    %swap3A_136 = vector.shape_cast %swap3A_135 : vector<1x16xf32> to vector<16xf32>
    %swap3A_137 = vector.shape_cast %broadcast_in_dim3A_0 : vector<16xf32> to vector<1x16xf32>
    tpu.vector_store %arg9[%swap3A_133, %swap3A_134], %swap3A_137 {strides = array<i32>} : memref<8x128xf32, #tpu.memory_space<vmem>>, vector<1x16xf32>,
    %swap3A_138 = arith.constant 2 : i32
    %swap3A_139 = arith.index_cast %swap3A_138 : i32 to index
    %swap3A_140 = arith.constant 112 : index
    %swap3A_141 = tpu.vector_load %arg9[%swap3A_139, %swap3A_140] {strides = array<i32>} : memref<8x128xf32, #tpu.memory_space<vmem>>, vector<1x16xf32>,
    %swap3A_142 = vector.shape_cast %swap3A_141 : vector<1x16xf32> to vector<16xf32>
    %swap3A_143 = vector.shape_cast %broadcast_in_dim3A_0 : vector<16xf32> to vector<1x16xf32>
    tpu.vector_store %arg9[%swap3A_139, %swap3A_140], %swap3A_143 {strides = array<i32>} : memref<8x128xf32, #tpu.memory_space<vmem>>, vector<1x16xf32>,
    %swap3A_144 = arith.constant 3 : i32
    %swap3A_145 = arith.index_cast %swap3A_144 : i32 to index
    %swap3A_146 = arith.constant 0 : index
    %swap3A_147 = tpu.vector_load %arg9[%swap3A_145, %swap3A_146] {strides = array<i32>} : memref<8x128xf32, #tpu.memory_space<vmem>>, vector<1x16xf32>,
    %swap3A_148 = vector.shape_cast %swap3A_147 : vector<1x16xf32> to vector<16xf32>
    %swap3A_149 = vector.shape_cast %broadcast_in_dim3A_0 : vector<16xf32> to vector<1x16xf32>
    tpu.vector_store %arg9[%swap3A_145, %swap3A_146], %swap3A_149 {strides = array<i32>} : memref<8x128xf32, #tpu.memory_space<vmem>>, vector<1x16xf32>,
    %swap3A_150 = arith.constant 3 : i32
    %swap3A_151 = arith.index_cast %swap3A_150 : i32 to index
    %swap3A_152 = arith.constant 16 : index
    %swap3A_153 = tpu.vector_load %arg9[%swap3A_151, %swap3A_152] {strides = array<i32>} : memref<8x128xf32, #tpu.memory_space<vmem>>, vector<1x16xf32>,
    %swap3A_154 = vector.shape_cast %swap3A_153 : vector<1x16xf32> to vector<16xf32>
    %swap3A_155 = vector.shape_cast %broadcast_in_dim3A_0 : vector<16xf32> to vector<1x16xf32>
    tpu.vector_store %arg9[%swap3A_151, %swap3A_152], %swap3A_155 {strides = array<i32>} : memref<8x128xf32, #tpu.memory_space<vmem>>, vector<1x16xf32>,
    %swap3A_156 = arith.constant 3 : i32
    %swap3A_157 = arith.index_cast %swap3A_156 : i32 to index
    %swap3A_158 = arith.constant 32 : index
    %swap3A_159 = tpu.vector_load %arg9[%swap3A_157, %swap3A_158] {strides = array<i32>} : memref<8x128xf32, #tpu.memory_space<vmem>>, vector<1x16xf32>,
    %swap3A_160 = vector.shape_cast %swap3A_159 : vector<1x16xf32> to vector<16xf32>
    %swap3A_161 = vector.shape_cast %broadcast_in_dim3A_0 : vector<16xf32> to vector<1x16xf32>
    tpu.vector_store %arg9[%swap3A_157, %swap3A_158], %swap3A_161 {strides = array<i32>} : memref<8x128xf32, #tpu.memory_space<vmem>>, vector<1x16xf32>,
    %swap3A_162 = arith.constant 3 : i32
    %swap3A_163 = arith.index_cast %swap3A_162 : i32 to index
    %swap3A_164 = arith.constant 48 : index
    %swap3A_165 = tpu.vector_load %arg9[%swap3A_163, %swap3A_164] {strides = array<i32>} : memref<8x128xf32, #tpu.memory_space<vmem>>, vector<1x16xf32>,
    %swap3A_166 = vector.shape_cast %swap3A_165 : vector<1x16xf32> to vector<16xf32>
    %swap3A_167 = vector.shape_cast %broadcast_in_dim3A_0 : vector<16xf32> to vector<1x16xf32>
    tpu.vector_store %arg9[%swap3A_163, %swap3A_164], %swap3A_167 {strides = array<i32>} : memref<8x128xf32, #tpu.memory_space<vmem>>, vector<1x16xf32>,
    %swap3A_168 = arith.constant 3 : i32
    %swap3A_169 = arith.index_cast %swap3A_168 : i32 to index
    %swap3A_170 = arith.constant 64 : index
    %swap3A_171 = tpu.vector_load %arg9[%swap3A_169, %swap3A_170] {strides = array<i32>} : memref<8x128xf32, #tpu.memory_space<vmem>>, vector<1x16xf32>,
    %swap3A_172 = vector.shape_cast %swap3A_171 : vector<1x16xf32> to vector<16xf32>
    %swap3A_173 = vector.shape_cast %broadcast_in_dim3A_0 : vector<16xf32> to vector<1x16xf32>
    tpu.vector_store %arg9[%swap3A_169, %swap3A_170], %swap3A_173 {strides = array<i32>} : memref<8x128xf32, #tpu.memory_space<vmem>>, vector<1x16xf32>,
    %swap3A_174 = arith.constant 3 : i32
    %swap3A_175 = arith.index_cast %swap3A_174 : i32 to index
    %swap3A_176 = arith.constant 80 : index
    %swap3A_177 = tpu.vector_load %arg9[%swap3A_175, %swap3A_176] {strides = array<i32>} : memref<8x128xf32, #tpu.memory_space<vmem>>, vector<1x16xf32>,
    %swap3A_178 = vector.shape_cast %swap3A_177 : vector<1x16xf32> to vector<16xf32>
    %swap3A_179 = vector.shape_cast %broadcast_in_dim3A_0 : vector<16xf32> to vector<1x16xf32>
    tpu.vector_store %arg9[%swap3A_175, %swap3A_176], %swap3A_179 {strides = array<i32>} : memref<8x128xf32, #tpu.memory_space<vmem>>, vector<1x16xf32>,
    %swap3A_180 = arith.constant 3 : i32
    %swap3A_181 = arith.index_cast %swap3A_180 : i32 to index
    %swap3A_182 = arith.constant 96 : index
    %swap3A_183 = tpu.vector_load %arg9[%swap3A_181, %swap3A_182] {strides = array<i32>} : memref<8x128xf32, #tpu.memory_space<vmem>>, vector<1x16xf32>,
    %swap3A_184 = vector.shape_cast %swap3A_183 : vector<1x16xf32> to vector<16xf32>
    %swap3A_185 = vector.shape_cast %broadcast_in_dim3A_0 : vector<16xf32> to vector<1x16xf32>
    tpu.vector_store %arg9[%swap3A_181, %swap3A_182], %swap3A_185 {strides = array<i32>} : memref<8x128xf32, #tpu.memory_space<vmem>>, vector<1x16xf32>,
    %swap3A_186 = arith.constant 3 : i32
    %swap3A_187 = arith.index_cast %swap3A_186 : i32 to index
    %swap3A_188 = arith.constant 112 : index
    %swap3A_189 = tpu.vector_load %arg9[%swap3A_187, %swap3A_188] {strides = array<i32>} : memref<8x128xf32, #tpu.memory_space<vmem>>, vector<1x16xf32>,
    %swap3A_190 = vector.shape_cast %swap3A_189 : vector<1x16xf32> to vector<16xf32>
    %swap3A_191 = vector.shape_cast %broadcast_in_dim3A_0 : vector<16xf32> to vector<1x16xf32>
    tpu.vector_store %arg9[%swap3A_187, %swap3A_188], %swap3A_191 {strides = array<i32>} : memref<8x128xf32, #tpu.memory_space<vmem>>, vector<1x16xf32>,
    %swap3A_192 = arith.constant 4 : i32
    %swap3A_193 = arith.index_cast %swap3A_192 : i32 to index
    %swap3A_194 = arith.constant 0 : index
    %swap3A_195 = tpu.vector_load %arg9[%swap3A_193, %swap3A_194] {strides = array<i32>} : memref<8x128xf32, #tpu.memory_space<vmem>>, vector<1x16xf32>,
    %swap3A_196 = vector.shape_cast %swap3A_195 : vector<1x16xf32> to vector<16xf32>
    %swap3A_197 = vector.shape_cast %broadcast_in_dim3A_0 : vector<16xf32> to vector<1x16xf32>
    tpu.vector_store %arg9[%swap3A_193, %swap3A_194], %swap3A_197 {strides = array<i32>} : memref<8x128xf32, #tpu.memory_space<vmem>>, vector<1x16xf32>,
    %swap3A_198 = arith.constant 4 : i32
    %swap3A_199 = arith.index_cast %swap3A_198 : i32 to index
    %swap3A_200 = arith.constant 16 : index
    %swap3A_201 = tpu.vector_load %arg9[%swap3A_199, %swap3A_200] {strides = array<i32>} : memref<8x128xf32, #tpu.memory_space<vmem>>, vector<1x16xf32>,
    %swap3A_202 = vector.shape_cast %swap3A_201 : vector<1x16xf32> to vector<16xf32>
    %swap3A_203 = vector.shape_cast %broadcast_in_dim3A_0 : vector<16xf32> to vector<1x16xf32>
    tpu.vector_store %arg9[%swap3A_199, %swap3A_200], %swap3A_203 {strides = array<i32>} : memref<8x128xf32, #tpu.memory_space<vmem>>, vector<1x16xf32>,
    %swap3A_204 = arith.constant 4 : i32
    %swap3A_205 = arith.index_cast %swap3A_204 : i32 to index
    %swap3A_206 = arith.constant 32 : index
    %swap3A_207 = tpu.vector_load %arg9[%swap3A_205, %swap3A_206] {strides = array<i32>} : memref<8x128xf32, #tpu.memory_space<vmem>>, vector<1x16xf32>,
    %swap3A_208 = vector.shape_cast %swap3A_207 : vector<1x16xf32> to vector<16xf32>
    %swap3A_209 = vector.shape_cast %broadcast_in_dim3A_0 : vector<16xf32> to vector<1x16xf32>
    tpu.vector_store %arg9[%swap3A_205, %swap3A_206], %swap3A_209 {strides = array<i32>} : memref<8x128xf32, #tpu.memory_space<vmem>>, vector<1x16xf32>,
    %swap3A_210 = arith.constant 4 : i32
    %swap3A_211 = arith.index_cast %swap3A_210 : i32 to index
    %swap3A_212 = arith.constant 48 : index
    %swap3A_213 = tpu.vector_load %arg9[%swap3A_211, %swap3A_212] {strides = array<i32>} : memref<8x128xf32, #tpu.memory_space<vmem>>, vector<1x16xf32>,
    %swap3A_214 = vector.shape_cast %swap3A_213 : vector<1x16xf32> to vector<16xf32>
    %swap3A_215 = vector.shape_cast %broadcast_in_dim3A_0 : vector<16xf32> to vector<1x16xf32>
    tpu.vector_store %arg9[%swap3A_211, %swap3A_212], %swap3A_215 {strides = array<i32>} : memref<8x128xf32, #tpu.memory_space<vmem>>, vector<1x16xf32>,
    %swap3A_216 = arith.constant 4 : i32
    %swap3A_217 = arith.index_cast %swap3A_216 : i32 to index
    %swap3A_218 = arith.constant 64 : index
    %swap3A_219 = tpu.vector_load %arg9[%swap3A_217, %swap3A_218] {strides = array<i32>} : memref<8x128xf32, #tpu.memory_space<vmem>>, vector<1x16xf32>,
    %swap3A_220 = vector.shape_cast %swap3A_219 : vector<1x16xf32> to vector<16xf32>
    %swap3A_221 = vector.shape_cast %broadcast_in_dim3A_0 : vector<16xf32> to vector<1x16xf32>
    tpu.vector_store %arg9[%swap3A_217, %swap3A_218], %swap3A_221 {strides = array<i32>} : memref<8x128xf32, #tpu.memory_space<vmem>>, vector<1x16xf32>,
    %swap3A_222 = arith.constant 4 : i32
    %swap3A_223 = arith.index_cast %swap3A_222 : i32 to index
    %swap3A_224 = arith.constant 80 : index
    %swap3A_225 = tpu.vector_load %arg9[%swap3A_223, %swap3A_224] {strides = array<i32>} : memref<8x128xf32, #tpu.memory_space<vmem>>, vector<1x16xf32>,
    %swap3A_226 = vector.shape_cast %swap3A_225 : vector<1x16xf32> to vector<16xf32>
    %swap3A_227 = vector.shape_cast %broadcast_in_dim3A_0 : vector<16xf32> to vector<1x16xf32>
    tpu.vector_store %arg9[%swap3A_223, %swap3A_224], %swap3A_227 {strides = array<i32>} : memref<8x128xf32, #tpu.memory_space<vmem>>, vector<1x16xf32>,
    %swap3A_228 = arith.constant 4 : i32
    %swap3A_229 = arith.index_cast %swap3A_228 : i32 to index
    %swap3A_230 = arith.constant 96 : index
    %swap3A_231 = tpu.vector_load %arg9[%swap3A_229, %swap3A_230] {strides = array<i32>} : memref<8x128xf32, #tpu.memory_space<vmem>>, vector<1x16xf32>,
    %swap3A_232 = vector.shape_cast %swap3A_231 : vector<1x16xf32> to vector<16xf32>
    %swap3A_233 = vector.shape_cast %broadcast_in_dim3A_0 : vector<16xf32> to vector<1x16xf32>
    tpu.vector_store %arg9[%swap3A_229, %swap3A_230], %swap3A_233 {strides = array<i32>} : memref<8x128xf32, #tpu.memory_space<vmem>>, vector<1x16xf32>,
    %swap3A_234 = arith.constant 4 : i32
    %swap3A_235 = arith.index_cast %swap3A_234 : i32 to index
    %swap3A_236 = arith.constant 112 : index
    %swap3A_237 = tpu.vector_load %arg9[%swap3A_235, %swap3A_236] {strides = array<i32>} : memref<8x128xf32, #tpu.memory_space<vmem>>, vector<1x16xf32>,
    %swap3A_238 = vector.shape_cast %swap3A_237 : vector<1x16xf32> to vector<16xf32>
    %swap3A_239 = vector.shape_cast %broadcast_in_dim3A_0 : vector<16xf32> to vector<1x16xf32>
    tpu.vector_store %arg9[%swap3A_235, %swap3A_236], %swap3A_239 {strides = array<i32>} : memref<8x128xf32, #tpu.memory_space<vmem>>, vector<1x16xf32>,
    %swap3A_240 = arith.constant 5 : i32
    %swap3A_241 = arith.index_cast %swap3A_240 : i32 to index
    %swap3A_242 = arith.constant 0 : index
    %swap3A_243 = tpu.vector_load %arg9[%swap3A_241, %swap3A_242] {strides = array<i32>} : memref<8x128xf32, #tpu.memory_space<vmem>>, vector<1x16xf32>,
    %swap3A_244 = vector.shape_cast %swap3A_243 : vector<1x16xf32> to vector<16xf32>
    %swap3A_245 = vector.shape_cast %broadcast_in_dim3A_0 : vector<16xf32> to vector<1x16xf32>
    tpu.vector_store %arg9[%swap3A_241, %swap3A_242], %swap3A_245 {strides = array<i32>} : memref<8x128xf32, #tpu.memory_space<vmem>>, vector<1x16xf32>,
    %swap3A_246 = arith.constant 5 : i32
    %swap3A_247 = arith.index_cast %swap3A_246 : i32 to index
    %swap3A_248 = arith.constant 16 : index
    %swap3A_249 = tpu.vector_load %arg9[%swap3A_247, %swap3A_248] {strides = array<i32>} : memref<8x128xf32, #tpu.memory_space<vmem>>, vector<1x16xf32>,
    %swap3A_250 = vector.shape_cast %swap3A_249 : vector<1x16xf32> to vector<16xf32>
    %swap3A_251 = vector.shape_cast %broadcast_in_dim3A_0 : vector<16xf32> to vector<1x16xf32>
    tpu.vector_store %arg9[%swap3A_247, %swap3A_248], %swap3A_251 {strides = array<i32>} : memref<8x128xf32, #tpu.memory_space<vmem>>, vector<1x16xf32>,
    %swap3A_252 = arith.constant 5 : i32
    %swap3A_253 = arith.index_cast %swap3A_252 : i32 to index
    %swap3A_254 = arith.constant 32 : index
    %swap3A_255 = tpu.vector_load %arg9[%swap3A_253, %swap3A_254] {strides = array<i32>} : memref<8x128xf32, #tpu.memory_space<vmem>>, vector<1x16xf32>,
    %swap3A_256 = vector.shape_cast %swap3A_255 : vector<1x16xf32> to vector<16xf32>
    %swap3A_257 = vector.shape_cast %broadcast_in_dim3A_0 : vector<16xf32> to vector<1x16xf32>
    tpu.vector_store %arg9[%swap3A_253, %swap3A_254], %swap3A_257 {strides = array<i32>} : memref<8x128xf32, #tpu.memory_space<vmem>>, vector<1x16xf32>,
    %swap3A_258 = arith.constant 5 : i32
    %swap3A_259 = arith.index_cast %swap3A_258 : i32 to index
    %swap3A_260 = arith.constant 48 : index
    %swap3A_261 = tpu.vector_load %arg9[%swap3A_259, %swap3A_260] {strides = array<i32>} : memref<8x128xf32, #tpu.memory_space<vmem>>, vector<1x16xf32>,
    %swap3A_262 = vector.shape_cast %swap3A_261 : vector<1x16xf32> to vector<16xf32>
    %swap3A_263 = vector.shape_cast %broadcast_in_dim3A_0 : vector<16xf32> to vector<1x16xf32>
    tpu.vector_store %arg9[%swap3A_259, %swap3A_260], %swap3A_263 {strides = array<i32>} : memref<8x128xf32, #tpu.memory_space<vmem>>, vector<1x16xf32>,
    %swap3A_264 = arith.constant 5 : i32
    %swap3A_265 = arith.index_cast %swap3A_264 : i32 to index
    %swap3A_266 = arith.constant 64 : index
    %swap3A_267 = tpu.vector_load %arg9[%swap3A_265, %swap3A_266] {strides = array<i32>} : memref<8x128xf32, #tpu.memory_space<vmem>>, vector<1x16xf32>,
    %swap3A_268 = vector.shape_cast %swap3A_267 : vector<1x16xf32> to vector<16xf32>
    %swap3A_269 = vector.shape_cast %broadcast_in_dim3A_0 : vector<16xf32> to vector<1x16xf32>
    tpu.vector_store %arg9[%swap3A_265, %swap3A_266], %swap3A_269 {strides = array<i32>} : memref<8x128xf32, #tpu.memory_space<vmem>>, vector<1x16xf32>,
    %swap3A_270 = arith.constant 5 : i32
    %swap3A_271 = arith.index_cast %swap3A_270 : i32 to index
    %swap3A_272 = arith.constant 80 : index
    %swap3A_273 = tpu.vector_load %arg9[%swap3A_271, %swap3A_272] {strides = array<i32>} : memref<8x128xf32, #tpu.memory_space<vmem>>, vector<1x16xf32>,
    %swap3A_274 = vector.shape_cast %swap3A_273 : vector<1x16xf32> to vector<16xf32>
    %swap3A_275 = vector.shape_cast %broadcast_in_dim3A_0 : vector<16xf32> to vector<1x16xf32>
    tpu.vector_store %arg9[%swap3A_271, %swap3A_272], %swap3A_275 {strides = array<i32>} : memref<8x128xf32, #tpu.memory_space<vmem>>, vector<1x16xf32>,
    %swap3A_276 = arith.constant 5 : i32
    %swap3A_277 = arith.index_cast %swap3A_276 : i32 to index
    %swap3A_278 = arith.constant 96 : index
    %swap3A_279 = tpu.vector_load %arg9[%swap3A_277, %swap3A_278] {strides = array<i32>} : memref<8x128xf32, #tpu.memory_space<vmem>>, vector<1x16xf32>,
    %swap3A_280 = vector.shape_cast %swap3A_279 : vector<1x16xf32> to vector<16xf32>
    %swap3A_281 = vector.shape_cast %broadcast_in_dim3A_0 : vector<16xf32> to vector<1x16xf32>
    tpu.vector_store %arg9[%swap3A_277, %swap3A_278], %swap3A_281 {strides = array<i32>} : memref<8x128xf32, #tpu.memory_space<vmem>>, vector<1x16xf32>,
    %swap3A_282 = arith.constant 5 : i32
    %swap3A_283 = arith.index_cast %swap3A_282 : i32 to index
    %swap3A_284 = arith.constant 112 : index
    %swap3A_285 = tpu.vector_load %arg9[%swap3A_283, %swap3A_284] {strides = array<i32>} : memref<8x128xf32, #tpu.memory_space<vmem>>, vector<1x16xf32>,
    %swap3A_286 = vector.shape_cast %swap3A_285 : vector<1x16xf32> to vector<16xf32>
    %swap3A_287 = vector.shape_cast %broadcast_in_dim3A_0 : vector<16xf32> to vector<1x16xf32>
    tpu.vector_store %arg9[%swap3A_283, %swap3A_284], %swap3A_287 {strides = array<i32>} : memref<8x128xf32, #tpu.memory_space<vmem>>, vector<1x16xf32>,
    %swap3A_288 = arith.constant 6 : i32
    %swap3A_289 = arith.index_cast %swap3A_288 : i32 to index
    %swap3A_290 = arith.constant 0 : index
    %swap3A_291 = tpu.vector_load %arg9[%swap3A_289, %swap3A_290] {strides = array<i32>} : memref<8x128xf32, #tpu.memory_space<vmem>>, vector<1x16xf32>,
    %swap3A_292 = vector.shape_cast %swap3A_291 : vector<1x16xf32> to vector<16xf32>
    %swap3A_293 = vector.shape_cast %broadcast_in_dim3A_0 : vector<16xf32> to vector<1x16xf32>
    tpu.vector_store %arg9[%swap3A_289, %swap3A_290], %swap3A_293 {strides = array<i32>} : memref<8x128xf32, #tpu.memory_space<vmem>>, vector<1x16xf32>,
    %swap3A_294 = arith.constant 6 : i32
    %swap3A_295 = arith.index_cast %swap3A_294 : i32 to index
    %swap3A_296 = arith.constant 16 : index
    %swap3A_297 = tpu.vector_load %arg9[%swap3A_295, %swap3A_296] {strides = array<i32>} : memref<8x128xf32, #tpu.memory_space<vmem>>, vector<1x16xf32>,
    %swap3A_298 = vector.shape_cast %swap3A_297 : vector<1x16xf32> to vector<16xf32>
    %swap3A_299 = vector.shape_cast %broadcast_in_dim3A_0 : vector<16xf32> to vector<1x16xf32>
    tpu.vector_store %arg9[%swap3A_295, %swap3A_296], %swap3A_299 {strides = array<i32>} : memref<8x128xf32, #tpu.memory_space<vmem>>, vector<1x16xf32>,
    %swap3A_300 = arith.constant 6 : i32
    %swap3A_301 = arith.index_cast %swap3A_300 : i32 to index
    %swap3A_302 = arith.constant 32 : index
    %swap3A_303 = tpu.vector_load %arg9[%swap3A_301, %swap3A_302] {strides = array<i32>} : memref<8x128xf32, #tpu.memory_space<vmem>>, vector<1x16xf32>,
    %swap3A_304 = vector.shape_cast %swap3A_303 : vector<1x16xf32> to vector<16xf32>
    %swap3A_305 = vector.shape_cast %broadcast_in_dim3A_0 : vector<16xf32> to vector<1x16xf32>
    tpu.vector_store %arg9[%swap3A_301, %swap3A_302], %swap3A_305 {strides = array<i32>} : memref<8x128xf32, #tpu.memory_space<vmem>>, vector<1x16xf32>,
    %swap3A_306 = arith.constant 6 : i32
    %swap3A_307 = arith.index_cast %swap3A_306 : i32 to index
    %swap3A_308 = arith.constant 48 : index
    %swap3A_309 = tpu.vector_load %arg9[%swap3A_307, %swap3A_308] {strides = array<i32>} : memref<8x128xf32, #tpu.memory_space<vmem>>, vector<1x16xf32>,
    %swap3A_310 = vector.shape_cast %swap3A_309 : vector<1x16xf32> to vector<16xf32>
    %swap3A_311 = vector.shape_cast %broadcast_in_dim3A_0 : vector<16xf32> to vector<1x16xf32>
    tpu.vector_store %arg9[%swap3A_307, %swap3A_308], %swap3A_311 {strides = array<i32>} : memref<8x128xf32, #tpu.memory_space<vmem>>, vector<1x16xf32>,
    %swap3A_312 = arith.constant 6 : i32
    %swap3A_313 = arith.index_cast %swap3A_312 : i32 to index
    %swap3A_314 = arith.constant 64 : index
    %swap3A_315 = tpu.vector_load %arg9[%swap3A_313, %swap3A_314] {strides = array<i32>} : memref<8x128xf32, #tpu.memory_space<vmem>>, vector<1x16xf32>,
    %swap3A_316 = vector.shape_cast %swap3A_315 : vector<1x16xf32> to vector<16xf32>
    %swap3A_317 = vector.shape_cast %broadcast_in_dim3A_0 : vector<16xf32> to vector<1x16xf32>
    tpu.vector_store %arg9[%swap3A_313, %swap3A_314], %swap3A_317 {strides = array<i32>} : memref<8x128xf32, #tpu.memory_space<vmem>>, vector<1x16xf32>,
    %swap3A_318 = arith.constant 6 : i32
    %swap3A_319 = arith.index_cast %swap3A_318 : i32 to index
    %swap3A_320 = arith.constant 80 : index
    %swap3A_321 = tpu.vector_load %arg9[%swap3A_319, %swap3A_320] {strides = array<i32>} : memref<8x128xf32, #tpu.memory_space<vmem>>, vector<1x16xf32>,
    %swap3A_322 = vector.shape_cast %swap3A_321 : vector<1x16xf32> to vector<16xf32>
    %swap3A_323 = vector.shape_cast %broadcast_in_dim3A_0 : vector<16xf32> to vector<1x16xf32>
    tpu.vector_store %arg9[%swap3A_319, %swap3A_320], %swap3A_323 {strides = array<i32>} : memref<8x128xf32, #tpu.memory_space<vmem>>, vector<1x16xf32>,
    %swap3A_324 = arith.constant 6 : i32
    %swap3A_325 = arith.index_cast %swap3A_324 : i32 to index
    %swap3A_326 = arith.constant 96 : index
    %swap3A_327 = tpu.vector_load %arg9[%swap3A_325, %swap3A_326] {strides = array<i32>} : memref<8x128xf32, #tpu.memory_space<vmem>>, vector<1x16xf32>,
    %swap3A_328 = vector.shape_cast %swap3A_327 : vector<1x16xf32> to vector<16xf32>
    %swap3A_329 = vector.shape_cast %broadcast_in_dim3A_0 : vector<16xf32> to vector<1x16xf32>
    tpu.vector_store %arg9[%swap3A_325, %swap3A_326], %swap3A_329 {strides = array<i32>} : memref<8x128xf32, #tpu.memory_space<vmem>>, vector<1x16xf32>,
    %swap3A_330 = arith.constant 6 : i32
    %swap3A_331 = arith.index_cast %swap3A_330 : i32 to index
    %swap3A_332 = arith.constant 112 : index
    %swap3A_333 = tpu.vector_load %arg9[%swap3A_331, %swap3A_332] {strides = array<i32>} : memref<8x128xf32, #tpu.memory_space<vmem>>, vector<1x16xf32>,
    %swap3A_334 = vector.shape_cast %swap3A_333 : vector<1x16xf32> to vector<16xf32>
    %swap3A_335 = vector.shape_cast %broadcast_in_dim3A_0 : vector<16xf32> to vector<1x16xf32>
    tpu.vector_store %arg9[%swap3A_331, %swap3A_332], %swap3A_335 {strides = array<i32>} : memref<8x128xf32, #tpu.memory_space<vmem>>, vector<1x16xf32>,
    %swap3A_336 = arith.constant 7 : i32
    %swap3A_337 = arith.index_cast %swap3A_336 : i32 to index
    %swap3A_338 = arith.constant 0 : index
    %swap3A_339 = tpu.vector_load %arg9[%swap3A_337, %swap3A_338] {strides = array<i32>} : memref<8x128xf32, #tpu.memory_space<vmem>>, vector<1x16xf32>,
    %swap3A_340 = vector.shape_cast %swap3A_339 : vector<1x16xf32> to vector<16xf32>
    %swap3A_341 = vector.shape_cast %broadcast_in_dim3A_0 : vector<16xf32> to vector<1x16xf32>
    tpu.vector_store %arg9[%swap3A_337, %swap3A_338], %swap3A_341 {strides = array<i32>} : memref<8x128xf32, #tpu.memory_space<vmem>>, vector<1x16xf32>,
    %swap3A_342 = arith.constant 7 : i32
    %swap3A_343 = arith.index_cast %swap3A_342 : i32 to index
    %swap3A_344 = arith.constant 16 : index
    %swap3A_345 = tpu.vector_load %arg9[%swap3A_343, %swap3A_344] {strides = array<i32>} : memref<8x128xf32, #tpu.memory_space<vmem>>, vector<1x16xf32>,
    %swap3A_346 = vector.shape_cast %swap3A_345 : vector<1x16xf32> to vector<16xf32>
    %swap3A_347 = vector.shape_cast %broadcast_in_dim3A_0 : vector<16xf32> to vector<1x16xf32>
    tpu.vector_store %arg9[%swap3A_343, %swap3A_344], %swap3A_347 {strides = array<i32>} : memref<8x128xf32, #tpu.memory_space<vmem>>, vector<1x16xf32>,
    %swap3A_348 = arith.constant 7 : i32
    %swap3A_349 = arith.index_cast %swap3A_348 : i32 to index
    %swap3A_350 = arith.constant 32 : index
    %swap3A_351 = tpu.vector_load %arg9[%swap3A_349, %swap3A_350] {strides = array<i32>} : memref<8x128xf32, #tpu.memory_space<vmem>>, vector<1x16xf32>,
    %swap3A_352 = vector.shape_cast %swap3A_351 : vector<1x16xf32> to vector<16xf32>
    %swap3A_353 = vector.shape_cast %broadcast_in_dim3A_0 : vector<16xf32> to vector<1x16xf32>
    tpu.vector_store %arg9[%swap3A_349, %swap3A_350], %swap3A_353 {strides = array<i32>} : memref<8x128xf32, #tpu.memory_space<vmem>>, vector<1x16xf32>,
    %swap3A_354 = arith.constant 7 : i32
    %swap3A_355 = arith.index_cast %swap3A_354 : i32 to index
    %swap3A_356 = arith.constant 48 : index
    %swap3A_357 = tpu.vector_load %arg9[%swap3A_355, %swap3A_356] {strides = array<i32>} : memref<8x128xf32, #tpu.memory_space<vmem>>, vector<1x16xf32>,
    %swap3A_358 = vector.shape_cast %swap3A_357 : vector<1x16xf32> to vector<16xf32>
    %swap3A_359 = vector.shape_cast %broadcast_in_dim3A_0 : vector<16xf32> to vector<1x16xf32>
    tpu.vector_store %arg9[%swap3A_355, %swap3A_356], %swap3A_359 {strides = array<i32>} : memref<8x128xf32, #tpu.memory_space<vmem>>, vector<1x16xf32>,
    %swap3A_360 = arith.constant 7 : i32
    %swap3A_361 = arith.index_cast %swap3A_360 : i32 to index
    %swap3A_362 = arith.constant 64 : index
    %swap3A_363 = tpu.vector_load %arg9[%swap3A_361, %swap3A_362] {strides = array<i32>} : memref<8x128xf32, #tpu.memory_space<vmem>>, vector<1x16xf32>,
    %swap3A_364 = vector.shape_cast %swap3A_363 : vector<1x16xf32> to vector<16xf32>
    %swap3A_365 = vector.shape_cast %broadcast_in_dim3A_0 : vector<16xf32> to vector<1x16xf32>
    tpu.vector_store %arg9[%swap3A_361, %swap3A_362], %swap3A_365 {strides = array<i32>} : memref<8x128xf32, #tpu.memory_space<vmem>>, vector<1x16xf32>,
    %swap3A_366 = arith.constant 7 : i32
    %swap3A_367 = arith.index_cast %swap3A_366 : i32 to index
    %swap3A_368 = arith.constant 80 : index
    %swap3A_369 = tpu.vector_load %arg9[%swap3A_367, %swap3A_368] {strides = array<i32>} : memref<8x128xf32, #tpu.memory_space<vmem>>, vector<1x16xf32>,
    %swap3A_370 = vector.shape_cast %swap3A_369 : vector<1x16xf32> to vector<16xf32>
    %swap3A_371 = vector.shape_cast %broadcast_in_dim3A_0 : vector<16xf32> to vector<1x16xf32>
    tpu.vector_store %arg9[%swap3A_367, %swap3A_368], %swap3A_371 {strides = array<i32>} : memref<8x128xf32, #tpu.memory_space<vmem>>, vector<1x16xf32>,
    %swap3A_372 = arith.constant 7 : i32
    %swap3A_373 = arith.index_cast %swap3A_372 : i32 to index
    %swap3A_374 = arith.constant 96 : index
    %swap3A_375 = tpu.vector_load %arg9[%swap3A_373, %swap3A_374] {strides = array<i32>} : memref<8x128xf32, #tpu.memory_space<vmem>>, vector<1x16xf32>,
    %swap3A_376 = vector.shape_cast %swap3A_375 : vector<1x16xf32> to vector<16xf32>
    %swap3A_377 = vector.shape_cast %broadcast_in_dim3A_0 : vector<16xf32> to vector<1x16xf32>
    tpu.vector_store %arg9[%swap3A_373, %swap3A_374], %swap3A_377 {strides = array<i32>} : memref<8x128xf32, #tpu.memory_space<vmem>>, vector<1x16xf32>,
    %swap3A_378 = arith.constant 7 : i32
    %swap3A_379 = arith.index_cast %swap3A_378 : i32 to index
    %swap3A_380 = arith.constant 112 : index
    %swap3A_381 = tpu.vector_load %arg9[%swap3A_379, %swap3A_380] {strides = array<i32>} : memref<8x128xf32, #tpu.memory_space<vmem>>, vector<1x16xf32>,
    %swap3A_382 = vector.shape_cast %swap3A_381 : vector<1x16xf32> to vector<16xf32>
    %swap3A_383 = vector.shape_cast %broadcast_in_dim3A_0 : vector<16xf32> to vector<1x16xf32>
    tpu.vector_store %arg9[%swap3A_379, %swap3A_380], %swap3A_383 {strides = array<i32>} : memref<8x128xf32, #tpu.memory_space<vmem>>, vector<1x16xf32>,
    %scan3A = arith.constant 0 : i32
    %scan3A_384 = arith.constant 0 : i32
    %scan3A_385 = arith.constant 79 : i32
    %scan3A_386 = arith.addi %scan3A_384, %scan3A_385 : i32
    %scan3A_387 = arith.constant 1 : i32
    scf.for %scan3A_403 = %scan3A_384 to %scan3A_386 step %scan3A_387  : i32 {
      %mul3A_404 = arith.constant 632 : i32
      %mul3A_405 = arith.muli %arg1, %mul3A_404 : i32
      %mul3A_406 = arith.constant 8 : i32
      %mul3A_407 = arith.muli %scan3A_403, %mul3A_406 : i32
      %add3A_408 = arith.addi %mul3A_405, %mul3A_407 : i32
      "tpu.region"() ({
        %run_scoped3A = tpu.sem_alloc : memref<!tpu.dma_semaphore, #tpu.memory_space<semaphore_mem>>
        %dma_start3A = arith.constant 0 : i32
        %dma_start3A_409 = tpu.memref_slice %arg10[%add3A_408, %dma_start3A] : memref<10112x128xf32, #tpu.memory_space<vmem_shared>> -> memref<8x128xf32, #tpu.memory_space<vmem_shared>>
        %dma_start3A_410 = arith.constant 0 : i32
        %dma_start3A_411 = tpu.memref_slice %arg10[%add3A_408, %dma_start3A_410] : memref<10112x128xf32, #tpu.memory_space<vmem_shared>> -> memref<8x128xf32, #tpu.memory_space<vmem_shared>>
        tpu.enqueue_dma source(%arg9 : memref<8x128xf32, #tpu.memory_space<vmem>>) target(%dma_start3A_411 : memref<8x128xf32, #tpu.memory_space<vmem_shared>>) target_semaphore(%run_scoped3A : memref<!tpu.dma_semaphore, #tpu.memory_space<semaphore_mem>>)
        %dma_wait3A = arith.constant 0 : i32
        %dma_wait3A_412 = tpu.memref_slice %arg10[%add3A_408, %dma_wait3A] : memref<10112x128xf32, #tpu.memory_space<vmem_shared>> -> memref<8x128xf32, #tpu.memory_space<vmem_shared>>
        %dma_wait3A_413 = arith.constant 0 : i32
        %dma_wait3A_414 = tpu.memref_slice %arg10[%add3A_408, %dma_wait3A_413] : memref<10112x128xf32, #tpu.memory_space<vmem_shared>> -> memref<8x128xf32, #tpu.memory_space<vmem_shared>>
        tpu.wait_dma2 semaphore(%run_scoped3A : memref<!tpu.dma_semaphore, #tpu.memory_space<semaphore_mem>>) src(%arg9 : memref<8x128xf32, #tpu.memory_space<vmem>>) dst(%dma_wait3A_414 : memref<8x128xf32, #tpu.memory_space<vmem_shared>>)
        tpu.yield
      }) : () -> ()
    }
    %scan3A_388 = arith.constant 79 : i32
    %barrier3A = arith.constant 0 : index
    tpu.barrier barrier_id(%barrier3A)
    %mul3A = arith.constant 321536 : i32
    %mul3A_389 = arith.muli %arg0, %mul3A : i32
    %mul3A_390 = arith.constant 20096 : i32
    %mul3A_391 = arith.muli %arg1, %mul3A_390 : i32
    %add3A = arith.addi %mul3A_389, %mul3A_391 : i32
    %scan3A_392 = arith.constant 0 : i32
    %scan3A_393 = arith.constant 0 : i32
    %scan3A_394 = arith.constant 157 : i32
    %scan3A_395 = arith.addi %scan3A_393, %scan3A_394 : i32
    %scan3A_396 = arith.constant 1 : i32
    scf.for %scan3A_403 = %scan3A_393 to %scan3A_395 step %scan3A_396  : i32 {
      %mul3A_404 = arith.constant 128 : i32
      %mul3A_405 = arith.muli %scan3A_403, %mul3A_404 : i32
      %add3A_406 = arith.addi %add3A, %mul3A_405 : i32
      "tpu.region"() ({
        %run_scoped3A_412 = tpu.sem_alloc : memref<!tpu.dma_semaphore, #tpu.memory_space<semaphore_mem>>
        %dma_start3A_413 = tpu.memref_slice %arg3[%add3A_406] : memref<643072xi32, #tpu.memory_space<hbm>> -> memref<128xi32, #tpu.memory_space<hbm>>
        %dma_start3A_414 = tpu.memref_slice %arg3[%add3A_406] : memref<643072xi32, #tpu.memory_space<hbm>> -> memref<128xi32, #tpu.memory_space<hbm>>
        tpu.enqueue_dma source(%dma_start3A_414 : memref<128xi32, #tpu.memory_space<hbm>>) target(%arg6 : memref<128xi32, #tpu.memory_space<vmem>>) target_semaphore(%run_scoped3A_412 : memref<!tpu.dma_semaphore, #tpu.memory_space<semaphore_mem>>)
        %dma_wait3A_415 = tpu.memref_slice %arg3[%add3A_406] : memref<643072xi32, #tpu.memory_space<hbm>> -> memref<128xi32, #tpu.memory_space<hbm>>
        %dma_wait3A_416 = tpu.memref_slice %arg3[%add3A_406] : memref<643072xi32, #tpu.memory_space<hbm>> -> memref<128xi32, #tpu.memory_space<hbm>>
        tpu.wait_dma2 semaphore(%run_scoped3A_412 : memref<!tpu.dma_semaphore, #tpu.memory_space<semaphore_mem>>) src(%dma_wait3A_416 : memref<128xi32, #tpu.memory_space<hbm>>) dst(%arg6 : memref<128xi32, #tpu.memory_space<vmem>>)
        tpu.yield
      }) : () -> ()
      %run_scoped3A = arith.constant 0 : i32
      "tpu.region"() ({
        %run_scoped3A_412 = tpu.sem_alloc : memref<!tpu.dma_semaphore, #tpu.memory_space<semaphore_mem>>
        %dma_start3A_413 = arith.constant 0 : i32
        %dma_start3A_414 = tpu.memref_slice %arg7[%run_scoped3A, %dma_start3A_413] : memref<1x128xi32, #tpu.memory_space<vmem>> -> memref<1x128xi32, #tpu.memory_space<vmem>>
        %dma_start3A_415 = tpu.memref_squeeze %dma_start3A_414 : memref<1x128xi32, #tpu.memory_space<vmem>> -> memref<128xi32, #tpu.memory_space<vmem>>
        %dma_start3A_416 = tpu.memref_slice %arg4[%add3A_406] : memref<643072xi32, #tpu.memory_space<hbm>> -> memref<128xi32, #tpu.memory_space<hbm>>
        %dma_start3A_417 = arith.constant 0 : i32
        %dma_start3A_418 = tpu.memref_slice %arg7[%run_scoped3A, %dma_start3A_417] : memref<1x128xi32, #tpu.memory_space<vmem>> -> memref<1x128xi32, #tpu.memory_space<vmem>>
        %dma_start3A_419 = tpu.memref_squeeze %dma_start3A_418 : memref<1x128xi32, #tpu.memory_space<vmem>> -> memref<128xi32, #tpu.memory_space<vmem>>
        %dma_start3A_420 = tpu.memref_slice %arg4[%add3A_406] : memref<643072xi32, #tpu.memory_space<hbm>> -> memref<128xi32, #tpu.memory_space<hbm>>
        tpu.enqueue_dma source(%dma_start3A_420 : memref<128xi32, #tpu.memory_space<hbm>>) target(%dma_start3A_419 : memref<128xi32, #tpu.memory_space<vmem>>) target_semaphore(%run_scoped3A_412 : memref<!tpu.dma_semaphore, #tpu.memory_space<semaphore_mem>>)
        %dma_wait3A_421 = arith.constant 0 : i32
        %dma_wait3A_422 = tpu.memref_slice %arg7[%run_scoped3A, %dma_wait3A_421] : memref<1x128xi32, #tpu.memory_space<vmem>> -> memref<1x128xi32, #tpu.memory_space<vmem>>
        %dma_wait3A_423 = tpu.memref_squeeze %dma_wait3A_422 : memref<1x128xi32, #tpu.memory_space<vmem>> -> memref<128xi32, #tpu.memory_space<vmem>>
        %dma_wait3A_424 = tpu.memref_slice %arg4[%add3A_406] : memref<643072xi32, #tpu.memory_space<hbm>> -> memref<128xi32, #tpu.memory_space<hbm>>
        %dma_wait3A_425 = arith.constant 0 : i32
        %dma_wait3A_426 = tpu.memref_slice %arg7[%run_scoped3A, %dma_wait3A_425] : memref<1x128xi32, #tpu.memory_space<vmem>> -> memref<1x128xi32, #tpu.memory_space<vmem>>
        %dma_wait3A_427 = tpu.memref_squeeze %dma_wait3A_426 : memref<1x128xi32, #tpu.memory_space<vmem>> -> memref<128xi32, #tpu.memory_space<vmem>>
        %dma_wait3A_428 = tpu.memref_slice %arg4[%add3A_406] : memref<643072xi32, #tpu.memory_space<hbm>> -> memref<128xi32, #tpu.memory_space<hbm>>
        tpu.wait_dma2 semaphore(%run_scoped3A_412 : memref<!tpu.dma_semaphore, #tpu.memory_space<semaphore_mem>>) src(%dma_wait3A_428 : memref<128xi32, #tpu.memory_space<hbm>>) dst(%dma_wait3A_427 : memref<128xi32, #tpu.memory_space<vmem>>)
        tpu.yield
      }) : () -> ()
      %dma_start3A = arith.constant 0 : i32
      %dma_start3A_407 = arith.constant 0 : i32
      %dma_start3A_408 = tpu.memref_slice %arg2[%dma_start3A, %dma_start3A_407] : memref<80000x128xf32, #tpu.memory_space<hbm>> -> memref<80000x128xf32, #tpu.memory_space<hbm>>
      tpu.enqueue_indirect_dma source(%dma_start3A_408 : memref<80000x128xf32, #tpu.memory_space<hbm>>) target(%arg8 : memref<128x128xf32, #tpu.memory_space<vmem>>) offsets(%arg6 : memref<128xi32, #tpu.memory_space<vmem>>) semaphore(%arg11 : memref<!tpu.dma_semaphore, #tpu.memory_space<semaphore_mem>>)
      %dma_wait3A = arith.constant 0 : i32
      %dma_wait3A_409 = arith.constant 0 : i32
      %dma_wait3A_410 = tpu.memref_slice %arg2[%dma_wait3A, %dma_wait3A_409] : memref<80000x128xf32, #tpu.memory_space<hbm>> -> memref<80000x128xf32, #tpu.memory_space<hbm>>
      tpu.wait_indirect_dma semaphore(%arg11 : memref<!tpu.dma_semaphore, #tpu.memory_space<semaphore_mem>>) src(%dma_wait3A_410 : memref<80000x128xf32, #tpu.memory_space<hbm>>) dst(%arg8 : memref<128x128xf32, #tpu.memory_space<vmem>>)
      %run_scoped3A_411 = arith.constant 0 : i32
      "tpu.region"() ({
        %run_scoped3A_412 = tpu.sem_alloc : memref<!tpu.dma_semaphore, #tpu.memory_space<semaphore_mem>>
        %dma_start3A_413 = arith.constant 0 : i32
        %dma_start3A_414 = tpu.memref_slice %arg7[%run_scoped3A_411, %dma_start3A_413] : memref<1x128xi32, #tpu.memory_space<vmem>> -> memref<1x128xi32, #tpu.memory_space<vmem>>
        %dma_start3A_415 = tpu.memref_squeeze %dma_start3A_414 : memref<1x128xi32, #tpu.memory_space<vmem>> -> memref<128xi32, #tpu.memory_space<vmem>>
        %dma_start3A_416 = arith.constant 0 : i32
        %dma_start3A_417 = arith.constant 0 : i32
        %dma_start3A_418 = tpu.memref_slice %arg10[%dma_start3A_416, %dma_start3A_417] : memref<10112x128xf32, #tpu.memory_space<vmem_shared>> -> memref<10112x128xf32, #tpu.memory_space<vmem_shared>>
        tpu.enqueue_indirect_dma source(%arg8 : memref<128x128xf32, #tpu.memory_space<vmem>>) target(%dma_start3A_418 : memref<10112x128xf32, #tpu.memory_space<vmem_shared>>) offsets(%dma_start3A_415 : memref<128xi32, #tpu.memory_space<vmem>>) semaphore(%run_scoped3A_412 : memref<!tpu.dma_semaphore, #tpu.memory_space<semaphore_mem>>) {add = true}
        %dma_wait3A_419 = arith.constant 0 : i32
        %dma_wait3A_420 = tpu.memref_slice %arg7[%run_scoped3A_411, %dma_wait3A_419] : memref<1x128xi32, #tpu.memory_space<vmem>> -> memref<1x128xi32, #tpu.memory_space<vmem>>
        %dma_wait3A_421 = tpu.memref_squeeze %dma_wait3A_420 : memref<1x128xi32, #tpu.memory_space<vmem>> -> memref<128xi32, #tpu.memory_space<vmem>>
        %dma_wait3A_422 = arith.constant 0 : i32
        %dma_wait3A_423 = arith.constant 0 : i32
        %dma_wait3A_424 = tpu.memref_slice %arg10[%dma_wait3A_422, %dma_wait3A_423] : memref<10112x128xf32, #tpu.memory_space<vmem_shared>> -> memref<10112x128xf32, #tpu.memory_space<vmem_shared>>
        tpu.wait_indirect_dma semaphore(%run_scoped3A_412 : memref<!tpu.dma_semaphore, #tpu.memory_space<semaphore_mem>>) src(%arg8 : memref<128x128xf32, #tpu.memory_space<vmem>>) dst(%dma_wait3A_424 : memref<10112x128xf32, #tpu.memory_space<vmem_shared>>)
        tpu.yield
      }) : () -> ()
    }
    %scan3A_397 = arith.constant 157 : i32
    %barrier3A_398 = arith.constant 0 : index
    tpu.barrier barrier_id(%barrier3A_398)
    %mul3A_399 = arith.constant 632 : i32
    %mul3A_400 = arith.muli %arg1, %mul3A_399 : i32
    %mul3A_401 = arith.constant 632 : i32
    %mul3A_402 = arith.muli %arg1, %mul3A_401 : i32
    "tpu.region"() ({
      %run_scoped3A = tpu.sem_alloc : memref<!tpu.dma_semaphore, #tpu.memory_space<semaphore_mem>>
      %dma_start3A = arith.constant 0 : i32
      %dma_start3A_403 = tpu.memref_slice %arg5[%arg0, %mul3A_402, %dma_start3A] : memref<2x10112x128xf32, #tpu.memory_space<hbm>> -> memref<1x632x128xf32, #tpu.memory_space<hbm>>
      %dma_start3A_404 = tpu.memref_squeeze %dma_start3A_403 : memref<1x632x128xf32, #tpu.memory_space<hbm>> -> memref<632x128xf32, #tpu.memory_space<hbm>>
      %dma_start3A_405 = arith.constant 0 : i32
      %dma_start3A_406 = tpu.memref_slice %arg10[%mul3A_400, %dma_start3A_405] : memref<10112x128xf32, #tpu.memory_space<vmem_shared>> -> memref<632x128xf32, #tpu.memory_space<vmem_shared>>
      tpu.enqueue_dma source(%dma_start3A_406 : memref<632x128xf32, #tpu.memory_space<vmem_shared>>) target(%dma_start3A_404 : memref<632x128xf32, #tpu.memory_space<hbm>>) target_semaphore(%run_scoped3A : memref<!tpu.dma_semaphore, #tpu.memory_space<semaphore_mem>>)
      %dma_wait3A = arith.constant 0 : i32
      %dma_wait3A_407 = tpu.memref_slice %arg5[%arg0, %mul3A_402, %dma_wait3A] : memref<2x10112x128xf32, #tpu.memory_space<hbm>> -> memref<1x632x128xf32, #tpu.memory_space<hbm>>
      %dma_wait3A_408 = tpu.memref_squeeze %dma_wait3A_407 : memref<1x632x128xf32, #tpu.memory_space<hbm>> -> memref<632x128xf32, #tpu.memory_space<hbm>>
      %dma_wait3A_409 = arith.constant 0 : i32
      %dma_wait3A_410 = tpu.memref_slice %arg10[%mul3A_400, %dma_wait3A_409] : memref<10112x128xf32, #tpu.memory_space<vmem_shared>> -> memref<632x128xf32, #tpu.memory_space<vmem_shared>>
      tpu.wait_dma2 semaphore(%run_scoped3A : memref<!tpu.dma_semaphore, #tpu.memory_space<semaphore_mem>>) src(%dma_wait3A_410 : memref<632x128xf32, #tpu.memory_space<vmem_shared>>) dst(%dma_wait3A_408 : memref<632x128xf32, #tpu.memory_space<hbm>>)
      tpu.yield
    }) : () -> ()
    return
  }
}

module attributes {stable_mosaic.version = 14 : i64} {
  func.func @_transform_body(%arg0: i32, %arg1: i32, %arg2: memref<2000x128xf32, #tpu.memory_space<vmem>>, %arg3: memref<1x128x128xf32, #tpu.memory_space<vmem>>, %arg4: memref<1x1x128xf32, #tpu.memory_space<vmem>>, %arg5: memref<1x2000x128xf32, #tpu.memory_space<vmem>>) attributes {dimension_semantics = [#tpu.dimension_semantics<arbitrary>, #tpu.dimension_semantics<arbitrary>], iteration_bounds = array<i64: 5, 8>, scalar_prefetch = 0 : i64, scratch_operands = 0 : i64, tpu.core_type = #tpu.core_type<tc>, window_params = [{transform_indices = @transform_0, window_bounds = array<i64: 2000, 128>}, {transform_indices = @transform_1, window_bounds = array<i64: 1, 128, 128>}, {transform_indices = @transform_2, window_bounds = array<i64: 1, 1, 128>}, {transform_indices = @transform_3, window_bounds = array<i64: 1, 2000, 128>}]} {
    %get3A = arith.constant 0 : index
    %get3A_0 = arith.constant 0 : index
    %get3A_1 = vector.load %arg2[%get3A, %get3A_0] : memref<2000x128xf32, #tpu.memory_space<vmem>>, vector<2000x128xf32>
    %get3A_2 = arith.constant 0 : index
    %get3A_3 = arith.constant 0 : index
    %get3A_4 = arith.constant 0 : index
    %get3A_5 = vector.load %arg3[%get3A_2, %get3A_3, %get3A_4] : memref<1x128x128xf32, #tpu.memory_space<vmem>>, vector<1x128x128xf32>
    %get3A_6 = vector.shape_cast %get3A_5 : vector<1x128x128xf32> to vector<128x128xf32>
    %dot_general3A = arith.constant dense<0.000000e+00> : vector<2000x128xf32>
    %dot_general3A_7 = tpu.matmul %get3A_1, %get3A_6, %dot_general3A {dimension_numbers = #tpu.dot_dimension_numbers<[1], [0], [0], [1], [0, 0, 1, 1], [], []>, transpose_lhs_hint = false} : vector<2000x128xf32>, vector<128x128xf32>, vector<2000x128xf32> -> vector<2000x128xf32>
    %get3A_8 = arith.constant 0 : index
    %get3A_9 = arith.constant 0 : index
    %get3A_10 = arith.constant 0 : index
    %get3A_11 = vector.load %arg4[%get3A_8, %get3A_9, %get3A_10] : memref<1x1x128xf32, #tpu.memory_space<vmem>>, vector<1x1x128xf32>
    %get3A_12 = vector.shape_cast %get3A_11 : vector<1x1x128xf32> to vector<128xf32>
    %broadcast_in_dim3A = vector.shape_cast %get3A_12 : vector<128xf32> to vector<1x128xf32>
    %add3A = vector.broadcast %broadcast_in_dim3A : vector<1x128xf32> to vector<2000x128xf32>
    %add3A_13 = arith.addf %dot_general3A_7, %add3A : vector<2000x128xf32>
    %swap3A = arith.constant 0 : index
    %swap3A_14 = arith.constant 0 : index
    %swap3A_15 = arith.constant 0 : index
    %swap3A_16 = vector.load %arg5[%swap3A, %swap3A_14, %swap3A_15] : memref<1x2000x128xf32, #tpu.memory_space<vmem>>, vector<1x2000x128xf32>
    %swap3A_17 = vector.shape_cast %swap3A_16 : vector<1x2000x128xf32> to vector<2000x128xf32>
    %swap3A_18 = vector.shape_cast %add3A_13 : vector<2000x128xf32> to vector<1x2000x128xf32>
    tpu.vector_store %arg5[%swap3A, %swap3A_14, %swap3A_15], %swap3A_18 {strides = array<i32>} : memref<1x2000x128xf32, #tpu.memory_space<vmem>>, vector<1x2000x128xf32>,
    return
  }
  func.func @transform_0(%arg0: i32, %arg1: i32) -> (i32, i32) {
    %c0_i32 = arith.constant 0 : i32
    %c0_i32_0 = arith.constant 0 : i32
    return %arg0, %c0_i32 : i32, i32
  }
  func.func @transform_1(%arg0: i32, %arg1: i32) -> (i32, i32, i32) {
    %c0_i32 = arith.constant 0 : i32
    %c0_i32_0 = arith.constant 0 : i32
    %c0_i32_1 = arith.constant 0 : i32
    return %arg1, %c0_i32, %c0_i32_0 : i32, i32, i32
  }
  func.func @transform_2(%arg0: i32, %arg1: i32) -> (i32, i32, i32) {
    %c0_i32 = arith.constant 0 : i32
    %c0_i32_0 = arith.constant 0 : i32
    %c0_i32_1 = arith.constant 0 : i32
    return %arg1, %c0_i32, %c0_i32_0 : i32, i32, i32
  }
  func.func @transform_3(%arg0: i32, %arg1: i32) -> (i32, i32, i32) {
    %c0_i32 = arith.constant 0 : i32
    %c0_i32_0 = arith.constant 0 : i32
    return %arg1, %arg0, %c0_i32 : i32, i32, i32
  }
}

module attributes {stable_mosaic.version = 14 : i64} {
  func.func @_gru_body(%arg0: i32, %arg1: memref<2x2000x128xf32, #tpu.memory_space<vmem>>, %arg2: memref<2000x128xf32, #tpu.memory_space<vmem>>, %arg3: memref<256x384xf32, #tpu.memory_space<vmem>>, %arg4: memref<128x384xf32, #tpu.memory_space<vmem>>, %arg5: memref<1x384xf32, #tpu.memory_space<vmem>>, %arg6: memref<2000x128xf32, #tpu.memory_space<vmem>>) attributes {dimension_semantics = [#tpu.dimension_semantics<arbitrary>], iteration_bounds = array<i64: 5>, scalar_prefetch = 0 : i64, scratch_operands = 0 : i64, tpu.core_type = #tpu.core_type<tc>, window_params = [{transform_indices = @transform_0, window_bounds = array<i64: 2, 2000, 128>}, {transform_indices = @transform_1, window_bounds = array<i64: 2000, 128>}, {pipeline_mode = #tpu.pipeline_mode<synchronous>, transform_indices = @transform_2, window_bounds = array<i64: 256, 384>}, {pipeline_mode = #tpu.pipeline_mode<synchronous>, transform_indices = @transform_3, window_bounds = array<i64: 128, 384>}, {pipeline_mode = #tpu.pipeline_mode<synchronous>, transform_indices = @transform_4, window_bounds = array<i64: 1, 384>}, {transform_indices = @transform_5, window_bounds = array<i64: 2000, 128>}]} {
    %get3A = arith.constant 0 : index
    %get3A_0 = arith.constant 0 : index
    %get3A_1 = arith.constant 0 : index
    %get3A_2 = vector.load %arg1[%get3A, %get3A_0, %get3A_1] : memref<2x2000x128xf32, #tpu.memory_space<vmem>>, vector<1x2000x128xf32>
    %get3A_3 = vector.shape_cast %get3A_2 : vector<1x2000x128xf32> to vector<2000x128xf32>
    %get3A_4 = arith.constant 1 : index
    %get3A_5 = arith.constant 0 : index
    %get3A_6 = arith.constant 0 : index
    %get3A_7 = vector.load %arg1[%get3A_4, %get3A_5, %get3A_6] : memref<2x2000x128xf32, #tpu.memory_space<vmem>>, vector<1x2000x128xf32>
    %get3A_8 = vector.shape_cast %get3A_7 : vector<1x2000x128xf32> to vector<2000x128xf32>
    %get3A_9 = arith.constant 0 : index
    %get3A_10 = arith.constant 0 : index
    %get3A_11 = vector.load %arg2[%get3A_9, %get3A_10] : memref<2000x128xf32, #tpu.memory_space<vmem>>, vector<2000x128xf32>
    %get3A_12 = arith.constant 0 : index
    %get3A_13 = arith.constant 0 : index
    %get3A_14 = vector.load %arg3[%get3A_12, %get3A_13] : memref<256x384xf32, #tpu.memory_space<vmem>>, vector<128x384xf32>
    %dot_general3A = arith.constant dense<0.000000e+00> : vector<2000x384xf32>
    %dot_general3A_15 = tpu.matmul %get3A_3, %get3A_14, %dot_general3A {dimension_numbers = #tpu.dot_dimension_numbers<[1], [0], [0], [1], [0, 0, 1, 1], [], []>, transpose_lhs_hint = false} : vector<2000x128xf32>, vector<128x384xf32>, vector<2000x384xf32> -> vector<2000x384xf32>
    %get3A_16 = arith.constant 128 : index
    %get3A_17 = arith.constant 0 : index
    %get3A_18 = vector.load %arg3[%get3A_16, %get3A_17] : memref<256x384xf32, #tpu.memory_space<vmem>>, vector<128x384xf32>
    %dot_general3A_19 = arith.constant dense<0.000000e+00> : vector<2000x384xf32>
    %dot_general3A_20 = tpu.matmul %get3A_8, %get3A_18, %dot_general3A_19 {dimension_numbers = #tpu.dot_dimension_numbers<[1], [0], [0], [1], [0, 0, 1, 1], [], []>, transpose_lhs_hint = false} : vector<2000x128xf32>, vector<128x384xf32>, vector<2000x384xf32> -> vector<2000x384xf32>
    %add3A = arith.addf %dot_general3A_15, %dot_general3A_20 : vector<2000x384xf32>
    %get3A_21 = arith.constant 0 : index
    %get3A_22 = arith.constant 0 : index
    %get3A_23 = vector.load %arg5[%get3A_21, %get3A_22] : memref<1x384xf32, #tpu.memory_space<vmem>>, vector<1x384xf32>
    %get3A_24 = vector.shape_cast %get3A_23 : vector<1x384xf32> to vector<384xf32>
    %broadcast_in_dim3A = vector.shape_cast %get3A_24 : vector<384xf32> to vector<1x384xf32>
    %add3A_25 = vector.broadcast %broadcast_in_dim3A : vector<1x384xf32> to vector<2000x384xf32>
    %add3A_26 = arith.addf %add3A, %add3A_25 : vector<2000x384xf32>
    %get3A_27 = arith.constant 0 : index
    %get3A_28 = arith.constant 0 : index
    %get3A_29 = vector.load %arg4[%get3A_27, %get3A_28] : memref<128x384xf32, #tpu.memory_space<vmem>>, vector<128x384xf32>
    %dot_general3A_30 = arith.constant dense<0.000000e+00> : vector<2000x384xf32>
    %dot_general3A_31 = tpu.matmul %get3A_11, %get3A_29, %dot_general3A_30 {dimension_numbers = #tpu.dot_dimension_numbers<[1], [0], [0], [1], [0, 0, 1, 1], [], []>, transpose_lhs_hint = false} : vector<2000x128xf32>, vector<128x384xf32>, vector<2000x384xf32> -> vector<2000x384xf32>
    %slice3A = vector.extract_strided_slice %add3A_26 {offsets = [0, 0], sizes = [2000, 128], strides = [1, 1]} : vector<2000x384xf32> to vector<2000x128xf32>
    %slice3A_32 = vector.extract_strided_slice %dot_general3A_31 {offsets = [0, 0], sizes = [2000, 128], strides = [1, 1]} : vector<2000x384xf32> to vector<2000x128xf32>
    %add3A_33 = arith.addf %slice3A, %slice3A_32 : vector<2000x128xf32>
    %logistic3A = arith.negf %add3A_33 : vector<2000x128xf32>
    %logistic3A_34 = math.exp %logistic3A : vector<2000x128xf32>
    %logistic3A_35 = arith.constant 1.000000e+00 : f32
    %logistic3A_36 = vector.broadcast %logistic3A_35 : f32 to vector<2000x128xf32>
    %logistic3A_37 = arith.addf %logistic3A_36, %logistic3A_34 : vector<2000x128xf32>
    %logistic3A_38 = arith.divf %logistic3A_36, %logistic3A_37 : vector<2000x128xf32>
    %slice3A_39 = vector.extract_strided_slice %add3A_26 {offsets = [0, 128], sizes = [2000, 128], strides = [1, 1]} : vector<2000x384xf32> to vector<2000x128xf32>
    %slice3A_40 = vector.extract_strided_slice %dot_general3A_31 {offsets = [0, 128], sizes = [2000, 128], strides = [1, 1]} : vector<2000x384xf32> to vector<2000x128xf32>
    %add3A_41 = arith.addf %slice3A_39, %slice3A_40 : vector<2000x128xf32>
    %logistic3A_42 = arith.negf %add3A_41 : vector<2000x128xf32>
    %logistic3A_43 = math.exp %logistic3A_42 : vector<2000x128xf32>
    %logistic3A_44 = arith.constant 1.000000e+00 : f32
    %logistic3A_45 = vector.broadcast %logistic3A_44 : f32 to vector<2000x128xf32>
    %logistic3A_46 = arith.addf %logistic3A_45, %logistic3A_43 : vector<2000x128xf32>
    %logistic3A_47 = arith.divf %logistic3A_45, %logistic3A_46 : vector<2000x128xf32>
    %slice3A_48 = vector.extract_strided_slice %add3A_26 {offsets = [0, 256], sizes = [2000, 128], strides = [1, 1]} : vector<2000x384xf32> to vector<2000x128xf32>
    %slice3A_49 = vector.extract_strided_slice %dot_general3A_31 {offsets = [0, 256], sizes = [2000, 128], strides = [1, 1]} : vector<2000x384xf32> to vector<2000x128xf32>
    %mul3A = arith.mulf %logistic3A_47, %slice3A_49 : vector<2000x128xf32>
    %add3A_50 = arith.addf %slice3A_48, %mul3A : vector<2000x128xf32>
    %tanh3A = math.tanh %add3A_50 : vector<2000x128xf32>
    %sub3A = arith.constant 1.000000e+00 : f32
    %sub3A_51 = vector.broadcast %sub3A : f32 to vector<2000x128xf32>
    %sub3A_52 = arith.subf %sub3A_51, %logistic3A_38 : vector<2000x128xf32>
    %mul3A_53 = arith.mulf %sub3A_52, %get3A_11 : vector<2000x128xf32>
    %mul3A_54 = arith.mulf %logistic3A_38, %tanh3A : vector<2000x128xf32>
    %add3A_55 = arith.addf %mul3A_53, %mul3A_54 : vector<2000x128xf32>
    %swap3A = arith.constant 0 : index
    %swap3A_56 = arith.constant 0 : index
    %swap3A_57 = vector.load %arg6[%swap3A, %swap3A_56] : memref<2000x128xf32, #tpu.memory_space<vmem>>, vector<2000x128xf32>
    tpu.vector_store %arg6[%swap3A, %swap3A_56], %add3A_55 {strides = array<i32>} : memref<2000x128xf32, #tpu.memory_space<vmem>>, vector<2000x128xf32>,
    return
  }
  func.func @transform_0(%arg0: i32) -> (i32, i32, i32) {
    %c0_i32 = arith.constant 0 : i32
    %c0_i32_0 = arith.constant 0 : i32
    %c0_i32_1 = arith.constant 0 : i32
    return %c0_i32, %arg0, %c0_i32_0 : i32, i32, i32
  }
  func.func @transform_1(%arg0: i32) -> (i32, i32) {
    %c0_i32 = arith.constant 0 : i32
    %c0_i32_0 = arith.constant 0 : i32
    return %arg0, %c0_i32 : i32, i32
  }
  func.func @transform_2(%arg0: i32) -> (i32, i32) {
    %c0_i32 = arith.constant 0 : i32
    %c0_i32_0 = arith.constant 0 : i32
    %c0_i32_1 = arith.constant 0 : i32
    return %c0_i32, %c0_i32_0 : i32, i32
  }
  func.func @transform_3(%arg0: i32) -> (i32, i32) {
    %c0_i32 = arith.constant 0 : i32
    %c0_i32_0 = arith.constant 0 : i32
    %c0_i32_1 = arith.constant 0 : i32
    return %c0_i32, %c0_i32_0 : i32, i32
  }
  func.func @transform_4(%arg0: i32) -> (i32, i32) {
    %c0_i32 = arith.constant 0 : i32
    %c0_i32_0 = arith.constant 0 : i32
    %c0_i32_1 = arith.constant 0 : i32
    return %c0_i32, %c0_i32_0 : i32, i32
  }
  func.func @transform_5(%arg0: i32) -> (i32, i32) {
    %c0_i32 = arith.constant 0 : i32
    %c0_i32_0 = arith.constant 0 : i32
    return %arg0, %c0_i32 : i32, i32
  }
}

module attributes {stable_mosaic.version = 14 : i64} {
  func.func @_imp_body(%arg0: i32, %arg1: memref<2000x128xf32, #tpu.memory_space<vmem>>, %arg2: memref<2000x64xf32, #tpu.memory_space<vmem>>, %arg3: memref<192x128xf32, #tpu.memory_space<vmem>>, %arg4: memref<1x128xf32, #tpu.memory_space<vmem>>, %arg5: memref<128x1xf32, #tpu.memory_space<vmem>>, %arg6: memref<1x1xf32, #tpu.memory_space<vmem>>, %arg7: memref<2000x1xf32, #tpu.memory_space<vmem>>) attributes {dimension_semantics = [#tpu.dimension_semantics<arbitrary>], iteration_bounds = array<i64: 5>, scalar_prefetch = 0 : i64, scratch_operands = 0 : i64, tpu.core_type = #tpu.core_type<tc>, window_params = [{transform_indices = @transform_0, window_bounds = array<i64: 2000, 128>}, {transform_indices = @transform_1, window_bounds = array<i64: 2000, 64>}, {pipeline_mode = #tpu.pipeline_mode<synchronous>, transform_indices = @transform_2, window_bounds = array<i64: 192, 128>}, {pipeline_mode = #tpu.pipeline_mode<synchronous>, transform_indices = @transform_3, window_bounds = array<i64: 1, 128>}, {pipeline_mode = #tpu.pipeline_mode<synchronous>, transform_indices = @transform_4, window_bounds = array<i64: 128, 1>}, {pipeline_mode = #tpu.pipeline_mode<synchronous>, transform_indices = @transform_5, window_bounds = array<i64: 1, 1>}, {transform_indices = @transform_6, window_bounds = array<i64: 2000, 1>}]} {
    %get3A = arith.constant 0 : index
    %get3A_0 = arith.constant 0 : index
    %get3A_1 = vector.load %arg1[%get3A, %get3A_0] : memref<2000x128xf32, #tpu.memory_space<vmem>>, vector<2000x128xf32>
    %get3A_2 = arith.constant 0 : index
    %get3A_3 = arith.constant 0 : index
    %get3A_4 = vector.load %arg3[%get3A_2, %get3A_3] : memref<192x128xf32, #tpu.memory_space<vmem>>, vector<128x128xf32>
    %dot_general3A = arith.constant dense<0.000000e+00> : vector<2000x128xf32>
    %dot_general3A_5 = tpu.matmul %get3A_1, %get3A_4, %dot_general3A {dimension_numbers = #tpu.dot_dimension_numbers<[1], [0], [0], [1], [0, 0, 1, 1], [], []>, transpose_lhs_hint = false} : vector<2000x128xf32>, vector<128x128xf32>, vector<2000x128xf32> -> vector<2000x128xf32>
    %get3A_6 = arith.constant 0 : index
    %get3A_7 = arith.constant 0 : index
    %get3A_8 = vector.load %arg2[%get3A_6, %get3A_7] : memref<2000x64xf32, #tpu.memory_space<vmem>>, vector<2000x64xf32>
    %get3A_9 = arith.constant 128 : index
    %get3A_10 = arith.constant 0 : index
    %get3A_11 = vector.load %arg3[%get3A_9, %get3A_10] : memref<192x128xf32, #tpu.memory_space<vmem>>, vector<64x128xf32>
    %dot_general3A_12 = arith.constant dense<0.000000e+00> : vector<2000x128xf32>
    %dot_general3A_13 = tpu.matmul %get3A_8, %get3A_11, %dot_general3A_12 {dimension_numbers = #tpu.dot_dimension_numbers<[1], [0], [0], [1], [0, 0, 1, 1], [], []>, transpose_lhs_hint = false} : vector<2000x64xf32>, vector<64x128xf32>, vector<2000x128xf32> -> vector<2000x128xf32>
    %add3A = arith.addf %dot_general3A_5, %dot_general3A_13 : vector<2000x128xf32>
    %get3A_14 = arith.constant 0 : index
    %get3A_15 = arith.constant 0 : index
    %get3A_16 = vector.load %arg4[%get3A_14, %get3A_15] : memref<1x128xf32, #tpu.memory_space<vmem>>, vector<1x128xf32>
    %get3A_17 = vector.shape_cast %get3A_16 : vector<1x128xf32> to vector<128xf32>
    %broadcast_in_dim3A = vector.shape_cast %get3A_17 : vector<128xf32> to vector<1x128xf32>
    %add3A_18 = vector.broadcast %broadcast_in_dim3A : vector<1x128xf32> to vector<2000x128xf32>
    %add3A_19 = arith.addf %add3A, %add3A_18 : vector<2000x128xf32>
    %tanh3A = math.tanh %add3A_19 : vector<2000x128xf32>
    %get3A_20 = arith.constant 0 : index
    %get3A_21 = arith.constant 0 : index
    %get3A_22 = vector.load %arg5[%get3A_20, %get3A_21] : memref<128x1xf32, #tpu.memory_space<vmem>>, vector<128x1xf32>
    %dot_general3A_23 = arith.constant dense<0.000000e+00> : vector<2000x1xf32>
    %dot_general3A_24 = tpu.matmul %tanh3A, %get3A_22, %dot_general3A_23 {dimension_numbers = #tpu.dot_dimension_numbers<[1], [0], [0], [1], [0, 0, 1, 1], [], []>, transpose_lhs_hint = false} : vector<2000x128xf32>, vector<128x1xf32>, vector<2000x1xf32> -> vector<2000x1xf32>
    %get3A_25 = arith.constant 0 : index
    %get3A_26 = arith.constant 0 : index
    %get3A_27 = vector.load %arg6[%get3A_25, %get3A_26] : memref<1x1xf32, #tpu.memory_space<vmem>>, vector<1x1xf32>
    %get3A_28 = vector.shape_cast %get3A_27 : vector<1x1xf32> to vector<1xf32>
    %broadcast_in_dim3A_29 = vector.shape_cast %get3A_28 : vector<1xf32> to vector<1x1xf32>
    %add3A_30 = vector.broadcast %broadcast_in_dim3A_29 : vector<1x1xf32> to vector<2000x1xf32>
    %add3A_31 = arith.addf %dot_general3A_24, %add3A_30 : vector<2000x1xf32>
    %logistic3A = arith.negf %add3A_31 : vector<2000x1xf32>
    %logistic3A_32 = math.exp %logistic3A : vector<2000x1xf32>
    %logistic3A_33 = arith.constant 1.000000e+00 : f32
    %logistic3A_34 = vector.broadcast %logistic3A_33 : f32 to vector<2000x1xf32>
    %logistic3A_35 = arith.addf %logistic3A_34, %logistic3A_32 : vector<2000x1xf32>
    %logistic3A_36 = arith.divf %logistic3A_34, %logistic3A_35 : vector<2000x1xf32>
    %swap3A = arith.constant 0 : index
    %swap3A_37 = arith.constant 0 : index
    %swap3A_38 = vector.load %arg7[%swap3A, %swap3A_37] : memref<2000x1xf32, #tpu.memory_space<vmem>>, vector<2000x1xf32>
    tpu.vector_store %arg7[%swap3A, %swap3A_37], %logistic3A_36 {strides = array<i32>} : memref<2000x1xf32, #tpu.memory_space<vmem>>, vector<2000x1xf32>,
    return
  }
  func.func @transform_0(%arg0: i32) -> (i32, i32) {
    %c0_i32 = arith.constant 0 : i32
    %c0_i32_0 = arith.constant 0 : i32
    return %arg0, %c0_i32 : i32, i32
  }
  func.func @transform_1(%arg0: i32) -> (i32, i32) {
    %c0_i32 = arith.constant 0 : i32
    %c0_i32_0 = arith.constant 0 : i32
    return %arg0, %c0_i32 : i32, i32
  }
  func.func @transform_2(%arg0: i32) -> (i32, i32) {
    %c0_i32 = arith.constant 0 : i32
    %c0_i32_0 = arith.constant 0 : i32
    %c0_i32_1 = arith.constant 0 : i32
    return %c0_i32, %c0_i32_0 : i32, i32
  }
  func.func @transform_3(%arg0: i32) -> (i32, i32) {
    %c0_i32 = arith.constant 0 : i32
    %c0_i32_0 = arith.constant 0 : i32
    %c0_i32_1 = arith.constant 0 : i32
    return %c0_i32, %c0_i32_0 : i32, i32
  }
  func.func @transform_4(%arg0: i32) -> (i32, i32) {
    %c0_i32 = arith.constant 0 : i32
    %c0_i32_0 = arith.constant 0 : i32
    %c0_i32_1 = arith.constant 0 : i32
    return %c0_i32, %c0_i32_0 : i32, i32
  }
  func.func @transform_5(%arg0: i32) -> (i32, i32) {
    %c0_i32 = arith.constant 0 : i32
    %c0_i32_0 = arith.constant 0 : i32
    %c0_i32_1 = arith.constant 0 : i32
    return %c0_i32, %c0_i32_0 : i32, i32
  }
  func.func @transform_6(%arg0: i32) -> (i32, i32) {
    %c0_i32 = arith.constant 0 : i32
    %c0_i32_0 = arith.constant 0 : i32
    return %arg0, %c0_i32 : i32, i32
  }
}

module attributes {stable_mosaic.version = 14 : i64} {
  func.func @_ctx_body(%arg0: i32, %arg1: memref<2000x128xf32, #tpu.memory_space<vmem>>, %arg2: memref<2000x64xf32, #tpu.memory_space<vmem>>, %arg3: memref<192x512xf32, #tpu.memory_space<vmem>>, %arg4: memref<1x512xf32, #tpu.memory_space<vmem>>, %arg5: memref<2000x512xf32, #tpu.memory_space<vmem>>) attributes {dimension_semantics = [#tpu.dimension_semantics<arbitrary>], iteration_bounds = array<i64: 5>, scalar_prefetch = 0 : i64, scratch_operands = 0 : i64, tpu.core_type = #tpu.core_type<tc>, window_params = [{transform_indices = @transform_0, window_bounds = array<i64: 2000, 128>}, {transform_indices = @transform_1, window_bounds = array<i64: 2000, 64>}, {pipeline_mode = #tpu.pipeline_mode<synchronous>, transform_indices = @transform_2, window_bounds = array<i64: 192, 512>}, {pipeline_mode = #tpu.pipeline_mode<synchronous>, transform_indices = @transform_3, window_bounds = array<i64: 1, 512>}, {transform_indices = @transform_4, window_bounds = array<i64: 2000, 512>}]} {
    %get3A = arith.constant 0 : index
    %get3A_0 = arith.constant 0 : index
    %get3A_1 = vector.load %arg1[%get3A, %get3A_0] : memref<2000x128xf32, #tpu.memory_space<vmem>>, vector<2000x128xf32>
    %get3A_2 = arith.constant 0 : index
    %get3A_3 = arith.constant 0 : index
    %get3A_4 = vector.load %arg3[%get3A_2, %get3A_3] : memref<192x512xf32, #tpu.memory_space<vmem>>, vector<128x512xf32>
    %dot_general3A = arith.constant dense<0.000000e+00> : vector<2000x512xf32>
    %dot_general3A_5 = tpu.matmul %get3A_1, %get3A_4, %dot_general3A {dimension_numbers = #tpu.dot_dimension_numbers<[1], [0], [0], [1], [0, 0, 1, 1], [], []>, transpose_lhs_hint = false} : vector<2000x128xf32>, vector<128x512xf32>, vector<2000x512xf32> -> vector<2000x512xf32>
    %get3A_6 = arith.constant 0 : index
    %get3A_7 = arith.constant 0 : index
    %get3A_8 = vector.load %arg2[%get3A_6, %get3A_7] : memref<2000x64xf32, #tpu.memory_space<vmem>>, vector<2000x64xf32>
    %get3A_9 = arith.constant 128 : index
    %get3A_10 = arith.constant 0 : index
    %get3A_11 = vector.load %arg3[%get3A_9, %get3A_10] : memref<192x512xf32, #tpu.memory_space<vmem>>, vector<64x512xf32>
    %dot_general3A_12 = arith.constant dense<0.000000e+00> : vector<2000x512xf32>
    %dot_general3A_13 = tpu.matmul %get3A_8, %get3A_11, %dot_general3A_12 {dimension_numbers = #tpu.dot_dimension_numbers<[1], [0], [0], [1], [0, 0, 1, 1], [], []>, transpose_lhs_hint = false} : vector<2000x64xf32>, vector<64x512xf32>, vector<2000x512xf32> -> vector<2000x512xf32>
    %add3A = arith.addf %dot_general3A_5, %dot_general3A_13 : vector<2000x512xf32>
    %get3A_14 = arith.constant 0 : index
    %get3A_15 = arith.constant 0 : index
    %get3A_16 = vector.load %arg4[%get3A_14, %get3A_15] : memref<1x512xf32, #tpu.memory_space<vmem>>, vector<1x512xf32>
    %get3A_17 = vector.shape_cast %get3A_16 : vector<1x512xf32> to vector<512xf32>
    %broadcast_in_dim3A = vector.shape_cast %get3A_17 : vector<512xf32> to vector<1x512xf32>
    %add3A_18 = vector.broadcast %broadcast_in_dim3A : vector<1x512xf32> to vector<2000x512xf32>
    %add3A_19 = arith.addf %add3A, %add3A_18 : vector<2000x512xf32>
    %tanh3A = math.tanh %add3A_19 : vector<2000x512xf32>
    %swap3A = arith.constant 0 : index
    %swap3A_20 = arith.constant 0 : index
    %swap3A_21 = vector.load %arg5[%swap3A, %swap3A_20] : memref<2000x512xf32, #tpu.memory_space<vmem>>, vector<2000x512xf32>
    tpu.vector_store %arg5[%swap3A, %swap3A_20], %tanh3A {strides = array<i32>} : memref<2000x512xf32, #tpu.memory_space<vmem>>, vector<2000x512xf32>,
    return
  }
  func.func @transform_0(%arg0: i32) -> (i32, i32) {
    %c0_i32 = arith.constant 0 : i32
    %c0_i32_0 = arith.constant 0 : i32
    return %arg0, %c0_i32 : i32, i32
  }
  func.func @transform_1(%arg0: i32) -> (i32, i32) {
    %c0_i32 = arith.constant 0 : i32
    %c0_i32_0 = arith.constant 0 : i32
    return %arg0, %c0_i32 : i32, i32
  }
  func.func @transform_2(%arg0: i32) -> (i32, i32) {
    %c0_i32 = arith.constant 0 : i32
    %c0_i32_0 = arith.constant 0 : i32
    %c0_i32_1 = arith.constant 0 : i32
    return %c0_i32, %c0_i32_0 : i32, i32
  }
  func.func @transform_3(%arg0: i32) -> (i32, i32) {
    %c0_i32 = arith.constant 0 : i32
    %c0_i32_0 = arith.constant 0 : i32
    %c0_i32_1 = arith.constant 0 : i32
    return %c0_i32, %c0_i32_0 : i32, i32
  }
  func.func @transform_4(%arg0: i32) -> (i32, i32) {
    %c0_i32 = arith.constant 0 : i32
    %c0_i32_0 = arith.constant 0 : i32
    return %arg0, %c0_i32 : i32, i32
  }
}

</mosaic_0001>

<sc_bundles>
// kernel: kernel.23.cloned.1.call-start
scs
__scs_entry_jumppad:
0x0: {  	(pc) =	sbr.rel $0x88, $3  }
0x1: {  	(tag) =	ssettag $0x0;
	lr =	simm.s32 $0x1  }
0x2: {  	[smem:$0x3F91] =	sst lr;
	_ =	strace $0xD0000000  }
0x3: {  	_ = 	snop  }
0x4: {  	_ = 	snop  }
0x5: {  	_ = 	snop  }
0x6: {  	_ = 	snop  }
0x7: {  	_ = 	snop  }
__scs_overlays_trampoline_lowered:
0x8: {  	[smem:$0x3FA0] =	sst s0  }
0x9: {  	[smem:$0x3FA1] =	sst s1  }
0xa: {  	[smem:$0x3FA2] =	sst s2  }
0xb: {  	[smem:$0x3FA3] =	sst s3  }
0xc: {  	[smem:$0x3FA4] =	sst s4  }
0xd: {  	[smem:$0x3FA5] =	sst s5  }
0xe: {  	[smem:$0x3FA6] =	sst s6  }
0xf: {  	[smem:$0x3FA7] =	sst s7  }
0x10: {  	[smem:$0x3FA8] =	sst s8  }
0x11: {  	[smem:$0x3FA9] =	sst s9;
	s0 =	simm.s32 @!p0 $0x0  }
0x12: {  	s1 =	sld [smem:$0x3F8F];
	s0 =	simm.s32 @p0 $0x1  }
0x13: {  	[smem:$0x3FAA] =	sst s0;
	s0 =	simm.s32 @!p1 $0x0  }
0x14: {  	s2 =	sld [smem:$0x3F8E];
	s0 =	simm.s32 @p1 $0x1  }
0x15: {  	[smem:$0x3FAB] =	sst s0;
	s0 =	simm.s32 @!p2 $0x0  }
0x16: {  	s3 =	sld [smem:$0x3FDB];
	s0 =	simm.s32 @p2 $0x1  }
0x17: {  	s4 =	simm.s32 $0x1BF5;
	[smem:$0x3FAD] =	sst s0  }
0x18: {  	s0 =	sld [smem:$0x3F90];
	_ =	swait.ge [sflag:s4], $0x0  }
0x19: {  	s7 =	sld [smem:$0x3F91]  }
0x1a: {  	s8 =	sadd.s32 $0xFFFFE003, lr  }
0x1b: {  	s9 =	sadd.s32 $0xFFFFFEF7, lr;
	s5 =	simm.s32 $0xFFFFFFFF;
	p2 =	slt.u32 s8, $0xFFFFF086  }
0x1c: {  	p1 =	slt.u32 s9, $0xF7A;
	s5 =	simm.s32 @!p2 $0x0  }
0x1d: {  	s5 =	simm.s32 @p1 $0x1;
	p0 =	seq.s32 s7, s2  }
0x1e: {  	s7 =	smul.u32 @!p0 $0xF7A, s2;
	p2 =	seq.s32 @!p0 s5, $0x0  }
0x1f: {  	s9 =	smul.u32 $0xF7A, s1;
	s8 =	simm.s32 @!p0 $0x1BF5;
	p2 =	por !p2, p0  }
0x20: {  	[sflag:s8] =	ssyncset.s32 @!p0 $0xFFFFF086;
	s6 =	sadd.s32 @!p0 s3, s7;
	s7 =	simm.s32 @!p0 $0x108  }
0x21: {  	s3 =	sadd.s32 s3, s9;
	s6 =	sadd.s32 @!p0 $0x88, s6;
	s7 =	simm.s32 @p2 $0x1082  }
0x22: {  	[simem:s7], [sflag:s8] =	dma.local @!p0 [hbm:s6], $0xF7A  }
0x23: {  	s9 =	sor.u32 $0xD0000000, s2;
	s6 =	simm.s32 $0x108;
	_ =	swait.ge @!p0 [sflag:s8], $0x0  }
0x24: {  	s3 =	sadd.s32 $0x88, s3;
	s6 =	simm.s32 @!p1 $0x1082;
	[sflag:s4] =	ssyncset.s32 $0xFFFFF086  }
0x25: {  	[simem:s6], [sflag:s4] =	dma.local [hbm:s3], $0xF7A  }
0x26: {  	[smem:$0x3F91] =	sst s1;
	(tag) =	ssettag s2;
	_ =	strace s9  }
0x27: {  	s1 =	sld [smem:$0x3FA1]  }
0x28: {  	s2 =	sld [smem:$0x3FA2]  }
0x29: {  	s4 =	sld [smem:$0x3FA4]  }
0x2a: {  	p0 =	seq.s32 s5, $0x0;
	s5 =	sld [smem:$0x3FA5]  }
0x2b: {  	s6 =	sld [smem:$0x3FA6]  }
0x2c: {  	s7 =	sld [smem:$0x3FA7]  }
0x2d: {  	s3 =	simm.s32 $0x108;
	s8 =	sld [smem:$0x3FA8]  }
0x2e: {  	s3 =	simm.s32 @!p0 $0x1082;
	s9 =	sld [smem:$0x3FA9]  }
0x2f: {  	lr =	sadd.s32 s0, s3;
	s0 =	sld [smem:$0x3FA0]  }
0x30: {  	s3 =	sld [smem:$0x3FA3]  }
0x31: {  	[smem:$0x3FAC] =	sst s10  }
0x32: {  	s10 =	sld [smem:$0x3FAA];
	_ =	sdelay $0x3  }
0x33: {  	p0 =	seq.s32 s10, $0x1;
	s10 =	sld [smem:$0x3FAC];
	_ =	sdelay $0x3  }
0x34: {  	[smem:$0x3FAC] =	sst s10  }
0x35: {  	s10 =	sld [smem:$0x3FAB];
	_ =	sdelay $0x3  }
0x36: {  	p1 =	seq.s32 s10, $0x1;
	s10 =	sld [smem:$0x3FAC];
	_ =	sdelay $0x3  }
0x37: {  	[smem:$0x3FAC] =	sst s10  }
0x38: {  	s10 =	sld [smem:$0x3FAD]  }
0x39: {  	_ = 	snop;
	(pc) =	sbr.ind lr, $3  }
0x3a: {  	_ = 	snop  }
0x3b: {  	_ = 	snop  }
0x3c: {  	p2 =	seq.s32 s10, $0x1;
	s10 =	sld [smem:$0x3FAC]  }
0x3d: {  	_ =	shalt  }
0x3e: {  	_ =	shalt  }
0x3f: {  	_ =	shalt  }
0x40: {  	_ =	shalt  }
0x41: {  	_ =	shalt  }
0x42: {  	_ =	shalt  }
0x43: {  	_ =	shalt  }
0x44: {  	_ =	shalt  }
0x45: {  	_ =	shalt  }
0x46: {  	_ =	shalt  }
0x47: {  	_ =	shalt  }
0x48: {  	_ =	shalt  }
0x49: {  	_ =	shalt  }
0x4a: {  	_ =	shalt  }
0x4b: {  	_ =	shalt  }
0x4c: {  	_ =	shalt  }
0x4d: {  	_ =	shalt  }
0x4e: {  	_ =	shalt  }
0x4f: {  	_ =	shalt  }
0x50: {  	_ =	shalt  }
0x51: {  	_ =	shalt  }
0x52: {  	_ =	shalt  }
0x53: {  	_ =	shalt  }
0x54: {  	_ =	shalt  }
0x55: {  	_ =	shalt  }
0x56: {  	_ =	shalt  }
0x57: {  	_ =	shalt  }
0x58: {  	_ =	shalt  }
0x59: {  	_ =	shalt  }
0x5a: {  	_ =	shalt  }
0x5b: {  	_ =	shalt  }
0x5c: {  	_ =	shalt  }
0x5d: {  	_ =	shalt  }
0x5e: {  	_ =	shalt  }
0x5f: {  	_ =	shalt  }
0x60: {  	_ =	shalt  }
0x61: {  	_ =	shalt  }
0x62: {  	_ =	shalt  }
0x63: {  	_ =	shalt  }
0x64: {  	_ =	shalt  }
0x65: {  	_ =	shalt  }
0x66: {  	_ =	shalt  }
0x67: {  	_ =	shalt  }
0x68: {  	_ =	shalt  }
0x69: {  	_ =	shalt  }
0x6a: {  	_ =	shalt  }
0x6b: {  	_ =	shalt  }
0x6c: {  	_ =	shalt  }
0x6d: {  	_ =	shalt  }
0x6e: {  	_ =	shalt  }
0x6f: {  	_ =	shalt  }
0x70: {  	_ =	shalt  }
0x71: {  	_ =	shalt  }
0x72: {  	_ =	shalt  }
0x73: {  	_ =	shalt  }
0x74: {  	_ =	shalt  }
0x75: {  	_ =	shalt  }
0x76: {  	_ =	shalt  }
0x77: {  	_ =	shalt  }
0x78: {  	_ =	shalt  }
0x79: {  	_ =	shalt  }
0x7a: {  	_ =	shalt  }
0x7b: {  	_ =	shalt  }
0x7c: {  	_ =	shalt  }
0x7d: {  	_ =	shalt  }
0x7e: {  	_ =	shalt  }
0x7f: {  	_ =	shalt  }
0x80: {  	_ =	shalt  }
0x81: {  	_ =	shalt  }
0x82: {  	_ =	shalt  }
0x83: {  	_ =	shalt  }
0x84: {  	_ =	shalt  }
0x85: {  	_ =	shalt  }
0x86: {  	_ =	shalt  }
0x87: {  	_ =	shalt  }
.Lfunc_end0:
.L_simem_size_0:
called_computation_lowered:
.L_overlay_start_0:
0x88: {  	s2 =	sld [smem:$0x3FD9]  }
0x89: {  	s3 =	sld [smem:$0x3FFE];
	_ =	sdelay $0x1  }
0x8a: {  	s1 =	srdreg.scid  }
0x8b: {  	s0 =	sand.u32 $0x1, s1  }
0x8c: {  	s14 =	sshll.u32 s0, $0xA;
	s2 =	sadd.s32 s3, s2  }
0x8d: {  	s2 =	sadd.s32 s2, s14  }
0x8e: {  	[smem:$0x3FB8] =	sst s2  }
0x8f: {  	_ = 	snop  }
0x90: {  	s2 =	sld [smem:$0x3FD0];
	_ =	sdelay $0x2  }
0x91: {  	s15 =	simm.s32 $0xA;
	s4 =	simm.s32 $0x10  }
0x92: {  	[smem:s4], [sflag:s15] =	dma.local [hbm:s2], $0x1  }
0x93: {  	_ =	swait.eq [sflag:s15], $0x1  }
0x94: {  	[sflag:s15] =	ssyncset.done $0x0  }
0x95: {  	[sflag:s15] =	ssyncadd.s32 $0xFFFFFFFF  }
0x96: {  	s16 =	sld [smem:$0x10];
	(tm) =	ssettm $0x1  }
0x97: {  	s17 =	sld [smem:$0x3FFB];
	_ =	sdelay $0x3  }
0x98: {  	_ =	strace s17  }
0x99: {  	s3 =	sld [smem:$0x3FFC];
	_ =	sdelay $0x3  }
0x9a: {  	_ =	strace s3  }
0x9b: {  	s3 =	sld [smem:$0x3FFD];
	_ =	sdelay $0x3  }
0x9c: {  	_ =	strace s3  }
0x9d: {  	_ =	strace $0x8FFFFFFF  }
0x9e: {  	s18 =	sld [smem:$0x3FDB];
	_ =	sdelay $0x1  }
0x9f: {  	s19 =	simm.s32 $_scs_section_size  }
0xa0: {  	s5 =	simm.s32 $_size__tile_overlayer_lowered;
	s6 =	simm.s32 $_tile_overlayer_lowered  }
0xa1: {  	s22 =	simm.s32 $0x1BFF;
	s21 =	sshll.u32 s6, $0x1;
	s3 =	sadd.s32 s19, s18  }
0xa2: {  	s7 =	simm.s32 $0x0;
	s20 =	sshll.u32 s5, $0x1;
	s5 =	sadd.s32 s21, s3  }
0xa3: {  	[timem:s7], [sflag:s22] =	dma.local [hbm:s5], s20  }
0xa4: {  	_ =	swait.ge [sflag:s22], s20  }
0xa5: {  	s4 =	ssub.s32 $0x0, s20;
	[sflag:s22] =	ssyncset.done $0x0  }
0xa6: {  	[sflag:s22] =	ssyncadd.s32 s4;
	_ =	sdelay $0x1  }
0xa7: {  	s23 =	simm.s32 $0x1B8B  }
0xa8: {  	_ =	swait.ge [sflag:s23], $0x1  }
0xa9: {  	[sflag:s23] =	ssyncset.done $0x0  }
0xaa: {  	s25 =	simm.s32 $0x1B8E;
	s24 =	sld [smem:$0x3FFE];
	[sflag:s23] =	ssyncadd.s32 $0xFFFFFFFF  }
0xab: {  	s26 =	simm.s32 $execute0_lowered;
	[smem:$0x3FD2] =	sst s25  }
0xac: {  	s5 =	sshll.u32 s26, $0x1;
	_ =	strace $0x80000046;
	[dreg:$0x1] =	wrdreg $0xFFFFFFFF  }
0xad: {  	s28 =	simm.s32 $_size_execute0_lowered;
	s3 =	sadd.s32 s3, s5;
	[dreg:$0x0] =	wrdreg $0x0  }
0xae: {  	s5 =	sshll.u32 s28, $0x1;
	[dreg:$0x2] =	wrdreg s3  }
0xaf: {  	[dreg:$0x3] =	wrdreg s5  }
0xb0: {  	[dreg:$0x4] =	wrdreg $0xC0  }
0xb1: {  	_ =	task [dreg:s7], $0x5FFFF  }
0xb2: {  	[dreg:$0x1] =	wrdreg $0xFFFFFFFF  }
0xb3: {  	[dreg:$0x0] =	wrdreg $0x60  }
0xb4: {  	[dreg:$0x2] =	wrdreg s24  }
0xb5: {  	[dreg:$0x3] =	wrdreg s16  }
0xb6: {  	[dreg:$0x4] =	wrdreg $0x45000  }
0xb7: {  	[dreg:$0x5] =	wrdreg $0x9  }
0xb8: {  	_ =	task.clear_ibuf [dreg:s7], $0x6FFFF;
	_ =	strace $0x90000046  }
0xb9: {  	s29 =	simm.s32 $0x9;
	_ =	strace $0x80000048  }
0xba: {  	_ =	swait.ge [sflag:s29], $0x1  }
0xbb: {  	[sflag:s29] =	ssyncadd.s32 $0xFFFFFFFF  }
0xbc: {  	_ =	strace $0x90000048  }
0xbd: {  	_ =	sfence  }
0xbe: {  	s30 =	sld [smem:$0x0];
	_ =	sdelay $0x2  }
0xbf: {  	s31 =	sshll.u32 s1, $0xD;
	s1 =	sshrl.u32 s1, $0x2  }
0xc0: {  	s3 =	sand.u32 $0x4000, s31;
	s1 =	sadd.s32 s1, s30  }
0xc1: {  	s0 =	sor.u32 s3, s0;
	s1 =	sshll.u32 s1, $0x11  }
0xc2: {  	s0 =	sor.u32 s1, s0  }
0xc3: {  	s0 =	sadd.s32 $0x8F2B, s0  }
0xc4: {  	[sflag:s0] =	ssyncadd.remote.s32 $0x1  }
0xc5: {  	_ =	sfence.sel $0xFFFF  }
0xc6: {  	[dreg:$0x0] =	wrdreg $0xFFFFFFFF;
	(pc) =	sbr.abs _section_cstart, $3  }
0xc7: {  	[dreg:$0x1] =	wrdreg $0xFFFFFFFF  }
0xc8: {  	_ =	task.clear_ibuf [dreg:s7], $0x2FFFF;
	_ =	strace $0x9FFFFFFF  }
0xc9: {  	(tm) =	ssettm $0x7FFFFFFF  }
tec
execute0_lowered:
.L_overlay_start_1:
0x0: {  	(tag) =	ssettag $0x1  }
0x1: {  	s5 =	rddreg [dreg:$0x0]  }
0x2: {  	s6 =	rddreg [dreg:$0x1]  }
0x3: {  	s0 =	srdreg.scid;
	s1 =	stileid.u32  }
0x4: {  	s2 =	rddreg [dreg:$0x2];
	s8 =	smul.u32 $0x4E80, s1  }
0x5: {  	s3 =	simm.s32 $0x0;
	s13 =	simm.s32 $0x100;
	s10 =	smul.u32 $0x13C00, s1  }
0x6: {  	s14 =	simm.s32 $0x1;
	s7 =	sand.u32 $0x1, s0;
	s11 =	smul.u32 $0x4F000, s1  }
0x7: {  	s17 =	simm.s32 $0x0;
	s0 =	rddreg [dreg:$0x3];
	s4 =	smul.u32 $0x4E800, s7  }
0x8: {  	[smem:$0x7FF] =	sst s3;
	s15 =	sshll.u32 s1, $0x6;
	s9 =	smul.u32 $0x13C000, s7  }
0x9: {  	_ =	strace $0x80000047;
	s28 =	ssub.s32 $0x2, s7;
	s15 =	sor.u32 $0x1C02, s15  }
0xa: {  	s30 =	sshrl.u32 s28, $0x1;
	s31 =	sshrl.u32 s11, $0x2;
	s11 =	simm.s32 $0x2  }
0xb: {  	s8 =	sadd.s32 s8, s4;
	s4 =	sadd.s32 $0x52C00, s5;
	s29 =	sadd.s32 s10, s9  }
0xc: {  	s10 =	simm.s32 $0x4100;
	s8 =	sshrl.u32 s8, $0x3;
	s7 =	sshrl.u32 s29, $0x3  }
0xd: {  	s12 =	sadd.s32 s8, s5;
	s8 =	ssub.s32 s28, s30;
	s5 =	sadd.s32 s31, s2  }
0xe: {  	s6 =	sadd.s32 s6, s7;
	s7 =	smax.u32 s8, $0x1;
	s8 =	sadd.s32 $0x2B800, s12  }
0xf: {  	v0 =	vimm.f32 $0.0e+00;
	s9 =	sadd.s32 $0x3F200, s12;
	s12 =	simm.s32 $0x80;
	s16 =	sshrl.u32 s5, $0x3  }
.LBB2_1:
0x10: {  	[tilespmem:$0x4100] =	vst v0  }
0x11: {  	[tilespmem:$0x4110] =	vst v0  }
0x12: {  	[tilespmem:$0x4120] =	vst v0  }
0x13: {  	[tilespmem:$0x4130] =	vst v0  }
0x14: {  	[tilespmem:$0x4140] =	vst v0  }
0x15: {  	[tilespmem:$0x4150] =	vst v0  }
0x16: {  	[tilespmem:$0x4160] =	vst v0  }
0x17: {  	[tilespmem:$0x4170] =	vst v0  }
0x18: {  	[tilespmem:$0x4180] =	vst v0  }
0x19: {  	[tilespmem:$0x4190] =	vst v0  }
0x1a: {  	[tilespmem:$0x41A0] =	vst v0  }
0x1b: {  	[tilespmem:$0x41B0] =	vst v0  }
0x1c: {  	[tilespmem:$0x41C0] =	vst v0  }
0x1d: {  	[tilespmem:$0x41D0] =	vst v0  }
0x1e: {  	[tilespmem:$0x41E0] =	vst v0  }
0x1f: {  	[tilespmem:$0x41F0] =	vst v0  }
0x20: {  	[tilespmem:$0x4200] =	vst v0  }
0x21: {  	[tilespmem:$0x4210] =	vst v0  }
0x22: {  	[tilespmem:$0x4220] =	vst v0  }
0x23: {  	[tilespmem:$0x4230] =	vst v0  }
0x24: {  	[tilespmem:$0x4240] =	vst v0  }
0x25: {  	[tilespmem:$0x4250] =	vst v0  }
0x26: {  	[tilespmem:$0x4260] =	vst v0  }
0x27: {  	[tilespmem:$0x4270] =	vst v0  }
0x28: {  	[tilespmem:$0x4280] =	vst v0  }
0x29: {  	[tilespmem:$0x4290] =	vst v0  }
0x2a: {  	[tilespmem:$0x42A0] =	vst v0  }
0x2b: {  	[tilespmem:$0x42B0] =	vst v0  }
0x2c: {  	[tilespmem:$0x42C0] =	vst v0  }
0x2d: {  	[tilespmem:$0x42D0] =	vst v0  }
0x2e: {  	[tilespmem:$0x42E0] =	vst v0  }
0x2f: {  	[tilespmem:$0x42F0] =	vst v0  }
0x30: {  	[tilespmem:$0x4300] =	vst v0  }
0x31: {  	[tilespmem:$0x4310] =	vst v0  }
0x32: {  	[tilespmem:$0x4320] =	vst v0  }
0x33: {  	[tilespmem:$0x4330] =	vst v0  }
0x34: {  	[tilespmem:$0x4340] =	vst v0  }
0x35: {  	[tilespmem:$0x4350] =	vst v0  }
0x36: {  	[tilespmem:$0x4360] =	vst v0  }
0x37: {  	[tilespmem:$0x4370] =	vst v0  }
0x38: {  	[tilespmem:$0x4380] =	vst v0  }
0x39: {  	[tilespmem:$0x4390] =	vst v0  }
0x3a: {  	[tilespmem:$0x43A0] =	vst v0  }
0x3b: {  	[tilespmem:$0x43B0] =	vst v0  }
0x3c: {  	[tilespmem:$0x43C0] =	vst v0  }
0x3d: {  	[tilespmem:$0x43D0] =	vst v0  }
0x3e: {  	[tilespmem:$0x43E0] =	vst v0  }
0x3f: {  	[tilespmem:$0x43F0] =	vst v0  }
0x40: {  	[tilespmem:$0x4400] =	vst v0  }
0x41: {  	[tilespmem:$0x4410] =	vst v0  }
0x42: {  	[tilespmem:$0x4420] =	vst v0  }
0x43: {  	[tilespmem:$0x4430] =	vst v0  }
0x44: {  	[tilespmem:$0x4440] =	vst v0  }
0x45: {  	[tilespmem:$0x4450] =	vst v0  }
0x46: {  	[tilespmem:$0x4460] =	vst v0  }
0x47: {  	[tilespmem:$0x4470] =	vst v0  }
0x48: {  	[tilespmem:$0x4480] =	vst v0  }
0x49: {  	[tilespmem:$0x4490] =	vst v0  }
0x4a: {  	[tilespmem:$0x44A0] =	vst v0  }
0x4b: {  	[tilespmem:$0x44B0] =	vst v0  }
0x4c: {  	[tilespmem:$0x44C0] =	vst v0  }
0x4d: {  	[tilespmem:$0x44D0] =	vst v0  }
0x4e: {  	[tilespmem:$0x44E0] =	vst v0  }
0x4f: {  	[tilespmem:$0x44F0] =	vst v0;
	s18 =	sadd.s32 $0x0, s5  }
0x50: {  	[spmem:s18] =	stream.linear.scatter [tilespmem:s10], [sflag:$0x2], $0x400, $0x38;
	[tilespmem:$0x18100] =	vst v63  }
0x51: {  	s18 =	simm.s32 $0x1000;
	_ =	swait.ge [sflag:s11], $0x400  }
.LBB2_2:
0x52: {  	s19 =	sshra.s32 s18, $0x2;
	[sflag:s11] =	ssyncset.done $0x0;
	p0 =	sne.s32 s18, $0x4E000  }
.Ltmp0:
0x53: {  	s19 =	sadd.s32 s19, s5;
	[sflag:s11] =	ssyncadd.s32 $0xFFFFFC00;
	(pc) =	sbr.rel @p0 .LBB2_2-.Ltmp0, $3  }
0x54: {  	[spmem:s19] =	stream.linear.scatter [tilespmem:s10], [sflag:$0x2], $0x400, $0x38;
	[tilespmem:$0x18100] =	vst v63  }
0x55: {  	s18 =	sadd.s32 $0x1000, s18;
	_ =	sdelay $0x1  }
0x56: {  	_ =	swait.ge [sflag:s11], $0x400  }
0x57: {  	[sflag:s11] =	ssyncset.done $0x0  }
0x58: {  	[sflag:s11] =	ssyncadd.s32 $0xFFFFFC00  }
0x59: {  	s18 =	sadd.s32 $0x0, s9;
	[bflag:$0x0] =	sbarrier.arrive $0xFFFF  }
0x5a: {  	[tilespmem:s3], [sflag:$0x2] =	stream.linear.gather [hbm4b:s18+s3], $0x80, $0x38;
	[tilespmem:$0x18100] =	vst v63  }
0x5b: {  	_ =	swait.ge [sflag:s11], $0x80  }
0x5c: {  	[sflag:s11] =	ssyncset.done $0x0  }
0x5d: {  	s31 =	sadd.s32 $0x0, s8;
	[sflag:s11] =	ssyncadd.s32 $0xFFFFFF80  }
0x5e: {  	[tilespmem:s12], [sflag:$0x2] =	stream.linear.gather [hbm4b:s31+s3], $0x80, $0x38;
	[tilespmem:$0x18100] =	vst v63  }
0x5f: {  	_ =	swait.ge [sflag:s11], $0x80  }
0x60: {  	[sflag:s11] =	ssyncset.done $0x0  }
0x61: {  	[sflag:s11] =	ssyncadd.s32 $0xFFFFFF80  }
0x62: {  	[tilespmem:s13], [sflag:$0x1] =	stream.indirect.gather [hbm4b:s4+s12], $0x80, s3, s12, $0xb8;
	[tilespmem:$0x18100] =	vst v63  }
0x63: {  	_ =	swait.ge [sflag:s14], $0x4000  }
0x64: {  	[sflag:s14] =	ssyncset.done $0x0  }
0x65: {  	[sflag:s14] =	ssyncadd.s32 $0xFFFFC000  }
0x66: {  	[spmem:s2] =	stream.indirect.scatter.add.f32 [tilespmem:s13], [sflag:$0x2], $0x80, s12, s12, $0xb8;
	[tilespmem:$0x18100] =	vst v63  }
0x67: {  	_ =	swait.ge [sflag:s11], $0x4000  }
0x68: {  	s19 =	simm.s32 $0x20;
	s18 =	simm.s32 $0x10;
	[sflag:s11] =	ssyncset.done $0x0  }
.LBB2_4:
0x69: {  	s20 =	sadd.s32 s18, s9  }
0x6a: {  	[sflag:s11] =	ssyncadd.s32 $0xFFFFC000;
	s21 =	smov.u32 s19;
	s22 =	sadd.s32 $0x10, s19  }
0x6b: {  	[tilespmem:s3], [sflag:$0x2] =	stream.linear.gather [hbm4b:s20+s3], $0x80, $0x38;
	[tilespmem:$0x18100] =	vst v63  }
0x6c: {  	p0 =	sne.s32 s19, $0x9C0;
	_ =	swait.ge [sflag:s11], $0x80  }
0x6d: {  	[sflag:s11] =	ssyncset.done $0x0  }
0x6e: {  	s19 =	sadd.s32 s18, s8;
	s18 =	smov.u32 s21;
	[sflag:s11] =	ssyncadd.s32 $0xFFFFFF80  }
0x6f: {  	[tilespmem:s12], [sflag:$0x2] =	stream.linear.gather [hbm4b:s19+s3], $0x80, $0x38;
	[tilespmem:$0x18100] =	vst v63  }
0x70: {  	_ =	swait.ge [sflag:s11], $0x80  }
0x71: {  	[sflag:s11] =	ssyncset.done $0x0  }
0x72: {  	[sflag:s11] =	ssyncadd.s32 $0xFFFFFF80  }
0x73: {  	[tilespmem:s13], [sflag:$0x1] =	stream.indirect.gather [hbm4b:s4+s12], $0x80, s3, s12, $0xb8;
	[tilespmem:$0x18100] =	vst v63  }
0x74: {  	_ =	swait.ge [sflag:s14], $0x4000  }
.Ltmp1:
0x75: {  	[sflag:s14] =	ssyncset.done $0x0;
	(pc) =	sbr.rel @p0 .LBB2_4-.Ltmp1, $4  }
0x76: {  	[sflag:s14] =	ssyncadd.s32 $0xFFFFC000  }
0x77: {  	[spmem:s2] =	stream.indirect.scatter.add.f32 [tilespmem:s13], [sflag:$0x2], $0x80, s12, s12, $0xb8;
	[tilespmem:$0x18100] =	vst v63  }
0x78: {  	_ =	swait.ge [sflag:s11], $0x4000  }
0x79: {  	s19 =	smov.u32 s22;
	[sflag:s11] =	ssyncset.done $0x0  }
0x7a: {  	s19 =	sadd.s32 s18, s9;
	[sflag:s11] =	ssyncadd.s32 $0xFFFFC000  }
0x7b: {  	[tilespmem:s3], [sflag:$0x2] =	stream.linear.gather [hbm4b:s19+s3], $0x80, $0x38;
	[tilespmem:$0x18100] =	vst v63  }
0x7c: {  	_ =	swait.ge [sflag:s11], $0x80  }
0x7d: {  	[sflag:s11] =	ssyncset.done $0x0  }
0x7e: {  	s31 =	sadd.s32 s18, s8;
	[sflag:s11] =	ssyncadd.s32 $0xFFFFFF80  }
0x7f: {  	[tilespmem:s12], [sflag:$0x2] =	stream.linear.gather [hbm4b:s31+s3], $0x80, $0x38;
	[tilespmem:$0x18100] =	vst v63  }
0x80: {  	_ =	swait.ge [sflag:s11], $0x80  }
0x81: {  	[sflag:s11] =	ssyncset.done $0x0  }
0x82: {  	[sflag:s11] =	ssyncadd.s32 $0xFFFFFF80  }
0x83: {  	[tilespmem:s13], [sflag:$0x1] =	stream.indirect.gather [hbm4b:s4+s12], $0x80, s3, s12, $0xb8;
	[tilespmem:$0x18100] =	vst v63  }
0x84: {  	_ =	swait.ge [sflag:s14], $0x4000  }
0x85: {  	[sflag:s14] =	ssyncset.done $0x0  }
0x86: {  	[sflag:s14] =	ssyncadd.s32 $0xFFFFC000  }
0x87: {  	[spmem:s2] =	stream.indirect.scatter.add.f32 [tilespmem:s13], [sflag:$0x2], $0x80, s12, s12, $0xb8;
	[tilespmem:$0x18100] =	vst v63  }
0x88: {  	_ =	swait.ge [sflag:s11], $0x4000  }
0x89: {  	s17 =	sadd.s32 $0x1, s17;
	[sflag:s11] =	ssyncset.done $0x0  }
0x8a: {  	p0 =	sne.s32 s17, s7;
	[sflag:s11] =	ssyncadd.s32 $0xFFFFC000  }
.Ltmp2:
0x8b: {  	[bflag:$0x0] =	sbarrier.arrive $0xFFFF;
	(pc) =	sbr.rel @p0 .LBB2_1-.Ltmp2, $4  }
0x8c: {  	[hbm:s6], [sflag:s15] =	dma.local [spmem:s16], $0x2780  }
0x8d: {  	_ =	swait.ge [sflag:s11], $0x2780  }
0x8e: {  	[sflag:s11] =	ssyncset.done $0x0  }
0x8f: {  	[sflag:s11] =	ssyncadd.s32 $0xFFFFD880  }
0x90: {  	_ =	sfence.sel $0x180000  }
0x91: {  	[bflag:$0x0] =	sbarrier.arrive $0xFFFF  }
0x92: {  	p0 =	sne.s32 s1, $0x0;
	_ =	strace $0x90000047  }
0x93: {  	s0 =	sadd.s32 @!p0 $0x100000, s0;
	[bflag:$0x2] =	sbarrier.arrive $0xFFFF  }
0x94: {  	[sflag:s0] =	ssyncadd.tile.s32 @!p0 $0x1;
	_ =	shalt  }
.Lfunc_end2:
_tile_overlayer_lowered:
.L_overlay_start_2:
0x95: {  	(tag) =	ssettag $0x2  }
0x96: {  	s0 =	rddreg [dreg:$0x0];
	s2 =	stileid.u32  }
0x97: {  	s1 =	rddreg [dreg:$0x1];
	p0 =	sne.s32 s2, $0x0  }
0x98: {  	s3 =	rddreg [dreg:$0x2];
	[bflag:$0x3] =	sbarrier.arrive $0xFFFF;
	s2 =	simm.s32 @!p0 $0x1C02  }
0x99: {  	[timem:s3], [sflag:s2] =	dma.local @!p0 [hbm:s0], s1  }
0x9a: {  	s0 =	simm.s32 @!p0 $0x2  }
0x9b: {  	_ =	swait.ge @!p0 [sflag:s0], s1  }
0x9c: {  	s1 =	ssub.s32 @!p0 $0x0, s1;
	[sflag:s0] =	ssyncset.done @!p0 $0x0  }
0x9d: {  	[sflag:s0] =	ssyncadd.s32 @!p0 s1  }
0x9e: {  	[bflag:$0x3] =	sbarrier.arrive $0xFFFF  }
0x9f: {  	_ =	shalt  }

// kernel: kernel.26.cloned.1.call-start
scs
__scs_entry_jumppad:
0x0: {  	(pc) =	sbr.rel $0x88, $3  }
0x1: {  	(tag) =	ssettag $0x0;
	lr =	simm.s32 $0x1  }
0x2: {  	[smem:$0x3F91] =	sst lr;
	_ =	strace $0xD0000000  }
0x3: {  	_ = 	snop  }
0x4: {  	_ = 	snop  }
0x5: {  	_ = 	snop  }
0x6: {  	_ = 	snop  }
0x7: {  	_ = 	snop  }
__scs_overlays_trampoline_lowered:
0x8: {  	[smem:$0x3FA0] =	sst s0  }
0x9: {  	[smem:$0x3FA1] =	sst s1  }
0xa: {  	[smem:$0x3FA2] =	sst s2  }
0xb: {  	[smem:$0x3FA3] =	sst s3  }
0xc: {  	[smem:$0x3FA4] =	sst s4  }
0xd: {  	[smem:$0x3FA5] =	sst s5  }
0xe: {  	[smem:$0x3FA6] =	sst s6  }
0xf: {  	[smem:$0x3FA7] =	sst s7  }
0x10: {  	[smem:$0x3FA8] =	sst s8  }
0x11: {  	[smem:$0x3FA9] =	sst s9;
	s0 =	simm.s32 @!p0 $0x0  }
0x12: {  	s1 =	sld [smem:$0x3F8F];
	s0 =	simm.s32 @p0 $0x1  }
0x13: {  	[smem:$0x3FAA] =	sst s0;
	s0 =	simm.s32 @!p1 $0x0  }
0x14: {  	s2 =	sld [smem:$0x3F8E];
	s0 =	simm.s32 @p1 $0x1  }
0x15: {  	[smem:$0x3FAB] =	sst s0;
	s0 =	simm.s32 @!p2 $0x0  }
0x16: {  	s3 =	sld [smem:$0x3FDB];
	s0 =	simm.s32 @p2 $0x1  }
0x17: {  	s4 =	simm.s32 $0x1BF5;
	[smem:$0x3FAD] =	sst s0  }
0x18: {  	s0 =	sld [smem:$0x3F90];
	_ =	swait.ge [sflag:s4], $0x0  }
0x19: {  	s7 =	sld [smem:$0x3F91]  }
0x1a: {  	s8 =	sadd.s32 $0xFFFFE003, lr  }
0x1b: {  	s9 =	sadd.s32 $0xFFFFFEF7, lr;
	s5 =	simm.s32 $0xFFFFFFFF;
	p2 =	slt.u32 s8, $0xFFFFF086  }
0x1c: {  	p1 =	slt.u32 s9, $0xF7A;
	s5 =	simm.s32 @!p2 $0x0  }
0x1d: {  	s5 =	simm.s32 @p1 $0x1;
	p0 =	seq.s32 s7, s2  }
0x1e: {  	s7 =	smul.u32 @!p0 $0xF7A, s2;
	p2 =	seq.s32 @!p0 s5, $0x0  }
0x1f: {  	s9 =	smul.u32 $0xF7A, s1;
	s8 =	simm.s32 @!p0 $0x1BF5;
	p2 =	por !p2, p0  }
0x20: {  	[sflag:s8] =	ssyncset.s32 @!p0 $0xFFFFF086;
	s6 =	sadd.s32 @!p0 s3, s7;
	s7 =	simm.s32 @!p0 $0x108  }
0x21: {  	s3 =	sadd.s32 s3, s9;
	s6 =	sadd.s32 @!p0 $0x88, s6;
	s7 =	simm.s32 @p2 $0x1082  }
0x22: {  	[simem:s7], [sflag:s8] =	dma.local @!p0 [hbm:s6], $0xF7A  }
0x23: {  	s9 =	sor.u32 $0xD0000000, s2;
	s6 =	simm.s32 $0x108;
	_ =	swait.ge @!p0 [sflag:s8], $0x0  }
0x24: {  	s3 =	sadd.s32 $0x88, s3;
	s6 =	simm.s32 @!p1 $0x1082;
	[sflag:s4] =	ssyncset.s32 $0xFFFFF086  }
0x25: {  	[simem:s6], [sflag:s4] =	dma.local [hbm:s3], $0xF7A  }
0x26: {  	[smem:$0x3F91] =	sst s1;
	(tag) =	ssettag s2;
	_ =	strace s9  }
0x27: {  	s1 =	sld [smem:$0x3FA1]  }
0x28: {  	s2 =	sld [smem:$0x3FA2]  }
0x29: {  	s4 =	sld [smem:$0x3FA4]  }
0x2a: {  	p0 =	seq.s32 s5, $0x0;
	s5 =	sld [smem:$0x3FA5]  }
0x2b: {  	s6 =	sld [smem:$0x3FA6]  }
0x2c: {  	s7 =	sld [smem:$0x3FA7]  }
0x2d: {  	s3 =	simm.s32 $0x108;
	s8 =	sld [smem:$0x3FA8]  }
0x2e: {  	s3 =	simm.s32 @!p0 $0x1082;
	s9 =	sld [smem:$0x3FA9]  }
0x2f: {  	lr =	sadd.s32 s0, s3;
	s0 =	sld [smem:$0x3FA0]  }
0x30: {  	s3 =	sld [smem:$0x3FA3]  }
0x31: {  	[smem:$0x3FAC] =	sst s10  }
0x32: {  	s10 =	sld [smem:$0x3FAA];
	_ =	sdelay $0x3  }
0x33: {  	p0 =	seq.s32 s10, $0x1;
	s10 =	sld [smem:$0x3FAC];
	_ =	sdelay $0x3  }
0x34: {  	[smem:$0x3FAC] =	sst s10  }
0x35: {  	s10 =	sld [smem:$0x3FAB];
	_ =	sdelay $0x3  }
0x36: {  	p1 =	seq.s32 s10, $0x1;
	s10 =	sld [smem:$0x3FAC];
	_ =	sdelay $0x3  }
0x37: {  	[smem:$0x3FAC] =	sst s10  }
0x38: {  	s10 =	sld [smem:$0x3FAD]  }
0x39: {  	_ = 	snop;
	(pc) =	sbr.ind lr, $3  }
0x3a: {  	_ = 	snop  }
0x3b: {  	_ = 	snop  }
0x3c: {  	p2 =	seq.s32 s10, $0x1;
	s10 =	sld [smem:$0x3FAC]  }
0x3d: {  	_ =	shalt  }
0x3e: {  	_ =	shalt  }
0x3f: {  	_ =	shalt  }
0x40: {  	_ =	shalt  }
0x41: {  	_ =	shalt  }
0x42: {  	_ =	shalt  }
0x43: {  	_ =	shalt  }
0x44: {  	_ =	shalt  }
0x45: {  	_ =	shalt  }
0x46: {  	_ =	shalt  }
0x47: {  	_ =	shalt  }
0x48: {  	_ =	shalt  }
0x49: {  	_ =	shalt  }
0x4a: {  	_ =	shalt  }
0x4b: {  	_ =	shalt  }
0x4c: {  	_ =	shalt  }
0x4d: {  	_ =	shalt  }
0x4e: {  	_ =	shalt  }
0x4f: {  	_ =	shalt  }
0x50: {  	_ =	shalt  }
0x51: {  	_ =	shalt  }
0x52: {  	_ =	shalt  }
0x53: {  	_ =	shalt  }
0x54: {  	_ =	shalt  }
0x55: {  	_ =	shalt  }
0x56: {  	_ =	shalt  }
0x57: {  	_ =	shalt  }
0x58: {  	_ =	shalt  }
0x59: {  	_ =	shalt  }
0x5a: {  	_ =	shalt  }
0x5b: {  	_ =	shalt  }
0x5c: {  	_ =	shalt  }
0x5d: {  	_ =	shalt  }
0x5e: {  	_ =	shalt  }
0x5f: {  	_ =	shalt  }
0x60: {  	_ =	shalt  }
0x61: {  	_ =	shalt  }
0x62: {  	_ =	shalt  }
0x63: {  	_ =	shalt  }
0x64: {  	_ =	shalt  }
0x65: {  	_ =	shalt  }
0x66: {  	_ =	shalt  }
0x67: {  	_ =	shalt  }
0x68: {  	_ =	shalt  }
0x69: {  	_ =	shalt  }
0x6a: {  	_ =	shalt  }
0x6b: {  	_ =	shalt  }
0x6c: {  	_ =	shalt  }
0x6d: {  	_ =	shalt  }
0x6e: {  	_ =	shalt  }
0x6f: {  	_ =	shalt  }
0x70: {  	_ =	shalt  }
0x71: {  	_ =	shalt  }
0x72: {  	_ =	shalt  }
0x73: {  	_ =	shalt  }
0x74: {  	_ =	shalt  }
0x75: {  	_ =	shalt  }
0x76: {  	_ =	shalt  }
0x77: {  	_ =	shalt  }
0x78: {  	_ =	shalt  }
0x79: {  	_ =	shalt  }
0x7a: {  	_ =	shalt  }
0x7b: {  	_ =	shalt  }
0x7c: {  	_ =	shalt  }
0x7d: {  	_ =	shalt  }
0x7e: {  	_ =	shalt  }
0x7f: {  	_ =	shalt  }
0x80: {  	_ =	shalt  }
0x81: {  	_ =	shalt  }
0x82: {  	_ =	shalt  }
0x83: {  	_ =	shalt  }
0x84: {  	_ =	shalt  }
0x85: {  	_ =	shalt  }
0x86: {  	_ =	shalt  }
0x87: {  	_ =	shalt  }
.Lfunc_end0:
.L_simem_size_0:
called_computation.1_lowered:
.L_overlay_start_0:
0x88: {  	s2 =	sld [smem:$0x3FD9]  }
0x89: {  	s3 =	sld [smem:$0x3FFE];
	_ =	sdelay $0x1  }
0x8a: {  	s1 =	srdreg.scid  }
0x8b: {  	s0 =	sand.u32 $0x1, s1  }
0x8c: {  	s14 =	sshll.u32 s0, $0xA;
	s2 =	sadd.s32 s3, s2  }
0x8d: {  	s2 =	sadd.s32 s2, s14  }
0x8e: {  	[smem:$0x3FB8] =	sst s2  }
0x8f: {  	_ = 	snop  }
0x90: {  	s2 =	sld [smem:$0x3FD0];
	_ =	sdelay $0x2  }
0x91: {  	s15 =	simm.s32 $0xA;
	s4 =	simm.s32 $0x10  }
0x92: {  	[smem:s4], [sflag:s15] =	dma.local [hbm:s2], $0x1  }
0x93: {  	_ =	swait.eq [sflag:s15], $0x1  }
0x94: {  	[sflag:s15] =	ssyncset.done $0x0  }
0x95: {  	[sflag:s15] =	ssyncadd.s32 $0xFFFFFFFF  }
0x96: {  	s16 =	sld [smem:$0x10];
	(tm) =	ssettm $0x1  }
0x97: {  	s17 =	sld [smem:$0x3FFB];
	_ =	sdelay $0x3  }
0x98: {  	_ =	strace s17  }
0x99: {  	s3 =	sld [smem:$0x3FFC];
	_ =	sdelay $0x3  }
0x9a: {  	_ =	strace s3  }
0x9b: {  	s3 =	sld [smem:$0x3FFD];
	_ =	sdelay $0x3  }
0x9c: {  	_ =	strace s3  }
0x9d: {  	_ =	strace $0x8FFFFFFF  }
0x9e: {  	s18 =	sld [smem:$0x3FDB];
	_ =	sdelay $0x1  }
0x9f: {  	s19 =	simm.s32 $_scs_section_size  }
0xa0: {  	s5 =	simm.s32 $_size__tile_overlayer_lowered;
	s6 =	simm.s32 $_tile_overlayer_lowered  }
0xa1: {  	s22 =	simm.s32 $0x1BFF;
	s21 =	sshll.u32 s6, $0x1;
	s3 =	sadd.s32 s19, s18  }
0xa2: {  	s7 =	simm.s32 $0x0;
	s20 =	sshll.u32 s5, $0x1;
	s5 =	sadd.s32 s21, s3  }
0xa3: {  	[timem:s7], [sflag:s22] =	dma.local [hbm:s5], s20  }
0xa4: {  	_ =	swait.ge [sflag:s22], s20  }
0xa5: {  	s4 =	ssub.s32 $0x0, s20;
	[sflag:s22] =	ssyncset.done $0x0  }
0xa6: {  	[sflag:s22] =	ssyncadd.s32 s4;
	_ =	sdelay $0x1  }
0xa7: {  	s23 =	simm.s32 $0x1B8B  }
0xa8: {  	_ =	swait.ge [sflag:s23], $0x1  }
0xa9: {  	[sflag:s23] =	ssyncset.done $0x0  }
0xaa: {  	s25 =	simm.s32 $0x1B8E;
	s24 =	sld [smem:$0x3FFE];
	[sflag:s23] =	ssyncadd.s32 $0xFFFFFFFF  }
0xab: {  	s26 =	simm.s32 $execute0_lowered;
	[smem:$0x3FD2] =	sst s25  }
0xac: {  	s5 =	sshll.u32 s26, $0x1;
	_ =	strace $0x80000049;
	[dreg:$0x1] =	wrdreg $0xFFFFFFFF  }
0xad: {  	s28 =	simm.s32 $_size_execute0_lowered;
	s3 =	sadd.s32 s3, s5;
	[dreg:$0x0] =	wrdreg $0x0  }
0xae: {  	s5 =	sshll.u32 s28, $0x1;
	[dreg:$0x2] =	wrdreg s3  }
0xaf: {  	[dreg:$0x3] =	wrdreg s5  }
0xb0: {  	[dreg:$0x4] =	wrdreg $0xC0  }
0xb1: {  	_ =	task [dreg:s7], $0x5FFFF  }
0xb2: {  	[dreg:$0x1] =	wrdreg $0xFFFFFFFF  }
0xb3: {  	[dreg:$0x0] =	wrdreg $0x60  }
0xb4: {  	[dreg:$0x2] =	wrdreg s24  }
0xb5: {  	[dreg:$0x3] =	wrdreg s16  }
0xb6: {  	[dreg:$0x4] =	wrdreg $0x45000  }
0xb7: {  	[dreg:$0x5] =	wrdreg $0x9  }
0xb8: {  	_ =	task.clear_ibuf [dreg:s7], $0x6FFFF;
	_ =	strace $0x90000049  }
0xb9: {  	s29 =	simm.s32 $0x9;
	_ =	strace $0x8000004B  }
0xba: {  	_ =	swait.ge [sflag:s29], $0x1  }
0xbb: {  	[sflag:s29] =	ssyncadd.s32 $0xFFFFFFFF  }
0xbc: {  	_ =	strace $0x9000004B  }
0xbd: {  	_ =	sfence  }
0xbe: {  	s30 =	sld [smem:$0x0];
	_ =	sdelay $0x2  }
0xbf: {  	s31 =	sshll.u32 s1, $0xD;
	s1 =	sshrl.u32 s1, $0x2  }
0xc0: {  	s3 =	sand.u32 $0x4000, s31;
	s1 =	sadd.s32 s1, s30  }
0xc1: {  	s0 =	sor.u32 s3, s0;
	s1 =	sshll.u32 s1, $0x11  }
0xc2: {  	s0 =	sor.u32 s1, s0  }
0xc3: {  	s0 =	sadd.s32 $0x8F2B, s0  }
0xc4: {  	[sflag:s0] =	ssyncadd.remote.s32 $0x1  }
0xc5: {  	_ =	sfence.sel $0xFFFF  }
0xc6: {  	[dreg:$0x0] =	wrdreg $0xFFFFFFFF;
	(pc) =	sbr.abs _section_cstart, $3  }
0xc7: {  	[dreg:$0x1] =	wrdreg $0xFFFFFFFF  }
0xc8: {  	_ =	task.clear_ibuf [dreg:s7], $0x2FFFF;
	_ =	strace $0x9FFFFFFF  }
0xc9: {  	(tm) =	ssettm $0x7FFFFFFF  }
tec
execute0_lowered:
.L_overlay_start_1:
0x0: {  	(tag) =	ssettag $0x1  }
0x1: {  	s5 =	rddreg [dreg:$0x0]  }
0x2: {  	s6 =	rddreg [dreg:$0x1]  }
0x3: {  	s0 =	srdreg.scid;
	s1 =	stileid.u32  }
0x4: {  	s2 =	rddreg [dreg:$0x2];
	s8 =	smul.u32 $0x4E80, s1  }
0x5: {  	s3 =	simm.s32 $0x0;
	s13 =	simm.s32 $0x100;
	s10 =	smul.u32 $0x13C00, s1  }
0x6: {  	s14 =	simm.s32 $0x1;
	s7 =	sand.u32 $0x1, s0;
	s11 =	smul.u32 $0x4F000, s1  }
0x7: {  	s17 =	simm.s32 $0x0;
	s0 =	rddreg [dreg:$0x3];
	s4 =	smul.u32 $0x4E800, s7  }
0x8: {  	[smem:$0x7FF] =	sst s3;
	s15 =	sshll.u32 s1, $0x6;
	s9 =	smul.u32 $0x13C000, s7  }
0x9: {  	_ =	strace $0x8000004A;
	s28 =	ssub.s32 $0x2, s7;
	s15 =	sor.u32 $0x1C02, s15  }
0xa: {  	s30 =	sshrl.u32 s28, $0x1;
	s31 =	sshrl.u32 s11, $0x2;
	s11 =	simm.s32 $0x2  }
0xb: {  	s8 =	sadd.s32 s8, s4;
	s4 =	sadd.s32 $0x52C00, s5;
	s29 =	sadd.s32 s10, s9  }
0xc: {  	s10 =	simm.s32 $0x4100;
	s8 =	sshrl.u32 s8, $0x3;
	s7 =	sshrl.u32 s29, $0x3  }
0xd: {  	s12 =	sadd.s32 s8, s5;
	s8 =	ssub.s32 s28, s30;
	s5 =	sadd.s32 s31, s2  }
0xe: {  	s6 =	sadd.s32 s6, s7;
	s7 =	smax.u32 s8, $0x1;
	s8 =	sadd.s32 $0x2B800, s12  }
0xf: {  	v0 =	vimm.f32 $0.0e+00;
	s9 =	sadd.s32 $0x3F200, s12;
	s12 =	simm.s32 $0x80;
	s16 =	sshrl.u32 s5, $0x3  }
.LBB2_1:
0x10: {  	[tilespmem:$0x4100] =	vst v0  }
0x11: {  	[tilespmem:$0x4110] =	vst v0  }
0x12: {  	[tilespmem:$0x4120] =	vst v0  }
0x13: {  	[tilespmem:$0x4130] =	vst v0  }
0x14: {  	[tilespmem:$0x4140] =	vst v0  }
0x15: {  	[tilespmem:$0x4150] =	vst v0  }
0x16: {  	[tilespmem:$0x4160] =	vst v0  }
0x17: {  	[tilespmem:$0x4170] =	vst v0  }
0x18: {  	[tilespmem:$0x4180] =	vst v0  }
0x19: {  	[tilespmem:$0x4190] =	vst v0  }
0x1a: {  	[tilespmem:$0x41A0] =	vst v0  }
0x1b: {  	[tilespmem:$0x41B0] =	vst v0  }
0x1c: {  	[tilespmem:$0x41C0] =	vst v0  }
0x1d: {  	[tilespmem:$0x41D0] =	vst v0  }
0x1e: {  	[tilespmem:$0x41E0] =	vst v0  }
0x1f: {  	[tilespmem:$0x41F0] =	vst v0  }
0x20: {  	[tilespmem:$0x4200] =	vst v0  }
0x21: {  	[tilespmem:$0x4210] =	vst v0  }
0x22: {  	[tilespmem:$0x4220] =	vst v0  }
0x23: {  	[tilespmem:$0x4230] =	vst v0  }
0x24: {  	[tilespmem:$0x4240] =	vst v0  }
0x25: {  	[tilespmem:$0x4250] =	vst v0  }
0x26: {  	[tilespmem:$0x4260] =	vst v0  }
0x27: {  	[tilespmem:$0x4270] =	vst v0  }
0x28: {  	[tilespmem:$0x4280] =	vst v0  }
0x29: {  	[tilespmem:$0x4290] =	vst v0  }
0x2a: {  	[tilespmem:$0x42A0] =	vst v0  }
0x2b: {  	[tilespmem:$0x42B0] =	vst v0  }
0x2c: {  	[tilespmem:$0x42C0] =	vst v0  }
0x2d: {  	[tilespmem:$0x42D0] =	vst v0  }
0x2e: {  	[tilespmem:$0x42E0] =	vst v0  }
0x2f: {  	[tilespmem:$0x42F0] =	vst v0  }
0x30: {  	[tilespmem:$0x4300] =	vst v0  }
0x31: {  	[tilespmem:$0x4310] =	vst v0  }
0x32: {  	[tilespmem:$0x4320] =	vst v0  }
0x33: {  	[tilespmem:$0x4330] =	vst v0  }
0x34: {  	[tilespmem:$0x4340] =	vst v0  }
0x35: {  	[tilespmem:$0x4350] =	vst v0  }
0x36: {  	[tilespmem:$0x4360] =	vst v0  }
0x37: {  	[tilespmem:$0x4370] =	vst v0  }
0x38: {  	[tilespmem:$0x4380] =	vst v0  }
0x39: {  	[tilespmem:$0x4390] =	vst v0  }
0x3a: {  	[tilespmem:$0x43A0] =	vst v0  }
0x3b: {  	[tilespmem:$0x43B0] =	vst v0  }
0x3c: {  	[tilespmem:$0x43C0] =	vst v0  }
0x3d: {  	[tilespmem:$0x43D0] =	vst v0  }
0x3e: {  	[tilespmem:$0x43E0] =	vst v0  }
0x3f: {  	[tilespmem:$0x43F0] =	vst v0  }
0x40: {  	[tilespmem:$0x4400] =	vst v0  }
0x41: {  	[tilespmem:$0x4410] =	vst v0  }
0x42: {  	[tilespmem:$0x4420] =	vst v0  }
0x43: {  	[tilespmem:$0x4430] =	vst v0  }
0x44: {  	[tilespmem:$0x4440] =	vst v0  }
0x45: {  	[tilespmem:$0x4450] =	vst v0  }
0x46: {  	[tilespmem:$0x4460] =	vst v0  }
0x47: {  	[tilespmem:$0x4470] =	vst v0  }
0x48: {  	[tilespmem:$0x4480] =	vst v0  }
0x49: {  	[tilespmem:$0x4490] =	vst v0  }
0x4a: {  	[tilespmem:$0x44A0] =	vst v0  }
0x4b: {  	[tilespmem:$0x44B0] =	vst v0  }
0x4c: {  	[tilespmem:$0x44C0] =	vst v0  }
0x4d: {  	[tilespmem:$0x44D0] =	vst v0  }
0x4e: {  	[tilespmem:$0x44E0] =	vst v0  }
0x4f: {  	[tilespmem:$0x44F0] =	vst v0;
	s18 =	sadd.s32 $0x0, s5  }
0x50: {  	[spmem:s18] =	stream.linear.scatter [tilespmem:s10], [sflag:$0x2], $0x400, $0x38;
	[tilespmem:$0x18100] =	vst v63  }
0x51: {  	s18 =	simm.s32 $0x1000;
	_ =	swait.ge [sflag:s11], $0x400  }
.LBB2_2:
0x52: {  	s19 =	sshra.s32 s18, $0x2;
	[sflag:s11] =	ssyncset.done $0x0;
	p0 =	sne.s32 s18, $0x4E000  }
.Ltmp0:
0x53: {  	s19 =	sadd.s32 s19, s5;
	[sflag:s11] =	ssyncadd.s32 $0xFFFFFC00;
	(pc) =	sbr.rel @p0 .LBB2_2-.Ltmp0, $3  }
0x54: {  	[spmem:s19] =	stream.linear.scatter [tilespmem:s10], [sflag:$0x2], $0x400, $0x38;
	[tilespmem:$0x18100] =	vst v63  }
0x55: {  	s18 =	sadd.s32 $0x1000, s18;
	_ =	sdelay $0x1  }
0x56: {  	_ =	swait.ge [sflag:s11], $0x400  }
0x57: {  	[sflag:s11] =	ssyncset.done $0x0  }
0x58: {  	[sflag:s11] =	ssyncadd.s32 $0xFFFFFC00  }
0x59: {  	s18 =	sadd.s32 $0x0, s9;
	[bflag:$0x0] =	sbarrier.arrive $0xFFFF  }
0x5a: {  	[tilespmem:s3], [sflag:$0x2] =	stream.linear.gather [hbm4b:s18+s3], $0x80, $0x38;
	[tilespmem:$0x18100] =	vst v63  }
0x5b: {  	_ =	swait.ge [sflag:s11], $0x80  }
0x5c: {  	[sflag:s11] =	ssyncset.done $0x0  }
0x5d: {  	s31 =	sadd.s32 $0x0, s8;
	[sflag:s11] =	ssyncadd.s32 $0xFFFFFF80  }
0x5e: {  	[tilespmem:s12], [sflag:$0x2] =	stream.linear.gather [hbm4b:s31+s3], $0x80, $0x38;
	[tilespmem:$0x18100] =	vst v63  }
0x5f: {  	_ =	swait.ge [sflag:s11], $0x80  }
0x60: {  	[sflag:s11] =	ssyncset.done $0x0  }
0x61: {  	[sflag:s11] =	ssyncadd.s32 $0xFFFFFF80  }
0x62: {  	[tilespmem:s13], [sflag:$0x1] =	stream.indirect.gather [hbm4b:s4+s12], $0x80, s3, s12, $0xb8;
	[tilespmem:$0x18100] =	vst v63  }
0x63: {  	_ =	swait.ge [sflag:s14], $0x4000  }
0x64: {  	[sflag:s14] =	ssyncset.done $0x0  }
0x65: {  	[sflag:s14] =	ssyncadd.s32 $0xFFFFC000  }
0x66: {  	[spmem:s2] =	stream.indirect.scatter.add.f32 [tilespmem:s13], [sflag:$0x2], $0x80, s12, s12, $0xb8;
	[tilespmem:$0x18100] =	vst v63  }
0x67: {  	_ =	swait.ge [sflag:s11], $0x4000  }
0x68: {  	s19 =	simm.s32 $0x20;
	s18 =	simm.s32 $0x10;
	[sflag:s11] =	ssyncset.done $0x0  }
.LBB2_4:
0x69: {  	s20 =	sadd.s32 s18, s9  }
0x6a: {  	[sflag:s11] =	ssyncadd.s32 $0xFFFFC000;
	s21 =	smov.u32 s19;
	s22 =	sadd.s32 $0x10, s19  }
0x6b: {  	[tilespmem:s3], [sflag:$0x2] =	stream.linear.gather [hbm4b:s20+s3], $0x80, $0x38;
	[tilespmem:$0x18100] =	vst v63  }
0x6c: {  	p0 =	sne.s32 s19, $0x9C0;
	_ =	swait.ge [sflag:s11], $0x80  }
0x6d: {  	[sflag:s11] =	ssyncset.done $0x0  }
0x6e: {  	s19 =	sadd.s32 s18, s8;
	s18 =	smov.u32 s21;
	[sflag:s11] =	ssyncadd.s32 $0xFFFFFF80  }
0x6f: {  	[tilespmem:s12], [sflag:$0x2] =	stream.linear.gather [hbm4b:s19+s3], $0x80, $0x38;
	[tilespmem:$0x18100] =	vst v63  }
0x70: {  	_ =	swait.ge [sflag:s11], $0x80  }
0x71: {  	[sflag:s11] =	ssyncset.done $0x0  }
0x72: {  	[sflag:s11] =	ssyncadd.s32 $0xFFFFFF80  }
0x73: {  	[tilespmem:s13], [sflag:$0x1] =	stream.indirect.gather [hbm4b:s4+s12], $0x80, s3, s12, $0xb8;
	[tilespmem:$0x18100] =	vst v63  }
0x74: {  	_ =	swait.ge [sflag:s14], $0x4000  }
.Ltmp1:
0x75: {  	[sflag:s14] =	ssyncset.done $0x0;
	(pc) =	sbr.rel @p0 .LBB2_4-.Ltmp1, $4  }
0x76: {  	[sflag:s14] =	ssyncadd.s32 $0xFFFFC000  }
0x77: {  	[spmem:s2] =	stream.indirect.scatter.add.f32 [tilespmem:s13], [sflag:$0x2], $0x80, s12, s12, $0xb8;
	[tilespmem:$0x18100] =	vst v63  }
0x78: {  	_ =	swait.ge [sflag:s11], $0x4000  }
0x79: {  	s19 =	smov.u32 s22;
	[sflag:s11] =	ssyncset.done $0x0  }
0x7a: {  	s19 =	sadd.s32 s18, s9;
	[sflag:s11] =	ssyncadd.s32 $0xFFFFC000  }
0x7b: {  	[tilespmem:s3], [sflag:$0x2] =	stream.linear.gather [hbm4b:s19+s3], $0x80, $0x38;
	[tilespmem:$0x18100] =	vst v63  }
0x7c: {  	_ =	swait.ge [sflag:s11], $0x80  }
0x7d: {  	[sflag:s11] =	ssyncset.done $0x0  }
0x7e: {  	s31 =	sadd.s32 s18, s8;
	[sflag:s11] =	ssyncadd.s32 $0xFFFFFF80  }
0x7f: {  	[tilespmem:s12], [sflag:$0x2] =	stream.linear.gather [hbm4b:s31+s3], $0x80, $0x38;
	[tilespmem:$0x18100] =	vst v63  }
0x80: {  	_ =	swait.ge [sflag:s11], $0x80  }
0x81: {  	[sflag:s11] =	ssyncset.done $0x0  }
0x82: {  	[sflag:s11] =	ssyncadd.s32 $0xFFFFFF80  }
0x83: {  	[tilespmem:s13], [sflag:$0x1] =	stream.indirect.gather [hbm4b:s4+s12], $0x80, s3, s12, $0xb8;
	[tilespmem:$0x18100] =	vst v63  }
0x84: {  	_ =	swait.ge [sflag:s14], $0x4000  }
0x85: {  	[sflag:s14] =	ssyncset.done $0x0  }
0x86: {  	[sflag:s14] =	ssyncadd.s32 $0xFFFFC000  }
0x87: {  	[spmem:s2] =	stream.indirect.scatter.add.f32 [tilespmem:s13], [sflag:$0x2], $0x80, s12, s12, $0xb8;
	[tilespmem:$0x18100] =	vst v63  }
0x88: {  	_ =	swait.ge [sflag:s11], $0x4000  }
0x89: {  	s17 =	sadd.s32 $0x1, s17;
	[sflag:s11] =	ssyncset.done $0x0  }
0x8a: {  	p0 =	sne.s32 s17, s7;
	[sflag:s11] =	ssyncadd.s32 $0xFFFFC000  }
.Ltmp2:
0x8b: {  	[bflag:$0x0] =	sbarrier.arrive $0xFFFF;
	(pc) =	sbr.rel @p0 .LBB2_1-.Ltmp2, $4  }
0x8c: {  	[hbm:s6], [sflag:s15] =	dma.local [spmem:s16], $0x2780  }
0x8d: {  	_ =	swait.ge [sflag:s11], $0x2780  }
0x8e: {  	[sflag:s11] =	ssyncset.done $0x0  }
0x8f: {  	[sflag:s11] =	ssyncadd.s32 $0xFFFFD880  }
0x90: {  	_ =	sfence.sel $0x180000  }
0x91: {  	[bflag:$0x0] =	sbarrier.arrive $0xFFFF  }
0x92: {  	p0 =	sne.s32 s1, $0x0;
	_ =	strace $0x9000004A  }
0x93: {  	s0 =	sadd.s32 @!p0 $0x100000, s0;
	[bflag:$0x2] =	sbarrier.arrive $0xFFFF  }
0x94: {  	[sflag:s0] =	ssyncadd.tile.s32 @!p0 $0x1;
	_ =	shalt  }
.Lfunc_end2:
_tile_overlayer_lowered:
.L_overlay_start_2:
0x95: {  	(tag) =	ssettag $0x2  }
0x96: {  	s0 =	rddreg [dreg:$0x0];
	s2 =	stileid.u32  }
0x97: {  	s1 =	rddreg [dreg:$0x1];
	p0 =	sne.s32 s2, $0x0  }
0x98: {  	s3 =	rddreg [dreg:$0x2];
	[bflag:$0x3] =	sbarrier.arrive $0xFFFF;
	s2 =	simm.s32 @!p0 $0x1C02  }
0x99: {  	[timem:s3], [sflag:s2] =	dma.local @!p0 [hbm:s0], s1  }
0x9a: {  	s0 =	simm.s32 @!p0 $0x2  }
0x9b: {  	_ =	swait.ge @!p0 [sflag:s0], s1  }
0x9c: {  	s1 =	ssub.s32 @!p0 $0x0, s1;
	[sflag:s0] =	ssyncset.done @!p0 $0x0  }
0x9d: {  	[sflag:s0] =	ssyncadd.s32 @!p0 s1  }
0x9e: {  	[bflag:$0x3] =	sbarrier.arrive $0xFFFF  }
0x9f: {  	_ =	shalt  }

// kernel: kernel.29.cloned.1.call-start
scs
__scs_entry_jumppad:
0x0: {  	(pc) =	sbr.rel $0x88, $3  }
0x1: {  	(tag) =	ssettag $0x0;
	lr =	simm.s32 $0x1  }
0x2: {  	[smem:$0x3F91] =	sst lr;
	_ =	strace $0xD0000000  }
0x3: {  	_ = 	snop  }
0x4: {  	_ = 	snop  }
0x5: {  	_ = 	snop  }
0x6: {  	_ = 	snop  }
0x7: {  	_ = 	snop  }
__scs_overlays_trampoline_lowered:
0x8: {  	[smem:$0x3FA0] =	sst s0  }
0x9: {  	[smem:$0x3FA1] =	sst s1  }
0xa: {  	[smem:$0x3FA2] =	sst s2  }
0xb: {  	[smem:$0x3FA3] =	sst s3  }
0xc: {  	[smem:$0x3FA4] =	sst s4  }
0xd: {  	[smem:$0x3FA5] =	sst s5  }
0xe: {  	[smem:$0x3FA6] =	sst s6  }
0xf: {  	[smem:$0x3FA7] =	sst s7  }
0x10: {  	[smem:$0x3FA8] =	sst s8  }
0x11: {  	[smem:$0x3FA9] =	sst s9;
	s0 =	simm.s32 @!p0 $0x0  }
0x12: {  	s1 =	sld [smem:$0x3F8F];
	s0 =	simm.s32 @p0 $0x1  }
0x13: {  	[smem:$0x3FAA] =	sst s0;
	s0 =	simm.s32 @!p1 $0x0  }
0x14: {  	s2 =	sld [smem:$0x3F8E];
	s0 =	simm.s32 @p1 $0x1  }
0x15: {  	[smem:$0x3FAB] =	sst s0;
	s0 =	simm.s32 @!p2 $0x0  }
0x16: {  	s3 =	sld [smem:$0x3FDB];
	s0 =	simm.s32 @p2 $0x1  }
0x17: {  	s4 =	simm.s32 $0x1BF5;
	[smem:$0x3FAD] =	sst s0  }
0x18: {  	s0 =	sld [smem:$0x3F90];
	_ =	swait.ge [sflag:s4], $0x0  }
0x19: {  	s7 =	sld [smem:$0x3F91]  }
0x1a: {  	s8 =	sadd.s32 $0xFFFFE003, lr  }
0x1b: {  	s9 =	sadd.s32 $0xFFFFFEF7, lr;
	s5 =	simm.s32 $0xFFFFFFFF;
	p2 =	slt.u32 s8, $0xFFFFF086  }
0x1c: {  	p1 =	slt.u32 s9, $0xF7A;
	s5 =	simm.s32 @!p2 $0x0  }
0x1d: {  	s5 =	simm.s32 @p1 $0x1;
	p0 =	seq.s32 s7, s2  }
0x1e: {  	s7 =	smul.u32 @!p0 $0xF7A, s2;
	p2 =	seq.s32 @!p0 s5, $0x0  }
0x1f: {  	s9 =	smul.u32 $0xF7A, s1;
	s8 =	simm.s32 @!p0 $0x1BF5;
	p2 =	por !p2, p0  }
0x20: {  	[sflag:s8] =	ssyncset.s32 @!p0 $0xFFFFF086;
	s6 =	sadd.s32 @!p0 s3, s7;
	s7 =	simm.s32 @!p0 $0x108  }
0x21: {  	s3 =	sadd.s32 s3, s9;
	s6 =	sadd.s32 @!p0 $0x88, s6;
	s7 =	simm.s32 @p2 $0x1082  }
0x22: {  	[simem:s7], [sflag:s8] =	dma.local @!p0 [hbm:s6], $0xF7A  }
0x23: {  	s9 =	sor.u32 $0xD0000000, s2;
	s6 =	simm.s32 $0x108;
	_ =	swait.ge @!p0 [sflag:s8], $0x0  }
0x24: {  	s3 =	sadd.s32 $0x88, s3;
	s6 =	simm.s32 @!p1 $0x1082;
	[sflag:s4] =	ssyncset.s32 $0xFFFFF086  }
0x25: {  	[simem:s6], [sflag:s4] =	dma.local [hbm:s3], $0xF7A  }
0x26: {  	[smem:$0x3F91] =	sst s1;
	(tag) =	ssettag s2;
	_ =	strace s9  }
0x27: {  	s1 =	sld [smem:$0x3FA1]  }
0x28: {  	s2 =	sld [smem:$0x3FA2]  }
0x29: {  	s4 =	sld [smem:$0x3FA4]  }
0x2a: {  	p0 =	seq.s32 s5, $0x0;
	s5 =	sld [smem:$0x3FA5]  }
0x2b: {  	s6 =	sld [smem:$0x3FA6]  }
0x2c: {  	s7 =	sld [smem:$0x3FA7]  }
0x2d: {  	s3 =	simm.s32 $0x108;
	s8 =	sld [smem:$0x3FA8]  }
0x2e: {  	s3 =	simm.s32 @!p0 $0x1082;
	s9 =	sld [smem:$0x3FA9]  }
0x2f: {  	lr =	sadd.s32 s0, s3;
	s0 =	sld [smem:$0x3FA0]  }
0x30: {  	s3 =	sld [smem:$0x3FA3]  }
0x31: {  	[smem:$0x3FAC] =	sst s10  }
0x32: {  	s10 =	sld [smem:$0x3FAA];
	_ =	sdelay $0x3  }
0x33: {  	p0 =	seq.s32 s10, $0x1;
	s10 =	sld [smem:$0x3FAC];
	_ =	sdelay $0x3  }
0x34: {  	[smem:$0x3FAC] =	sst s10  }
0x35: {  	s10 =	sld [smem:$0x3FAB];
	_ =	sdelay $0x3  }
0x36: {  	p1 =	seq.s32 s10, $0x1;
	s10 =	sld [smem:$0x3FAC];
	_ =	sdelay $0x3  }
0x37: {  	[smem:$0x3FAC] =	sst s10  }
0x38: {  	s10 =	sld [smem:$0x3FAD]  }
0x39: {  	_ = 	snop;
	(pc) =	sbr.ind lr, $3  }
0x3a: {  	_ = 	snop  }
0x3b: {  	_ = 	snop  }
0x3c: {  	p2 =	seq.s32 s10, $0x1;
	s10 =	sld [smem:$0x3FAC]  }
0x3d: {  	_ =	shalt  }
0x3e: {  	_ =	shalt  }
0x3f: {  	_ =	shalt  }
0x40: {  	_ =	shalt  }
0x41: {  	_ =	shalt  }
0x42: {  	_ =	shalt  }
0x43: {  	_ =	shalt  }
0x44: {  	_ =	shalt  }
0x45: {  	_ =	shalt  }
0x46: {  	_ =	shalt  }
0x47: {  	_ =	shalt  }
0x48: {  	_ =	shalt  }
0x49: {  	_ =	shalt  }
0x4a: {  	_ =	shalt  }
0x4b: {  	_ =	shalt  }
0x4c: {  	_ =	shalt  }
0x4d: {  	_ =	shalt  }
0x4e: {  	_ =	shalt  }
0x4f: {  	_ =	shalt  }
0x50: {  	_ =	shalt  }
0x51: {  	_ =	shalt  }
0x52: {  	_ =	shalt  }
0x53: {  	_ =	shalt  }
0x54: {  	_ =	shalt  }
0x55: {  	_ =	shalt  }
0x56: {  	_ =	shalt  }
0x57: {  	_ =	shalt  }
0x58: {  	_ =	shalt  }
0x59: {  	_ =	shalt  }
0x5a: {  	_ =	shalt  }
0x5b: {  	_ =	shalt  }
0x5c: {  	_ =	shalt  }
0x5d: {  	_ =	shalt  }
0x5e: {  	_ =	shalt  }
0x5f: {  	_ =	shalt  }
0x60: {  	_ =	shalt  }
0x61: {  	_ =	shalt  }
0x62: {  	_ =	shalt  }
0x63: {  	_ =	shalt  }
0x64: {  	_ =	shalt  }
0x65: {  	_ =	shalt  }
0x66: {  	_ =	shalt  }
0x67: {  	_ =	shalt  }
0x68: {  	_ =	shalt  }
0x69: {  	_ =	shalt  }
0x6a: {  	_ =	shalt  }
0x6b: {  	_ =	shalt  }
0x6c: {  	_ =	shalt  }
0x6d: {  	_ =	shalt  }
0x6e: {  	_ =	shalt  }
0x6f: {  	_ =	shalt  }
0x70: {  	_ =	shalt  }
0x71: {  	_ =	shalt  }
0x72: {  	_ =	shalt  }
0x73: {  	_ =	shalt  }
0x74: {  	_ =	shalt  }
0x75: {  	_ =	shalt  }
0x76: {  	_ =	shalt  }
0x77: {  	_ =	shalt  }
0x78: {  	_ =	shalt  }
0x79: {  	_ =	shalt  }
0x7a: {  	_ =	shalt  }
0x7b: {  	_ =	shalt  }
0x7c: {  	_ =	shalt  }
0x7d: {  	_ =	shalt  }
0x7e: {  	_ =	shalt  }
0x7f: {  	_ =	shalt  }
0x80: {  	_ =	shalt  }
0x81: {  	_ =	shalt  }
0x82: {  	_ =	shalt  }
0x83: {  	_ =	shalt  }
0x84: {  	_ =	shalt  }
0x85: {  	_ =	shalt  }
0x86: {  	_ =	shalt  }
0x87: {  	_ =	shalt  }
.Lfunc_end0:
.L_simem_size_0:
called_computation.2_lowered:
.L_overlay_start_0:
0x88: {  	s2 =	sld [smem:$0x3FD9]  }
0x89: {  	s3 =	sld [smem:$0x3FFE];
	_ =	sdelay $0x1  }
0x8a: {  	s1 =	srdreg.scid  }
0x8b: {  	s0 =	sand.u32 $0x1, s1  }
0x8c: {  	s14 =	sshll.u32 s0, $0xA;
	s2 =	sadd.s32 s3, s2  }
0x8d: {  	s2 =	sadd.s32 s2, s14  }
0x8e: {  	[smem:$0x3FB8] =	sst s2  }
0x8f: {  	_ = 	snop  }
0x90: {  	s2 =	sld [smem:$0x3FD0];
	_ =	sdelay $0x2  }
0x91: {  	s15 =	simm.s32 $0xA;
	s4 =	simm.s32 $0x10  }
0x92: {  	[smem:s4], [sflag:s15] =	dma.local [hbm:s2], $0x1  }
0x93: {  	_ =	swait.eq [sflag:s15], $0x1  }
0x94: {  	[sflag:s15] =	ssyncset.done $0x0  }
0x95: {  	[sflag:s15] =	ssyncadd.s32 $0xFFFFFFFF  }
0x96: {  	s16 =	sld [smem:$0x10];
	(tm) =	ssettm $0x1  }
0x97: {  	s17 =	sld [smem:$0x3FFB];
	_ =	sdelay $0x3  }
0x98: {  	_ =	strace s17  }
0x99: {  	s3 =	sld [smem:$0x3FFC];
	_ =	sdelay $0x3  }
0x9a: {  	_ =	strace s3  }
0x9b: {  	s3 =	sld [smem:$0x3FFD];
	_ =	sdelay $0x3  }
0x9c: {  	_ =	strace s3  }
0x9d: {  	_ =	strace $0x8FFFFFFF  }
0x9e: {  	s18 =	sld [smem:$0x3FDB];
	_ =	sdelay $0x1  }
0x9f: {  	s19 =	simm.s32 $_scs_section_size  }
0xa0: {  	s5 =	simm.s32 $_size__tile_overlayer_lowered;
	s6 =	simm.s32 $_tile_overlayer_lowered  }
0xa1: {  	s22 =	simm.s32 $0x1BFF;
	s21 =	sshll.u32 s6, $0x1;
	s3 =	sadd.s32 s19, s18  }
0xa2: {  	s7 =	simm.s32 $0x0;
	s20 =	sshll.u32 s5, $0x1;
	s5 =	sadd.s32 s21, s3  }
0xa3: {  	[timem:s7], [sflag:s22] =	dma.local [hbm:s5], s20  }
0xa4: {  	_ =	swait.ge [sflag:s22], s20  }
0xa5: {  	s4 =	ssub.s32 $0x0, s20;
	[sflag:s22] =	ssyncset.done $0x0  }
0xa6: {  	[sflag:s22] =	ssyncadd.s32 s4;
	_ =	sdelay $0x1  }
0xa7: {  	s23 =	simm.s32 $0x1B8B  }
0xa8: {  	_ =	swait.ge [sflag:s23], $0x1  }
0xa9: {  	[sflag:s23] =	ssyncset.done $0x0  }
0xaa: {  	s25 =	simm.s32 $0x1B8E;
	s24 =	sld [smem:$0x3FFE];
	[sflag:s23] =	ssyncadd.s32 $0xFFFFFFFF  }
0xab: {  	s26 =	simm.s32 $execute0_lowered;
	[smem:$0x3FD2] =	sst s25  }
0xac: {  	s5 =	sshll.u32 s26, $0x1;
	_ =	strace $0x8000004C;
	[dreg:$0x1] =	wrdreg $0xFFFFFFFF  }
0xad: {  	s28 =	simm.s32 $_size_execute0_lowered;
	s3 =	sadd.s32 s3, s5;
	[dreg:$0x0] =	wrdreg $0x0  }
0xae: {  	s5 =	sshll.u32 s28, $0x1;
	[dreg:$0x2] =	wrdreg s3  }
0xaf: {  	[dreg:$0x3] =	wrdreg s5  }
0xb0: {  	[dreg:$0x4] =	wrdreg $0xC0  }
0xb1: {  	_ =	task [dreg:s7], $0x5FFFF  }
0xb2: {  	[dreg:$0x1] =	wrdreg $0xFFFFFFFF  }
0xb3: {  	[dreg:$0x0] =	wrdreg $0x60  }
0xb4: {  	[dreg:$0x2] =	wrdreg s24  }
0xb5: {  	[dreg:$0x3] =	wrdreg s16  }
0xb6: {  	[dreg:$0x4] =	wrdreg $0x45000  }
0xb7: {  	[dreg:$0x5] =	wrdreg $0x9  }
0xb8: {  	_ =	task.clear_ibuf [dreg:s7], $0x6FFFF;
	_ =	strace $0x9000004C  }
0xb9: {  	s29 =	simm.s32 $0x9;
	_ =	strace $0x8000004E  }
0xba: {  	_ =	swait.ge [sflag:s29], $0x1  }
0xbb: {  	[sflag:s29] =	ssyncadd.s32 $0xFFFFFFFF  }
0xbc: {  	_ =	strace $0x9000004E  }
0xbd: {  	_ =	sfence  }
0xbe: {  	s30 =	sld [smem:$0x0];
	_ =	sdelay $0x2  }
0xbf: {  	s31 =	sshll.u32 s1, $0xD;
	s1 =	sshrl.u32 s1, $0x2  }
0xc0: {  	s3 =	sand.u32 $0x4000, s31;
	s1 =	sadd.s32 s1, s30  }
0xc1: {  	s0 =	sor.u32 s3, s0;
	s1 =	sshll.u32 s1, $0x11  }
0xc2: {  	s0 =	sor.u32 s1, s0  }
0xc3: {  	s0 =	sadd.s32 $0x8F2B, s0  }
0xc4: {  	[sflag:s0] =	ssyncadd.remote.s32 $0x1  }
0xc5: {  	_ =	sfence.sel $0xFFFF  }
0xc6: {  	[dreg:$0x0] =	wrdreg $0xFFFFFFFF;
	(pc) =	sbr.abs _section_cstart, $3  }
0xc7: {  	[dreg:$0x1] =	wrdreg $0xFFFFFFFF  }
0xc8: {  	_ =	task.clear_ibuf [dreg:s7], $0x2FFFF;
	_ =	strace $0x9FFFFFFF  }
0xc9: {  	(tm) =	ssettm $0x7FFFFFFF  }
tec
execute0_lowered:
.L_overlay_start_1:
0x0: {  	(tag) =	ssettag $0x1  }
0x1: {  	s5 =	rddreg [dreg:$0x0]  }
0x2: {  	s6 =	rddreg [dreg:$0x1]  }
0x3: {  	s0 =	srdreg.scid;
	s1 =	stileid.u32  }
0x4: {  	s2 =	rddreg [dreg:$0x2];
	s8 =	smul.u32 $0x4E80, s1  }
0x5: {  	s3 =	simm.s32 $0x0;
	s13 =	simm.s32 $0x100;
	s10 =	smul.u32 $0x13C00, s1  }
0x6: {  	s14 =	simm.s32 $0x1;
	s7 =	sand.u32 $0x1, s0;
	s11 =	smul.u32 $0x4F000, s1  }
0x7: {  	s17 =	simm.s32 $0x0;
	s0 =	rddreg [dreg:$0x3];
	s4 =	smul.u32 $0x4E800, s7  }
0x8: {  	[smem:$0x7FF] =	sst s3;
	s15 =	sshll.u32 s1, $0x6;
	s9 =	smul.u32 $0x13C000, s7  }
0x9: {  	_ =	strace $0x8000004D;
	s28 =	ssub.s32 $0x2, s7;
	s15 =	sor.u32 $0x1C02, s15  }
0xa: {  	s30 =	sshrl.u32 s28, $0x1;
	s31 =	sshrl.u32 s11, $0x2;
	s11 =	simm.s32 $0x2  }
0xb: {  	s8 =	sadd.s32 s8, s4;
	s4 =	sadd.s32 $0x79E00, s5;
	s29 =	sadd.s32 s10, s9  }
0xc: {  	s10 =	simm.s32 $0x4100;
	s8 =	sshrl.u32 s8, $0x3;
	s7 =	sshrl.u32 s29, $0x3  }
0xd: {  	s12 =	sadd.s32 s8, s5;
	s8 =	ssub.s32 s28, s30;
	s5 =	sadd.s32 s31, s2  }
0xe: {  	s6 =	sadd.s32 s6, s7;
	s7 =	smax.u32 s8, $0x1;
	s8 =	sadd.s32 $0x2B800, s12  }
0xf: {  	v0 =	vimm.f32 $0.0e+00;
	s9 =	sadd.s32 $0x3F200, s12;
	s12 =	simm.s32 $0x80;
	s16 =	sshrl.u32 s5, $0x3  }
.LBB2_1:
0x10: {  	[tilespmem:$0x4100] =	vst v0  }
0x11: {  	[tilespmem:$0x4110] =	vst v0  }
0x12: {  	[tilespmem:$0x4120] =	vst v0  }
0x13: {  	[tilespmem:$0x4130] =	vst v0  }
0x14: {  	[tilespmem:$0x4140] =	vst v0  }
0x15: {  	[tilespmem:$0x4150] =	vst v0  }
0x16: {  	[tilespmem:$0x4160] =	vst v0  }
0x17: {  	[tilespmem:$0x4170] =	vst v0  }
0x18: {  	[tilespmem:$0x4180] =	vst v0  }
0x19: {  	[tilespmem:$0x4190] =	vst v0  }
0x1a: {  	[tilespmem:$0x41A0] =	vst v0  }
0x1b: {  	[tilespmem:$0x41B0] =	vst v0  }
0x1c: {  	[tilespmem:$0x41C0] =	vst v0  }
0x1d: {  	[tilespmem:$0x41D0] =	vst v0  }
0x1e: {  	[tilespmem:$0x41E0] =	vst v0  }
0x1f: {  	[tilespmem:$0x41F0] =	vst v0  }
0x20: {  	[tilespmem:$0x4200] =	vst v0  }
0x21: {  	[tilespmem:$0x4210] =	vst v0  }
0x22: {  	[tilespmem:$0x4220] =	vst v0  }
0x23: {  	[tilespmem:$0x4230] =	vst v0  }
0x24: {  	[tilespmem:$0x4240] =	vst v0  }
0x25: {  	[tilespmem:$0x4250] =	vst v0  }
0x26: {  	[tilespmem:$0x4260] =	vst v0  }
0x27: {  	[tilespmem:$0x4270] =	vst v0  }
0x28: {  	[tilespmem:$0x4280] =	vst v0  }
0x29: {  	[tilespmem:$0x4290] =	vst v0  }
0x2a: {  	[tilespmem:$0x42A0] =	vst v0  }
0x2b: {  	[tilespmem:$0x42B0] =	vst v0  }
0x2c: {  	[tilespmem:$0x42C0] =	vst v0  }
0x2d: {  	[tilespmem:$0x42D0] =	vst v0  }
0x2e: {  	[tilespmem:$0x42E0] =	vst v0  }
0x2f: {  	[tilespmem:$0x42F0] =	vst v0  }
0x30: {  	[tilespmem:$0x4300] =	vst v0  }
0x31: {  	[tilespmem:$0x4310] =	vst v0  }
0x32: {  	[tilespmem:$0x4320] =	vst v0  }
0x33: {  	[tilespmem:$0x4330] =	vst v0  }
0x34: {  	[tilespmem:$0x4340] =	vst v0  }
0x35: {  	[tilespmem:$0x4350] =	vst v0  }
0x36: {  	[tilespmem:$0x4360] =	vst v0  }
0x37: {  	[tilespmem:$0x4370] =	vst v0  }
0x38: {  	[tilespmem:$0x4380] =	vst v0  }
0x39: {  	[tilespmem:$0x4390] =	vst v0  }
0x3a: {  	[tilespmem:$0x43A0] =	vst v0  }
0x3b: {  	[tilespmem:$0x43B0] =	vst v0  }
0x3c: {  	[tilespmem:$0x43C0] =	vst v0  }
0x3d: {  	[tilespmem:$0x43D0] =	vst v0  }
0x3e: {  	[tilespmem:$0x43E0] =	vst v0  }
0x3f: {  	[tilespmem:$0x43F0] =	vst v0  }
0x40: {  	[tilespmem:$0x4400] =	vst v0  }
0x41: {  	[tilespmem:$0x4410] =	vst v0  }
0x42: {  	[tilespmem:$0x4420] =	vst v0  }
0x43: {  	[tilespmem:$0x4430] =	vst v0  }
0x44: {  	[tilespmem:$0x4440] =	vst v0  }
0x45: {  	[tilespmem:$0x4450] =	vst v0  }
0x46: {  	[tilespmem:$0x4460] =	vst v0  }
0x47: {  	[tilespmem:$0x4470] =	vst v0  }
0x48: {  	[tilespmem:$0x4480] =	vst v0  }
0x49: {  	[tilespmem:$0x4490] =	vst v0  }
0x4a: {  	[tilespmem:$0x44A0] =	vst v0  }
0x4b: {  	[tilespmem:$0x44B0] =	vst v0  }
0x4c: {  	[tilespmem:$0x44C0] =	vst v0  }
0x4d: {  	[tilespmem:$0x44D0] =	vst v0  }
0x4e: {  	[tilespmem:$0x44E0] =	vst v0  }
0x4f: {  	[tilespmem:$0x44F0] =	vst v0;
	s18 =	sadd.s32 $0x0, s5  }
0x50: {  	[spmem:s18] =	stream.linear.scatter [tilespmem:s10], [sflag:$0x2], $0x400, $0x38;
	[tilespmem:$0x18100] =	vst v63  }
0x51: {  	s18 =	simm.s32 $0x1000;
	_ =	swait.ge [sflag:s11], $0x400  }
.LBB2_2:
0x52: {  	s19 =	sshra.s32 s18, $0x2;
	[sflag:s11] =	ssyncset.done $0x0;
	p0 =	sne.s32 s18, $0x4E000  }
.Ltmp0:
0x53: {  	s19 =	sadd.s32 s19, s5;
	[sflag:s11] =	ssyncadd.s32 $0xFFFFFC00;
	(pc) =	sbr.rel @p0 .LBB2_2-.Ltmp0, $3  }
0x54: {  	[spmem:s19] =	stream.linear.scatter [tilespmem:s10], [sflag:$0x2], $0x400, $0x38;
	[tilespmem:$0x18100] =	vst v63  }
0x55: {  	s18 =	sadd.s32 $0x1000, s18;
	_ =	sdelay $0x1  }
0x56: {  	_ =	swait.ge [sflag:s11], $0x400  }
0x57: {  	[sflag:s11] =	ssyncset.done $0x0  }
0x58: {  	[sflag:s11] =	ssyncadd.s32 $0xFFFFFC00  }
0x59: {  	s18 =	sadd.s32 $0x0, s9;
	[bflag:$0x0] =	sbarrier.arrive $0xFFFF  }
0x5a: {  	[tilespmem:s3], [sflag:$0x2] =	stream.linear.gather [hbm4b:s18+s3], $0x80, $0x38;
	[tilespmem:$0x18100] =	vst v63  }
0x5b: {  	_ =	swait.ge [sflag:s11], $0x80  }
0x5c: {  	[sflag:s11] =	ssyncset.done $0x0  }
0x5d: {  	s31 =	sadd.s32 $0x0, s8;
	[sflag:s11] =	ssyncadd.s32 $0xFFFFFF80  }
0x5e: {  	[tilespmem:s12], [sflag:$0x2] =	stream.linear.gather [hbm4b:s31+s3], $0x80, $0x38;
	[tilespmem:$0x18100] =	vst v63  }
0x5f: {  	_ =	swait.ge [sflag:s11], $0x80  }
0x60: {  	[sflag:s11] =	ssyncset.done $0x0  }
0x61: {  	[sflag:s11] =	ssyncadd.s32 $0xFFFFFF80  }
0x62: {  	[tilespmem:s13], [sflag:$0x1] =	stream.indirect.gather [hbm4b:s4+s12], $0x80, s3, s12, $0xb8;
	[tilespmem:$0x18100] =	vst v63  }
0x63: {  	_ =	swait.ge [sflag:s14], $0x4000  }
0x64: {  	[sflag:s14] =	ssyncset.done $0x0  }
0x65: {  	[sflag:s14] =	ssyncadd.s32 $0xFFFFC000  }
0x66: {  	[spmem:s2] =	stream.indirect.scatter.add.f32 [tilespmem:s13], [sflag:$0x2], $0x80, s12, s12, $0xb8;
	[tilespmem:$0x18100] =	vst v63  }
0x67: {  	_ =	swait.ge [sflag:s11], $0x4000  }
0x68: {  	s19 =	simm.s32 $0x20;
	s18 =	simm.s32 $0x10;
	[sflag:s11] =	ssyncset.done $0x0  }
.LBB2_4:
0x69: {  	s20 =	sadd.s32 s18, s9  }
0x6a: {  	[sflag:s11] =	ssyncadd.s32 $0xFFFFC000;
	s21 =	smov.u32 s19;
	s22 =	sadd.s32 $0x10, s19  }
0x6b: {  	[tilespmem:s3], [sflag:$0x2] =	stream.linear.gather [hbm4b:s20+s3], $0x80, $0x38;
	[tilespmem:$0x18100] =	vst v63  }
0x6c: {  	p0 =	sne.s32 s19, $0x9C0;
	_ =	swait.ge [sflag:s11], $0x80  }
0x6d: {  	[sflag:s11] =	ssyncset.done $0x0  }
0x6e: {  	s19 =	sadd.s32 s18, s8;
	s18 =	smov.u32 s21;
	[sflag:s11] =	ssyncadd.s32 $0xFFFFFF80  }
0x6f: {  	[tilespmem:s12], [sflag:$0x2] =	stream.linear.gather [hbm4b:s19+s3], $0x80, $0x38;
	[tilespmem:$0x18100] =	vst v63  }
0x70: {  	_ =	swait.ge [sflag:s11], $0x80  }
0x71: {  	[sflag:s11] =	ssyncset.done $0x0  }
0x72: {  	[sflag:s11] =	ssyncadd.s32 $0xFFFFFF80  }
0x73: {  	[tilespmem:s13], [sflag:$0x1] =	stream.indirect.gather [hbm4b:s4+s12], $0x80, s3, s12, $0xb8;
	[tilespmem:$0x18100] =	vst v63  }
0x74: {  	_ =	swait.ge [sflag:s14], $0x4000  }
.Ltmp1:
0x75: {  	[sflag:s14] =	ssyncset.done $0x0;
	(pc) =	sbr.rel @p0 .LBB2_4-.Ltmp1, $4  }
0x76: {  	[sflag:s14] =	ssyncadd.s32 $0xFFFFC000  }
0x77: {  	[spmem:s2] =	stream.indirect.scatter.add.f32 [tilespmem:s13], [sflag:$0x2], $0x80, s12, s12, $0xb8;
	[tilespmem:$0x18100] =	vst v63  }
0x78: {  	_ =	swait.ge [sflag:s11], $0x4000  }
0x79: {  	s19 =	smov.u32 s22;
	[sflag:s11] =	ssyncset.done $0x0  }
0x7a: {  	s19 =	sadd.s32 s18, s9;
	[sflag:s11] =	ssyncadd.s32 $0xFFFFC000  }
0x7b: {  	[tilespmem:s3], [sflag:$0x2] =	stream.linear.gather [hbm4b:s19+s3], $0x80, $0x38;
	[tilespmem:$0x18100] =	vst v63  }
0x7c: {  	_ =	swait.ge [sflag:s11], $0x80  }
0x7d: {  	[sflag:s11] =	ssyncset.done $0x0  }
0x7e: {  	s31 =	sadd.s32 s18, s8;
	[sflag:s11] =	ssyncadd.s32 $0xFFFFFF80  }
0x7f: {  	[tilespmem:s12], [sflag:$0x2] =	stream.linear.gather [hbm4b:s31+s3], $0x80, $0x38;
	[tilespmem:$0x18100] =	vst v63  }
0x80: {  	_ =	swait.ge [sflag:s11], $0x80  }
0x81: {  	[sflag:s11] =	ssyncset.done $0x0  }
0x82: {  	[sflag:s11] =	ssyncadd.s32 $0xFFFFFF80  }
0x83: {  	[tilespmem:s13], [sflag:$0x1] =	stream.indirect.gather [hbm4b:s4+s12], $0x80, s3, s12, $0xb8;
	[tilespmem:$0x18100] =	vst v63  }
0x84: {  	_ =	swait.ge [sflag:s14], $0x4000  }
0x85: {  	[sflag:s14] =	ssyncset.done $0x0  }
0x86: {  	[sflag:s14] =	ssyncadd.s32 $0xFFFFC000  }
0x87: {  	[spmem:s2] =	stream.indirect.scatter.add.f32 [tilespmem:s13], [sflag:$0x2], $0x80, s12, s12, $0xb8;
	[tilespmem:$0x18100] =	vst v63  }
0x88: {  	_ =	swait.ge [sflag:s11], $0x4000  }
0x89: {  	s17 =	sadd.s32 $0x1, s17;
	[sflag:s11] =	ssyncset.done $0x0  }
0x8a: {  	p0 =	sne.s32 s17, s7;
	[sflag:s11] =	ssyncadd.s32 $0xFFFFC000  }
.Ltmp2:
0x8b: {  	[bflag:$0x0] =	sbarrier.arrive $0xFFFF;
	(pc) =	sbr.rel @p0 .LBB2_1-.Ltmp2, $4  }
0x8c: {  	[hbm:s6], [sflag:s15] =	dma.local [spmem:s16], $0x2780  }
0x8d: {  	_ =	swait.ge [sflag:s11], $0x2780  }
0x8e: {  	[sflag:s11] =	ssyncset.done $0x0  }
0x8f: {  	[sflag:s11] =	ssyncadd.s32 $0xFFFFD880  }
0x90: {  	_ =	sfence.sel $0x180000  }
0x91: {  	[bflag:$0x0] =	sbarrier.arrive $0xFFFF  }
0x92: {  	p0 =	sne.s32 s1, $0x0;
	_ =	strace $0x9000004D  }
0x93: {  	s0 =	sadd.s32 @!p0 $0x100000, s0;
	[bflag:$0x2] =	sbarrier.arrive $0xFFFF  }
0x94: {  	[sflag:s0] =	ssyncadd.tile.s32 @!p0 $0x1;
	_ =	shalt  }
.Lfunc_end2:
_tile_overlayer_lowered:
.L_overlay_start_2:
0x95: {  	(tag) =	ssettag $0x2  }
0x96: {  	s0 =	rddreg [dreg:$0x0];
	s2 =	stileid.u32  }
0x97: {  	s1 =	rddreg [dreg:$0x1];
	p0 =	sne.s32 s2, $0x0  }
0x98: {  	s3 =	rddreg [dreg:$0x2];
	[bflag:$0x3] =	sbarrier.arrive $0xFFFF;
	s2 =	simm.s32 @!p0 $0x1C02  }
0x99: {  	[timem:s3], [sflag:s2] =	dma.local @!p0 [hbm:s0], s1  }
0x9a: {  	s0 =	simm.s32 @!p0 $0x2  }
0x9b: {  	_ =	swait.ge @!p0 [sflag:s0], s1  }
0x9c: {  	s1 =	ssub.s32 @!p0 $0x0, s1;
	[sflag:s0] =	ssyncset.done @!p0 $0x0  }
0x9d: {  	[sflag:s0] =	ssyncadd.s32 @!p0 s1  }
0x9e: {  	[bflag:$0x3] =	sbarrier.arrive $0xFFFF  }
0x9f: {  	_ =	shalt  }

// kernel: kernel.32.cloned.1.call-start
scs
__scs_entry_jumppad:
0x0: {  	(pc) =	sbr.rel $0x88, $3  }
0x1: {  	(tag) =	ssettag $0x0;
	lr =	simm.s32 $0x1  }
0x2: {  	[smem:$0x3F91] =	sst lr;
	_ =	strace $0xD0000000  }
0x3: {  	_ = 	snop  }
0x4: {  	_ = 	snop  }
0x5: {  	_ = 	snop  }
0x6: {  	_ = 	snop  }
0x7: {  	_ = 	snop  }
__scs_overlays_trampoline_lowered:
0x8: {  	[smem:$0x3FA0] =	sst s0  }
0x9: {  	[smem:$0x3FA1] =	sst s1  }
0xa: {  	[smem:$0x3FA2] =	sst s2  }
0xb: {  	[smem:$0x3FA3] =	sst s3  }
0xc: {  	[smem:$0x3FA4] =	sst s4  }
0xd: {  	[smem:$0x3FA5] =	sst s5  }
0xe: {  	[smem:$0x3FA6] =	sst s6  }
0xf: {  	[smem:$0x3FA7] =	sst s7  }
0x10: {  	[smem:$0x3FA8] =	sst s8  }
0x11: {  	[smem:$0x3FA9] =	sst s9;
	s0 =	simm.s32 @!p0 $0x0  }
0x12: {  	s1 =	sld [smem:$0x3F8F];
	s0 =	simm.s32 @p0 $0x1  }
0x13: {  	[smem:$0x3FAA] =	sst s0;
	s0 =	simm.s32 @!p1 $0x0  }
0x14: {  	s2 =	sld [smem:$0x3F8E];
	s0 =	simm.s32 @p1 $0x1  }
0x15: {  	[smem:$0x3FAB] =	sst s0;
	s0 =	simm.s32 @!p2 $0x0  }
0x16: {  	s3 =	sld [smem:$0x3FDB];
	s0 =	simm.s32 @p2 $0x1  }
0x17: {  	s4 =	simm.s32 $0x1BF5;
	[smem:$0x3FAD] =	sst s0  }
0x18: {  	s0 =	sld [smem:$0x3F90];
	_ =	swait.ge [sflag:s4], $0x0  }
0x19: {  	s7 =	sld [smem:$0x3F91]  }
0x1a: {  	s8 =	sadd.s32 $0xFFFFE003, lr  }
0x1b: {  	s9 =	sadd.s32 $0xFFFFFEF7, lr;
	s5 =	simm.s32 $0xFFFFFFFF;
	p2 =	slt.u32 s8, $0xFFFFF086  }
0x1c: {  	p1 =	slt.u32 s9, $0xF7A;
	s5 =	simm.s32 @!p2 $0x0  }
0x1d: {  	s5 =	simm.s32 @p1 $0x1;
	p0 =	seq.s32 s7, s2  }
0x1e: {  	s7 =	smul.u32 @!p0 $0xF7A, s2;
	p2 =	seq.s32 @!p0 s5, $0x0  }
0x1f: {  	s9 =	smul.u32 $0xF7A, s1;
	s8 =	simm.s32 @!p0 $0x1BF5;
	p2 =	por !p2, p0  }
0x20: {  	[sflag:s8] =	ssyncset.s32 @!p0 $0xFFFFF086;
	s6 =	sadd.s32 @!p0 s3, s7;
	s7 =	simm.s32 @!p0 $0x108  }
0x21: {  	s3 =	sadd.s32 s3, s9;
	s6 =	sadd.s32 @!p0 $0x88, s6;
	s7 =	simm.s32 @p2 $0x1082  }
0x22: {  	[simem:s7], [sflag:s8] =	dma.local @!p0 [hbm:s6], $0xF7A  }
0x23: {  	s9 =	sor.u32 $0xD0000000, s2;
	s6 =	simm.s32 $0x108;
	_ =	swait.ge @!p0 [sflag:s8], $0x0  }
0x24: {  	s3 =	sadd.s32 $0x88, s3;
	s6 =	simm.s32 @!p1 $0x1082;
	[sflag:s4] =	ssyncset.s32 $0xFFFFF086  }
0x25: {  	[simem:s6], [sflag:s4] =	dma.local [hbm:s3], $0xF7A  }
0x26: {  	[smem:$0x3F91] =	sst s1;
	(tag) =	ssettag s2;
	_ =	strace s9  }
0x27: {  	s1 =	sld [smem:$0x3FA1]  }
0x28: {  	s2 =	sld [smem:$0x3FA2]  }
0x29: {  	s4 =	sld [smem:$0x3FA4]  }
0x2a: {  	p0 =	seq.s32 s5, $0x0;
	s5 =	sld [smem:$0x3FA5]  }
0x2b: {  	s6 =	sld [smem:$0x3FA6]  }
0x2c: {  	s7 =	sld [smem:$0x3FA7]  }
0x2d: {  	s3 =	simm.s32 $0x108;
	s8 =	sld [smem:$0x3FA8]  }
0x2e: {  	s3 =	simm.s32 @!p0 $0x1082;
	s9 =	sld [smem:$0x3FA9]  }
0x2f: {  	lr =	sadd.s32 s0, s3;
	s0 =	sld [smem:$0x3FA0]  }
0x30: {  	s3 =	sld [smem:$0x3FA3]  }
0x31: {  	[smem:$0x3FAC] =	sst s10  }
0x32: {  	s10 =	sld [smem:$0x3FAA];
	_ =	sdelay $0x3  }
0x33: {  	p0 =	seq.s32 s10, $0x1;
	s10 =	sld [smem:$0x3FAC];
	_ =	sdelay $0x3  }
0x34: {  	[smem:$0x3FAC] =	sst s10  }
0x35: {  	s10 =	sld [smem:$0x3FAB];
	_ =	sdelay $0x3  }
0x36: {  	p1 =	seq.s32 s10, $0x1;
	s10 =	sld [smem:$0x3FAC];
	_ =	sdelay $0x3  }
0x37: {  	[smem:$0x3FAC] =	sst s10  }
0x38: {  	s10 =	sld [smem:$0x3FAD]  }
0x39: {  	_ = 	snop;
	(pc) =	sbr.ind lr, $3  }
0x3a: {  	_ = 	snop  }
0x3b: {  	_ = 	snop  }
0x3c: {  	p2 =	seq.s32 s10, $0x1;
	s10 =	sld [smem:$0x3FAC]  }
0x3d: {  	_ =	shalt  }
0x3e: {  	_ =	shalt  }
0x3f: {  	_ =	shalt  }
0x40: {  	_ =	shalt  }
0x41: {  	_ =	shalt  }
0x42: {  	_ =	shalt  }
0x43: {  	_ =	shalt  }
0x44: {  	_ =	shalt  }
0x45: {  	_ =	shalt  }
0x46: {  	_ =	shalt  }
0x47: {  	_ =	shalt  }
0x48: {  	_ =	shalt  }
0x49: {  	_ =	shalt  }
0x4a: {  	_ =	shalt  }
0x4b: {  	_ =	shalt  }
0x4c: {  	_ =	shalt  }
0x4d: {  	_ =	shalt  }
0x4e: {  	_ =	shalt  }
0x4f: {  	_ =	shalt  }
0x50: {  	_ =	shalt  }
0x51: {  	_ =	shalt  }
0x52: {  	_ =	shalt  }
0x53: {  	_ =	shalt  }
0x54: {  	_ =	shalt  }
0x55: {  	_ =	shalt  }
0x56: {  	_ =	shalt  }
0x57: {  	_ =	shalt  }
0x58: {  	_ =	shalt  }
0x59: {  	_ =	shalt  }
0x5a: {  	_ =	shalt  }
0x5b: {  	_ =	shalt  }
0x5c: {  	_ =	shalt  }
0x5d: {  	_ =	shalt  }
0x5e: {  	_ =	shalt  }
0x5f: {  	_ =	shalt  }
0x60: {  	_ =	shalt  }
0x61: {  	_ =	shalt  }
0x62: {  	_ =	shalt  }
0x63: {  	_ =	shalt  }
0x64: {  	_ =	shalt  }
0x65: {  	_ =	shalt  }
0x66: {  	_ =	shalt  }
0x67: {  	_ =	shalt  }
0x68: {  	_ =	shalt  }
0x69: {  	_ =	shalt  }
0x6a: {  	_ =	shalt  }
0x6b: {  	_ =	shalt  }
0x6c: {  	_ =	shalt  }
0x6d: {  	_ =	shalt  }
0x6e: {  	_ =	shalt  }
0x6f: {  	_ =	shalt  }
0x70: {  	_ =	shalt  }
0x71: {  	_ =	shalt  }
0x72: {  	_ =	shalt  }
0x73: {  	_ =	shalt  }
0x74: {  	_ =	shalt  }
0x75: {  	_ =	shalt  }
0x76: {  	_ =	shalt  }
0x77: {  	_ =	shalt  }
0x78: {  	_ =	shalt  }
0x79: {  	_ =	shalt  }
0x7a: {  	_ =	shalt  }
0x7b: {  	_ =	shalt  }
0x7c: {  	_ =	shalt  }
0x7d: {  	_ =	shalt  }
0x7e: {  	_ =	shalt  }
0x7f: {  	_ =	shalt  }
0x80: {  	_ =	shalt  }
0x81: {  	_ =	shalt  }
0x82: {  	_ =	shalt  }
0x83: {  	_ =	shalt  }
0x84: {  	_ =	shalt  }
0x85: {  	_ =	shalt  }
0x86: {  	_ =	shalt  }
0x87: {  	_ =	shalt  }
.Lfunc_end0:
.L_simem_size_0:
called_computation.3_lowered:
.L_overlay_start_0:
0x88: {  	s2 =	sld [smem:$0x3FD9]  }
0x89: {  	s3 =	sld [smem:$0x3FFE];
	_ =	sdelay $0x1  }
0x8a: {  	s1 =	srdreg.scid  }
0x8b: {  	s0 =	sand.u32 $0x1, s1  }
0x8c: {  	s14 =	sshll.u32 s0, $0xA;
	s2 =	sadd.s32 s3, s2  }
0x8d: {  	s2 =	sadd.s32 s2, s14  }
0x8e: {  	[smem:$0x3FB8] =	sst s2  }
0x8f: {  	_ = 	snop  }
0x90: {  	s2 =	sld [smem:$0x3FD0];
	_ =	sdelay $0x2  }
0x91: {  	s15 =	simm.s32 $0xA;
	s4 =	simm.s32 $0x10  }
0x92: {  	[smem:s4], [sflag:s15] =	dma.local [hbm:s2], $0x1  }
0x93: {  	_ =	swait.eq [sflag:s15], $0x1  }
0x94: {  	[sflag:s15] =	ssyncset.done $0x0  }
0x95: {  	[sflag:s15] =	ssyncadd.s32 $0xFFFFFFFF  }
0x96: {  	s16 =	sld [smem:$0x10];
	(tm) =	ssettm $0x1  }
0x97: {  	s17 =	sld [smem:$0x3FFB];
	_ =	sdelay $0x3  }
0x98: {  	_ =	strace s17  }
0x99: {  	s3 =	sld [smem:$0x3FFC];
	_ =	sdelay $0x3  }
0x9a: {  	_ =	strace s3  }
0x9b: {  	s3 =	sld [smem:$0x3FFD];
	_ =	sdelay $0x3  }
0x9c: {  	_ =	strace s3  }
0x9d: {  	_ =	strace $0x8FFFFFFF  }
0x9e: {  	s18 =	sld [smem:$0x3FDB];
	_ =	sdelay $0x1  }
0x9f: {  	s19 =	simm.s32 $_scs_section_size  }
0xa0: {  	s5 =	simm.s32 $_size__tile_overlayer_lowered;
	s6 =	simm.s32 $_tile_overlayer_lowered  }
0xa1: {  	s22 =	simm.s32 $0x1BFF;
	s21 =	sshll.u32 s6, $0x1;
	s3 =	sadd.s32 s19, s18  }
0xa2: {  	s7 =	simm.s32 $0x0;
	s20 =	sshll.u32 s5, $0x1;
	s5 =	sadd.s32 s21, s3  }
0xa3: {  	[timem:s7], [sflag:s22] =	dma.local [hbm:s5], s20  }
0xa4: {  	_ =	swait.ge [sflag:s22], s20  }
0xa5: {  	s4 =	ssub.s32 $0x0, s20;
	[sflag:s22] =	ssyncset.done $0x0  }
0xa6: {  	[sflag:s22] =	ssyncadd.s32 s4;
	_ =	sdelay $0x1  }
0xa7: {  	s23 =	simm.s32 $0x1B8B  }
0xa8: {  	_ =	swait.ge [sflag:s23], $0x1  }
0xa9: {  	[sflag:s23] =	ssyncset.done $0x0  }
0xaa: {  	s25 =	simm.s32 $0x1B8E;
	s24 =	sld [smem:$0x3FFE];
	[sflag:s23] =	ssyncadd.s32 $0xFFFFFFFF  }
0xab: {  	s26 =	simm.s32 $execute0_lowered;
	[smem:$0x3FD2] =	sst s25  }
0xac: {  	s5 =	sshll.u32 s26, $0x1;
	_ =	strace $0x8000004F;
	[dreg:$0x1] =	wrdreg $0xFFFFFFFF  }
0xad: {  	s28 =	simm.s32 $_size_execute0_lowered;
	s3 =	sadd.s32 s3, s5;
	[dreg:$0x0] =	wrdreg $0x0  }
0xae: {  	s5 =	sshll.u32 s28, $0x1;
	[dreg:$0x2] =	wrdreg s3  }
0xaf: {  	[dreg:$0x3] =	wrdreg s5  }
0xb0: {  	[dreg:$0x4] =	wrdreg $0xC0  }
0xb1: {  	_ =	task [dreg:s7], $0x5FFFF  }
0xb2: {  	[dreg:$0x1] =	wrdreg $0xFFFFFFFF  }
0xb3: {  	[dreg:$0x0] =	wrdreg $0x60  }
0xb4: {  	[dreg:$0x2] =	wrdreg s24  }
0xb5: {  	[dreg:$0x3] =	wrdreg s16  }
0xb6: {  	[dreg:$0x4] =	wrdreg $0x45000  }
0xb7: {  	[dreg:$0x5] =	wrdreg $0x9  }
0xb8: {  	_ =	task.clear_ibuf [dreg:s7], $0x6FFFF;
	_ =	strace $0x9000004F  }
0xb9: {  	s29 =	simm.s32 $0x9;
	_ =	strace $0x80000051  }
0xba: {  	_ =	swait.ge [sflag:s29], $0x1  }
0xbb: {  	[sflag:s29] =	ssyncadd.s32 $0xFFFFFFFF  }
0xbc: {  	_ =	strace $0x90000051  }
0xbd: {  	_ =	sfence  }
0xbe: {  	s30 =	sld [smem:$0x0];
	_ =	sdelay $0x2  }
0xbf: {  	s31 =	sshll.u32 s1, $0xD;
	s1 =	sshrl.u32 s1, $0x2  }
0xc0: {  	s3 =	sand.u32 $0x4000, s31;
	s1 =	sadd.s32 s1, s30  }
0xc1: {  	s0 =	sor.u32 s3, s0;
	s1 =	sshll.u32 s1, $0x11  }
0xc2: {  	s0 =	sor.u32 s1, s0  }
0xc3: {  	s0 =	sadd.s32 $0x8F2B, s0  }
0xc4: {  	[sflag:s0] =	ssyncadd.remote.s32 $0x1  }
0xc5: {  	_ =	sfence.sel $0xFFFF  }
0xc6: {  	[dreg:$0x0] =	wrdreg $0xFFFFFFFF;
	(pc) =	sbr.abs _section_cstart, $3  }
0xc7: {  	[dreg:$0x1] =	wrdreg $0xFFFFFFFF  }
0xc8: {  	_ =	task.clear_ibuf [dreg:s7], $0x2FFFF;
	_ =	strace $0x9FFFFFFF  }
0xc9: {  	(tm) =	ssettm $0x7FFFFFFF  }
tec
execute0_lowered:
.L_overlay_start_1:
0x0: {  	(tag) =	ssettag $0x1  }
0x1: {  	s5 =	rddreg [dreg:$0x0]  }
0x2: {  	s6 =	rddreg [dreg:$0x1]  }
0x3: {  	s0 =	srdreg.scid;
	s1 =	stileid.u32  }
0x4: {  	s2 =	rddreg [dreg:$0x2];
	s8 =	smul.u32 $0x4E80, s1  }
0x5: {  	s3 =	simm.s32 $0x0;
	s13 =	simm.s32 $0x100;
	s10 =	smul.u32 $0x13C00, s1  }
0x6: {  	s14 =	simm.s32 $0x1;
	s7 =	sand.u32 $0x1, s0;
	s11 =	smul.u32 $0x4F000, s1  }
0x7: {  	s17 =	simm.s32 $0x0;
	s0 =	rddreg [dreg:$0x3];
	s4 =	smul.u32 $0x4E800, s7  }
0x8: {  	[smem:$0x7FF] =	sst s3;
	s15 =	sshll.u32 s1, $0x6;
	s9 =	smul.u32 $0x13C000, s7  }
0x9: {  	_ =	strace $0x80000050;
	s28 =	ssub.s32 $0x2, s7;
	s15 =	sor.u32 $0x1C02, s15  }
0xa: {  	s30 =	sshrl.u32 s28, $0x1;
	s31 =	sshrl.u32 s11, $0x2;
	s11 =	simm.s32 $0x2  }
0xb: {  	s8 =	sadd.s32 s8, s4;
	s4 =	sadd.s32 $0x79E00, s5;
	s29 =	sadd.s32 s10, s9  }
0xc: {  	s10 =	simm.s32 $0x4100;
	s8 =	sshrl.u32 s8, $0x3;
	s7 =	sshrl.u32 s29, $0x3  }
0xd: {  	s12 =	sadd.s32 s8, s5;
	s8 =	ssub.s32 s28, s30;
	s5 =	sadd.s32 s31, s2  }
0xe: {  	s6 =	sadd.s32 s6, s7;
	s7 =	smax.u32 s8, $0x1;
	s8 =	sadd.s32 $0x2B800, s12  }
0xf: {  	v0 =	vimm.f32 $0.0e+00;
	s9 =	sadd.s32 $0x3F200, s12;
	s12 =	simm.s32 $0x80;
	s16 =	sshrl.u32 s5, $0x3  }
.LBB2_1:
0x10: {  	[tilespmem:$0x4100] =	vst v0  }
0x11: {  	[tilespmem:$0x4110] =	vst v0  }
0x12: {  	[tilespmem:$0x4120] =	vst v0  }
0x13: {  	[tilespmem:$0x4130] =	vst v0  }
0x14: {  	[tilespmem:$0x4140] =	vst v0  }
0x15: {  	[tilespmem:$0x4150] =	vst v0  }
0x16: {  	[tilespmem:$0x4160] =	vst v0  }
0x17: {  	[tilespmem:$0x4170] =	vst v0  }
0x18: {  	[tilespmem:$0x4180] =	vst v0  }
0x19: {  	[tilespmem:$0x4190] =	vst v0  }
0x1a: {  	[tilespmem:$0x41A0] =	vst v0  }
0x1b: {  	[tilespmem:$0x41B0] =	vst v0  }
0x1c: {  	[tilespmem:$0x41C0] =	vst v0  }
0x1d: {  	[tilespmem:$0x41D0] =	vst v0  }
0x1e: {  	[tilespmem:$0x41E0] =	vst v0  }
0x1f: {  	[tilespmem:$0x41F0] =	vst v0  }
0x20: {  	[tilespmem:$0x4200] =	vst v0  }
0x21: {  	[tilespmem:$0x4210] =	vst v0  }
0x22: {  	[tilespmem:$0x4220] =	vst v0  }
0x23: {  	[tilespmem:$0x4230] =	vst v0  }
0x24: {  	[tilespmem:$0x4240] =	vst v0  }
0x25: {  	[tilespmem:$0x4250] =	vst v0  }
0x26: {  	[tilespmem:$0x4260] =	vst v0  }
0x27: {  	[tilespmem:$0x4270] =	vst v0  }
0x28: {  	[tilespmem:$0x4280] =	vst v0  }
0x29: {  	[tilespmem:$0x4290] =	vst v0  }
0x2a: {  	[tilespmem:$0x42A0] =	vst v0  }
0x2b: {  	[tilespmem:$0x42B0] =	vst v0  }
0x2c: {  	[tilespmem:$0x42C0] =	vst v0  }
0x2d: {  	[tilespmem:$0x42D0] =	vst v0  }
0x2e: {  	[tilespmem:$0x42E0] =	vst v0  }
0x2f: {  	[tilespmem:$0x42F0] =	vst v0  }
0x30: {  	[tilespmem:$0x4300] =	vst v0  }
0x31: {  	[tilespmem:$0x4310] =	vst v0  }
0x32: {  	[tilespmem:$0x4320] =	vst v0  }
0x33: {  	[tilespmem:$0x4330] =	vst v0  }
0x34: {  	[tilespmem:$0x4340] =	vst v0  }
0x35: {  	[tilespmem:$0x4350] =	vst v0  }
0x36: {  	[tilespmem:$0x4360] =	vst v0  }
0x37: {  	[tilespmem:$0x4370] =	vst v0  }
0x38: {  	[tilespmem:$0x4380] =	vst v0  }
0x39: {  	[tilespmem:$0x4390] =	vst v0  }
0x3a: {  	[tilespmem:$0x43A0] =	vst v0  }
0x3b: {  	[tilespmem:$0x43B0] =	vst v0  }
0x3c: {  	[tilespmem:$0x43C0] =	vst v0  }
0x3d: {  	[tilespmem:$0x43D0] =	vst v0  }
0x3e: {  	[tilespmem:$0x43E0] =	vst v0  }
0x3f: {  	[tilespmem:$0x43F0] =	vst v0  }
0x40: {  	[tilespmem:$0x4400] =	vst v0  }
0x41: {  	[tilespmem:$0x4410] =	vst v0  }
0x42: {  	[tilespmem:$0x4420] =	vst v0  }
0x43: {  	[tilespmem:$0x4430] =	vst v0  }
0x44: {  	[tilespmem:$0x4440] =	vst v0  }
0x45: {  	[tilespmem:$0x4450] =	vst v0  }
0x46: {  	[tilespmem:$0x4460] =	vst v0  }
0x47: {  	[tilespmem:$0x4470] =	vst v0  }
0x48: {  	[tilespmem:$0x4480] =	vst v0  }
0x49: {  	[tilespmem:$0x4490] =	vst v0  }
0x4a: {  	[tilespmem:$0x44A0] =	vst v0  }
0x4b: {  	[tilespmem:$0x44B0] =	vst v0  }
0x4c: {  	[tilespmem:$0x44C0] =	vst v0  }
0x4d: {  	[tilespmem:$0x44D0] =	vst v0  }
0x4e: {  	[tilespmem:$0x44E0] =	vst v0  }
0x4f: {  	[tilespmem:$0x44F0] =	vst v0;
	s18 =	sadd.s32 $0x0, s5  }
0x50: {  	[spmem:s18] =	stream.linear.scatter [tilespmem:s10], [sflag:$0x2], $0x400, $0x38;
	[tilespmem:$0x18100] =	vst v63  }
0x51: {  	s18 =	simm.s32 $0x1000;
	_ =	swait.ge [sflag:s11], $0x400  }
.LBB2_2:
0x52: {  	s19 =	sshra.s32 s18, $0x2;
	[sflag:s11] =	ssyncset.done $0x0;
	p0 =	sne.s32 s18, $0x4E000  }
.Ltmp0:
0x53: {  	s19 =	sadd.s32 s19, s5;
	[sflag:s11] =	ssyncadd.s32 $0xFFFFFC00;
	(pc) =	sbr.rel @p0 .LBB2_2-.Ltmp0, $3  }
0x54: {  	[spmem:s19] =	stream.linear.scatter [tilespmem:s10], [sflag:$0x2], $0x400, $0x38;
	[tilespmem:$0x18100] =	vst v63  }
0x55: {  	s18 =	sadd.s32 $0x1000, s18;
	_ =	sdelay $0x1  }
0x56: {  	_ =	swait.ge [sflag:s11], $0x400  }
0x57: {  	[sflag:s11] =	ssyncset.done $0x0  }
0x58: {  	[sflag:s11] =	ssyncadd.s32 $0xFFFFFC00  }
0x59: {  	s18 =	sadd.s32 $0x0, s9;
	[bflag:$0x0] =	sbarrier.arrive $0xFFFF  }
0x5a: {  	[tilespmem:s3], [sflag:$0x2] =	stream.linear.gather [hbm4b:s18+s3], $0x80, $0x38;
	[tilespmem:$0x18100] =	vst v63  }
0x5b: {  	_ =	swait.ge [sflag:s11], $0x80  }
0x5c: {  	[sflag:s11] =	ssyncset.done $0x0  }
0x5d: {  	s31 =	sadd.s32 $0x0, s8;
	[sflag:s11] =	ssyncadd.s32 $0xFFFFFF80  }
0x5e: {  	[tilespmem:s12], [sflag:$0x2] =	stream.linear.gather [hbm4b:s31+s3], $0x80, $0x38;
	[tilespmem:$0x18100] =	vst v63  }
0x5f: {  	_ =	swait.ge [sflag:s11], $0x80  }
0x60: {  	[sflag:s11] =	ssyncset.done $0x0  }
0x61: {  	[sflag:s11] =	ssyncadd.s32 $0xFFFFFF80  }
0x62: {  	[tilespmem:s13], [sflag:$0x1] =	stream.indirect.gather [hbm4b:s4+s12], $0x80, s3, s12, $0xb8;
	[tilespmem:$0x18100] =	vst v63  }
0x63: {  	_ =	swait.ge [sflag:s14], $0x4000  }
0x64: {  	[sflag:s14] =	ssyncset.done $0x0  }
0x65: {  	[sflag:s14] =	ssyncadd.s32 $0xFFFFC000  }
0x66: {  	[spmem:s2] =	stream.indirect.scatter.add.f32 [tilespmem:s13], [sflag:$0x2], $0x80, s12, s12, $0xb8;
	[tilespmem:$0x18100] =	vst v63  }
0x67: {  	_ =	swait.ge [sflag:s11], $0x4000  }
0x68: {  	s19 =	simm.s32 $0x20;
	s18 =	simm.s32 $0x10;
	[sflag:s11] =	ssyncset.done $0x0  }
.LBB2_4:
0x69: {  	s20 =	sadd.s32 s18, s9  }
0x6a: {  	[sflag:s11] =	ssyncadd.s32 $0xFFFFC000;
	s21 =	smov.u32 s19;
	s22 =	sadd.s32 $0x10, s19  }
0x6b: {  	[tilespmem:s3], [sflag:$0x2] =	stream.linear.gather [hbm4b:s20+s3], $0x80, $0x38;
	[tilespmem:$0x18100] =	vst v63  }
0x6c: {  	p0 =	sne.s32 s19, $0x9C0;
	_ =	swait.ge [sflag:s11], $0x80  }
0x6d: {  	[sflag:s11] =	ssyncset.done $0x0  }
0x6e: {  	s19 =	sadd.s32 s18, s8;
	s18 =	smov.u32 s21;
	[sflag:s11] =	ssyncadd.s32 $0xFFFFFF80  }
0x6f: {  	[tilespmem:s12], [sflag:$0x2] =	stream.linear.gather [hbm4b:s19+s3], $0x80, $0x38;
	[tilespmem:$0x18100] =	vst v63  }
0x70: {  	_ =	swait.ge [sflag:s11], $0x80  }
0x71: {  	[sflag:s11] =	ssyncset.done $0x0  }
0x72: {  	[sflag:s11] =	ssyncadd.s32 $0xFFFFFF80  }
0x73: {  	[tilespmem:s13], [sflag:$0x1] =	stream.indirect.gather [hbm4b:s4+s12], $0x80, s3, s12, $0xb8;
	[tilespmem:$0x18100] =	vst v63  }
0x74: {  	_ =	swait.ge [sflag:s14], $0x4000  }
.Ltmp1:
0x75: {  	[sflag:s14] =	ssyncset.done $0x0;
	(pc) =	sbr.rel @p0 .LBB2_4-.Ltmp1, $4  }
0x76: {  	[sflag:s14] =	ssyncadd.s32 $0xFFFFC000  }
0x77: {  	[spmem:s2] =	stream.indirect.scatter.add.f32 [tilespmem:s13], [sflag:$0x2], $0x80, s12, s12, $0xb8;
	[tilespmem:$0x18100] =	vst v63  }
0x78: {  	_ =	swait.ge [sflag:s11], $0x4000  }
0x79: {  	s19 =	smov.u32 s22;
	[sflag:s11] =	ssyncset.done $0x0  }
0x7a: {  	s19 =	sadd.s32 s18, s9;
	[sflag:s11] =	ssyncadd.s32 $0xFFFFC000  }
0x7b: {  	[tilespmem:s3], [sflag:$0x2] =	stream.linear.gather [hbm4b:s19+s3], $0x80, $0x38;
	[tilespmem:$0x18100] =	vst v63  }
0x7c: {  	_ =	swait.ge [sflag:s11], $0x80  }
0x7d: {  	[sflag:s11] =	ssyncset.done $0x0  }
0x7e: {  	s31 =	sadd.s32 s18, s8;
	[sflag:s11] =	ssyncadd.s32 $0xFFFFFF80  }
0x7f: {  	[tilespmem:s12], [sflag:$0x2] =	stream.linear.gather [hbm4b:s31+s3], $0x80, $0x38;
	[tilespmem:$0x18100] =	vst v63  }
0x80: {  	_ =	swait.ge [sflag:s11], $0x80  }
0x81: {  	[sflag:s11] =	ssyncset.done $0x0  }
0x82: {  	[sflag:s11] =	ssyncadd.s32 $0xFFFFFF80  }
0x83: {  	[tilespmem:s13], [sflag:$0x1] =	stream.indirect.gather [hbm4b:s4+s12], $0x80, s3, s12, $0xb8;
	[tilespmem:$0x18100] =	vst v63  }
0x84: {  	_ =	swait.ge [sflag:s14], $0x4000  }
0x85: {  	[sflag:s14] =	ssyncset.done $0x0  }
0x86: {  	[sflag:s14] =	ssyncadd.s32 $0xFFFFC000  }
0x87: {  	[spmem:s2] =	stream.indirect.scatter.add.f32 [tilespmem:s13], [sflag:$0x2], $0x80, s12, s12, $0xb8;
	[tilespmem:$0x18100] =	vst v63  }
0x88: {  	_ =	swait.ge [sflag:s11], $0x4000  }
0x89: {  	s17 =	sadd.s32 $0x1, s17;
	[sflag:s11] =	ssyncset.done $0x0  }
0x8a: {  	p0 =	sne.s32 s17, s7;
	[sflag:s11] =	ssyncadd.s32 $0xFFFFC000  }
.Ltmp2:
0x8b: {  	[bflag:$0x0] =	sbarrier.arrive $0xFFFF;
	(pc) =	sbr.rel @p0 .LBB2_1-.Ltmp2, $4  }
0x8c: {  	[hbm:s6], [sflag:s15] =	dma.local [spmem:s16], $0x2780  }
0x8d: {  	_ =	swait.ge [sflag:s11], $0x2780  }
0x8e: {  	[sflag:s11] =	ssyncset.done $0x0  }
0x8f: {  	[sflag:s11] =	ssyncadd.s32 $0xFFFFD880  }
0x90: {  	_ =	sfence.sel $0x180000  }
0x91: {  	[bflag:$0x0] =	sbarrier.arrive $0xFFFF  }
0x92: {  	p0 =	sne.s32 s1, $0x0;
	_ =	strace $0x90000050  }
0x93: {  	s0 =	sadd.s32 @!p0 $0x100000, s0;
	[bflag:$0x2] =	sbarrier.arrive $0xFFFF  }
0x94: {  	[sflag:s0] =	ssyncadd.tile.s32 @!p0 $0x1;
	_ =	shalt  }
.Lfunc_end2:
_tile_overlayer_lowered:
.L_overlay_start_2:
0x95: {  	(tag) =	ssettag $0x2  }
0x96: {  	s0 =	rddreg [dreg:$0x0];
	s2 =	stileid.u32  }
0x97: {  	s1 =	rddreg [dreg:$0x1];
	p0 =	sne.s32 s2, $0x0  }
0x98: {  	s3 =	rddreg [dreg:$0x2];
	[bflag:$0x3] =	sbarrier.arrive $0xFFFF;
	s2 =	simm.s32 @!p0 $0x1C02  }
0x99: {  	[timem:s3], [sflag:s2] =	dma.local @!p0 [hbm:s0], s1  }
0x9a: {  	s0 =	simm.s32 @!p0 $0x2  }
0x9b: {  	_ =	swait.ge @!p0 [sflag:s0], s1  }
0x9c: {  	s1 =	ssub.s32 @!p0 $0x0, s1;
	[sflag:s0] =	ssyncset.done @!p0 $0x0  }
0x9d: {  	[sflag:s0] =	ssyncadd.s32 @!p0 s1  }
0x9e: {  	[bflag:$0x3] =	sbarrier.arrive $0xFFFF  }
0x9f: {  	_ =	shalt  }

// kernel: kernel.35.cloned.1.call-start
scs
__scs_entry_jumppad:
0x0: {  	(pc) =	sbr.rel $0x88, $3  }
0x1: {  	(tag) =	ssettag $0x0;
	lr =	simm.s32 $0x1  }
0x2: {  	[smem:$0x3F91] =	sst lr;
	_ =	strace $0xD0000000  }
0x3: {  	_ = 	snop  }
0x4: {  	_ = 	snop  }
0x5: {  	_ = 	snop  }
0x6: {  	_ = 	snop  }
0x7: {  	_ = 	snop  }
__scs_overlays_trampoline_lowered:
0x8: {  	[smem:$0x3FA0] =	sst s0  }
0x9: {  	[smem:$0x3FA1] =	sst s1  }
0xa: {  	[smem:$0x3FA2] =	sst s2  }
0xb: {  	[smem:$0x3FA3] =	sst s3  }
0xc: {  	[smem:$0x3FA4] =	sst s4  }
0xd: {  	[smem:$0x3FA5] =	sst s5  }
0xe: {  	[smem:$0x3FA6] =	sst s6  }
0xf: {  	[smem:$0x3FA7] =	sst s7  }
0x10: {  	[smem:$0x3FA8] =	sst s8  }
0x11: {  	[smem:$0x3FA9] =	sst s9;
	s0 =	simm.s32 @!p0 $0x0  }
0x12: {  	s1 =	sld [smem:$0x3F8F];
	s0 =	simm.s32 @p0 $0x1  }
0x13: {  	[smem:$0x3FAA] =	sst s0;
	s0 =	simm.s32 @!p1 $0x0  }
0x14: {  	s2 =	sld [smem:$0x3F8E];
	s0 =	simm.s32 @p1 $0x1  }
0x15: {  	[smem:$0x3FAB] =	sst s0;
	s0 =	simm.s32 @!p2 $0x0  }
0x16: {  	s3 =	sld [smem:$0x3FDB];
	s0 =	simm.s32 @p2 $0x1  }
0x17: {  	s4 =	simm.s32 $0x1BF5;
	[smem:$0x3FAD] =	sst s0  }
0x18: {  	s0 =	sld [smem:$0x3F90];
	_ =	swait.ge [sflag:s4], $0x0  }
0x19: {  	s7 =	sld [smem:$0x3F91]  }
0x1a: {  	s8 =	sadd.s32 $0xFFFFE003, lr  }
0x1b: {  	s9 =	sadd.s32 $0xFFFFFEF7, lr;
	s5 =	simm.s32 $0xFFFFFFFF;
	p2 =	slt.u32 s8, $0xFFFFF086  }
0x1c: {  	p1 =	slt.u32 s9, $0xF7A;
	s5 =	simm.s32 @!p2 $0x0  }
0x1d: {  	s5 =	simm.s32 @p1 $0x1;
	p0 =	seq.s32 s7, s2  }
0x1e: {  	s7 =	smul.u32 @!p0 $0xF7A, s2;
	p2 =	seq.s32 @!p0 s5, $0x0  }
0x1f: {  	s9 =	smul.u32 $0xF7A, s1;
	s8 =	simm.s32 @!p0 $0x1BF5;
	p2 =	por !p2, p0  }
0x20: {  	[sflag:s8] =	ssyncset.s32 @!p0 $0xFFFFF086;
	s6 =	sadd.s32 @!p0 s3, s7;
	s7 =	simm.s32 @!p0 $0x108  }
0x21: {  	s3 =	sadd.s32 s3, s9;
	s6 =	sadd.s32 @!p0 $0x88, s6;
	s7 =	simm.s32 @p2 $0x1082  }
0x22: {  	[simem:s7], [sflag:s8] =	dma.local @!p0 [hbm:s6], $0xF7A  }
0x23: {  	s9 =	sor.u32 $0xD0000000, s2;
	s6 =	simm.s32 $0x108;
	_ =	swait.ge @!p0 [sflag:s8], $0x0  }
0x24: {  	s3 =	sadd.s32 $0x88, s3;
	s6 =	simm.s32 @!p1 $0x1082;
	[sflag:s4] =	ssyncset.s32 $0xFFFFF086  }
0x25: {  	[simem:s6], [sflag:s4] =	dma.local [hbm:s3], $0xF7A  }
0x26: {  	[smem:$0x3F91] =	sst s1;
	(tag) =	ssettag s2;
	_ =	strace s9  }
0x27: {  	s1 =	sld [smem:$0x3FA1]  }
0x28: {  	s2 =	sld [smem:$0x3FA2]  }
0x29: {  	s4 =	sld [smem:$0x3FA4]  }
0x2a: {  	p0 =	seq.s32 s5, $0x0;
	s5 =	sld [smem:$0x3FA5]  }
0x2b: {  	s6 =	sld [smem:$0x3FA6]  }
0x2c: {  	s7 =	sld [smem:$0x3FA7]  }
0x2d: {  	s3 =	simm.s32 $0x108;
	s8 =	sld [smem:$0x3FA8]  }
0x2e: {  	s3 =	simm.s32 @!p0 $0x1082;
	s9 =	sld [smem:$0x3FA9]  }
0x2f: {  	lr =	sadd.s32 s0, s3;
	s0 =	sld [smem:$0x3FA0]  }
0x30: {  	s3 =	sld [smem:$0x3FA3]  }
0x31: {  	[smem:$0x3FAC] =	sst s10  }
0x32: {  	s10 =	sld [smem:$0x3FAA];
	_ =	sdelay $0x3  }
0x33: {  	p0 =	seq.s32 s10, $0x1;
	s10 =	sld [smem:$0x3FAC];
	_ =	sdelay $0x3  }
0x34: {  	[smem:$0x3FAC] =	sst s10  }
0x35: {  	s10 =	sld [smem:$0x3FAB];
	_ =	sdelay $0x3  }
0x36: {  	p1 =	seq.s32 s10, $0x1;
	s10 =	sld [smem:$0x3FAC];
	_ =	sdelay $0x3  }
0x37: {  	[smem:$0x3FAC] =	sst s10  }
0x38: {  	s10 =	sld [smem:$0x3FAD]  }
0x39: {  	_ = 	snop;
	(pc) =	sbr.ind lr, $3  }
0x3a: {  	_ = 	snop  }
0x3b: {  	_ = 	snop  }
0x3c: {  	p2 =	seq.s32 s10, $0x1;
	s10 =	sld [smem:$0x3FAC]  }
0x3d: {  	_ =	shalt  }
0x3e: {  	_ =	shalt  }
0x3f: {  	_ =	shalt  }
0x40: {  	_ =	shalt  }
0x41: {  	_ =	shalt  }
0x42: {  	_ =	shalt  }
0x43: {  	_ =	shalt  }
0x44: {  	_ =	shalt  }
0x45: {  	_ =	shalt  }
0x46: {  	_ =	shalt  }
0x47: {  	_ =	shalt  }
0x48: {  	_ =	shalt  }
0x49: {  	_ =	shalt  }
0x4a: {  	_ =	shalt  }
0x4b: {  	_ =	shalt  }
0x4c: {  	_ =	shalt  }
0x4d: {  	_ =	shalt  }
0x4e: {  	_ =	shalt  }
0x4f: {  	_ =	shalt  }
0x50: {  	_ =	shalt  }
0x51: {  	_ =	shalt  }
0x52: {  	_ =	shalt  }
0x53: {  	_ =	shalt  }
0x54: {  	_ =	shalt  }
0x55: {  	_ =	shalt  }
0x56: {  	_ =	shalt  }
0x57: {  	_ =	shalt  }
0x58: {  	_ =	shalt  }
0x59: {  	_ =	shalt  }
0x5a: {  	_ =	shalt  }
0x5b: {  	_ =	shalt  }
0x5c: {  	_ =	shalt  }
0x5d: {  	_ =	shalt  }
0x5e: {  	_ =	shalt  }
0x5f: {  	_ =	shalt  }
0x60: {  	_ =	shalt  }
0x61: {  	_ =	shalt  }
0x62: {  	_ =	shalt  }
0x63: {  	_ =	shalt  }
0x64: {  	_ =	shalt  }
0x65: {  	_ =	shalt  }
0x66: {  	_ =	shalt  }
0x67: {  	_ =	shalt  }
0x68: {  	_ =	shalt  }
0x69: {  	_ =	shalt  }
0x6a: {  	_ =	shalt  }
0x6b: {  	_ =	shalt  }
0x6c: {  	_ =	shalt  }
0x6d: {  	_ =	shalt  }
0x6e: {  	_ =	shalt  }
0x6f: {  	_ =	shalt  }
0x70: {  	_ =	shalt  }
0x71: {  	_ =	shalt  }
0x72: {  	_ =	shalt  }
0x73: {  	_ =	shalt  }
0x74: {  	_ =	shalt  }
0x75: {  	_ =	shalt  }
0x76: {  	_ =	shalt  }
0x77: {  	_ =	shalt  }
0x78: {  	_ =	shalt  }
0x79: {  	_ =	shalt  }
0x7a: {  	_ =	shalt  }
0x7b: {  	_ =	shalt  }
0x7c: {  	_ =	shalt  }
0x7d: {  	_ =	shalt  }
0x7e: {  	_ =	shalt  }
0x7f: {  	_ =	shalt  }
0x80: {  	_ =	shalt  }
0x81: {  	_ =	shalt  }
0x82: {  	_ =	shalt  }
0x83: {  	_ =	shalt  }
0x84: {  	_ =	shalt  }
0x85: {  	_ =	shalt  }
0x86: {  	_ =	shalt  }
0x87: {  	_ =	shalt  }
.Lfunc_end0:
.L_simem_size_0:
called_computation.4_lowered:
.L_overlay_start_0:
0x88: {  	s2 =	sld [smem:$0x3FD9]  }
0x89: {  	s3 =	sld [smem:$0x3FFE];
	_ =	sdelay $0x1  }
0x8a: {  	s1 =	srdreg.scid  }
0x8b: {  	s0 =	sand.u32 $0x1, s1  }
0x8c: {  	s14 =	sshll.u32 s0, $0xA;
	s2 =	sadd.s32 s3, s2  }
0x8d: {  	s2 =	sadd.s32 s2, s14  }
0x8e: {  	[smem:$0x3FB8] =	sst s2  }
0x8f: {  	_ = 	snop  }
0x90: {  	s2 =	sld [smem:$0x3FD0];
	_ =	sdelay $0x2  }
0x91: {  	s15 =	simm.s32 $0xA;
	s4 =	simm.s32 $0x10  }
0x92: {  	[smem:s4], [sflag:s15] =	dma.local [hbm:s2], $0x1  }
0x93: {  	_ =	swait.eq [sflag:s15], $0x1  }
0x94: {  	[sflag:s15] =	ssyncset.done $0x0  }
0x95: {  	[sflag:s15] =	ssyncadd.s32 $0xFFFFFFFF  }
0x96: {  	s16 =	sld [smem:$0x10];
	(tm) =	ssettm $0x1  }
0x97: {  	s17 =	sld [smem:$0x3FFB];
	_ =	sdelay $0x3  }
0x98: {  	_ =	strace s17  }
0x99: {  	s3 =	sld [smem:$0x3FFC];
	_ =	sdelay $0x3  }
0x9a: {  	_ =	strace s3  }
0x9b: {  	s3 =	sld [smem:$0x3FFD];
	_ =	sdelay $0x3  }
0x9c: {  	_ =	strace s3  }
0x9d: {  	_ =	strace $0x8FFFFFFF  }
0x9e: {  	s18 =	sld [smem:$0x3FDB];
	_ =	sdelay $0x1  }
0x9f: {  	s19 =	simm.s32 $_scs_section_size  }
0xa0: {  	s5 =	simm.s32 $_size__tile_overlayer_lowered;
	s6 =	simm.s32 $_tile_overlayer_lowered  }
0xa1: {  	s22 =	simm.s32 $0x1BFF;
	s21 =	sshll.u32 s6, $0x1;
	s3 =	sadd.s32 s19, s18  }
0xa2: {  	s7 =	simm.s32 $0x0;
	s20 =	sshll.u32 s5, $0x1;
	s5 =	sadd.s32 s21, s3  }
0xa3: {  	[timem:s7], [sflag:s22] =	dma.local [hbm:s5], s20  }
0xa4: {  	_ =	swait.ge [sflag:s22], s20  }
0xa5: {  	s4 =	ssub.s32 $0x0, s20;
	[sflag:s22] =	ssyncset.done $0x0  }
0xa6: {  	[sflag:s22] =	ssyncadd.s32 s4;
	_ =	sdelay $0x1  }
0xa7: {  	s23 =	simm.s32 $0x1B8B  }
0xa8: {  	_ =	swait.ge [sflag:s23], $0x1  }
0xa9: {  	[sflag:s23] =	ssyncset.done $0x0  }
0xaa: {  	s25 =	simm.s32 $0x1B8E;
	s24 =	sld [smem:$0x3FFE];
	[sflag:s23] =	ssyncadd.s32 $0xFFFFFFFF  }
0xab: {  	s26 =	simm.s32 $execute0_lowered;
	[smem:$0x3FD2] =	sst s25  }
0xac: {  	s5 =	sshll.u32 s26, $0x1;
	_ =	strace $0x80000052;
	[dreg:$0x1] =	wrdreg $0xFFFFFFFF  }
0xad: {  	s28 =	simm.s32 $_size_execute0_lowered;
	s3 =	sadd.s32 s3, s5;
	[dreg:$0x0] =	wrdreg $0x0  }
0xae: {  	s5 =	sshll.u32 s28, $0x1;
	[dreg:$0x2] =	wrdreg s3  }
0xaf: {  	[dreg:$0x3] =	wrdreg s5  }
0xb0: {  	[dreg:$0x4] =	wrdreg $0xC0  }
0xb1: {  	_ =	task [dreg:s7], $0x5FFFF  }
0xb2: {  	[dreg:$0x1] =	wrdreg $0xFFFFFFFF  }
0xb3: {  	[dreg:$0x0] =	wrdreg $0x60  }
0xb4: {  	[dreg:$0x2] =	wrdreg s24  }
0xb5: {  	[dreg:$0x3] =	wrdreg s16  }
0xb6: {  	[dreg:$0x4] =	wrdreg $0x45000  }
0xb7: {  	[dreg:$0x5] =	wrdreg $0x9  }
0xb8: {  	_ =	task.clear_ibuf [dreg:s7], $0x6FFFF;
	_ =	strace $0x90000052  }
0xb9: {  	s29 =	simm.s32 $0x9;
	_ =	strace $0x80000054  }
0xba: {  	_ =	swait.ge [sflag:s29], $0x1  }
0xbb: {  	[sflag:s29] =	ssyncadd.s32 $0xFFFFFFFF  }
0xbc: {  	_ =	strace $0x90000054  }
0xbd: {  	_ =	sfence  }
0xbe: {  	s30 =	sld [smem:$0x0];
	_ =	sdelay $0x2  }
0xbf: {  	s31 =	sshll.u32 s1, $0xD;
	s1 =	sshrl.u32 s1, $0x2  }
0xc0: {  	s3 =	sand.u32 $0x4000, s31;
	s1 =	sadd.s32 s1, s30  }
0xc1: {  	s0 =	sor.u32 s3, s0;
	s1 =	sshll.u32 s1, $0x11  }
0xc2: {  	s0 =	sor.u32 s1, s0  }
0xc3: {  	s0 =	sadd.s32 $0x8F2B, s0  }
0xc4: {  	[sflag:s0] =	ssyncadd.remote.s32 $0x1  }
0xc5: {  	_ =	sfence.sel $0xFFFF  }
0xc6: {  	[dreg:$0x0] =	wrdreg $0xFFFFFFFF;
	(pc) =	sbr.abs _section_cstart, $3  }
0xc7: {  	[dreg:$0x1] =	wrdreg $0xFFFFFFFF  }
0xc8: {  	_ =	task.clear_ibuf [dreg:s7], $0x2FFFF;
	_ =	strace $0x9FFFFFFF  }
0xc9: {  	(tm) =	ssettm $0x7FFFFFFF  }
tec
execute0_lowered:
.L_overlay_start_1:
0x0: {  	(tag) =	ssettag $0x1  }
0x1: {  	s5 =	rddreg [dreg:$0x0]  }
0x2: {  	s6 =	rddreg [dreg:$0x1]  }
0x3: {  	s0 =	srdreg.scid;
	s1 =	stileid.u32  }
0x4: {  	s2 =	rddreg [dreg:$0x2];
	s8 =	smul.u32 $0x4E80, s1  }
0x5: {  	s3 =	simm.s32 $0x0;
	s13 =	simm.s32 $0x100;
	s10 =	smul.u32 $0x13C00, s1  }
0x6: {  	s14 =	simm.s32 $0x1;
	s7 =	sand.u32 $0x1, s0;
	s11 =	smul.u32 $0x4F000, s1  }
0x7: {  	s17 =	simm.s32 $0x0;
	s0 =	rddreg [dreg:$0x3];
	s4 =	smul.u32 $0x4E800, s7  }
0x8: {  	[smem:$0x7FF] =	sst s3;
	s15 =	sshll.u32 s1, $0x6;
	s9 =	smul.u32 $0x13C000, s7  }
0x9: {  	_ =	strace $0x80000053;
	s28 =	ssub.s32 $0x2, s7;
	s15 =	sor.u32 $0x1C02, s15  }
0xa: {  	s30 =	sshrl.u32 s28, $0x1;
	s31 =	sshrl.u32 s11, $0x2;
	s11 =	simm.s32 $0x2  }
0xb: {  	s8 =	sadd.s32 s8, s4;
	s4 =	sadd.s32 $0x79E00, s5;
	s29 =	sadd.s32 s10, s9  }
0xc: {  	s10 =	simm.s32 $0x4100;
	s8 =	sshrl.u32 s8, $0x3;
	s7 =	sshrl.u32 s29, $0x3  }
0xd: {  	s12 =	sadd.s32 s8, s5;
	s8 =	ssub.s32 s28, s30;
	s5 =	sadd.s32 s31, s2  }
0xe: {  	s6 =	sadd.s32 s6, s7;
	s7 =	smax.u32 s8, $0x1;
	s8 =	sadd.s32 $0x2B800, s12  }
0xf: {  	v0 =	vimm.f32 $0.0e+00;
	s9 =	sadd.s32 $0x3F200, s12;
	s12 =	simm.s32 $0x80;
	s16 =	sshrl.u32 s5, $0x3  }
.LBB2_1:
0x10: {  	[tilespmem:$0x4100] =	vst v0  }
0x11: {  	[tilespmem:$0x4110] =	vst v0  }
0x12: {  	[tilespmem:$0x4120] =	vst v0  }
0x13: {  	[tilespmem:$0x4130] =	vst v0  }
0x14: {  	[tilespmem:$0x4140] =	vst v0  }
0x15: {  	[tilespmem:$0x4150] =	vst v0  }
0x16: {  	[tilespmem:$0x4160] =	vst v0  }
0x17: {  	[tilespmem:$0x4170] =	vst v0  }
0x18: {  	[tilespmem:$0x4180] =	vst v0  }
0x19: {  	[tilespmem:$0x4190] =	vst v0  }
0x1a: {  	[tilespmem:$0x41A0] =	vst v0  }
0x1b: {  	[tilespmem:$0x41B0] =	vst v0  }
0x1c: {  	[tilespmem:$0x41C0] =	vst v0  }
0x1d: {  	[tilespmem:$0x41D0] =	vst v0  }
0x1e: {  	[tilespmem:$0x41E0] =	vst v0  }
0x1f: {  	[tilespmem:$0x41F0] =	vst v0  }
0x20: {  	[tilespmem:$0x4200] =	vst v0  }
0x21: {  	[tilespmem:$0x4210] =	vst v0  }
0x22: {  	[tilespmem:$0x4220] =	vst v0  }
0x23: {  	[tilespmem:$0x4230] =	vst v0  }
0x24: {  	[tilespmem:$0x4240] =	vst v0  }
0x25: {  	[tilespmem:$0x4250] =	vst v0  }
0x26: {  	[tilespmem:$0x4260] =	vst v0  }
0x27: {  	[tilespmem:$0x4270] =	vst v0  }
0x28: {  	[tilespmem:$0x4280] =	vst v0  }
0x29: {  	[tilespmem:$0x4290] =	vst v0  }
0x2a: {  	[tilespmem:$0x42A0] =	vst v0  }
0x2b: {  	[tilespmem:$0x42B0] =	vst v0  }
0x2c: {  	[tilespmem:$0x42C0] =	vst v0  }
0x2d: {  	[tilespmem:$0x42D0] =	vst v0  }
0x2e: {  	[tilespmem:$0x42E0] =	vst v0  }
0x2f: {  	[tilespmem:$0x42F0] =	vst v0  }
0x30: {  	[tilespmem:$0x4300] =	vst v0  }
0x31: {  	[tilespmem:$0x4310] =	vst v0  }
0x32: {  	[tilespmem:$0x4320] =	vst v0  }
0x33: {  	[tilespmem:$0x4330] =	vst v0  }
0x34: {  	[tilespmem:$0x4340] =	vst v0  }
0x35: {  	[tilespmem:$0x4350] =	vst v0  }
0x36: {  	[tilespmem:$0x4360] =	vst v0  }
0x37: {  	[tilespmem:$0x4370] =	vst v0  }
0x38: {  	[tilespmem:$0x4380] =	vst v0  }
0x39: {  	[tilespmem:$0x4390] =	vst v0  }
0x3a: {  	[tilespmem:$0x43A0] =	vst v0  }
0x3b: {  	[tilespmem:$0x43B0] =	vst v0  }
0x3c: {  	[tilespmem:$0x43C0] =	vst v0  }
0x3d: {  	[tilespmem:$0x43D0] =	vst v0  }
0x3e: {  	[tilespmem:$0x43E0] =	vst v0  }
0x3f: {  	[tilespmem:$0x43F0] =	vst v0  }
0x40: {  	[tilespmem:$0x4400] =	vst v0  }
0x41: {  	[tilespmem:$0x4410] =	vst v0  }
0x42: {  	[tilespmem:$0x4420] =	vst v0  }
0x43: {  	[tilespmem:$0x4430] =	vst v0  }
0x44: {  	[tilespmem:$0x4440] =	vst v0  }
0x45: {  	[tilespmem:$0x4450] =	vst v0  }
0x46: {  	[tilespmem:$0x4460] =	vst v0  }
0x47: {  	[tilespmem:$0x4470] =	vst v0  }
0x48: {  	[tilespmem:$0x4480] =	vst v0  }
0x49: {  	[tilespmem:$0x4490] =	vst v0  }
0x4a: {  	[tilespmem:$0x44A0] =	vst v0  }
0x4b: {  	[tilespmem:$0x44B0] =	vst v0  }
0x4c: {  	[tilespmem:$0x44C0] =	vst v0  }
0x4d: {  	[tilespmem:$0x44D0] =	vst v0  }
0x4e: {  	[tilespmem:$0x44E0] =	vst v0  }
0x4f: {  	[tilespmem:$0x44F0] =	vst v0;
	s18 =	sadd.s32 $0x0, s5  }
0x50: {  	[spmem:s18] =	stream.linear.scatter [tilespmem:s10], [sflag:$0x2], $0x400, $0x38;
	[tilespmem:$0x18100] =	vst v63  }
0x51: {  	s18 =	simm.s32 $0x1000;
	_ =	swait.ge [sflag:s11], $0x400  }
.LBB2_2:
0x52: {  	s19 =	sshra.s32 s18, $0x2;
	[sflag:s11] =	ssyncset.done $0x0;
	p0 =	sne.s32 s18, $0x4E000  }
.Ltmp0:
0x53: {  	s19 =	sadd.s32 s19, s5;
	[sflag:s11] =	ssyncadd.s32 $0xFFFFFC00;
	(pc) =	sbr.rel @p0 .LBB2_2-.Ltmp0, $3  }
0x54: {  	[spmem:s19] =	stream.linear.scatter [tilespmem:s10], [sflag:$0x2], $0x400, $0x38;
	[tilespmem:$0x18100] =	vst v63  }
0x55: {  	s18 =	sadd.s32 $0x1000, s18;
	_ =	sdelay $0x1  }
0x56: {  	_ =	swait.ge [sflag:s11], $0x400  }
0x57: {  	[sflag:s11] =	ssyncset.done $0x0  }
0x58: {  	[sflag:s11] =	ssyncadd.s32 $0xFFFFFC00  }
0x59: {  	s18 =	sadd.s32 $0x0, s9;
	[bflag:$0x0] =	sbarrier.arrive $0xFFFF  }
0x5a: {  	[tilespmem:s3], [sflag:$0x2] =	stream.linear.gather [hbm4b:s18+s3], $0x80, $0x38;
	[tilespmem:$0x18100] =	vst v63  }
0x5b: {  	_ =	swait.ge [sflag:s11], $0x80  }
0x5c: {  	[sflag:s11] =	ssyncset.done $0x0  }
0x5d: {  	s31 =	sadd.s32 $0x0, s8;
	[sflag:s11] =	ssyncadd.s32 $0xFFFFFF80  }
0x5e: {  	[tilespmem:s12], [sflag:$0x2] =	stream.linear.gather [hbm4b:s31+s3], $0x80, $0x38;
	[tilespmem:$0x18100] =	vst v63  }
0x5f: {  	_ =	swait.ge [sflag:s11], $0x80  }
0x60: {  	[sflag:s11] =	ssyncset.done $0x0  }
0x61: {  	[sflag:s11] =	ssyncadd.s32 $0xFFFFFF80  }
0x62: {  	[tilespmem:s13], [sflag:$0x1] =	stream.indirect.gather [hbm4b:s4+s12], $0x80, s3, s12, $0xb8;
	[tilespmem:$0x18100] =	vst v63  }
0x63: {  	_ =	swait.ge [sflag:s14], $0x4000  }
0x64: {  	[sflag:s14] =	ssyncset.done $0x0  }
0x65: {  	[sflag:s14] =	ssyncadd.s32 $0xFFFFC000  }
0x66: {  	[spmem:s2] =	stream.indirect.scatter.add.f32 [tilespmem:s13], [sflag:$0x2], $0x80, s12, s12, $0xb8;
	[tilespmem:$0x18100] =	vst v63  }
0x67: {  	_ =	swait.ge [sflag:s11], $0x4000  }
0x68: {  	s19 =	simm.s32 $0x20;
	s18 =	simm.s32 $0x10;
	[sflag:s11] =	ssyncset.done $0x0  }
.LBB2_4:
0x69: {  	s20 =	sadd.s32 s18, s9  }
0x6a: {  	[sflag:s11] =	ssyncadd.s32 $0xFFFFC000;
	s21 =	smov.u32 s19;
	s22 =	sadd.s32 $0x10, s19  }
0x6b: {  	[tilespmem:s3], [sflag:$0x2] =	stream.linear.gather [hbm4b:s20+s3], $0x80, $0x38;
	[tilespmem:$0x18100] =	vst v63  }
0x6c: {  	p0 =	sne.s32 s19, $0x9C0;
	_ =	swait.ge [sflag:s11], $0x80  }
0x6d: {  	[sflag:s11] =	ssyncset.done $0x0  }
0x6e: {  	s19 =	sadd.s32 s18, s8;
	s18 =	smov.u32 s21;
	[sflag:s11] =	ssyncadd.s32 $0xFFFFFF80  }
0x6f: {  	[tilespmem:s12], [sflag:$0x2] =	stream.linear.gather [hbm4b:s19+s3], $0x80, $0x38;
	[tilespmem:$0x18100] =	vst v63  }
0x70: {  	_ =	swait.ge [sflag:s11], $0x80  }
0x71: {  	[sflag:s11] =	ssyncset.done $0x0  }
0x72: {  	[sflag:s11] =	ssyncadd.s32 $0xFFFFFF80  }
0x73: {  	[tilespmem:s13], [sflag:$0x1] =	stream.indirect.gather [hbm4b:s4+s12], $0x80, s3, s12, $0xb8;
	[tilespmem:$0x18100] =	vst v63  }
0x74: {  	_ =	swait.ge [sflag:s14], $0x4000  }
.Ltmp1:
0x75: {  	[sflag:s14] =	ssyncset.done $0x0;
	(pc) =	sbr.rel @p0 .LBB2_4-.Ltmp1, $4  }
0x76: {  	[sflag:s14] =	ssyncadd.s32 $0xFFFFC000  }
0x77: {  	[spmem:s2] =	stream.indirect.scatter.add.f32 [tilespmem:s13], [sflag:$0x2], $0x80, s12, s12, $0xb8;
	[tilespmem:$0x18100] =	vst v63  }
0x78: {  	_ =	swait.ge [sflag:s11], $0x4000  }
0x79: {  	s19 =	smov.u32 s22;
	[sflag:s11] =	ssyncset.done $0x0  }
0x7a: {  	s19 =	sadd.s32 s18, s9;
	[sflag:s11] =	ssyncadd.s32 $0xFFFFC000  }
0x7b: {  	[tilespmem:s3], [sflag:$0x2] =	stream.linear.gather [hbm4b:s19+s3], $0x80, $0x38;
	[tilespmem:$0x18100] =	vst v63  }
0x7c: {  	_ =	swait.ge [sflag:s11], $0x80  }
0x7d: {  	[sflag:s11] =	ssyncset.done $0x0  }
0x7e: {  	s31 =	sadd.s32 s18, s8;
	[sflag:s11] =	ssyncadd.s32 $0xFFFFFF80  }
0x7f: {  	[tilespmem:s12], [sflag:$0x2] =	stream.linear.gather [hbm4b:s31+s3], $0x80, $0x38;
	[tilespmem:$0x18100] =	vst v63  }
0x80: {  	_ =	swait.ge [sflag:s11], $0x80  }
0x81: {  	[sflag:s11] =	ssyncset.done $0x0  }
0x82: {  	[sflag:s11] =	ssyncadd.s32 $0xFFFFFF80  }
0x83: {  	[tilespmem:s13], [sflag:$0x1] =	stream.indirect.gather [hbm4b:s4+s12], $0x80, s3, s12, $0xb8;
	[tilespmem:$0x18100] =	vst v63  }
0x84: {  	_ =	swait.ge [sflag:s14], $0x4000  }
0x85: {  	[sflag:s14] =	ssyncset.done $0x0  }
0x86: {  	[sflag:s14] =	ssyncadd.s32 $0xFFFFC000  }
0x87: {  	[spmem:s2] =	stream.indirect.scatter.add.f32 [tilespmem:s13], [sflag:$0x2], $0x80, s12, s12, $0xb8;
	[tilespmem:$0x18100] =	vst v63  }
0x88: {  	_ =	swait.ge [sflag:s11], $0x4000  }
0x89: {  	s17 =	sadd.s32 $0x1, s17;
	[sflag:s11] =	ssyncset.done $0x0  }
0x8a: {  	p0 =	sne.s32 s17, s7;
	[sflag:s11] =	ssyncadd.s32 $0xFFFFC000  }
.Ltmp2:
0x8b: {  	[bflag:$0x0] =	sbarrier.arrive $0xFFFF;
	(pc) =	sbr.rel @p0 .LBB2_1-.Ltmp2, $4  }
0x8c: {  	[hbm:s6], [sflag:s15] =	dma.local [spmem:s16], $0x2780  }
0x8d: {  	_ =	swait.ge [sflag:s11], $0x2780  }
0x8e: {  	[sflag:s11] =	ssyncset.done $0x0  }
0x8f: {  	[sflag:s11] =	ssyncadd.s32 $0xFFFFD880  }
0x90: {  	_ =	sfence.sel $0x180000  }
0x91: {  	[bflag:$0x0] =	sbarrier.arrive $0xFFFF  }
0x92: {  	p0 =	sne.s32 s1, $0x0;
	_ =	strace $0x90000053  }
0x93: {  	s0 =	sadd.s32 @!p0 $0x100000, s0;
	[bflag:$0x2] =	sbarrier.arrive $0xFFFF  }
0x94: {  	[sflag:s0] =	ssyncadd.tile.s32 @!p0 $0x1;
	_ =	shalt  }
.Lfunc_end2:
_tile_overlayer_lowered:
.L_overlay_start_2:
0x95: {  	(tag) =	ssettag $0x2  }
0x96: {  	s0 =	rddreg [dreg:$0x0];
	s2 =	stileid.u32  }
0x97: {  	s1 =	rddreg [dreg:$0x1];
	p0 =	sne.s32 s2, $0x0  }
0x98: {  	s3 =	rddreg [dreg:$0x2];
	[bflag:$0x3] =	sbarrier.arrive $0xFFFF;
	s2 =	simm.s32 @!p0 $0x1C02  }
0x99: {  	[timem:s3], [sflag:s2] =	dma.local @!p0 [hbm:s0], s1  }
0x9a: {  	s0 =	simm.s32 @!p0 $0x2  }
0x9b: {  	_ =	swait.ge @!p0 [sflag:s0], s1  }
0x9c: {  	s1 =	ssub.s32 @!p0 $0x0, s1;
	[sflag:s0] =	ssyncset.done @!p0 $0x0  }
0x9d: {  	[sflag:s0] =	ssyncadd.s32 @!p0 s1  }
0x9e: {  	[bflag:$0x3] =	sbarrier.arrive $0xFFFF  }
0x9f: {  	_ =	shalt  }

// kernel: kernel.38.cloned.1.call-start
scs
__scs_entry_jumppad:
0x0: {  	(pc) =	sbr.rel $0x88, $3  }
0x1: {  	(tag) =	ssettag $0x0;
	lr =	simm.s32 $0x1  }
0x2: {  	[smem:$0x3F91] =	sst lr;
	_ =	strace $0xD0000000  }
0x3: {  	_ = 	snop  }
0x4: {  	_ = 	snop  }
0x5: {  	_ = 	snop  }
0x6: {  	_ = 	snop  }
0x7: {  	_ = 	snop  }
__scs_overlays_trampoline_lowered:
0x8: {  	[smem:$0x3FA0] =	sst s0  }
0x9: {  	[smem:$0x3FA1] =	sst s1  }
0xa: {  	[smem:$0x3FA2] =	sst s2  }
0xb: {  	[smem:$0x3FA3] =	sst s3  }
0xc: {  	[smem:$0x3FA4] =	sst s4  }
0xd: {  	[smem:$0x3FA5] =	sst s5  }
0xe: {  	[smem:$0x3FA6] =	sst s6  }
0xf: {  	[smem:$0x3FA7] =	sst s7  }
0x10: {  	[smem:$0x3FA8] =	sst s8  }
0x11: {  	[smem:$0x3FA9] =	sst s9;
	s0 =	simm.s32 @!p0 $0x0  }
0x12: {  	s1 =	sld [smem:$0x3F8F];
	s0 =	simm.s32 @p0 $0x1  }
0x13: {  	[smem:$0x3FAA] =	sst s0;
	s0 =	simm.s32 @!p1 $0x0  }
0x14: {  	s2 =	sld [smem:$0x3F8E];
	s0 =	simm.s32 @p1 $0x1  }
0x15: {  	[smem:$0x3FAB] =	sst s0;
	s0 =	simm.s32 @!p2 $0x0  }
0x16: {  	s3 =	sld [smem:$0x3FDB];
	s0 =	simm.s32 @p2 $0x1  }
0x17: {  	s4 =	simm.s32 $0x1BF5;
	[smem:$0x3FAD] =	sst s0  }
0x18: {  	s0 =	sld [smem:$0x3F90];
	_ =	swait.ge [sflag:s4], $0x0  }
0x19: {  	s7 =	sld [smem:$0x3F91]  }
0x1a: {  	s8 =	sadd.s32 $0xFFFFE003, lr  }
0x1b: {  	s9 =	sadd.s32 $0xFFFFFEF7, lr;
	s5 =	simm.s32 $0xFFFFFFFF;
	p2 =	slt.u32 s8, $0xFFFFF086  }
0x1c: {  	p1 =	slt.u32 s9, $0xF7A;
	s5 =	simm.s32 @!p2 $0x0  }
0x1d: {  	s5 =	simm.s32 @p1 $0x1;
	p0 =	seq.s32 s7, s2  }
0x1e: {  	s7 =	smul.u32 @!p0 $0xF7A, s2;
	p2 =	seq.s32 @!p0 s5, $0x0  }
0x1f: {  	s9 =	smul.u32 $0xF7A, s1;
	s8 =	simm.s32 @!p0 $0x1BF5;
	p2 =	por !p2, p0  }
0x20: {  	[sflag:s8] =	ssyncset.s32 @!p0 $0xFFFFF086;
	s6 =	sadd.s32 @!p0 s3, s7;
	s7 =	simm.s32 @!p0 $0x108  }
0x21: {  	s3 =	sadd.s32 s3, s9;
	s6 =	sadd.s32 @!p0 $0x88, s6;
	s7 =	simm.s32 @p2 $0x1082  }
0x22: {  	[simem:s7], [sflag:s8] =	dma.local @!p0 [hbm:s6], $0xF7A  }
0x23: {  	s9 =	sor.u32 $0xD0000000, s2;
	s6 =	simm.s32 $0x108;
	_ =	swait.ge @!p0 [sflag:s8], $0x0  }
0x24: {  	s3 =	sadd.s32 $0x88, s3;
	s6 =	simm.s32 @!p1 $0x1082;
	[sflag:s4] =	ssyncset.s32 $0xFFFFF086  }
0x25: {  	[simem:s6], [sflag:s4] =	dma.local [hbm:s3], $0xF7A  }
0x26: {  	[smem:$0x3F91] =	sst s1;
	(tag) =	ssettag s2;
	_ =	strace s9  }
0x27: {  	s1 =	sld [smem:$0x3FA1]  }
0x28: {  	s2 =	sld [smem:$0x3FA2]  }
0x29: {  	s4 =	sld [smem:$0x3FA4]  }
0x2a: {  	p0 =	seq.s32 s5, $0x0;
	s5 =	sld [smem:$0x3FA5]  }
0x2b: {  	s6 =	sld [smem:$0x3FA6]  }
0x2c: {  	s7 =	sld [smem:$0x3FA7]  }
0x2d: {  	s3 =	simm.s32 $0x108;
	s8 =	sld [smem:$0x3FA8]  }
0x2e: {  	s3 =	simm.s32 @!p0 $0x1082;
	s9 =	sld [smem:$0x3FA9]  }
0x2f: {  	lr =	sadd.s32 s0, s3;
	s0 =	sld [smem:$0x3FA0]  }
0x30: {  	s3 =	sld [smem:$0x3FA3]  }
0x31: {  	[smem:$0x3FAC] =	sst s10  }
0x32: {  	s10 =	sld [smem:$0x3FAA];
	_ =	sdelay $0x3  }
0x33: {  	p0 =	seq.s32 s10, $0x1;
	s10 =	sld [smem:$0x3FAC];
	_ =	sdelay $0x3  }
0x34: {  	[smem:$0x3FAC] =	sst s10  }
0x35: {  	s10 =	sld [smem:$0x3FAB];
	_ =	sdelay $0x3  }
0x36: {  	p1 =	seq.s32 s10, $0x1;
	s10 =	sld [smem:$0x3FAC];
	_ =	sdelay $0x3  }
0x37: {  	[smem:$0x3FAC] =	sst s10  }
0x38: {  	s10 =	sld [smem:$0x3FAD]  }
0x39: {  	_ = 	snop;
	(pc) =	sbr.ind lr, $3  }
0x3a: {  	_ = 	snop  }
0x3b: {  	_ = 	snop  }
0x3c: {  	p2 =	seq.s32 s10, $0x1;
	s10 =	sld [smem:$0x3FAC]  }
0x3d: {  	_ =	shalt  }
0x3e: {  	_ =	shalt  }
0x3f: {  	_ =	shalt  }
0x40: {  	_ =	shalt  }
0x41: {  	_ =	shalt  }
0x42: {  	_ =	shalt  }
0x43: {  	_ =	shalt  }
0x44: {  	_ =	shalt  }
0x45: {  	_ =	shalt  }
0x46: {  	_ =	shalt  }
0x47: {  	_ =	shalt  }
0x48: {  	_ =	shalt  }
0x49: {  	_ =	shalt  }
0x4a: {  	_ =	shalt  }
0x4b: {  	_ =	shalt  }
0x4c: {  	_ =	shalt  }
0x4d: {  	_ =	shalt  }
0x4e: {  	_ =	shalt  }
0x4f: {  	_ =	shalt  }
0x50: {  	_ =	shalt  }
0x51: {  	_ =	shalt  }
0x52: {  	_ =	shalt  }
0x53: {  	_ =	shalt  }
0x54: {  	_ =	shalt  }
0x55: {  	_ =	shalt  }
0x56: {  	_ =	shalt  }
0x57: {  	_ =	shalt  }
0x58: {  	_ =	shalt  }
0x59: {  	_ =	shalt  }
0x5a: {  	_ =	shalt  }
0x5b: {  	_ =	shalt  }
0x5c: {  	_ =	shalt  }
0x5d: {  	_ =	shalt  }
0x5e: {  	_ =	shalt  }
0x5f: {  	_ =	shalt  }
0x60: {  	_ =	shalt  }
0x61: {  	_ =	shalt  }
0x62: {  	_ =	shalt  }
0x63: {  	_ =	shalt  }
0x64: {  	_ =	shalt  }
0x65: {  	_ =	shalt  }
0x66: {  	_ =	shalt  }
0x67: {  	_ =	shalt  }
0x68: {  	_ =	shalt  }
0x69: {  	_ =	shalt  }
0x6a: {  	_ =	shalt  }
0x6b: {  	_ =	shalt  }
0x6c: {  	_ =	shalt  }
0x6d: {  	_ =	shalt  }
0x6e: {  	_ =	shalt  }
0x6f: {  	_ =	shalt  }
0x70: {  	_ =	shalt  }
0x71: {  	_ =	shalt  }
0x72: {  	_ =	shalt  }
0x73: {  	_ =	shalt  }
0x74: {  	_ =	shalt  }
0x75: {  	_ =	shalt  }
0x76: {  	_ =	shalt  }
0x77: {  	_ =	shalt  }
0x78: {  	_ =	shalt  }
0x79: {  	_ =	shalt  }
0x7a: {  	_ =	shalt  }
0x7b: {  	_ =	shalt  }
0x7c: {  	_ =	shalt  }
0x7d: {  	_ =	shalt  }
0x7e: {  	_ =	shalt  }
0x7f: {  	_ =	shalt  }
0x80: {  	_ =	shalt  }
0x81: {  	_ =	shalt  }
0x82: {  	_ =	shalt  }
0x83: {  	_ =	shalt  }
0x84: {  	_ =	shalt  }
0x85: {  	_ =	shalt  }
0x86: {  	_ =	shalt  }
0x87: {  	_ =	shalt  }
.Lfunc_end0:
.L_simem_size_0:
called_computation.5_lowered:
.L_overlay_start_0:
0x88: {  	s2 =	sld [smem:$0x3FD9]  }
0x89: {  	s3 =	sld [smem:$0x3FFE];
	_ =	sdelay $0x1  }
0x8a: {  	s1 =	srdreg.scid  }
0x8b: {  	s0 =	sand.u32 $0x1, s1  }
0x8c: {  	s14 =	sshll.u32 s0, $0xA;
	s2 =	sadd.s32 s3, s2  }
0x8d: {  	s2 =	sadd.s32 s2, s14  }
0x8e: {  	[smem:$0x3FB8] =	sst s2  }
0x8f: {  	_ = 	snop  }
0x90: {  	s2 =	sld [smem:$0x3FD0];
	_ =	sdelay $0x2  }
0x91: {  	s15 =	simm.s32 $0xA;
	s4 =	simm.s32 $0x10  }
0x92: {  	[smem:s4], [sflag:s15] =	dma.local [hbm:s2], $0x1  }
0x93: {  	_ =	swait.eq [sflag:s15], $0x1  }
0x94: {  	[sflag:s15] =	ssyncset.done $0x0  }
0x95: {  	[sflag:s15] =	ssyncadd.s32 $0xFFFFFFFF  }
0x96: {  	s16 =	sld [smem:$0x10];
	(tm) =	ssettm $0x1  }
0x97: {  	s17 =	sld [smem:$0x3FFB];
	_ =	sdelay $0x3  }
0x98: {  	_ =	strace s17  }
0x99: {  	s3 =	sld [smem:$0x3FFC];
	_ =	sdelay $0x3  }
0x9a: {  	_ =	strace s3  }
0x9b: {  	s3 =	sld [smem:$0x3FFD];
	_ =	sdelay $0x3  }
0x9c: {  	_ =	strace s3  }
0x9d: {  	_ =	strace $0x8FFFFFFF  }
0x9e: {  	s18 =	sld [smem:$0x3FDB];
	_ =	sdelay $0x1  }
0x9f: {  	s19 =	simm.s32 $_scs_section_size  }
0xa0: {  	s5 =	simm.s32 $_size__tile_overlayer_lowered;
	s6 =	simm.s32 $_tile_overlayer_lowered  }
0xa1: {  	s22 =	simm.s32 $0x1BFF;
	s21 =	sshll.u32 s6, $0x1;
	s3 =	sadd.s32 s19, s18  }
0xa2: {  	s7 =	simm.s32 $0x0;
	s20 =	sshll.u32 s5, $0x1;
	s5 =	sadd.s32 s21, s3  }
0xa3: {  	[timem:s7], [sflag:s22] =	dma.local [hbm:s5], s20  }
0xa4: {  	_ =	swait.ge [sflag:s22], s20  }
0xa5: {  	s4 =	ssub.s32 $0x0, s20;
	[sflag:s22] =	ssyncset.done $0x0  }
0xa6: {  	[sflag:s22] =	ssyncadd.s32 s4;
	_ =	sdelay $0x1  }
0xa7: {  	s23 =	simm.s32 $0x1B8B  }
0xa8: {  	_ =	swait.ge [sflag:s23], $0x1  }
0xa9: {  	[sflag:s23] =	ssyncset.done $0x0  }
0xaa: {  	s25 =	simm.s32 $0x1B8E;
	s24 =	sld [smem:$0x3FFE];
	[sflag:s23] =	ssyncadd.s32 $0xFFFFFFFF  }
0xab: {  	s26 =	simm.s32 $execute0_lowered;
	[smem:$0x3FD2] =	sst s25  }
0xac: {  	s5 =	sshll.u32 s26, $0x1;
	_ =	strace $0x80000055;
	[dreg:$0x1] =	wrdreg $0xFFFFFFFF  }
0xad: {  	s28 =	simm.s32 $_size_execute0_lowered;
	s3 =	sadd.s32 s3, s5;
	[dreg:$0x0] =	wrdreg $0x0  }
0xae: {  	s5 =	sshll.u32 s28, $0x1;
	[dreg:$0x2] =	wrdreg s3  }
0xaf: {  	[dreg:$0x3] =	wrdreg s5  }
0xb0: {  	[dreg:$0x4] =	wrdreg $0xC0  }
0xb1: {  	_ =	task [dreg:s7], $0x5FFFF  }
0xb2: {  	[dreg:$0x1] =	wrdreg $0xFFFFFFFF  }
0xb3: {  	[dreg:$0x0] =	wrdreg $0x60  }
0xb4: {  	[dreg:$0x2] =	wrdreg s24  }
0xb5: {  	[dreg:$0x3] =	wrdreg s16  }
0xb6: {  	[dreg:$0x4] =	wrdreg $0x45000  }
0xb7: {  	[dreg:$0x5] =	wrdreg $0x9  }
0xb8: {  	_ =	task.clear_ibuf [dreg:s7], $0x6FFFF;
	_ =	strace $0x90000055  }
0xb9: {  	s29 =	simm.s32 $0x9;
	_ =	strace $0x80000057  }
0xba: {  	_ =	swait.ge [sflag:s29], $0x1  }
0xbb: {  	[sflag:s29] =	ssyncadd.s32 $0xFFFFFFFF  }
0xbc: {  	_ =	strace $0x90000057  }
0xbd: {  	_ =	sfence  }
0xbe: {  	s30 =	sld [smem:$0x0];
	_ =	sdelay $0x2  }
0xbf: {  	s31 =	sshll.u32 s1, $0xD;
	s1 =	sshrl.u32 s1, $0x2  }
0xc0: {  	s3 =	sand.u32 $0x4000, s31;
	s1 =	sadd.s32 s1, s30  }
0xc1: {  	s0 =	sor.u32 s3, s0;
	s1 =	sshll.u32 s1, $0x11  }
0xc2: {  	s0 =	sor.u32 s1, s0  }
0xc3: {  	s0 =	sadd.s32 $0x8F2B, s0  }
0xc4: {  	[sflag:s0] =	ssyncadd.remote.s32 $0x1  }
0xc5: {  	_ =	sfence.sel $0xFFFF  }
0xc6: {  	[dreg:$0x0] =	wrdreg $0xFFFFFFFF;
	(pc) =	sbr.abs _section_cstart, $3  }
0xc7: {  	[dreg:$0x1] =	wrdreg $0xFFFFFFFF  }
0xc8: {  	_ =	task.clear_ibuf [dreg:s7], $0x2FFFF;
	_ =	strace $0x9FFFFFFF  }
0xc9: {  	(tm) =	ssettm $0x7FFFFFFF  }
tec
execute0_lowered:
.L_overlay_start_1:
0x0: {  	(tag) =	ssettag $0x1  }
0x1: {  	s5 =	rddreg [dreg:$0x0]  }
0x2: {  	s6 =	rddreg [dreg:$0x1]  }
0x3: {  	s0 =	srdreg.scid;
	s1 =	stileid.u32  }
0x4: {  	s2 =	rddreg [dreg:$0x2];
	s8 =	smul.u32 $0x4E80, s1  }
0x5: {  	s3 =	simm.s32 $0x0;
	s13 =	simm.s32 $0x100;
	s10 =	smul.u32 $0x13C00, s1  }
0x6: {  	s14 =	simm.s32 $0x1;
	s7 =	sand.u32 $0x1, s0;
	s11 =	smul.u32 $0x4F000, s1  }
0x7: {  	s17 =	simm.s32 $0x0;
	s0 =	rddreg [dreg:$0x3];
	s4 =	smul.u32 $0x4E800, s7  }
0x8: {  	[smem:$0x7FF] =	sst s3;
	s15 =	sshll.u32 s1, $0x6;
	s9 =	smul.u32 $0x13C000, s7  }
0x9: {  	_ =	strace $0x80000056;
	s28 =	ssub.s32 $0x2, s7;
	s15 =	sor.u32 $0x1C02, s15  }
0xa: {  	s30 =	sshrl.u32 s28, $0x1;
	s31 =	sshrl.u32 s11, $0x2;
	s11 =	simm.s32 $0x2  }
0xb: {  	s8 =	sadd.s32 s8, s4;
	s4 =	sadd.s32 $0xA1000, s5;
	s29 =	sadd.s32 s10, s9  }
0xc: {  	s10 =	simm.s32 $0x4100;
	s8 =	sshrl.u32 s8, $0x3;
	s7 =	sshrl.u32 s29, $0x3  }
0xd: {  	s12 =	sadd.s32 s8, s5;
	s8 =	ssub.s32 s28, s30;
	s5 =	sadd.s32 s31, s2  }
0xe: {  	s6 =	sadd.s32 s6, s7;
	s7 =	smax.u32 s8, $0x1;
	s8 =	sadd.s32 $0x2B800, s12  }
0xf: {  	v0 =	vimm.f32 $0.0e+00;
	s9 =	sadd.s32 $0x3F200, s12;
	s12 =	simm.s32 $0x80;
	s16 =	sshrl.u32 s5, $0x3  }
.LBB2_1:
0x10: {  	[tilespmem:$0x4100] =	vst v0  }
0x11: {  	[tilespmem:$0x4110] =	vst v0  }
0x12: {  	[tilespmem:$0x4120] =	vst v0  }
0x13: {  	[tilespmem:$0x4130] =	vst v0  }
0x14: {  	[tilespmem:$0x4140] =	vst v0  }
0x15: {  	[tilespmem:$0x4150] =	vst v0  }
0x16: {  	[tilespmem:$0x4160] =	vst v0  }
0x17: {  	[tilespmem:$0x4170] =	vst v0  }
0x18: {  	[tilespmem:$0x4180] =	vst v0  }
0x19: {  	[tilespmem:$0x4190] =	vst v0  }
0x1a: {  	[tilespmem:$0x41A0] =	vst v0  }
0x1b: {  	[tilespmem:$0x41B0] =	vst v0  }
0x1c: {  	[tilespmem:$0x41C0] =	vst v0  }
0x1d: {  	[tilespmem:$0x41D0] =	vst v0  }
0x1e: {  	[tilespmem:$0x41E0] =	vst v0  }
0x1f: {  	[tilespmem:$0x41F0] =	vst v0  }
0x20: {  	[tilespmem:$0x4200] =	vst v0  }
0x21: {  	[tilespmem:$0x4210] =	vst v0  }
0x22: {  	[tilespmem:$0x4220] =	vst v0  }
0x23: {  	[tilespmem:$0x4230] =	vst v0  }
0x24: {  	[tilespmem:$0x4240] =	vst v0  }
0x25: {  	[tilespmem:$0x4250] =	vst v0  }
0x26: {  	[tilespmem:$0x4260] =	vst v0  }
0x27: {  	[tilespmem:$0x4270] =	vst v0  }
0x28: {  	[tilespmem:$0x4280] =	vst v0  }
0x29: {  	[tilespmem:$0x4290] =	vst v0  }
0x2a: {  	[tilespmem:$0x42A0] =	vst v0  }
0x2b: {  	[tilespmem:$0x42B0] =	vst v0  }
0x2c: {  	[tilespmem:$0x42C0] =	vst v0  }
0x2d: {  	[tilespmem:$0x42D0] =	vst v0  }
0x2e: {  	[tilespmem:$0x42E0] =	vst v0  }
0x2f: {  	[tilespmem:$0x42F0] =	vst v0  }
0x30: {  	[tilespmem:$0x4300] =	vst v0  }
0x31: {  	[tilespmem:$0x4310] =	vst v0  }
0x32: {  	[tilespmem:$0x4320] =	vst v0  }
0x33: {  	[tilespmem:$0x4330] =	vst v0  }
0x34: {  	[tilespmem:$0x4340] =	vst v0  }
0x35: {  	[tilespmem:$0x4350] =	vst v0  }
0x36: {  	[tilespmem:$0x4360] =	vst v0  }
0x37: {  	[tilespmem:$0x4370] =	vst v0  }
0x38: {  	[tilespmem:$0x4380] =	vst v0  }
0x39: {  	[tilespmem:$0x4390] =	vst v0  }
0x3a: {  	[tilespmem:$0x43A0] =	vst v0  }
0x3b: {  	[tilespmem:$0x43B0] =	vst v0  }
0x3c: {  	[tilespmem:$0x43C0] =	vst v0  }
0x3d: {  	[tilespmem:$0x43D0] =	vst v0  }
0x3e: {  	[tilespmem:$0x43E0] =	vst v0  }
0x3f: {  	[tilespmem:$0x43F0] =	vst v0  }
0x40: {  	[tilespmem:$0x4400] =	vst v0  }
0x41: {  	[tilespmem:$0x4410] =	vst v0  }
0x42: {  	[tilespmem:$0x4420] =	vst v0  }
0x43: {  	[tilespmem:$0x4430] =	vst v0  }
0x44: {  	[tilespmem:$0x4440] =	vst v0  }
0x45: {  	[tilespmem:$0x4450] =	vst v0  }
0x46: {  	[tilespmem:$0x4460] =	vst v0  }
0x47: {  	[tilespmem:$0x4470] =	vst v0  }
0x48: {  	[tilespmem:$0x4480] =	vst v0  }
0x49: {  	[tilespmem:$0x4490] =	vst v0  }
0x4a: {  	[tilespmem:$0x44A0] =	vst v0  }
0x4b: {  	[tilespmem:$0x44B0] =	vst v0  }
0x4c: {  	[tilespmem:$0x44C0] =	vst v0  }
0x4d: {  	[tilespmem:$0x44D0] =	vst v0  }
0x4e: {  	[tilespmem:$0x44E0] =	vst v0  }
0x4f: {  	[tilespmem:$0x44F0] =	vst v0;
	s18 =	sadd.s32 $0x0, s5  }
0x50: {  	[spmem:s18] =	stream.linear.scatter [tilespmem:s10], [sflag:$0x2], $0x400, $0x38;
	[tilespmem:$0x18100] =	vst v63  }
0x51: {  	s18 =	simm.s32 $0x1000;
	_ =	swait.ge [sflag:s11], $0x400  }
.LBB2_2:
0x52: {  	s19 =	sshra.s32 s18, $0x2;
	[sflag:s11] =	ssyncset.done $0x0;
	p0 =	sne.s32 s18, $0x4E000  }
.Ltmp0:
0x53: {  	s19 =	sadd.s32 s19, s5;
	[sflag:s11] =	ssyncadd.s32 $0xFFFFFC00;
	(pc) =	sbr.rel @p0 .LBB2_2-.Ltmp0, $3  }
0x54: {  	[spmem:s19] =	stream.linear.scatter [tilespmem:s10], [sflag:$0x2], $0x400, $0x38;
	[tilespmem:$0x18100] =	vst v63  }
0x55: {  	s18 =	sadd.s32 $0x1000, s18;
	_ =	sdelay $0x1  }
0x56: {  	_ =	swait.ge [sflag:s11], $0x400  }
0x57: {  	[sflag:s11] =	ssyncset.done $0x0  }
0x58: {  	[sflag:s11] =	ssyncadd.s32 $0xFFFFFC00  }
0x59: {  	s18 =	sadd.s32 $0x0, s9;
	[bflag:$0x0] =	sbarrier.arrive $0xFFFF  }
0x5a: {  	[tilespmem:s3], [sflag:$0x2] =	stream.linear.gather [hbm4b:s18+s3], $0x80, $0x38;
	[tilespmem:$0x18100] =	vst v63  }
0x5b: {  	_ =	swait.ge [sflag:s11], $0x80  }
0x5c: {  	[sflag:s11] =	ssyncset.done $0x0  }
0x5d: {  	s31 =	sadd.s32 $0x0, s8;
	[sflag:s11] =	ssyncadd.s32 $0xFFFFFF80  }
0x5e: {  	[tilespmem:s12], [sflag:$0x2] =	stream.linear.gather [hbm4b:s31+s3], $0x80, $0x38;
	[tilespmem:$0x18100] =	vst v63  }
0x5f: {  	_ =	swait.ge [sflag:s11], $0x80  }
0x60: {  	[sflag:s11] =	ssyncset.done $0x0  }
0x61: {  	[sflag:s11] =	ssyncadd.s32 $0xFFFFFF80  }
0x62: {  	[tilespmem:s13], [sflag:$0x1] =	stream.indirect.gather [hbm4b:s4+s12], $0x80, s3, s12, $0xb8;
	[tilespmem:$0x18100] =	vst v63  }
0x63: {  	_ =	swait.ge [sflag:s14], $0x4000  }
0x64: {  	[sflag:s14] =	ssyncset.done $0x0  }
0x65: {  	[sflag:s14] =	ssyncadd.s32 $0xFFFFC000  }
0x66: {  	[spmem:s2] =	stream.indirect.scatter.add.f32 [tilespmem:s13], [sflag:$0x2], $0x80, s12, s12, $0xb8;
	[tilespmem:$0x18100] =	vst v63  }
0x67: {  	_ =	swait.ge [sflag:s11], $0x4000  }
0x68: {  	s19 =	simm.s32 $0x20;
	s18 =	simm.s32 $0x10;
	[sflag:s11] =	ssyncset.done $0x0  }
.LBB2_4:
0x69: {  	s20 =	sadd.s32 s18, s9  }
0x6a: {  	[sflag:s11] =	ssyncadd.s32 $0xFFFFC000;
	s21 =	smov.u32 s19;
	s22 =	sadd.s32 $0x10, s19  }
0x6b: {  	[tilespmem:s3], [sflag:$0x2] =	stream.linear.gather [hbm4b:s20+s3], $0x80, $0x38;
	[tilespmem:$0x18100] =	vst v63  }
0x6c: {  	p0 =	sne.s32 s19, $0x9C0;
	_ =	swait.ge [sflag:s11], $0x80  }
0x6d: {  	[sflag:s11] =	ssyncset.done $0x0  }
0x6e: {  	s19 =	sadd.s32 s18, s8;
	s18 =	smov.u32 s21;
	[sflag:s11] =	ssyncadd.s32 $0xFFFFFF80  }
0x6f: {  	[tilespmem:s12], [sflag:$0x2] =	stream.linear.gather [hbm4b:s19+s3], $0x80, $0x38;
	[tilespmem:$0x18100] =	vst v63  }
0x70: {  	_ =	swait.ge [sflag:s11], $0x80  }
0x71: {  	[sflag:s11] =	ssyncset.done $0x0  }
0x72: {  	[sflag:s11] =	ssyncadd.s32 $0xFFFFFF80  }
0x73: {  	[tilespmem:s13], [sflag:$0x1] =	stream.indirect.gather [hbm4b:s4+s12], $0x80, s3, s12, $0xb8;
	[tilespmem:$0x18100] =	vst v63  }
0x74: {  	_ =	swait.ge [sflag:s14], $0x4000  }
.Ltmp1:
0x75: {  	[sflag:s14] =	ssyncset.done $0x0;
	(pc) =	sbr.rel @p0 .LBB2_4-.Ltmp1, $4  }
0x76: {  	[sflag:s14] =	ssyncadd.s32 $0xFFFFC000  }
0x77: {  	[spmem:s2] =	stream.indirect.scatter.add.f32 [tilespmem:s13], [sflag:$0x2], $0x80, s12, s12, $0xb8;
	[tilespmem:$0x18100] =	vst v63  }
0x78: {  	_ =	swait.ge [sflag:s11], $0x4000  }
0x79: {  	s19 =	smov.u32 s22;
	[sflag:s11] =	ssyncset.done $0x0  }
0x7a: {  	s19 =	sadd.s32 s18, s9;
	[sflag:s11] =	ssyncadd.s32 $0xFFFFC000  }
0x7b: {  	[tilespmem:s3], [sflag:$0x2] =	stream.linear.gather [hbm4b:s19+s3], $0x80, $0x38;
	[tilespmem:$0x18100] =	vst v63  }
0x7c: {  	_ =	swait.ge [sflag:s11], $0x80  }
0x7d: {  	[sflag:s11] =	ssyncset.done $0x0  }
0x7e: {  	s31 =	sadd.s32 s18, s8;
	[sflag:s11] =	ssyncadd.s32 $0xFFFFFF80  }
0x7f: {  	[tilespmem:s12], [sflag:$0x2] =	stream.linear.gather [hbm4b:s31+s3], $0x80, $0x38;
	[tilespmem:$0x18100] =	vst v63  }
0x80: {  	_ =	swait.ge [sflag:s11], $0x80  }
0x81: {  	[sflag:s11] =	ssyncset.done $0x0  }
0x82: {  	[sflag:s11] =	ssyncadd.s32 $0xFFFFFF80  }
0x83: {  	[tilespmem:s13], [sflag:$0x1] =	stream.indirect.gather [hbm4b:s4+s12], $0x80, s3, s12, $0xb8;
	[tilespmem:$0x18100] =	vst v63  }
0x84: {  	_ =	swait.ge [sflag:s14], $0x4000  }
0x85: {  	[sflag:s14] =	ssyncset.done $0x0  }
0x86: {  	[sflag:s14] =	ssyncadd.s32 $0xFFFFC000  }
0x87: {  	[spmem:s2] =	stream.indirect.scatter.add.f32 [tilespmem:s13], [sflag:$0x2], $0x80, s12, s12, $0xb8;
	[tilespmem:$0x18100] =	vst v63  }
0x88: {  	_ =	swait.ge [sflag:s11], $0x4000  }
0x89: {  	s17 =	sadd.s32 $0x1, s17;
	[sflag:s11] =	ssyncset.done $0x0  }
0x8a: {  	p0 =	sne.s32 s17, s7;
	[sflag:s11] =	ssyncadd.s32 $0xFFFFC000  }
.Ltmp2:
0x8b: {  	[bflag:$0x0] =	sbarrier.arrive $0xFFFF;
	(pc) =	sbr.rel @p0 .LBB2_1-.Ltmp2, $4  }
0x8c: {  	[hbm:s6], [sflag:s15] =	dma.local [spmem:s16], $0x2780  }
0x8d: {  	_ =	swait.ge [sflag:s11], $0x2780  }
0x8e: {  	[sflag:s11] =	ssyncset.done $0x0  }
0x8f: {  	[sflag:s11] =	ssyncadd.s32 $0xFFFFD880  }
0x90: {  	_ =	sfence.sel $0x180000  }
0x91: {  	[bflag:$0x0] =	sbarrier.arrive $0xFFFF  }
0x92: {  	p0 =	sne.s32 s1, $0x0;
	_ =	strace $0x90000056  }
0x93: {  	s0 =	sadd.s32 @!p0 $0x100000, s0;
	[bflag:$0x2] =	sbarrier.arrive $0xFFFF  }
0x94: {  	[sflag:s0] =	ssyncadd.tile.s32 @!p0 $0x1;
	_ =	shalt  }
.Lfunc_end2:
_tile_overlayer_lowered:
.L_overlay_start_2:
0x95: {  	(tag) =	ssettag $0x2  }
0x96: {  	s0 =	rddreg [dreg:$0x0];
	s2 =	stileid.u32  }
0x97: {  	s1 =	rddreg [dreg:$0x1];
	p0 =	sne.s32 s2, $0x0  }
0x98: {  	s3 =	rddreg [dreg:$0x2];
	[bflag:$0x3] =	sbarrier.arrive $0xFFFF;
	s2 =	simm.s32 @!p0 $0x1C02  }
0x99: {  	[timem:s3], [sflag:s2] =	dma.local @!p0 [hbm:s0], s1  }
0x9a: {  	s0 =	simm.s32 @!p0 $0x2  }
0x9b: {  	_ =	swait.ge @!p0 [sflag:s0], s1  }
0x9c: {  	s1 =	ssub.s32 @!p0 $0x0, s1;
	[sflag:s0] =	ssyncset.done @!p0 $0x0  }
0x9d: {  	[sflag:s0] =	ssyncadd.s32 @!p0 s1  }
0x9e: {  	[bflag:$0x3] =	sbarrier.arrive $0xFFFF  }
0x9f: {  	_ =	shalt  }

</sc_bundles>
